<compile_context>
chip_gen: v7x
topology: tpu7x:2x2x1
jax: 0.10.2.dev20260603
libtpu: 0.0.44.dev20260713+nightly
codegen_flags: <defaults>
</compile_context>

<pallas_src>
import functools

import jax
import jax.numpy as jnp
from jax import lax
from jax.experimental import pallas as pl
from jax.experimental.pallas import tpu as pltpu
from jax.experimental.pallas import tpu_sc as plsc

NC = 2
NS = 16
NW = NC * NS
LANES = 16

SENTINEL = 0x40000000

_SC_PARAMS = pltpu.CompilerParams(needs_layout_passes=False)


GCH = 128


def _make_gather(c, e):
    n_ch = e // GCH
    assert n_ch >= 12
    mesh = plsc.VectorSubcoreMesh(core_axis_name="c", subcore_axis_name="s")

    n_main = (n_ch - 9) // 6
    first_rem = 3 + 6 * n_main

    @functools.partial(
        pl.kernel,
        mesh=mesh,
        compiler_params=pltpu.CompilerParams(
            needs_layout_passes=False, use_tc_tiling_on_sc=False
        ),
        out_type=jax.ShapeDtypeStruct((NW * e, c), jnp.int32),
        scratch_types=[
            pltpu.VMEM((e,), jnp.int32),
        ]
        + [pltpu.VMEM((GCH, c), jnp.int32)] * 6
        + [pltpu.SemaphoreType.DMA] * 6,
    )
    def gather_k(feat_hbm, idx_hbm, out_hbm, idx_v,
                 b0, b1, b2, b3, b4, b5, s0, s1, s2, s3, s4, s5):
        bufs = (b0, b1, b2, b3, b4, b5)
        sems = (s0, s1, s2, s3, s4, s5)
        wid = lax.axis_index("s") * NC + lax.axis_index("c")
        base = wid * e
        pltpu.sync_copy(idx_hbm.at[pl.ds(base, e)], idx_v)

        def issue(ch, b):
            pltpu.async_copy(
                feat_hbm.at[idx_v.at[pl.ds(ch * GCH, GCH)]], bufs[b], sems[b]
            )

        def wait(b):
            pltpu.make_async_copy(
                feat_hbm.at[pl.ds(0, GCH)], bufs[b], sems[b]
            ).wait()

        def write(j, b):
            pltpu.async_copy(
                bufs[b], out_hbm.at[pl.ds(base + j * GCH, GCH)], sems[b]
            )

        for b in range(3):
            issue(b, b)
        for j in range(3):
            wait(j)
            write(j, j)
            issue(j + 3, (j + 3) % 6)

        def step(j, jmod):
            b = jmod % 6
            wait(b)
            write(j, b)
            b2 = (jmod + 3) % 6
            wait(b2)
            issue(j + 3, b2)

        @pl.loop(0, n_main)
        def _(t):
            for i in range(6):
                step(t * 6 + 3 + i, 3 + i)

        for j in range(first_rem, n_ch - 3):
            step(j, j % 6)
        for j in range(n_ch - 3, n_ch):
            b = j % 6
            wait(b)
            write(j, b)
        for b in range(6):
            wait(b)

    return gather_k


def _gemm(gathered, weight, k, mp, c):
    bm = 2048
    nj = mp // bm

    def body(g_ref, w_ref, o_ref):
        o_ref[...] = jnp.dot(
            g_ref[...], w_ref[0], preferred_element_type=jnp.float32
        )

    return pl.pallas_call(
        body,
        grid=(k, nj),
        in_specs=[
            pl.BlockSpec((bm, c), lambda ki, ji: (ki * nj + ji, 0)),
            pl.BlockSpec((1, c, c), lambda ki, ji: (ki, 0, 0)),
        ],
        out_specs=pl.BlockSpec((bm, c), lambda ki, ji: (ki * nj + ji, 0)),
        out_shape=jax.ShapeDtypeStruct((k * mp, c), jnp.float32),
    )(gathered, weight)


CH = 64
OMCH = 2160
BIN = 7168


def _make_scatter(c, flat, rng, n_ranges, n_pad):
    e2 = flat // NS
    n_ob = e2 // OMCH
    assert n_ob % 2 == 0
    n_grp = OMCH // LANES
    rows_per_tile = rng // NS
    n_init = rows_per_tile // CH
    bin_cap = BIN + OMCH + CH
    n_pass = (n_ranges + NC - 1) // NC
    mesh = plsc.VectorSubcoreMesh(core_axis_name="c", subcore_axis_name="s")

    @functools.partial(
        pl.kernel,
        mesh=mesh,
        compiler_params=_SC_PARAMS,
        out_type=jax.ShapeDtypeStruct((n_pad, c), jnp.float32),
        scratch_types=[
            pltpu.VMEM((OMCH,), jnp.int32),
            pltpu.VMEM((OMCH,), jnp.int32),
            pltpu.VMEM((bin_cap,), jnp.int32),
            pltpu.VMEM((bin_cap,), jnp.int32),
            pltpu.VMEM((CH,), jnp.int32),
            pltpu.VMEM((CH,), jnp.int32),
            pltpu.VMEM((CH,), jnp.int32),
            pltpu.VMEM((CH, c), jnp.float32),
            pltpu.VMEM((CH, c), jnp.float32),
            pltpu.VMEM((CH, c), jnp.float32),
            pltpu.VMEM((c,), jnp.float32),
            pltpu.VMEM_SHARED((rng + 8, c), jnp.float32),
            pltpu.SemaphoreType.DMA,
            pltpu.SemaphoreType.DMA,
            pltpu.SemaphoreType.DMA,
            pltpu.SemaphoreType.DMA,
            pltpu.SemaphoreType.DMA,
            pltpu.SemaphoreType.DMA,
            pltpu.SemaphoreType.DMA,
            pltpu.SemaphoreType.DMA,
        ],
    )
    def scatter_k(contrib_hbm, omap_hbm, bias_hbm, out_hbm,
                  om_c0, om_c1, bin_idx, bin_off, off0, off1, off2,
                  rows0, rows1, rows2, bias_v, spmem,
                  osem0, osem1, gsem0, gsem1, gsem2,
                  asem0, asem1, asem2):
        cid = lax.axis_index("c")
        sid = lax.axis_index("s")
        share = sid * e2
        trash = jnp.int32(rng)
        iota = lax.iota(jnp.int32, LANES)
        dump = jnp.int32(bin_cap - LANES) + iota
        om_bufs = (om_c0, om_c1)
        om_sems = (osem0, osem1)
        rows = (rows0, rows1, rows2)
        offs = (off0, off1, off2)
        gsems = (gsem0, gsem1, gsem2)
        asems = (asem0, asem1, asem2)

        pltpu.sync_copy(bias_hbm, bias_v)

        def g_issue(jc, b):
            pltpu.async_copy(
                contrib_hbm.at[bin_idx.at[pl.ds(jc * CH, CH)]],
                rows[b], gsems[b],
            )

        def g_wait(b):
            pltpu.make_async_copy(
                contrib_hbm.at[pl.ds(0, CH)], rows[b], gsems[b]
            ).wait()

        def do_add(jc, b):
            for i in range(CH // LANES):
                offs[b][pl.ds(i * LANES, LANES)] = bin_off[
                    pl.ds(jc * CH + i * LANES, LANES)
                ]
            pltpu.async_copy(rows[b], spmem.at[offs[b]], asems[b], add=True)

        def a_wait(b):
            pltpu.make_async_copy(rows[b], spmem.at[pl.ds(0, CH)],
                                  asems[b]).wait()

        def emit(nch):
            @pl.when(nch > 0)
            def _():
                g_issue(0, 0)

            @pl.when(nch > 1)
            def _():
                g_issue(1, 1)

            def handle(j, b):
                @pl.when(j < nch)
                def _():
                    g_wait(b)
                    do_add(j, b)

                    @pl.when(j + 2 < nch)
                    def _():
                        b2 = (b + 2) % 3

                        @pl.when(j >= 1)
                        def _():
                            a_wait(b2)

                        g_issue(j + 2, b2)

            @pl.loop(0, (nch + 2) // 3)
            def _(t):
                for i in range(3):
                    handle(3 * t + i, i)

            for b in range(3):
                @pl.when(nch > b)
                def _():
                    a_wait(b)

        def pad_and_emit(cnt):
            for i in range(CH // LANES):
                pos = cnt + i * LANES + iota
                plsc.store_scatter(bin_idx, [pos],
                                   jnp.zeros((LANES,), jnp.int32))
                plsc.store_scatter(bin_off, [pos],
                                   jnp.full((LANES,), trash, jnp.int32))
            emit((cnt + CH - 1) // CH)

        def om_issue(ob, h):
            pltpu.async_copy(
                omap_hbm.at[pl.ds(share + ob * OMCH, OMCH)],
                om_bufs[h], om_sems[h],
            )

        def om_wait(h):
            pltpu.make_async_copy(
                omap_hbm.at[pl.ds(0, OMCH)], om_bufs[h], om_sems[h]
            ).wait()

        @pl.loop(0, n_pass)
        def _(p):
            r = p * NC + cid

            @pl.when(r < n_ranges)
            def _():
                base = r * rng

                @pl.loop(0, CH)
                def _(i):
                    for j in range(c // LANES):
                        rows0[i, pl.ds(j * LANES, LANES)] = bias_v[
                            pl.ds(j * LANES, LANES)
                        ]

                for ch in range(n_init):
                    pltpu.sync_copy(
                        rows0,
                        spmem.at[pl.ds(sid * rows_per_tile + ch * CH, CH)],
                    )
                plsc.subcore_barrier()

                om_issue(0, 0)

                @pl.loop(0, n_ob // 2,
                         init_carry=jnp.zeros((LANES,), jnp.int32))
                def scan(u, cnt_v):
                    for h in range(2):
                        ob = 2 * u + h

                        @pl.when(ob + 1 < n_ob)
                        def _():
                            om_issue(ob + 1, 1 - h)

                        om_wait(h)
                        om_c = om_bufs[h]

                        @pl.loop(0, n_grp, init_carry=cnt_v)
                        def grp(g, cnt_v):
                            v = om_c[pl.ds(g * LANES, LANES)]
                            local = v - base
                            mask = (local >= 0) & (local < rng)
                            gidx = share + ob * OMCH + g * LANES + iota
                            csum = plsc.cumsum(mask.astype(jnp.int32))
                            pos = jnp.where(mask, cnt_v + csum - 1, dump)
                            plsc.store_scatter(bin_idx, [pos], gidx)
                            plsc.store_scatter(
                                bin_off, [pos],
                                jnp.where(mask, local, trash),
                            )
                            return cnt_v + plsc.all_reduce_population_count(
                                mask
                            )

                        cnt_v = grp
                        s = jnp.max(cnt_v)

                        @pl.when(s >= BIN)
                        def _():
                            pad_and_emit(s)

                        cnt_v = jnp.where(
                            jnp.broadcast_to(s >= BIN, (LANES,)),
                            jnp.zeros((LANES,), jnp.int32),
                            cnt_v,
                        )
                    return cnt_v

                pad_and_emit(jnp.max(scan))
                plsc.subcore_barrier()

                row0 = sid * rows_per_tile
                pltpu.sync_copy(
                    spmem.at[pl.ds(row0, rows_per_tile)],
                    out_hbm.at[pl.ds(base + row0, rows_per_tile)],
                )

    return scatter_k


def kernel(features, in_map, out_map, weight, bias):
    n_feat, c = features.shape
    k, m = in_map.shape

    mp = m
    while (k * mp) % (128 * NW) or (k * mp // NS) % OMCH:
        mp += 1
    flat = k * mp
    e = flat // NW

    rng = 10240
    n_ranges = -(-n_feat // rng)
    n_pad = n_ranges * rng

    in_p = jnp.pad(in_map, ((0, 0), (0, mp - m))).reshape(-1)
    om_p = jnp.pad(
        out_map, ((0, 0), (0, mp - m)), constant_values=SENTINEL
    ).reshape(-1)

    feat_w = lax.bitcast_convert_type(
        features.astype(jnp.bfloat16).reshape(n_feat, c // 2, 2), jnp.int32
    )
    gath_w = _make_gather(c // 2, e)(feat_w, in_p)
    gathered = lax.bitcast_convert_type(gath_w, jnp.bfloat16).reshape(
        flat, c
    )
    contrib = _gemm(gathered, weight.astype(jnp.bfloat16), k, mp, c)
    out_pad = _make_scatter(c, flat, rng, n_ranges, n_pad)(
        contrib, om_p, bias
    )
    return out_pad[:n_feat]

# --- scband reference (transcript-rebuilt; emitter-appended) ---
"""Pipeline reference for scband-spatially-sparse-conv-11132555231814 (READ-ONLY COPY).

The authoritative reference and input builder live on the scoring server;
editing this copy changes nothing except your own understanding.
"""

import jax, jax.numpy as jnp
import numpy as np

N = 100000      # number of active voxels (sparse tensor sites)
K = 27          # prod(kernel_size) = 3*3*3 kernel offsets
M = 20000       # matched in/out pairs per kernel offset (kernel map size)
C_IN = 128
C_OUT = 128


def setup_inputs(seed: int = 0) -> dict:
    key = jax.random.key(seed)
    k1, k2, k3, k4, k5 = jax.random.split(key, 5)
    features = jax.random.normal(k1, (N, C_IN), dtype=jnp.float32)
    # kernel maps: for each kernel offset k, in_map[k, m] is the input voxel index
    # and out_map[k, m] is the output voxel index of the m-th matched pair.
    in_map = jax.random.randint(k2, (K, M), 0, N, dtype=jnp.int32)
    out_map = jax.random.randint(k3, (K, M), 0, N, dtype=jnp.int32)
    # learned parameters per SpatiallySparseConv.__init__:
    # weight: [prod(kernel_size), in_channels, out_channels], bias: [out_channels]
    weight = jax.random.normal(k4, (K, C_IN, C_OUT), dtype=jnp.float32)
    bias = jax.random.normal(k5, (C_OUT,), dtype=jnp.float32)
    return {"features": features, "in_map": in_map, "out_map": out_map,
            "weight": weight, "bias": bias}


def reference(features, in_map, out_map, weight, bias):
    # Explicit-GEMM spatially sparse convolution (EXPLICIT_GEMM algo):
    # gather -> per-kernel-offset GEMM -> scatter-add, then bias.
    n_out = features.shape[0]
    c_out = weight.shape[2]
    # gather: [K, M, C_in]
    gathered = jnp.take(features, in_map, axis=0)
    # batched GEMM over kernel offsets: [K, M, C_out]
    contrib = jnp.einsum('kmc,kcd->kmd', gathered, weight)
    # scatter-add into output sites
    out = jnp.zeros((n_out, c_out), dtype=features.dtype)
    out = out.at[out_map.reshape(-1)].add(contrib.reshape(-1, c_out))
    out = out + bias
    return out

if __name__ == "__main__":
    import jax
    _d = setup_inputs()
    print(jax.jit(kernel)(*tuple(_d.values())))

</pallas_src>

<mosaic_0001>
#map = affine_map<(d0, d1) -> (0, 0)>
#map1 = affine_map<(d0, d1) -> (0)>
module attributes {stable_mosaic.version = 14 : i64} {
  func.func @gather_k(%arg0: i32, %arg1: i32, %arg2: memref<100000x64xi32, #tpu.memory_space<hbm>>, %arg3: memref<552960xi32, #tpu.memory_space<hbm>>, %arg4: memref<552960x64xi32, #tpu.memory_space<hbm>>, %arg5: memref<17280xi32, #tpu.memory_space<vmem>>, %arg6: memref<128x64xi32, #tpu.memory_space<vmem>>, %arg7: memref<128x64xi32, #tpu.memory_space<vmem>>, %arg8: memref<128x64xi32, #tpu.memory_space<vmem>>, %arg9: memref<128x64xi32, #tpu.memory_space<vmem>>, %arg10: memref<128x64xi32, #tpu.memory_space<vmem>>, %arg11: memref<128x64xi32, #tpu.memory_space<vmem>>, %arg12: memref<!tpu.dma_semaphore, #tpu.memory_space<semaphore_mem>>, %arg13: memref<!tpu.dma_semaphore, #tpu.memory_space<semaphore_mem>>, %arg14: memref<!tpu.dma_semaphore, #tpu.memory_space<semaphore_mem>>, %arg15: memref<!tpu.dma_semaphore, #tpu.memory_space<semaphore_mem>>, %arg16: memref<!tpu.dma_semaphore, #tpu.memory_space<semaphore_mem>>, %arg17: memref<!tpu.dma_semaphore, #tpu.memory_space<semaphore_mem>>) attributes {dimension_semantics = [#tpu.dimension_semantics<core_parallel>, #tpu.dimension_semantics<subcore_parallel>], iteration_bounds = array<i64: 2, 16>, scalar_prefetch = 0 : i64, scratch_operands = 13 : i64, tpu.core_type = #tpu.core_type<sc_vector_subcore>, window_params = [{transform_indices = #map}, {transform_indices = #map1}, {transform_indices = #map}]} {
    %mul3A = arith.constant 2 : i32
    %mul3A_0 = arith.muli %arg1, %mul3A : i32
    %add3A = arith.addi %mul3A_0, %arg0 : i32
    %mul3A_1 = arith.constant 17280 : i32
    %mul3A_2 = arith.muli %add3A, %mul3A_1 : i32
    "tpu.region"() ({
      %run_scoped3A = tpu.sem_alloc : memref<!tpu.dma_semaphore, #tpu.memory_space<semaphore_mem>>
      %dma_start3A_212 = tpu.memref_slice %arg3[%mul3A_2] : memref<552960xi32, #tpu.memory_space<hbm>> -> memref<17280xi32, #tpu.memory_space<hbm>>
      %dma_start3A_213 = tpu.memref_slice %arg3[%mul3A_2] : memref<552960xi32, #tpu.memory_space<hbm>> -> memref<17280xi32, #tpu.memory_space<hbm>>
      tpu.enqueue_dma source(%dma_start3A_213 : memref<17280xi32, #tpu.memory_space<hbm>>) target(%arg5 : memref<17280xi32, #tpu.memory_space<vmem>>) target_semaphore(%run_scoped3A : memref<!tpu.dma_semaphore, #tpu.memory_space<semaphore_mem>>)
      %dma_wait3A_214 = tpu.memref_slice %arg3[%mul3A_2] : memref<552960xi32, #tpu.memory_space<hbm>> -> memref<17280xi32, #tpu.memory_space<hbm>>
      %dma_wait3A_215 = tpu.memref_slice %arg3[%mul3A_2] : memref<552960xi32, #tpu.memory_space<hbm>> -> memref<17280xi32, #tpu.memory_space<hbm>>
      tpu.wait_dma2 semaphore(%run_scoped3A : memref<!tpu.dma_semaphore, #tpu.memory_space<semaphore_mem>>) src(%dma_wait3A_215 : memref<17280xi32, #tpu.memory_space<hbm>>) dst(%arg5 : memref<17280xi32, #tpu.memory_space<vmem>>)
      tpu.yield
    }) : () -> ()
    %dma_start3A = arith.constant 0 : i32
    %dma_start3A_3 = tpu.memref_slice %arg5[%dma_start3A] : memref<17280xi32, #tpu.memory_space<vmem>> -> memref<128xi32, #tpu.memory_space<vmem>>
    %dma_start3A_4 = arith.constant 0 : i32
    %dma_start3A_5 = arith.constant 0 : i32
    %dma_start3A_6 = tpu.memref_slice %arg2[%dma_start3A_4, %dma_start3A_5] : memref<100000x64xi32, #tpu.memory_space<hbm>> -> memref<100000x64xi32, #tpu.memory_space<hbm>>
    tpu.enqueue_indirect_dma source(%dma_start3A_6 : memref<100000x64xi32, #tpu.memory_space<hbm>>) target(%arg6 : memref<128x64xi32, #tpu.memory_space<vmem>>) offsets(%dma_start3A_3 : memref<128xi32, #tpu.memory_space<vmem>>) semaphore(%arg12 : memref<!tpu.dma_semaphore, #tpu.memory_space<semaphore_mem>>)
    %dma_start3A_7 = arith.constant 128 : i32
    %dma_start3A_8 = tpu.memref_slice %arg5[%dma_start3A_7] : memref<17280xi32, #tpu.memory_space<vmem>> -> memref<128xi32, #tpu.memory_space<vmem>>
    %dma_start3A_9 = arith.constant 0 : i32
    %dma_start3A_10 = arith.constant 0 : i32
    %dma_start3A_11 = tpu.memref_slice %arg2[%dma_start3A_9, %dma_start3A_10] : memref<100000x64xi32, #tpu.memory_space<hbm>> -> memref<100000x64xi32, #tpu.memory_space<hbm>>
    tpu.enqueue_indirect_dma source(%dma_start3A_11 : memref<100000x64xi32, #tpu.memory_space<hbm>>) target(%arg7 : memref<128x64xi32, #tpu.memory_space<vmem>>) offsets(%dma_start3A_8 : memref<128xi32, #tpu.memory_space<vmem>>) semaphore(%arg13 : memref<!tpu.dma_semaphore, #tpu.memory_space<semaphore_mem>>)
    %dma_start3A_12 = arith.constant 256 : i32
    %dma_start3A_13 = tpu.memref_slice %arg5[%dma_start3A_12] : memref<17280xi32, #tpu.memory_space<vmem>> -> memref<128xi32, #tpu.memory_space<vmem>>
    %dma_start3A_14 = arith.constant 0 : i32
    %dma_start3A_15 = arith.constant 0 : i32
    %dma_start3A_16 = tpu.memref_slice %arg2[%dma_start3A_14, %dma_start3A_15] : memref<100000x64xi32, #tpu.memory_space<hbm>> -> memref<100000x64xi32, #tpu.memory_space<hbm>>
    tpu.enqueue_indirect_dma source(%dma_start3A_16 : memref<100000x64xi32, #tpu.memory_space<hbm>>) target(%arg8 : memref<128x64xi32, #tpu.memory_space<vmem>>) offsets(%dma_start3A_13 : memref<128xi32, #tpu.memory_space<vmem>>) semaphore(%arg14 : memref<!tpu.dma_semaphore, #tpu.memory_space<semaphore_mem>>)
    %dma_wait3A = arith.constant 0 : i32
    %dma_wait3A_17 = arith.constant 0 : i32
    %dma_wait3A_18 = tpu.memref_slice %arg2[%dma_wait3A, %dma_wait3A_17] : memref<100000x64xi32, #tpu.memory_space<hbm>> -> memref<128x64xi32, #tpu.memory_space<hbm>>
    %dma_wait3A_19 = arith.constant 0 : i32
    %dma_wait3A_20 = arith.constant 0 : i32
    %dma_wait3A_21 = tpu.memref_slice %arg2[%dma_wait3A_19, %dma_wait3A_20] : memref<100000x64xi32, #tpu.memory_space<hbm>> -> memref<128x64xi32, #tpu.memory_space<hbm>>
    tpu.wait_dma2 semaphore(%arg12 : memref<!tpu.dma_semaphore, #tpu.memory_space<semaphore_mem>>) src(%dma_wait3A_21 : memref<128x64xi32, #tpu.memory_space<hbm>>) dst(%arg6 : memref<128x64xi32, #tpu.memory_space<vmem>>)
    %add3A_22 = arith.constant 0 : i32
    %add3A_23 = arith.addi %mul3A_2, %add3A_22 : i32
    %dma_start3A_24 = arith.constant 0 : i32
    %dma_start3A_25 = tpu.memref_slice %arg4[%add3A_23, %dma_start3A_24] : memref<552960x64xi32, #tpu.memory_space<hbm>> -> memref<128x64xi32, #tpu.memory_space<hbm>>
    %dma_start3A_26 = arith.constant 0 : i32
    %dma_start3A_27 = tpu.memref_slice %arg4[%add3A_23, %dma_start3A_26] : memref<552960x64xi32, #tpu.memory_space<hbm>> -> memref<128x64xi32, #tpu.memory_space<hbm>>
    tpu.enqueue_dma source(%arg6 : memref<128x64xi32, #tpu.memory_space<vmem>>) target(%dma_start3A_27 : memref<128x64xi32, #tpu.memory_space<hbm>>) target_semaphore(%arg12 : memref<!tpu.dma_semaphore, #tpu.memory_space<semaphore_mem>>)
    %dma_start3A_28 = arith.constant 384 : i32
    %dma_start3A_29 = tpu.memref_slice %arg5[%dma_start3A_28] : memref<17280xi32, #tpu.memory_space<vmem>> -> memref<128xi32, #tpu.memory_space<vmem>>
    %dma_start3A_30 = arith.constant 0 : i32
    %dma_start3A_31 = arith.constant 0 : i32
    %dma_start3A_32 = tpu.memref_slice %arg2[%dma_start3A_30, %dma_start3A_31] : memref<100000x64xi32, #tpu.memory_space<hbm>> -> memref<100000x64xi32, #tpu.memory_space<hbm>>
    tpu.enqueue_indirect_dma source(%dma_start3A_32 : memref<100000x64xi32, #tpu.memory_space<hbm>>) target(%arg9 : memref<128x64xi32, #tpu.memory_space<vmem>>) offsets(%dma_start3A_29 : memref<128xi32, #tpu.memory_space<vmem>>) semaphore(%arg15 : memref<!tpu.dma_semaphore, #tpu.memory_space<semaphore_mem>>)
    %dma_wait3A_33 = arith.constant 0 : i32
    %dma_wait3A_34 = arith.constant 0 : i32
    %dma_wait3A_35 = tpu.memref_slice %arg2[%dma_wait3A_33, %dma_wait3A_34] : memref<100000x64xi32, #tpu.memory_space<hbm>> -> memref<128x64xi32, #tpu.memory_space<hbm>>
    %dma_wait3A_36 = arith.constant 0 : i32
    %dma_wait3A_37 = arith.constant 0 : i32
    %dma_wait3A_38 = tpu.memref_slice %arg2[%dma_wait3A_36, %dma_wait3A_37] : memref<100000x64xi32, #tpu.memory_space<hbm>> -> memref<128x64xi32, #tpu.memory_space<hbm>>
    tpu.wait_dma2 semaphore(%arg13 : memref<!tpu.dma_semaphore, #tpu.memory_space<semaphore_mem>>) src(%dma_wait3A_38 : memref<128x64xi32, #tpu.memory_space<hbm>>) dst(%arg7 : memref<128x64xi32, #tpu.memory_space<vmem>>)
    %add3A_39 = arith.constant 128 : i32
    %add3A_40 = arith.addi %mul3A_2, %add3A_39 : i32
    %dma_start3A_41 = arith.constant 0 : i32
    %dma_start3A_42 = tpu.memref_slice %arg4[%add3A_40, %dma_start3A_41] : memref<552960x64xi32, #tpu.memory_space<hbm>> -> memref<128x64xi32, #tpu.memory_space<hbm>>
    %dma_start3A_43 = arith.constant 0 : i32
    %dma_start3A_44 = tpu.memref_slice %arg4[%add3A_40, %dma_start3A_43] : memref<552960x64xi32, #tpu.memory_space<hbm>> -> memref<128x64xi32, #tpu.memory_space<hbm>>
    tpu.enqueue_dma source(%arg7 : memref<128x64xi32, #tpu.memory_space<vmem>>) target(%dma_start3A_44 : memref<128x64xi32, #tpu.memory_space<hbm>>) target_semaphore(%arg13 : memref<!tpu.dma_semaphore, #tpu.memory_space<semaphore_mem>>)
    %dma_start3A_45 = arith.constant 512 : i32
    %dma_start3A_46 = tpu.memref_slice %arg5[%dma_start3A_45] : memref<17280xi32, #tpu.memory_space<vmem>> -> memref<128xi32, #tpu.memory_space<vmem>>
    %dma_start3A_47 = arith.constant 0 : i32
    %dma_start3A_48 = arith.constant 0 : i32
    %dma_start3A_49 = tpu.memref_slice %arg2[%dma_start3A_47, %dma_start3A_48] : memref<100000x64xi32, #tpu.memory_space<hbm>> -> memref<100000x64xi32, #tpu.memory_space<hbm>>
    tpu.enqueue_indirect_dma source(%dma_start3A_49 : memref<100000x64xi32, #tpu.memory_space<hbm>>) target(%arg10 : memref<128x64xi32, #tpu.memory_space<vmem>>) offsets(%dma_start3A_46 : memref<128xi32, #tpu.memory_space<vmem>>) semaphore(%arg16 : memref<!tpu.dma_semaphore, #tpu.memory_space<semaphore_mem>>)
    %dma_wait3A_50 = arith.constant 0 : i32
    %dma_wait3A_51 = arith.constant 0 : i32
    %dma_wait3A_52 = tpu.memref_slice %arg2[%dma_wait3A_50, %dma_wait3A_51] : memref<100000x64xi32, #tpu.memory_space<hbm>> -> memref<128x64xi32, #tpu.memory_space<hbm>>
    %dma_wait3A_53 = arith.constant 0 : i32
    %dma_wait3A_54 = arith.constant 0 : i32
    %dma_wait3A_55 = tpu.memref_slice %arg2[%dma_wait3A_53, %dma_wait3A_54] : memref<100000x64xi32, #tpu.memory_space<hbm>> -> memref<128x64xi32, #tpu.memory_space<hbm>>
    tpu.wait_dma2 semaphore(%arg14 : memref<!tpu.dma_semaphore, #tpu.memory_space<semaphore_mem>>) src(%dma_wait3A_55 : memref<128x64xi32, #tpu.memory_space<hbm>>) dst(%arg8 : memref<128x64xi32, #tpu.memory_space<vmem>>)
    %add3A_56 = arith.constant 256 : i32
    %add3A_57 = arith.addi %mul3A_2, %add3A_56 : i32
    %dma_start3A_58 = arith.constant 0 : i32
    %dma_start3A_59 = tpu.memref_slice %arg4[%add3A_57, %dma_start3A_58] : memref<552960x64xi32, #tpu.memory_space<hbm>> -> memref<128x64xi32, #tpu.memory_space<hbm>>
    %dma_start3A_60 = arith.constant 0 : i32
    %dma_start3A_61 = tpu.memref_slice %arg4[%add3A_57, %dma_start3A_60] : memref<552960x64xi32, #tpu.memory_space<hbm>> -> memref<128x64xi32, #tpu.memory_space<hbm>>
    tpu.enqueue_dma source(%arg8 : memref<128x64xi32, #tpu.memory_space<vmem>>) target(%dma_start3A_61 : memref<128x64xi32, #tpu.memory_space<hbm>>) target_semaphore(%arg14 : memref<!tpu.dma_semaphore, #tpu.memory_space<semaphore_mem>>)
    %dma_start3A_62 = arith.constant 640 : i32
    %dma_start3A_63 = tpu.memref_slice %arg5[%dma_start3A_62] : memref<17280xi32, #tpu.memory_space<vmem>> -> memref<128xi32, #tpu.memory_space<vmem>>
    %dma_start3A_64 = arith.constant 0 : i32
    %dma_start3A_65 = arith.constant 0 : i32
    %dma_start3A_66 = tpu.memref_slice %arg2[%dma_start3A_64, %dma_start3A_65] : memref<100000x64xi32, #tpu.memory_space<hbm>> -> memref<100000x64xi32, #tpu.memory_space<hbm>>
    tpu.enqueue_indirect_dma source(%dma_start3A_66 : memref<100000x64xi32, #tpu.memory_space<hbm>>) target(%arg11 : memref<128x64xi32, #tpu.memory_space<vmem>>) offsets(%dma_start3A_63 : memref<128xi32, #tpu.memory_space<vmem>>) semaphore(%arg17 : memref<!tpu.dma_semaphore, #tpu.memory_space<semaphore_mem>>)
    %scan3A = arith.constant 0 : i32
    %scan3A_67 = arith.constant 21 : i32
    %scan3A_68 = arith.addi %scan3A, %scan3A_67 : i32
    %scan3A_69 = arith.constant 1 : i32
    scf.for %scan3A_212 = %scan3A to %scan3A_68 step %scan3A_69  : i32 {
      %mul3A_213 = arith.constant 1 : i32
      %mul3A_214 = arith.muli %scan3A_212, %mul3A_213 : i32
      %add3A_215 = arith.constant 0 : i32
      %add3A_216 = arith.addi %add3A_215, %mul3A_214 : i32
      %mul3A_217 = arith.constant 6 : i32
      %mul3A_218 = arith.muli %add3A_216, %mul3A_217 : i32
      %add3A_219 = arith.constant 3 : i32
      %add3A_220 = arith.addi %mul3A_218, %add3A_219 : i32
      %add3A_221 = arith.constant 0 : i32
      %add3A_222 = arith.addi %add3A_220, %add3A_221 : i32
      %dma_wait3A_223 = arith.constant 0 : i32
      %dma_wait3A_224 = arith.constant 0 : i32
      %dma_wait3A_225 = tpu.memref_slice %arg2[%dma_wait3A_223, %dma_wait3A_224] : memref<100000x64xi32, #tpu.memory_space<hbm>> -> memref<128x64xi32, #tpu.memory_space<hbm>>
      %dma_wait3A_226 = arith.constant 0 : i32
      %dma_wait3A_227 = arith.constant 0 : i32
      %dma_wait3A_228 = tpu.memref_slice %arg2[%dma_wait3A_226, %dma_wait3A_227] : memref<100000x64xi32, #tpu.memory_space<hbm>> -> memref<128x64xi32, #tpu.memory_space<hbm>>
      tpu.wait_dma2 semaphore(%arg15 : memref<!tpu.dma_semaphore, #tpu.memory_space<semaphore_mem>>) src(%dma_wait3A_228 : memref<128x64xi32, #tpu.memory_space<hbm>>) dst(%arg9 : memref<128x64xi32, #tpu.memory_space<vmem>>)
      %mul3A_229 = arith.constant 128 : i32
      %mul3A_230 = arith.muli %add3A_222, %mul3A_229 : i32
      %add3A_231 = arith.addi %mul3A_2, %mul3A_230 : i32
      %dma_start3A_232 = arith.constant 0 : i32
      %dma_start3A_233 = tpu.memref_slice %arg4[%add3A_231, %dma_start3A_232] : memref<552960x64xi32, #tpu.memory_space<hbm>> -> memref<128x64xi32, #tpu.memory_space<hbm>>
      %dma_start3A_234 = arith.constant 0 : i32
      %dma_start3A_235 = tpu.memref_slice %arg4[%add3A_231, %dma_start3A_234] : memref<552960x64xi32, #tpu.memory_space<hbm>> -> memref<128x64xi32, #tpu.memory_space<hbm>>
      tpu.enqueue_dma source(%arg9 : memref<128x64xi32, #tpu.memory_space<vmem>>) target(%dma_start3A_235 : memref<128x64xi32, #tpu.memory_space<hbm>>) target_semaphore(%arg15 : memref<!tpu.dma_semaphore, #tpu.memory_space<semaphore_mem>>)
      %dma_wait3A_236 = arith.constant 0 : i32
      %dma_wait3A_237 = arith.constant 0 : i32
      %dma_wait3A_238 = tpu.memref_slice %arg2[%dma_wait3A_236, %dma_wait3A_237] : memref<100000x64xi32, #tpu.memory_space<hbm>> -> memref<128x64xi32, #tpu.memory_space<hbm>>
      %dma_wait3A_239 = arith.constant 0 : i32
      %dma_wait3A_240 = arith.constant 0 : i32
      %dma_wait3A_241 = tpu.memref_slice %arg2[%dma_wait3A_239, %dma_wait3A_240] : memref<100000x64xi32, #tpu.memory_space<hbm>> -> memref<128x64xi32, #tpu.memory_space<hbm>>
      tpu.wait_dma2 semaphore(%arg12 : memref<!tpu.dma_semaphore, #tpu.memory_space<semaphore_mem>>) src(%dma_wait3A_241 : memref<128x64xi32, #tpu.memory_space<hbm>>) dst(%arg6 : memref<128x64xi32, #tpu.memory_space<vmem>>)
      %add3A_242 = arith.constant 3 : i32
      %add3A_243 = arith.addi %add3A_222, %add3A_242 : i32
      %mul3A_244 = arith.constant 128 : i32
      %mul3A_245 = arith.muli %add3A_243, %mul3A_244 : i32
      %dma_start3A_246 = tpu.memref_slice %arg5[%mul3A_245] : memref<17280xi32, #tpu.memory_space<vmem>> -> memref<128xi32, #tpu.memory_space<vmem>>
      %dma_start3A_247 = arith.constant 0 : i32
      %dma_start3A_248 = arith.constant 0 : i32
      %dma_start3A_249 = tpu.memref_slice %arg2[%dma_start3A_247, %dma_start3A_248] : memref<100000x64xi32, #tpu.memory_space<hbm>> -> memref<100000x64xi32, #tpu.memory_space<hbm>>
      tpu.enqueue_indirect_dma source(%dma_start3A_249 : memref<100000x64xi32, #tpu.memory_space<hbm>>) target(%arg6 : memref<128x64xi32, #tpu.memory_space<vmem>>) offsets(%dma_start3A_246 : memref<128xi32, #tpu.memory_space<vmem>>) semaphore(%arg12 : memref<!tpu.dma_semaphore, #tpu.memory_space<semaphore_mem>>)
      %mul3A_250 = arith.constant 6 : i32
      %mul3A_251 = arith.muli %add3A_216, %mul3A_250 : i32
      %add3A_252 = arith.constant 3 : i32
      %add3A_253 = arith.addi %mul3A_251, %add3A_252 : i32
      %add3A_254 = arith.constant 1 : i32
      %add3A_255 = arith.addi %add3A_253, %add3A_254 : i32
      %dma_wait3A_256 = arith.constant 0 : i32
      %dma_wait3A_257 = arith.constant 0 : i32
      %dma_wait3A_258 = tpu.memref_slice %arg2[%dma_wait3A_256, %dma_wait3A_257] : memref<100000x64xi32, #tpu.memory_space<hbm>> -> memref<128x64xi32, #tpu.memory_space<hbm>>
      %dma_wait3A_259 = arith.constant 0 : i32
      %dma_wait3A_260 = arith.constant 0 : i32
      %dma_wait3A_261 = tpu.memref_slice %arg2[%dma_wait3A_259, %dma_wait3A_260] : memref<100000x64xi32, #tpu.memory_space<hbm>> -> memref<128x64xi32, #tpu.memory_space<hbm>>
      tpu.wait_dma2 semaphore(%arg16 : memref<!tpu.dma_semaphore, #tpu.memory_space<semaphore_mem>>) src(%dma_wait3A_261 : memref<128x64xi32, #tpu.memory_space<hbm>>) dst(%arg10 : memref<128x64xi32, #tpu.memory_space<vmem>>)
      %mul3A_262 = arith.constant 128 : i32
      %mul3A_263 = arith.muli %add3A_255, %mul3A_262 : i32
      %add3A_264 = arith.addi %mul3A_2, %mul3A_263 : i32
      %dma_start3A_265 = arith.constant 0 : i32
      %dma_start3A_266 = tpu.memref_slice %arg4[%add3A_264, %dma_start3A_265] : memref<552960x64xi32, #tpu.memory_space<hbm>> -> memref<128x64xi32, #tpu.memory_space<hbm>>
      %dma_start3A_267 = arith.constant 0 : i32
      %dma_start3A_268 = tpu.memref_slice %arg4[%add3A_264, %dma_start3A_267] : memref<552960x64xi32, #tpu.memory_space<hbm>> -> memref<128x64xi32, #tpu.memory_space<hbm>>
      tpu.enqueue_dma source(%arg10 : memref<128x64xi32, #tpu.memory_space<vmem>>) target(%dma_start3A_268 : memref<128x64xi32, #tpu.memory_space<hbm>>) target_semaphore(%arg16 : memref<!tpu.dma_semaphore, #tpu.memory_space<semaphore_mem>>)
      %dma_wait3A_269 = arith.constant 0 : i32
      %dma_wait3A_270 = arith.constant 0 : i32
      %dma_wait3A_271 = tpu.memref_slice %arg2[%dma_wait3A_269, %dma_wait3A_270] : memref<100000x64xi32, #tpu.memory_space<hbm>> -> memref<128x64xi32, #tpu.memory_space<hbm>>
      %dma_wait3A_272 = arith.constant 0 : i32
      %dma_wait3A_273 = arith.constant 0 : i32
      %dma_wait3A_274 = tpu.memref_slice %arg2[%dma_wait3A_272, %dma_wait3A_273] : memref<100000x64xi32, #tpu.memory_space<hbm>> -> memref<128x64xi32, #tpu.memory_space<hbm>>
      tpu.wait_dma2 semaphore(%arg13 : memref<!tpu.dma_semaphore, #tpu.memory_space<semaphore_mem>>) src(%dma_wait3A_274 : memref<128x64xi32, #tpu.memory_space<hbm>>) dst(%arg7 : memref<128x64xi32, #tpu.memory_space<vmem>>)
      %add3A_275 = arith.constant 3 : i32
      %add3A_276 = arith.addi %add3A_255, %add3A_275 : i32
      %mul3A_277 = arith.constant 128 : i32
      %mul3A_278 = arith.muli %add3A_276, %mul3A_277 : i32
      %dma_start3A_279 = tpu.memref_slice %arg5[%mul3A_278] : memref<17280xi32, #tpu.memory_space<vmem>> -> memref<128xi32, #tpu.memory_space<vmem>>
      %dma_start3A_280 = arith.constant 0 : i32
      %dma_start3A_281 = arith.constant 0 : i32
      %dma_start3A_282 = tpu.memref_slice %arg2[%dma_start3A_280, %dma_start3A_281] : memref<100000x64xi32, #tpu.memory_space<hbm>> -> memref<100000x64xi32, #tpu.memory_space<hbm>>
      tpu.enqueue_indirect_dma source(%dma_start3A_282 : memref<100000x64xi32, #tpu.memory_space<hbm>>) target(%arg7 : memref<128x64xi32, #tpu.memory_space<vmem>>) offsets(%dma_start3A_279 : memref<128xi32, #tpu.memory_space<vmem>>) semaphore(%arg13 : memref<!tpu.dma_semaphore, #tpu.memory_space<semaphore_mem>>)
      %mul3A_283 = arith.constant 6 : i32
      %mul3A_284 = arith.muli %add3A_216, %mul3A_283 : i32
      %add3A_285 = arith.constant 3 : i32
      %add3A_286 = arith.addi %mul3A_284, %add3A_285 : i32
      %add3A_287 = arith.constant 2 : i32
      %add3A_288 = arith.addi %add3A_286, %add3A_287 : i32
      %dma_wait3A_289 = arith.constant 0 : i32
      %dma_wait3A_290 = arith.constant 0 : i32
      %dma_wait3A_291 = tpu.memref_slice %arg2[%dma_wait3A_289, %dma_wait3A_290] : memref<100000x64xi32, #tpu.memory_space<hbm>> -> memref<128x64xi32, #tpu.memory_space<hbm>>
      %dma_wait3A_292 = arith.constant 0 : i32
      %dma_wait3A_293 = arith.constant 0 : i32
      %dma_wait3A_294 = tpu.memref_slice %arg2[%dma_wait3A_292, %dma_wait3A_293] : memref<100000x64xi32, #tpu.memory_space<hbm>> -> memref<128x64xi32, #tpu.memory_space<hbm>>
      tpu.wait_dma2 semaphore(%arg17 : memref<!tpu.dma_semaphore, #tpu.memory_space<semaphore_mem>>) src(%dma_wait3A_294 : memref<128x64xi32, #tpu.memory_space<hbm>>) dst(%arg11 : memref<128x64xi32, #tpu.memory_space<vmem>>)
      %mul3A_295 = arith.constant 128 : i32
      %mul3A_296 = arith.muli %add3A_288, %mul3A_295 : i32
      %add3A_297 = arith.addi %mul3A_2, %mul3A_296 : i32
      %dma_start3A_298 = arith.constant 0 : i32
      %dma_start3A_299 = tpu.memref_slice %arg4[%add3A_297, %dma_start3A_298] : memref<552960x64xi32, #tpu.memory_space<hbm>> -> memref<128x64xi32, #tpu.memory_space<hbm>>
      %dma_start3A_300 = arith.constant 0 : i32
      %dma_start3A_301 = tpu.memref_slice %arg4[%add3A_297, %dma_start3A_300] : memref<552960x64xi32, #tpu.memory_space<hbm>> -> memref<128x64xi32, #tpu.memory_space<hbm>>
      tpu.enqueue_dma source(%arg11 : memref<128x64xi32, #tpu.memory_space<vmem>>) target(%dma_start3A_301 : memref<128x64xi32, #tpu.memory_space<hbm>>) target_semaphore(%arg17 : memref<!tpu.dma_semaphore, #tpu.memory_space<semaphore_mem>>)
      %dma_wait3A_302 = arith.constant 0 : i32
      %dma_wait3A_303 = arith.constant 0 : i32
      %dma_wait3A_304 = tpu.memref_slice %arg2[%dma_wait3A_302, %dma_wait3A_303] : memref<100000x64xi32, #tpu.memory_space<hbm>> -> memref<128x64xi32, #tpu.memory_space<hbm>>
      %dma_wait3A_305 = arith.constant 0 : i32
      %dma_wait3A_306 = arith.constant 0 : i32
      %dma_wait3A_307 = tpu.memref_slice %arg2[%dma_wait3A_305, %dma_wait3A_306] : memref<100000x64xi32, #tpu.memory_space<hbm>> -> memref<128x64xi32, #tpu.memory_space<hbm>>
      tpu.wait_dma2 semaphore(%arg14 : memref<!tpu.dma_semaphore, #tpu.memory_space<semaphore_mem>>) src(%dma_wait3A_307 : memref<128x64xi32, #tpu.memory_space<hbm>>) dst(%arg8 : memref<128x64xi32, #tpu.memory_space<vmem>>)
      %add3A_308 = arith.constant 3 : i32
      %add3A_309 = arith.addi %add3A_288, %add3A_308 : i32
      %mul3A_310 = arith.constant 128 : i32
      %mul3A_311 = arith.muli %add3A_309, %mul3A_310 : i32
      %dma_start3A_312 = tpu.memref_slice %arg5[%mul3A_311] : memref<17280xi32, #tpu.memory_space<vmem>> -> memref<128xi32, #tpu.memory_space<vmem>>
      %dma_start3A_313 = arith.constant 0 : i32
      %dma_start3A_314 = arith.constant 0 : i32
      %dma_start3A_315 = tpu.memref_slice %arg2[%dma_start3A_313, %dma_start3A_314] : memref<100000x64xi32, #tpu.memory_space<hbm>> -> memref<100000x64xi32, #tpu.memory_space<hbm>>
      tpu.enqueue_indirect_dma source(%dma_start3A_315 : memref<100000x64xi32, #tpu.memory_space<hbm>>) target(%arg8 : memref<128x64xi32, #tpu.memory_space<vmem>>) offsets(%dma_start3A_312 : memref<128xi32, #tpu.memory_space<vmem>>) semaphore(%arg14 : memref<!tpu.dma_semaphore, #tpu.memory_space<semaphore_mem>>)
      %mul3A_316 = arith.constant 6 : i32
      %mul3A_317 = arith.muli %add3A_216, %mul3A_316 : i32
      %add3A_318 = arith.constant 3 : i32
      %add3A_319 = arith.addi %mul3A_317, %add3A_318 : i32
      %add3A_320 = arith.constant 3 : i32
      %add3A_321 = arith.addi %add3A_319, %add3A_320 : i32
      %dma_wait3A_322 = arith.constant 0 : i32
      %dma_wait3A_323 = arith.constant 0 : i32
      %dma_wait3A_324 = tpu.memref_slice %arg2[%dma_wait3A_322, %dma_wait3A_323] : memref<100000x64xi32, #tpu.memory_space<hbm>> -> memref<128x64xi32, #tpu.memory_space<hbm>>
      %dma_wait3A_325 = arith.constant 0 : i32
      %dma_wait3A_326 = arith.constant 0 : i32
      %dma_wait3A_327 = tpu.memref_slice %arg2[%dma_wait3A_325, %dma_wait3A_326] : memref<100000x64xi32, #tpu.memory_space<hbm>> -> memref<128x64xi32, #tpu.memory_space<hbm>>
      tpu.wait_dma2 semaphore(%arg12 : memref<!tpu.dma_semaphore, #tpu.memory_space<semaphore_mem>>) src(%dma_wait3A_327 : memref<128x64xi32, #tpu.memory_space<hbm>>) dst(%arg6 : memref<128x64xi32, #tpu.memory_space<vmem>>)
      %mul3A_328 = arith.constant 128 : i32
      %mul3A_329 = arith.muli %add3A_321, %mul3A_328 : i32
      %add3A_330 = arith.addi %mul3A_2, %mul3A_329 : i32
      %dma_start3A_331 = arith.constant 0 : i32
      %dma_start3A_332 = tpu.memref_slice %arg4[%add3A_330, %dma_start3A_331] : memref<552960x64xi32, #tpu.memory_space<hbm>> -> memref<128x64xi32, #tpu.memory_space<hbm>>
      %dma_start3A_333 = arith.constant 0 : i32
      %dma_start3A_334 = tpu.memref_slice %arg4[%add3A_330, %dma_start3A_333] : memref<552960x64xi32, #tpu.memory_space<hbm>> -> memref<128x64xi32, #tpu.memory_space<hbm>>
      tpu.enqueue_dma source(%arg6 : memref<128x64xi32, #tpu.memory_space<vmem>>) target(%dma_start3A_334 : memref<128x64xi32, #tpu.memory_space<hbm>>) target_semaphore(%arg12 : memref<!tpu.dma_semaphore, #tpu.memory_space<semaphore_mem>>)
      %dma_wait3A_335 = arith.constant 0 : i32
      %dma_wait3A_336 = arith.constant 0 : i32
      %dma_wait3A_337 = tpu.memref_slice %arg2[%dma_wait3A_335, %dma_wait3A_336] : memref<100000x64xi32, #tpu.memory_space<hbm>> -> memref<128x64xi32, #tpu.memory_space<hbm>>
      %dma_wait3A_338 = arith.constant 0 : i32
      %dma_wait3A_339 = arith.constant 0 : i32
      %dma_wait3A_340 = tpu.memref_slice %arg2[%dma_wait3A_338, %dma_wait3A_339] : memref<100000x64xi32, #tpu.memory_space<hbm>> -> memref<128x64xi32, #tpu.memory_space<hbm>>
      tpu.wait_dma2 semaphore(%arg15 : memref<!tpu.dma_semaphore, #tpu.memory_space<semaphore_mem>>) src(%dma_wait3A_340 : memref<128x64xi32, #tpu.memory_space<hbm>>) dst(%arg9 : memref<128x64xi32, #tpu.memory_space<vmem>>)
      %add3A_341 = arith.constant 3 : i32
      %add3A_342 = arith.addi %add3A_321, %add3A_341 : i32
      %mul3A_343 = arith.constant 128 : i32
      %mul3A_344 = arith.muli %add3A_342, %mul3A_343 : i32
      %dma_start3A_345 = tpu.memref_slice %arg5[%mul3A_344] : memref<17280xi32, #tpu.memory_space<vmem>> -> memref<128xi32, #tpu.memory_space<vmem>>
      %dma_start3A_346 = arith.constant 0 : i32
      %dma_start3A_347 = arith.constant 0 : i32
      %dma_start3A_348 = tpu.memref_slice %arg2[%dma_start3A_346, %dma_start3A_347] : memref<100000x64xi32, #tpu.memory_space<hbm>> -> memref<100000x64xi32, #tpu.memory_space<hbm>>
      tpu.enqueue_indirect_dma source(%dma_start3A_348 : memref<100000x64xi32, #tpu.memory_space<hbm>>) target(%arg9 : memref<128x64xi32, #tpu.memory_space<vmem>>) offsets(%dma_start3A_345 : memref<128xi32, #tpu.memory_space<vmem>>) semaphore(%arg15 : memref<!tpu.dma_semaphore, #tpu.memory_space<semaphore_mem>>)
      %mul3A_349 = arith.constant 6 : i32
      %mul3A_350 = arith.muli %add3A_216, %mul3A_349 : i32
      %add3A_351 = arith.constant 3 : i32
      %add3A_352 = arith.addi %mul3A_350, %add3A_351 : i32
      %add3A_353 = arith.constant 4 : i32
      %add3A_354 = arith.addi %add3A_352, %add3A_353 : i32
      %dma_wait3A_355 = arith.constant 0 : i32
      %dma_wait3A_356 = arith.constant 0 : i32
      %dma_wait3A_357 = tpu.memref_slice %arg2[%dma_wait3A_355, %dma_wait3A_356] : memref<100000x64xi32, #tpu.memory_space<hbm>> -> memref<128x64xi32, #tpu.memory_space<hbm>>
      %dma_wait3A_358 = arith.constant 0 : i32
      %dma_wait3A_359 = arith.constant 0 : i32
      %dma_wait3A_360 = tpu.memref_slice %arg2[%dma_wait3A_358, %dma_wait3A_359] : memref<100000x64xi32, #tpu.memory_space<hbm>> -> memref<128x64xi32, #tpu.memory_space<hbm>>
      tpu.wait_dma2 semaphore(%arg13 : memref<!tpu.dma_semaphore, #tpu.memory_space<semaphore_mem>>) src(%dma_wait3A_360 : memref<128x64xi32, #tpu.memory_space<hbm>>) dst(%arg7 : memref<128x64xi32, #tpu.memory_space<vmem>>)
      %mul3A_361 = arith.constant 128 : i32
      %mul3A_362 = arith.muli %add3A_354, %mul3A_361 : i32
      %add3A_363 = arith.addi %mul3A_2, %mul3A_362 : i32
      %dma_start3A_364 = arith.constant 0 : i32
      %dma_start3A_365 = tpu.memref_slice %arg4[%add3A_363, %dma_start3A_364] : memref<552960x64xi32, #tpu.memory_space<hbm>> -> memref<128x64xi32, #tpu.memory_space<hbm>>
      %dma_start3A_366 = arith.constant 0 : i32
      %dma_start3A_367 = tpu.memref_slice %arg4[%add3A_363, %dma_start3A_366] : memref<552960x64xi32, #tpu.memory_space<hbm>> -> memref<128x64xi32, #tpu.memory_space<hbm>>
      tpu.enqueue_dma source(%arg7 : memref<128x64xi32, #tpu.memory_space<vmem>>) target(%dma_start3A_367 : memref<128x64xi32, #tpu.memory_space<hbm>>) target_semaphore(%arg13 : memref<!tpu.dma_semaphore, #tpu.memory_space<semaphore_mem>>)
      %dma_wait3A_368 = arith.constant 0 : i32
      %dma_wait3A_369 = arith.constant 0 : i32
      %dma_wait3A_370 = tpu.memref_slice %arg2[%dma_wait3A_368, %dma_wait3A_369] : memref<100000x64xi32, #tpu.memory_space<hbm>> -> memref<128x64xi32, #tpu.memory_space<hbm>>
      %dma_wait3A_371 = arith.constant 0 : i32
      %dma_wait3A_372 = arith.constant 0 : i32
      %dma_wait3A_373 = tpu.memref_slice %arg2[%dma_wait3A_371, %dma_wait3A_372] : memref<100000x64xi32, #tpu.memory_space<hbm>> -> memref<128x64xi32, #tpu.memory_space<hbm>>
      tpu.wait_dma2 semaphore(%arg16 : memref<!tpu.dma_semaphore, #tpu.memory_space<semaphore_mem>>) src(%dma_wait3A_373 : memref<128x64xi32, #tpu.memory_space<hbm>>) dst(%arg10 : memref<128x64xi32, #tpu.memory_space<vmem>>)
      %add3A_374 = arith.constant 3 : i32
      %add3A_375 = arith.addi %add3A_354, %add3A_374 : i32
      %mul3A_376 = arith.constant 128 : i32
      %mul3A_377 = arith.muli %add3A_375, %mul3A_376 : i32
      %dma_start3A_378 = tpu.memref_slice %arg5[%mul3A_377] : memref<17280xi32, #tpu.memory_space<vmem>> -> memref<128xi32, #tpu.memory_space<vmem>>
      %dma_start3A_379 = arith.constant 0 : i32
      %dma_start3A_380 = arith.constant 0 : i32
      %dma_start3A_381 = tpu.memref_slice %arg2[%dma_start3A_379, %dma_start3A_380] : memref<100000x64xi32, #tpu.memory_space<hbm>> -> memref<100000x64xi32, #tpu.memory_space<hbm>>
      tpu.enqueue_indirect_dma source(%dma_start3A_381 : memref<100000x64xi32, #tpu.memory_space<hbm>>) target(%arg10 : memref<128x64xi32, #tpu.memory_space<vmem>>) offsets(%dma_start3A_378 : memref<128xi32, #tpu.memory_space<vmem>>) semaphore(%arg16 : memref<!tpu.dma_semaphore, #tpu.memory_space<semaphore_mem>>)
      %mul3A_382 = arith.constant 6 : i32
      %mul3A_383 = arith.muli %add3A_216, %mul3A_382 : i32
      %add3A_384 = arith.constant 3 : i32
      %add3A_385 = arith.addi %mul3A_383, %add3A_384 : i32
      %add3A_386 = arith.constant 5 : i32
      %add3A_387 = arith.addi %add3A_385, %add3A_386 : i32
      %dma_wait3A_388 = arith.constant 0 : i32
      %dma_wait3A_389 = arith.constant 0 : i32
      %dma_wait3A_390 = tpu.memref_slice %arg2[%dma_wait3A_388, %dma_wait3A_389] : memref<100000x64xi32, #tpu.memory_space<hbm>> -> memref<128x64xi32, #tpu.memory_space<hbm>>
      %dma_wait3A_391 = arith.constant 0 : i32
      %dma_wait3A_392 = arith.constant 0 : i32
      %dma_wait3A_393 = tpu.memref_slice %arg2[%dma_wait3A_391, %dma_wait3A_392] : memref<100000x64xi32, #tpu.memory_space<hbm>> -> memref<128x64xi32, #tpu.memory_space<hbm>>
      tpu.wait_dma2 semaphore(%arg14 : memref<!tpu.dma_semaphore, #tpu.memory_space<semaphore_mem>>) src(%dma_wait3A_393 : memref<128x64xi32, #tpu.memory_space<hbm>>) dst(%arg8 : memref<128x64xi32, #tpu.memory_space<vmem>>)
      %mul3A_394 = arith.constant 128 : i32
      %mul3A_395 = arith.muli %add3A_387, %mul3A_394 : i32
      %add3A_396 = arith.addi %mul3A_2, %mul3A_395 : i32
      %dma_start3A_397 = arith.constant 0 : i32
      %dma_start3A_398 = tpu.memref_slice %arg4[%add3A_396, %dma_start3A_397] : memref<552960x64xi32, #tpu.memory_space<hbm>> -> memref<128x64xi32, #tpu.memory_space<hbm>>
      %dma_start3A_399 = arith.constant 0 : i32
      %dma_start3A_400 = tpu.memref_slice %arg4[%add3A_396, %dma_start3A_399] : memref<552960x64xi32, #tpu.memory_space<hbm>> -> memref<128x64xi32, #tpu.memory_space<hbm>>
      tpu.enqueue_dma source(%arg8 : memref<128x64xi32, #tpu.memory_space<vmem>>) target(%dma_start3A_400 : memref<128x64xi32, #tpu.memory_space<hbm>>) target_semaphore(%arg14 : memref<!tpu.dma_semaphore, #tpu.memory_space<semaphore_mem>>)
      %dma_wait3A_401 = arith.constant 0 : i32
      %dma_wait3A_402 = arith.constant 0 : i32
      %dma_wait3A_403 = tpu.memref_slice %arg2[%dma_wait3A_401, %dma_wait3A_402] : memref<100000x64xi32, #tpu.memory_space<hbm>> -> memref<128x64xi32, #tpu.memory_space<hbm>>
      %dma_wait3A_404 = arith.constant 0 : i32
      %dma_wait3A_405 = arith.constant 0 : i32
      %dma_wait3A_406 = tpu.memref_slice %arg2[%dma_wait3A_404, %dma_wait3A_405] : memref<100000x64xi32, #tpu.memory_space<hbm>> -> memref<128x64xi32, #tpu.memory_space<hbm>>
      tpu.wait_dma2 semaphore(%arg17 : memref<!tpu.dma_semaphore, #tpu.memory_space<semaphore_mem>>) src(%dma_wait3A_406 : memref<128x64xi32, #tpu.memory_space<hbm>>) dst(%arg11 : memref<128x64xi32, #tpu.memory_space<vmem>>)
      %add3A_407 = arith.constant 3 : i32
      %add3A_408 = arith.addi %add3A_387, %add3A_407 : i32
      %mul3A_409 = arith.constant 128 : i32
      %mul3A_410 = arith.muli %add3A_408, %mul3A_409 : i32
      %dma_start3A_411 = tpu.memref_slice %arg5[%mul3A_410] : memref<17280xi32, #tpu.memory_space<vmem>> -> memref<128xi32, #tpu.memory_space<vmem>>
      %dma_start3A_412 = arith.constant 0 : i32
      %dma_start3A_413 = arith.constant 0 : i32
      %dma_start3A_414 = tpu.memref_slice %arg2[%dma_start3A_412, %dma_start3A_413] : memref<100000x64xi32, #tpu.memory_space<hbm>> -> memref<100000x64xi32, #tpu.memory_space<hbm>>
      tpu.enqueue_indirect_dma source(%dma_start3A_414 : memref<100000x64xi32, #tpu.memory_space<hbm>>) target(%arg11 : memref<128x64xi32, #tpu.memory_space<vmem>>) offsets(%dma_start3A_411 : memref<128xi32, #tpu.memory_space<vmem>>) semaphore(%arg17 : memref<!tpu.dma_semaphore, #tpu.memory_space<semaphore_mem>>)
    }
    %scan3A_70 = arith.constant 21 : i32
    %dma_wait3A_71 = arith.constant 0 : i32
    %dma_wait3A_72 = arith.constant 0 : i32
    %dma_wait3A_73 = tpu.memref_slice %arg2[%dma_wait3A_71, %dma_wait3A_72] : memref<100000x64xi32, #tpu.memory_space<hbm>> -> memref<128x64xi32, #tpu.memory_space<hbm>>
    %dma_wait3A_74 = arith.constant 0 : i32
    %dma_wait3A_75 = arith.constant 0 : i32
    %dma_wait3A_76 = tpu.memref_slice %arg2[%dma_wait3A_74, %dma_wait3A_75] : memref<100000x64xi32, #tpu.memory_space<hbm>> -> memref<128x64xi32, #tpu.memory_space<hbm>>
    tpu.wait_dma2 semaphore(%arg15 : memref<!tpu.dma_semaphore, #tpu.memory_space<semaphore_mem>>) src(%dma_wait3A_76 : memref<128x64xi32, #tpu.memory_space<hbm>>) dst(%arg9 : memref<128x64xi32, #tpu.memory_space<vmem>>)
    %add3A_77 = arith.constant 16512 : i32
    %add3A_78 = arith.addi %mul3A_2, %add3A_77 : i32
    %dma_start3A_79 = arith.constant 0 : i32
    %dma_start3A_80 = tpu.memref_slice %arg4[%add3A_78, %dma_start3A_79] : memref<552960x64xi32, #tpu.memory_space<hbm>> -> memref<128x64xi32, #tpu.memory_space<hbm>>
    %dma_start3A_81 = arith.constant 0 : i32
    %dma_start3A_82 = tpu.memref_slice %arg4[%add3A_78, %dma_start3A_81] : memref<552960x64xi32, #tpu.memory_space<hbm>> -> memref<128x64xi32, #tpu.memory_space<hbm>>
    tpu.enqueue_dma source(%arg9 : memref<128x64xi32, #tpu.memory_space<vmem>>) target(%dma_start3A_82 : memref<128x64xi32, #tpu.memory_space<hbm>>) target_semaphore(%arg15 : memref<!tpu.dma_semaphore, #tpu.memory_space<semaphore_mem>>)
    %dma_wait3A_83 = arith.constant 0 : i32
    %dma_wait3A_84 = arith.constant 0 : i32
    %dma_wait3A_85 = tpu.memref_slice %arg2[%dma_wait3A_83, %dma_wait3A_84] : memref<100000x64xi32, #tpu.memory_space<hbm>> -> memref<128x64xi32, #tpu.memory_space<hbm>>
    %dma_wait3A_86 = arith.constant 0 : i32
    %dma_wait3A_87 = arith.constant 0 : i32
    %dma_wait3A_88 = tpu.memref_slice %arg2[%dma_wait3A_86, %dma_wait3A_87] : memref<100000x64xi32, #tpu.memory_space<hbm>> -> memref<128x64xi32, #tpu.memory_space<hbm>>
    tpu.wait_dma2 semaphore(%arg12 : memref<!tpu.dma_semaphore, #tpu.memory_space<semaphore_mem>>) src(%dma_wait3A_88 : memref<128x64xi32, #tpu.memory_space<hbm>>) dst(%arg6 : memref<128x64xi32, #tpu.memory_space<vmem>>)
    %dma_start3A_89 = arith.constant 16896 : i32
    %dma_start3A_90 = tpu.memref_slice %arg5[%dma_start3A_89] : memref<17280xi32, #tpu.memory_space<vmem>> -> memref<128xi32, #tpu.memory_space<vmem>>
    %dma_start3A_91 = arith.constant 0 : i32
    %dma_start3A_92 = arith.constant 0 : i32
    %dma_start3A_93 = tpu.memref_slice %arg2[%dma_start3A_91, %dma_start3A_92] : memref<100000x64xi32, #tpu.memory_space<hbm>> -> memref<100000x64xi32, #tpu.memory_space<hbm>>
    tpu.enqueue_indirect_dma source(%dma_start3A_93 : memref<100000x64xi32, #tpu.memory_space<hbm>>) target(%arg6 : memref<128x64xi32, #tpu.memory_space<vmem>>) offsets(%dma_start3A_90 : memref<128xi32, #tpu.memory_space<vmem>>) semaphore(%arg12 : memref<!tpu.dma_semaphore, #tpu.memory_space<semaphore_mem>>)
    %dma_wait3A_94 = arith.constant 0 : i32
    %dma_wait3A_95 = arith.constant 0 : i32
    %dma_wait3A_96 = tpu.memref_slice %arg2[%dma_wait3A_94, %dma_wait3A_95] : memref<100000x64xi32, #tpu.memory_space<hbm>> -> memref<128x64xi32, #tpu.memory_space<hbm>>
    %dma_wait3A_97 = arith.constant 0 : i32
    %dma_wait3A_98 = arith.constant 0 : i32
    %dma_wait3A_99 = tpu.memref_slice %arg2[%dma_wait3A_97, %dma_wait3A_98] : memref<100000x64xi32, #tpu.memory_space<hbm>> -> memref<128x64xi32, #tpu.memory_space<hbm>>
    tpu.wait_dma2 semaphore(%arg16 : memref<!tpu.dma_semaphore, #tpu.memory_space<semaphore_mem>>) src(%dma_wait3A_99 : memref<128x64xi32, #tpu.memory_space<hbm>>) dst(%arg10 : memref<128x64xi32, #tpu.memory_space<vmem>>)
    %add3A_100 = arith.constant 16640 : i32
    %add3A_101 = arith.addi %mul3A_2, %add3A_100 : i32
    %dma_start3A_102 = arith.constant 0 : i32
    %dma_start3A_103 = tpu.memref_slice %arg4[%add3A_101, %dma_start3A_102] : memref<552960x64xi32, #tpu.memory_space<hbm>> -> memref<128x64xi32, #tpu.memory_space<hbm>>
    %dma_start3A_104 = arith.constant 0 : i32
    %dma_start3A_105 = tpu.memref_slice %arg4[%add3A_101, %dma_start3A_104] : memref<552960x64xi32, #tpu.memory_space<hbm>> -> memref<128x64xi32, #tpu.memory_space<hbm>>
    tpu.enqueue_dma source(%arg10 : memref<128x64xi32, #tpu.memory_space<vmem>>) target(%dma_start3A_105 : memref<128x64xi32, #tpu.memory_space<hbm>>) target_semaphore(%arg16 : memref<!tpu.dma_semaphore, #tpu.memory_space<semaphore_mem>>)
    %dma_wait3A_106 = arith.constant 0 : i32
    %dma_wait3A_107 = arith.constant 0 : i32
    %dma_wait3A_108 = tpu.memref_slice %arg2[%dma_wait3A_106, %dma_wait3A_107] : memref<100000x64xi32, #tpu.memory_space<hbm>> -> memref<128x64xi32, #tpu.memory_space<hbm>>
    %dma_wait3A_109 = arith.constant 0 : i32
    %dma_wait3A_110 = arith.constant 0 : i32
    %dma_wait3A_111 = tpu.memref_slice %arg2[%dma_wait3A_109, %dma_wait3A_110] : memref<100000x64xi32, #tpu.memory_space<hbm>> -> memref<128x64xi32, #tpu.memory_space<hbm>>
    tpu.wait_dma2 semaphore(%arg13 : memref<!tpu.dma_semaphore, #tpu.memory_space<semaphore_mem>>) src(%dma_wait3A_111 : memref<128x64xi32, #tpu.memory_space<hbm>>) dst(%arg7 : memref<128x64xi32, #tpu.memory_space<vmem>>)
    %dma_start3A_112 = arith.constant 17024 : i32
    %dma_start3A_113 = tpu.memref_slice %arg5[%dma_start3A_112] : memref<17280xi32, #tpu.memory_space<vmem>> -> memref<128xi32, #tpu.memory_space<vmem>>
    %dma_start3A_114 = arith.constant 0 : i32
    %dma_start3A_115 = arith.constant 0 : i32
    %dma_start3A_116 = tpu.memref_slice %arg2[%dma_start3A_114, %dma_start3A_115] : memref<100000x64xi32, #tpu.memory_space<hbm>> -> memref<100000x64xi32, #tpu.memory_space<hbm>>
    tpu.enqueue_indirect_dma source(%dma_start3A_116 : memref<100000x64xi32, #tpu.memory_space<hbm>>) target(%arg7 : memref<128x64xi32, #tpu.memory_space<vmem>>) offsets(%dma_start3A_113 : memref<128xi32, #tpu.memory_space<vmem>>) semaphore(%arg13 : memref<!tpu.dma_semaphore, #tpu.memory_space<semaphore_mem>>)
    %dma_wait3A_117 = arith.constant 0 : i32
    %dma_wait3A_118 = arith.constant 0 : i32
    %dma_wait3A_119 = tpu.memref_slice %arg2[%dma_wait3A_117, %dma_wait3A_118] : memref<100000x64xi32, #tpu.memory_space<hbm>> -> memref<128x64xi32, #tpu.memory_space<hbm>>
    %dma_wait3A_120 = arith.constant 0 : i32
    %dma_wait3A_121 = arith.constant 0 : i32
    %dma_wait3A_122 = tpu.memref_slice %arg2[%dma_wait3A_120, %dma_wait3A_121] : memref<100000x64xi32, #tpu.memory_space<hbm>> -> memref<128x64xi32, #tpu.memory_space<hbm>>
    tpu.wait_dma2 semaphore(%arg17 : memref<!tpu.dma_semaphore, #tpu.memory_space<semaphore_mem>>) src(%dma_wait3A_122 : memref<128x64xi32, #tpu.memory_space<hbm>>) dst(%arg11 : memref<128x64xi32, #tpu.memory_space<vmem>>)
    %add3A_123 = arith.constant 16768 : i32
    %add3A_124 = arith.addi %mul3A_2, %add3A_123 : i32
    %dma_start3A_125 = arith.constant 0 : i32
    %dma_start3A_126 = tpu.memref_slice %arg4[%add3A_124, %dma_start3A_125] : memref<552960x64xi32, #tpu.memory_space<hbm>> -> memref<128x64xi32, #tpu.memory_space<hbm>>
    %dma_start3A_127 = arith.constant 0 : i32
    %dma_start3A_128 = tpu.memref_slice %arg4[%add3A_124, %dma_start3A_127] : memref<552960x64xi32, #tpu.memory_space<hbm>> -> memref<128x64xi32, #tpu.memory_space<hbm>>
    tpu.enqueue_dma source(%arg11 : memref<128x64xi32, #tpu.memory_space<vmem>>) target(%dma_start3A_128 : memref<128x64xi32, #tpu.memory_space<hbm>>) target_semaphore(%arg17 : memref<!tpu.dma_semaphore, #tpu.memory_space<semaphore_mem>>)
    %dma_wait3A_129 = arith.constant 0 : i32
    %dma_wait3A_130 = arith.constant 0 : i32
    %dma_wait3A_131 = tpu.memref_slice %arg2[%dma_wait3A_129, %dma_wait3A_130] : memref<100000x64xi32, #tpu.memory_space<hbm>> -> memref<128x64xi32, #tpu.memory_space<hbm>>
    %dma_wait3A_132 = arith.constant 0 : i32
    %dma_wait3A_133 = arith.constant 0 : i32
    %dma_wait3A_134 = tpu.memref_slice %arg2[%dma_wait3A_132, %dma_wait3A_133] : memref<100000x64xi32, #tpu.memory_space<hbm>> -> memref<128x64xi32, #tpu.memory_space<hbm>>
    tpu.wait_dma2 semaphore(%arg14 : memref<!tpu.dma_semaphore, #tpu.memory_space<semaphore_mem>>) src(%dma_wait3A_134 : memref<128x64xi32, #tpu.memory_space<hbm>>) dst(%arg8 : memref<128x64xi32, #tpu.memory_space<vmem>>)
    %dma_start3A_135 = arith.constant 17152 : i32
    %dma_start3A_136 = tpu.memref_slice %arg5[%dma_start3A_135] : memref<17280xi32, #tpu.memory_space<vmem>> -> memref<128xi32, #tpu.memory_space<vmem>>
    %dma_start3A_137 = arith.constant 0 : i32
    %dma_start3A_138 = arith.constant 0 : i32
    %dma_start3A_139 = tpu.memref_slice %arg2[%dma_start3A_137, %dma_start3A_138] : memref<100000x64xi32, #tpu.memory_space<hbm>> -> memref<100000x64xi32, #tpu.memory_space<hbm>>
    tpu.enqueue_indirect_dma source(%dma_start3A_139 : memref<100000x64xi32, #tpu.memory_space<hbm>>) target(%arg8 : memref<128x64xi32, #tpu.memory_space<vmem>>) offsets(%dma_start3A_136 : memref<128xi32, #tpu.memory_space<vmem>>) semaphore(%arg14 : memref<!tpu.dma_semaphore, #tpu.memory_space<semaphore_mem>>)
    %dma_wait3A_140 = arith.constant 0 : i32
    %dma_wait3A_141 = arith.constant 0 : i32
    %dma_wait3A_142 = tpu.memref_slice %arg2[%dma_wait3A_140, %dma_wait3A_141] : memref<100000x64xi32, #tpu.memory_space<hbm>> -> memref<128x64xi32, #tpu.memory_space<hbm>>
    %dma_wait3A_143 = arith.constant 0 : i32
    %dma_wait3A_144 = arith.constant 0 : i32
    %dma_wait3A_145 = tpu.memref_slice %arg2[%dma_wait3A_143, %dma_wait3A_144] : memref<100000x64xi32, #tpu.memory_space<hbm>> -> memref<128x64xi32, #tpu.memory_space<hbm>>
    tpu.wait_dma2 semaphore(%arg12 : memref<!tpu.dma_semaphore, #tpu.memory_space<semaphore_mem>>) src(%dma_wait3A_145 : memref<128x64xi32, #tpu.memory_space<hbm>>) dst(%arg6 : memref<128x64xi32, #tpu.memory_space<vmem>>)
    %add3A_146 = arith.constant 16896 : i32
    %add3A_147 = arith.addi %mul3A_2, %add3A_146 : i32
    %dma_start3A_148 = arith.constant 0 : i32
    %dma_start3A_149 = tpu.memref_slice %arg4[%add3A_147, %dma_start3A_148] : memref<552960x64xi32, #tpu.memory_space<hbm>> -> memref<128x64xi32, #tpu.memory_space<hbm>>
    %dma_start3A_150 = arith.constant 0 : i32
    %dma_start3A_151 = tpu.memref_slice %arg4[%add3A_147, %dma_start3A_150] : memref<552960x64xi32, #tpu.memory_space<hbm>> -> memref<128x64xi32, #tpu.memory_space<hbm>>
    tpu.enqueue_dma source(%arg6 : memref<128x64xi32, #tpu.memory_space<vmem>>) target(%dma_start3A_151 : memref<128x64xi32, #tpu.memory_space<hbm>>) target_semaphore(%arg12 : memref<!tpu.dma_semaphore, #tpu.memory_space<semaphore_mem>>)
    %dma_wait3A_152 = arith.constant 0 : i32
    %dma_wait3A_153 = arith.constant 0 : i32
    %dma_wait3A_154 = tpu.memref_slice %arg2[%dma_wait3A_152, %dma_wait3A_153] : memref<100000x64xi32, #tpu.memory_space<hbm>> -> memref<128x64xi32, #tpu.memory_space<hbm>>
    %dma_wait3A_155 = arith.constant 0 : i32
    %dma_wait3A_156 = arith.constant 0 : i32
    %dma_wait3A_157 = tpu.memref_slice %arg2[%dma_wait3A_155, %dma_wait3A_156] : memref<100000x64xi32, #tpu.memory_space<hbm>> -> memref<128x64xi32, #tpu.memory_space<hbm>>
    tpu.wait_dma2 semaphore(%arg13 : memref<!tpu.dma_semaphore, #tpu.memory_space<semaphore_mem>>) src(%dma_wait3A_157 : memref<128x64xi32, #tpu.memory_space<hbm>>) dst(%arg7 : memref<128x64xi32, #tpu.memory_space<vmem>>)
    %add3A_158 = arith.constant 17024 : i32
    %add3A_159 = arith.addi %mul3A_2, %add3A_158 : i32
    %dma_start3A_160 = arith.constant 0 : i32
    %dma_start3A_161 = tpu.memref_slice %arg4[%add3A_159, %dma_start3A_160] : memref<552960x64xi32, #tpu.memory_space<hbm>> -> memref<128x64xi32, #tpu.memory_space<hbm>>
    %dma_start3A_162 = arith.constant 0 : i32
    %dma_start3A_163 = tpu.memref_slice %arg4[%add3A_159, %dma_start3A_162] : memref<552960x64xi32, #tpu.memory_space<hbm>> -> memref<128x64xi32, #tpu.memory_space<hbm>>
    tpu.enqueue_dma source(%arg7 : memref<128x64xi32, #tpu.memory_space<vmem>>) target(%dma_start3A_163 : memref<128x64xi32, #tpu.memory_space<hbm>>) target_semaphore(%arg13 : memref<!tpu.dma_semaphore, #tpu.memory_space<semaphore_mem>>)
    %dma_wait3A_164 = arith.constant 0 : i32
    %dma_wait3A_165 = arith.constant 0 : i32
    %dma_wait3A_166 = tpu.memref_slice %arg2[%dma_wait3A_164, %dma_wait3A_165] : memref<100000x64xi32, #tpu.memory_space<hbm>> -> memref<128x64xi32, #tpu.memory_space<hbm>>
    %dma_wait3A_167 = arith.constant 0 : i32
    %dma_wait3A_168 = arith.constant 0 : i32
    %dma_wait3A_169 = tpu.memref_slice %arg2[%dma_wait3A_167, %dma_wait3A_168] : memref<100000x64xi32, #tpu.memory_space<hbm>> -> memref<128x64xi32, #tpu.memory_space<hbm>>
    tpu.wait_dma2 semaphore(%arg14 : memref<!tpu.dma_semaphore, #tpu.memory_space<semaphore_mem>>) src(%dma_wait3A_169 : memref<128x64xi32, #tpu.memory_space<hbm>>) dst(%arg8 : memref<128x64xi32, #tpu.memory_space<vmem>>)
    %add3A_170 = arith.constant 17152 : i32
    %add3A_171 = arith.addi %mul3A_2, %add3A_170 : i32
    %dma_start3A_172 = arith.constant 0 : i32
    %dma_start3A_173 = tpu.memref_slice %arg4[%add3A_171, %dma_start3A_172] : memref<552960x64xi32, #tpu.memory_space<hbm>> -> memref<128x64xi32, #tpu.memory_space<hbm>>
    %dma_start3A_174 = arith.constant 0 : i32
    %dma_start3A_175 = tpu.memref_slice %arg4[%add3A_171, %dma_start3A_174] : memref<552960x64xi32, #tpu.memory_space<hbm>> -> memref<128x64xi32, #tpu.memory_space<hbm>>
    tpu.enqueue_dma source(%arg8 : memref<128x64xi32, #tpu.memory_space<vmem>>) target(%dma_start3A_175 : memref<128x64xi32, #tpu.memory_space<hbm>>) target_semaphore(%arg14 : memref<!tpu.dma_semaphore, #tpu.memory_space<semaphore_mem>>)
    %dma_wait3A_176 = arith.constant 0 : i32
    %dma_wait3A_177 = arith.constant 0 : i32
    %dma_wait3A_178 = tpu.memref_slice %arg2[%dma_wait3A_176, %dma_wait3A_177] : memref<100000x64xi32, #tpu.memory_space<hbm>> -> memref<128x64xi32, #tpu.memory_space<hbm>>
    %dma_wait3A_179 = arith.constant 0 : i32
    %dma_wait3A_180 = arith.constant 0 : i32
    %dma_wait3A_181 = tpu.memref_slice %arg2[%dma_wait3A_179, %dma_wait3A_180] : memref<100000x64xi32, #tpu.memory_space<hbm>> -> memref<128x64xi32, #tpu.memory_space<hbm>>
    tpu.wait_dma2 semaphore(%arg12 : memref<!tpu.dma_semaphore, #tpu.memory_space<semaphore_mem>>) src(%dma_wait3A_181 : memref<128x64xi32, #tpu.memory_space<hbm>>) dst(%arg6 : memref<128x64xi32, #tpu.memory_space<vmem>>)
    %dma_wait3A_182 = arith.constant 0 : i32
    %dma_wait3A_183 = arith.constant 0 : i32
    %dma_wait3A_184 = tpu.memref_slice %arg2[%dma_wait3A_182, %dma_wait3A_183] : memref<100000x64xi32, #tpu.memory_space<hbm>> -> memref<128x64xi32, #tpu.memory_space<hbm>>
    %dma_wait3A_185 = arith.constant 0 : i32
    %dma_wait3A_186 = arith.constant 0 : i32
    %dma_wait3A_187 = tpu.memref_slice %arg2[%dma_wait3A_185, %dma_wait3A_186] : memref<100000x64xi32, #tpu.memory_space<hbm>> -> memref<128x64xi32, #tpu.memory_space<hbm>>
    tpu.wait_dma2 semaphore(%arg13 : memref<!tpu.dma_semaphore, #tpu.memory_space<semaphore_mem>>) src(%dma_wait3A_187 : memref<128x64xi32, #tpu.memory_space<hbm>>) dst(%arg7 : memref<128x64xi32, #tpu.memory_space<vmem>>)
    %dma_wait3A_188 = arith.constant 0 : i32
    %dma_wait3A_189 = arith.constant 0 : i32
    %dma_wait3A_190 = tpu.memref_slice %arg2[%dma_wait3A_188, %dma_wait3A_189] : memref<100000x64xi32, #tpu.memory_space<hbm>> -> memref<128x64xi32, #tpu.memory_space<hbm>>
    %dma_wait3A_191 = arith.constant 0 : i32
    %dma_wait3A_192 = arith.constant 0 : i32
    %dma_wait3A_193 = tpu.memref_slice %arg2[%dma_wait3A_191, %dma_wait3A_192] : memref<100000x64xi32, #tpu.memory_space<hbm>> -> memref<128x64xi32, #tpu.memory_space<hbm>>
    tpu.wait_dma2 semaphore(%arg14 : memref<!tpu.dma_semaphore, #tpu.memory_space<semaphore_mem>>) src(%dma_wait3A_193 : memref<128x64xi32, #tpu.memory_space<hbm>>) dst(%arg8 : memref<128x64xi32, #tpu.memory_space<vmem>>)
    %dma_wait3A_194 = arith.constant 0 : i32
    %dma_wait3A_195 = arith.constant 0 : i32
    %dma_wait3A_196 = tpu.memref_slice %arg2[%dma_wait3A_194, %dma_wait3A_195] : memref<100000x64xi32, #tpu.memory_space<hbm>> -> memref<128x64xi32, #tpu.memory_space<hbm>>
    %dma_wait3A_197 = arith.constant 0 : i32
    %dma_wait3A_198 = arith.constant 0 : i32
    %dma_wait3A_199 = tpu.memref_slice %arg2[%dma_wait3A_197, %dma_wait3A_198] : memref<100000x64xi32, #tpu.memory_space<hbm>> -> memref<128x64xi32, #tpu.memory_space<hbm>>
    tpu.wait_dma2 semaphore(%arg15 : memref<!tpu.dma_semaphore, #tpu.memory_space<semaphore_mem>>) src(%dma_wait3A_199 : memref<128x64xi32, #tpu.memory_space<hbm>>) dst(%arg9 : memref<128x64xi32, #tpu.memory_space<vmem>>)
    %dma_wait3A_200 = arith.constant 0 : i32
    %dma_wait3A_201 = arith.constant 0 : i32
    %dma_wait3A_202 = tpu.memref_slice %arg2[%dma_wait3A_200, %dma_wait3A_201] : memref<100000x64xi32, #tpu.memory_space<hbm>> -> memref<128x64xi32, #tpu.memory_space<hbm>>
    %dma_wait3A_203 = arith.constant 0 : i32
    %dma_wait3A_204 = arith.constant 0 : i32
    %dma_wait3A_205 = tpu.memref_slice %arg2[%dma_wait3A_203, %dma_wait3A_204] : memref<100000x64xi32, #tpu.memory_space<hbm>> -> memref<128x64xi32, #tpu.memory_space<hbm>>
    tpu.wait_dma2 semaphore(%arg16 : memref<!tpu.dma_semaphore, #tpu.memory_space<semaphore_mem>>) src(%dma_wait3A_205 : memref<128x64xi32, #tpu.memory_space<hbm>>) dst(%arg10 : memref<128x64xi32, #tpu.memory_space<vmem>>)
    %dma_wait3A_206 = arith.constant 0 : i32
    %dma_wait3A_207 = arith.constant 0 : i32
    %dma_wait3A_208 = tpu.memref_slice %arg2[%dma_wait3A_206, %dma_wait3A_207] : memref<100000x64xi32, #tpu.memory_space<hbm>> -> memref<128x64xi32, #tpu.memory_space<hbm>>
    %dma_wait3A_209 = arith.constant 0 : i32
    %dma_wait3A_210 = arith.constant 0 : i32
    %dma_wait3A_211 = tpu.memref_slice %arg2[%dma_wait3A_209, %dma_wait3A_210] : memref<100000x64xi32, #tpu.memory_space<hbm>> -> memref<128x64xi32, #tpu.memory_space<hbm>>
    tpu.wait_dma2 semaphore(%arg17 : memref<!tpu.dma_semaphore, #tpu.memory_space<semaphore_mem>>) src(%dma_wait3A_211 : memref<128x64xi32, #tpu.memory_space<hbm>>) dst(%arg11 : memref<128x64xi32, #tpu.memory_space<vmem>>)
    return
  }
}

#map = affine_map<(d0, d1) -> (0, 0)>
#map1 = affine_map<(d0, d1) -> (0)>
module attributes {stable_mosaic.version = 14 : i64} {
  func.func @scatter_k(%arg0: i32, %arg1: i32, %arg2: memref<552960x128xf32, #tpu.memory_space<hbm>>, %arg3: memref<552960xi32, #tpu.memory_space<hbm>>, %arg4: memref<128xf32, #tpu.memory_space<hbm>>, %arg5: memref<102400x128xf32, #tpu.memory_space<hbm>>, %arg6: memref<2160xi32, #tpu.memory_space<vmem>>, %arg7: memref<2160xi32, #tpu.memory_space<vmem>>, %arg8: memref<9392xi32, #tpu.memory_space<vmem>>, %arg9: memref<9392xi32, #tpu.memory_space<vmem>>, %arg10: memref<64xi32, #tpu.memory_space<vmem>>, %arg11: memref<64xi32, #tpu.memory_space<vmem>>, %arg12: memref<64xi32, #tpu.memory_space<vmem>>, %arg13: memref<64x128xf32, #tpu.memory_space<vmem>>, %arg14: memref<64x128xf32, #tpu.memory_space<vmem>>, %arg15: memref<64x128xf32, #tpu.memory_space<vmem>>, %arg16: memref<128xf32, #tpu.memory_space<vmem>>, %arg17: memref<10248x128xf32, #tpu.memory_space<vmem_shared>>, %arg18: memref<!tpu.dma_semaphore, #tpu.memory_space<semaphore_mem>>, %arg19: memref<!tpu.dma_semaphore, #tpu.memory_space<semaphore_mem>>, %arg20: memref<!tpu.dma_semaphore, #tpu.memory_space<semaphore_mem>>, %arg21: memref<!tpu.dma_semaphore, #tpu.memory_space<semaphore_mem>>, %arg22: memref<!tpu.dma_semaphore, #tpu.memory_space<semaphore_mem>>, %arg23: memref<!tpu.dma_semaphore, #tpu.memory_space<semaphore_mem>>, %arg24: memref<!tpu.dma_semaphore, #tpu.memory_space<semaphore_mem>>, %arg25: memref<!tpu.dma_semaphore, #tpu.memory_space<semaphore_mem>>) attributes {dimension_semantics = [#tpu.dimension_semantics<core_parallel>, #tpu.dimension_semantics<subcore_parallel>], iteration_bounds = array<i64: 2, 16>, scalar_prefetch = 0 : i64, scratch_operands = 20 : i64, tpu.core_type = #tpu.core_type<sc_vector_subcore>, window_params = [{transform_indices = #map}, {transform_indices = #map1}, {transform_indices = #map1}, {transform_indices = #map}]} {
    %mul3A = arith.constant 34560 : i32
    %mul3A_0 = arith.muli %arg1, %mul3A : i32
    %iota3A = tpu.iota {dimensions = array<i32: 0>} : vector<16xi32>
    %add3A = arith.constant 9376 : i32
    %add3A_1 = vector.broadcast %add3A : i32 to vector<16xi32>
    %add3A_2 = arith.addi %add3A_1, %iota3A : vector<16xi32>
    "tpu.region"() ({
      %run_scoped3A = tpu.sem_alloc : memref<!tpu.dma_semaphore, #tpu.memory_space<semaphore_mem>>
      tpu.enqueue_dma source(%arg4 : memref<128xf32, #tpu.memory_space<hbm>>) target(%arg16 : memref<128xf32, #tpu.memory_space<vmem>>) target_semaphore(%run_scoped3A : memref<!tpu.dma_semaphore, #tpu.memory_space<semaphore_mem>>)
      tpu.wait_dma2 semaphore(%run_scoped3A : memref<!tpu.dma_semaphore, #tpu.memory_space<semaphore_mem>>) src(%arg4 : memref<128xf32, #tpu.memory_space<hbm>>) dst(%arg16 : memref<128xf32, #tpu.memory_space<vmem>>)
      tpu.yield
    }) : () -> ()
    %scan3A = arith.constant 10240 : i32
    %scan3A_3 = arith.constant 0 : i32
    %scan3A_4 = arith.constant 5 : i32
    %scan3A_5 = arith.addi %scan3A_3, %scan3A_4 : i32
    %scan3A_6 = arith.constant 1 : i32
    scf.for %scan3A_8 = %scan3A_3 to %scan3A_5 step %scan3A_6  : i32 {
      %mul3A_9 = arith.constant 1 : i32
      %mul3A_10 = arith.muli %scan3A_8, %mul3A_9 : i32
      %add3A_11 = arith.constant 0 : i32
      %add3A_12 = arith.addi %add3A_11, %mul3A_10 : i32
      %mul3A_13 = arith.constant 2 : i32
      %mul3A_14 = arith.muli %add3A_12, %mul3A_13 : i32
      %add3A_15 = arith.addi %mul3A_14, %arg0 : i32
      %lt3A = arith.constant 10 : i32
      %lt3A_16 = arith.cmpi slt, %add3A_15, %lt3A : i32
      %convert_element_type3A = arith.extui %lt3A_16 : i1 to i32
      %cond3A = arith.constant 0 : i32
      %cond3A_17 = arith.cmpi ne, %convert_element_type3A, %cond3A : i32
      scf.if %cond3A_17 {
        %mul3A_18 = arith.constant 10240 : i32
        %mul3A_19 = arith.muli %add3A_15, %mul3A_18 : i32
        %scan3A_20 = arith.constant 0 : i32
        %scan3A_21 = arith.constant 64 : i32
        %scan3A_22 = arith.addi %scan3A_20, %scan3A_21 : i32
        %scan3A_23 = arith.constant 1 : i32
        scf.for %scan3A_202 = %scan3A_20 to %scan3A_22 step %scan3A_23  : i32 {
          %mul3A_203 = arith.constant 1 : i32
          %mul3A_204 = arith.muli %scan3A_202, %mul3A_203 : i32
          %add3A_205 = arith.constant 0 : i32
          %add3A_206 = arith.addi %add3A_205, %mul3A_204 : i32
          %get3A = arith.constant 0 : index
          %get3A_207 = tpu.vector_load %arg16[%get3A] {strides = array<i32>} : memref<128xf32, #tpu.memory_space<vmem>>, vector<16xf32>,
          %swap3A = arith.index_cast %add3A_206 : i32 to index
          %swap3A_208 = arith.constant 0 : index
          %swap3A_209 = tpu.vector_load %arg13[%swap3A, %swap3A_208] {strides = array<i32>} : memref<64x128xf32, #tpu.memory_space<vmem>>, vector<16xf32>,
          tpu.vector_store %arg13[%swap3A, %swap3A_208], %get3A_207 {strides = array<i32>} : memref<64x128xf32, #tpu.memory_space<vmem>>, vector<16xf32>,
          %get3A_210 = arith.constant 16 : index
          %get3A_211 = tpu.vector_load %arg16[%get3A_210] {strides = array<i32>} : memref<128xf32, #tpu.memory_space<vmem>>, vector<16xf32>,
          %swap3A_212 = arith.index_cast %add3A_206 : i32 to index
          %swap3A_213 = arith.constant 16 : index
          %swap3A_214 = tpu.vector_load %arg13[%swap3A_212, %swap3A_213] {strides = array<i32>} : memref<64x128xf32, #tpu.memory_space<vmem>>, vector<16xf32>,
          tpu.vector_store %arg13[%swap3A_212, %swap3A_213], %get3A_211 {strides = array<i32>} : memref<64x128xf32, #tpu.memory_space<vmem>>, vector<16xf32>,
          %get3A_215 = arith.constant 32 : index
          %get3A_216 = tpu.vector_load %arg16[%get3A_215] {strides = array<i32>} : memref<128xf32, #tpu.memory_space<vmem>>, vector<16xf32>,
          %swap3A_217 = arith.index_cast %add3A_206 : i32 to index
          %swap3A_218 = arith.constant 32 : index
          %swap3A_219 = tpu.vector_load %arg13[%swap3A_217, %swap3A_218] {strides = array<i32>} : memref<64x128xf32, #tpu.memory_space<vmem>>, vector<16xf32>,
          tpu.vector_store %arg13[%swap3A_217, %swap3A_218], %get3A_216 {strides = array<i32>} : memref<64x128xf32, #tpu.memory_space<vmem>>, vector<16xf32>,
          %get3A_220 = arith.constant 48 : index
          %get3A_221 = tpu.vector_load %arg16[%get3A_220] {strides = array<i32>} : memref<128xf32, #tpu.memory_space<vmem>>, vector<16xf32>,
          %swap3A_222 = arith.index_cast %add3A_206 : i32 to index
          %swap3A_223 = arith.constant 48 : index
          %swap3A_224 = tpu.vector_load %arg13[%swap3A_222, %swap3A_223] {strides = array<i32>} : memref<64x128xf32, #tpu.memory_space<vmem>>, vector<16xf32>,
          tpu.vector_store %arg13[%swap3A_222, %swap3A_223], %get3A_221 {strides = array<i32>} : memref<64x128xf32, #tpu.memory_space<vmem>>, vector<16xf32>,
          %get3A_225 = arith.constant 64 : index
          %get3A_226 = tpu.vector_load %arg16[%get3A_225] {strides = array<i32>} : memref<128xf32, #tpu.memory_space<vmem>>, vector<16xf32>,
          %swap3A_227 = arith.index_cast %add3A_206 : i32 to index
          %swap3A_228 = arith.constant 64 : index
          %swap3A_229 = tpu.vector_load %arg13[%swap3A_227, %swap3A_228] {strides = array<i32>} : memref<64x128xf32, #tpu.memory_space<vmem>>, vector<16xf32>,
          tpu.vector_store %arg13[%swap3A_227, %swap3A_228], %get3A_226 {strides = array<i32>} : memref<64x128xf32, #tpu.memory_space<vmem>>, vector<16xf32>,
          %get3A_230 = arith.constant 80 : index
          %get3A_231 = tpu.vector_load %arg16[%get3A_230] {strides = array<i32>} : memref<128xf32, #tpu.memory_space<vmem>>, vector<16xf32>,
          %swap3A_232 = arith.index_cast %add3A_206 : i32 to index
          %swap3A_233 = arith.constant 80 : index
          %swap3A_234 = tpu.vector_load %arg13[%swap3A_232, %swap3A_233] {strides = array<i32>} : memref<64x128xf32, #tpu.memory_space<vmem>>, vector<16xf32>,
          tpu.vector_store %arg13[%swap3A_232, %swap3A_233], %get3A_231 {strides = array<i32>} : memref<64x128xf32, #tpu.memory_space<vmem>>, vector<16xf32>,
          %get3A_235 = arith.constant 96 : index
          %get3A_236 = tpu.vector_load %arg16[%get3A_235] {strides = array<i32>} : memref<128xf32, #tpu.memory_space<vmem>>, vector<16xf32>,
          %swap3A_237 = arith.index_cast %add3A_206 : i32 to index
          %swap3A_238 = arith.constant 96 : index
          %swap3A_239 = tpu.vector_load %arg13[%swap3A_237, %swap3A_238] {strides = array<i32>} : memref<64x128xf32, #tpu.memory_space<vmem>>, vector<16xf32>,
          tpu.vector_store %arg13[%swap3A_237, %swap3A_238], %get3A_236 {strides = array<i32>} : memref<64x128xf32, #tpu.memory_space<vmem>>, vector<16xf32>,
          %get3A_240 = arith.constant 112 : index
          %get3A_241 = tpu.vector_load %arg16[%get3A_240] {strides = array<i32>} : memref<128xf32, #tpu.memory_space<vmem>>, vector<16xf32>,
          %swap3A_242 = arith.index_cast %add3A_206 : i32 to index
          %swap3A_243 = arith.constant 112 : index
          %swap3A_244 = tpu.vector_load %arg13[%swap3A_242, %swap3A_243] {strides = array<i32>} : memref<64x128xf32, #tpu.memory_space<vmem>>, vector<16xf32>,
          tpu.vector_store %arg13[%swap3A_242, %swap3A_243], %get3A_241 {strides = array<i32>} : memref<64x128xf32, #tpu.memory_space<vmem>>, vector<16xf32>,
        }
        %scan3A_24 = arith.constant 64 : i32
        %mul3A_25 = arith.constant 640 : i32
        %mul3A_26 = arith.muli %arg1, %mul3A_25 : i32
        %add3A_27 = arith.constant 0 : i32
        %add3A_28 = arith.addi %mul3A_26, %add3A_27 : i32
        "tpu.region"() ({
          %run_scoped3A = tpu.sem_alloc : memref<!tpu.dma_semaphore, #tpu.memory_space<semaphore_mem>>
          %dma_start3A_202 = arith.constant 0 : i32
          %dma_start3A_203 = tpu.memref_slice %arg17[%add3A_28, %dma_start3A_202] : memref<10248x128xf32, #tpu.memory_space<vmem_shared>> -> memref<64x128xf32, #tpu.memory_space<vmem_shared>>
          %dma_start3A_204 = arith.constant 0 : i32
          %dma_start3A_205 = tpu.memref_slice %arg17[%add3A_28, %dma_start3A_204] : memref<10248x128xf32, #tpu.memory_space<vmem_shared>> -> memref<64x128xf32, #tpu.memory_space<vmem_shared>>
          tpu.enqueue_dma source(%arg13 : memref<64x128xf32, #tpu.memory_space<vmem>>) target(%dma_start3A_205 : memref<64x128xf32, #tpu.memory_space<vmem_shared>>) target_semaphore(%run_scoped3A : memref<!tpu.dma_semaphore, #tpu.memory_space<semaphore_mem>>)
          %dma_wait3A = arith.constant 0 : i32
          %dma_wait3A_206 = tpu.memref_slice %arg17[%add3A_28, %dma_wait3A] : memref<10248x128xf32, #tpu.memory_space<vmem_shared>> -> memref<64x128xf32, #tpu.memory_space<vmem_shared>>
          %dma_wait3A_207 = arith.constant 0 : i32
          %dma_wait3A_208 = tpu.memref_slice %arg17[%add3A_28, %dma_wait3A_207] : memref<10248x128xf32, #tpu.memory_space<vmem_shared>> -> memref<64x128xf32, #tpu.memory_space<vmem_shared>>
          tpu.wait_dma2 semaphore(%run_scoped3A : memref<!tpu.dma_semaphore, #tpu.memory_space<semaphore_mem>>) src(%arg13 : memref<64x128xf32, #tpu.memory_space<vmem>>) dst(%dma_wait3A_208 : memref<64x128xf32, #tpu.memory_space<vmem_shared>>)
          tpu.yield
        }) : () -> ()
        %mul3A_29 = arith.constant 640 : i32
        %mul3A_30 = arith.muli %arg1, %mul3A_29 : i32
        %add3A_31 = arith.constant 64 : i32
        %add3A_32 = arith.addi %mul3A_30, %add3A_31 : i32
        "tpu.region"() ({
          %run_scoped3A = tpu.sem_alloc : memref<!tpu.dma_semaphore, #tpu.memory_space<semaphore_mem>>
          %dma_start3A_202 = arith.constant 0 : i32
          %dma_start3A_203 = tpu.memref_slice %arg17[%add3A_32, %dma_start3A_202] : memref<10248x128xf32, #tpu.memory_space<vmem_shared>> -> memref<64x128xf32, #tpu.memory_space<vmem_shared>>
          %dma_start3A_204 = arith.constant 0 : i32
          %dma_start3A_205 = tpu.memref_slice %arg17[%add3A_32, %dma_start3A_204] : memref<10248x128xf32, #tpu.memory_space<vmem_shared>> -> memref<64x128xf32, #tpu.memory_space<vmem_shared>>
          tpu.enqueue_dma source(%arg13 : memref<64x128xf32, #tpu.memory_space<vmem>>) target(%dma_start3A_205 : memref<64x128xf32, #tpu.memory_space<vmem_shared>>) target_semaphore(%run_scoped3A : memref<!tpu.dma_semaphore, #tpu.memory_space<semaphore_mem>>)
          %dma_wait3A = arith.constant 0 : i32
          %dma_wait3A_206 = tpu.memref_slice %arg17[%add3A_32, %dma_wait3A] : memref<10248x128xf32, #tpu.memory_space<vmem_shared>> -> memref<64x128xf32, #tpu.memory_space<vmem_shared>>
          %dma_wait3A_207 = arith.constant 0 : i32
          %dma_wait3A_208 = tpu.memref_slice %arg17[%add3A_32, %dma_wait3A_207] : memref<10248x128xf32, #tpu.memory_space<vmem_shared>> -> memref<64x128xf32, #tpu.memory_space<vmem_shared>>
          tpu.wait_dma2 semaphore(%run_scoped3A : memref<!tpu.dma_semaphore, #tpu.memory_space<semaphore_mem>>) src(%arg13 : memref<64x128xf32, #tpu.memory_space<vmem>>) dst(%dma_wait3A_208 : memref<64x128xf32, #tpu.memory_space<vmem_shared>>)
          tpu.yield
        }) : () -> ()
        %mul3A_33 = arith.constant 640 : i32
        %mul3A_34 = arith.muli %arg1, %mul3A_33 : i32
        %add3A_35 = arith.constant 128 : i32
        %add3A_36 = arith.addi %mul3A_34, %add3A_35 : i32
        "tpu.region"() ({
          %run_scoped3A = tpu.sem_alloc : memref<!tpu.dma_semaphore, #tpu.memory_space<semaphore_mem>>
          %dma_start3A_202 = arith.constant 0 : i32
          %dma_start3A_203 = tpu.memref_slice %arg17[%add3A_36, %dma_start3A_202] : memref<10248x128xf32, #tpu.memory_space<vmem_shared>> -> memref<64x128xf32, #tpu.memory_space<vmem_shared>>
          %dma_start3A_204 = arith.constant 0 : i32
          %dma_start3A_205 = tpu.memref_slice %arg17[%add3A_36, %dma_start3A_204] : memref<10248x128xf32, #tpu.memory_space<vmem_shared>> -> memref<64x128xf32, #tpu.memory_space<vmem_shared>>
          tpu.enqueue_dma source(%arg13 : memref<64x128xf32, #tpu.memory_space<vmem>>) target(%dma_start3A_205 : memref<64x128xf32, #tpu.memory_space<vmem_shared>>) target_semaphore(%run_scoped3A : memref<!tpu.dma_semaphore, #tpu.memory_space<semaphore_mem>>)
          %dma_wait3A = arith.constant 0 : i32
          %dma_wait3A_206 = tpu.memref_slice %arg17[%add3A_36, %dma_wait3A] : memref<10248x128xf32, #tpu.memory_space<vmem_shared>> -> memref<64x128xf32, #tpu.memory_space<vmem_shared>>
          %dma_wait3A_207 = arith.constant 0 : i32
          %dma_wait3A_208 = tpu.memref_slice %arg17[%add3A_36, %dma_wait3A_207] : memref<10248x128xf32, #tpu.memory_space<vmem_shared>> -> memref<64x128xf32, #tpu.memory_space<vmem_shared>>
          tpu.wait_dma2 semaphore(%run_scoped3A : memref<!tpu.dma_semaphore, #tpu.memory_space<semaphore_mem>>) src(%arg13 : memref<64x128xf32, #tpu.memory_space<vmem>>) dst(%dma_wait3A_208 : memref<64x128xf32, #tpu.memory_space<vmem_shared>>)
          tpu.yield
        }) : () -> ()
        %mul3A_37 = arith.constant 640 : i32
        %mul3A_38 = arith.muli %arg1, %mul3A_37 : i32
        %add3A_39 = arith.constant 192 : i32
        %add3A_40 = arith.addi %mul3A_38, %add3A_39 : i32
        "tpu.region"() ({
          %run_scoped3A = tpu.sem_alloc : memref<!tpu.dma_semaphore, #tpu.memory_space<semaphore_mem>>
          %dma_start3A_202 = arith.constant 0 : i32
          %dma_start3A_203 = tpu.memref_slice %arg17[%add3A_40, %dma_start3A_202] : memref<10248x128xf32, #tpu.memory_space<vmem_shared>> -> memref<64x128xf32, #tpu.memory_space<vmem_shared>>
          %dma_start3A_204 = arith.constant 0 : i32
          %dma_start3A_205 = tpu.memref_slice %arg17[%add3A_40, %dma_start3A_204] : memref<10248x128xf32, #tpu.memory_space<vmem_shared>> -> memref<64x128xf32, #tpu.memory_space<vmem_shared>>
          tpu.enqueue_dma source(%arg13 : memref<64x128xf32, #tpu.memory_space<vmem>>) target(%dma_start3A_205 : memref<64x128xf32, #tpu.memory_space<vmem_shared>>) target_semaphore(%run_scoped3A : memref<!tpu.dma_semaphore, #tpu.memory_space<semaphore_mem>>)
          %dma_wait3A = arith.constant 0 : i32
          %dma_wait3A_206 = tpu.memref_slice %arg17[%add3A_40, %dma_wait3A] : memref<10248x128xf32, #tpu.memory_space<vmem_shared>> -> memref<64x128xf32, #tpu.memory_space<vmem_shared>>
          %dma_wait3A_207 = arith.constant 0 : i32
          %dma_wait3A_208 = tpu.memref_slice %arg17[%add3A_40, %dma_wait3A_207] : memref<10248x128xf32, #tpu.memory_space<vmem_shared>> -> memref<64x128xf32, #tpu.memory_space<vmem_shared>>
          tpu.wait_dma2 semaphore(%run_scoped3A : memref<!tpu.dma_semaphore, #tpu.memory_space<semaphore_mem>>) src(%arg13 : memref<64x128xf32, #tpu.memory_space<vmem>>) dst(%dma_wait3A_208 : memref<64x128xf32, #tpu.memory_space<vmem_shared>>)
          tpu.yield
        }) : () -> ()
        %mul3A_41 = arith.constant 640 : i32
        %mul3A_42 = arith.muli %arg1, %mul3A_41 : i32
        %add3A_43 = arith.constant 256 : i32
        %add3A_44 = arith.addi %mul3A_42, %add3A_43 : i32
        "tpu.region"() ({
          %run_scoped3A = tpu.sem_alloc : memref<!tpu.dma_semaphore, #tpu.memory_space<semaphore_mem>>
          %dma_start3A_202 = arith.constant 0 : i32
          %dma_start3A_203 = tpu.memref_slice %arg17[%add3A_44, %dma_start3A_202] : memref<10248x128xf32, #tpu.memory_space<vmem_shared>> -> memref<64x128xf32, #tpu.memory_space<vmem_shared>>
          %dma_start3A_204 = arith.constant 0 : i32
          %dma_start3A_205 = tpu.memref_slice %arg17[%add3A_44, %dma_start3A_204] : memref<10248x128xf32, #tpu.memory_space<vmem_shared>> -> memref<64x128xf32, #tpu.memory_space<vmem_shared>>
          tpu.enqueue_dma source(%arg13 : memref<64x128xf32, #tpu.memory_space<vmem>>) target(%dma_start3A_205 : memref<64x128xf32, #tpu.memory_space<vmem_shared>>) target_semaphore(%run_scoped3A : memref<!tpu.dma_semaphore, #tpu.memory_space<semaphore_mem>>)
          %dma_wait3A = arith.constant 0 : i32
          %dma_wait3A_206 = tpu.memref_slice %arg17[%add3A_44, %dma_wait3A] : memref<10248x128xf32, #tpu.memory_space<vmem_shared>> -> memref<64x128xf32, #tpu.memory_space<vmem_shared>>
          %dma_wait3A_207 = arith.constant 0 : i32
          %dma_wait3A_208 = tpu.memref_slice %arg17[%add3A_44, %dma_wait3A_207] : memref<10248x128xf32, #tpu.memory_space<vmem_shared>> -> memref<64x128xf32, #tpu.memory_space<vmem_shared>>
          tpu.wait_dma2 semaphore(%run_scoped3A : memref<!tpu.dma_semaphore, #tpu.memory_space<semaphore_mem>>) src(%arg13 : memref<64x128xf32, #tpu.memory_space<vmem>>) dst(%dma_wait3A_208 : memref<64x128xf32, #tpu.memory_space<vmem_shared>>)
          tpu.yield
        }) : () -> ()
        %mul3A_45 = arith.constant 640 : i32
        %mul3A_46 = arith.muli %arg1, %mul3A_45 : i32
        %add3A_47 = arith.constant 320 : i32
        %add3A_48 = arith.addi %mul3A_46, %add3A_47 : i32
        "tpu.region"() ({
          %run_scoped3A = tpu.sem_alloc : memref<!tpu.dma_semaphore, #tpu.memory_space<semaphore_mem>>
          %dma_start3A_202 = arith.constant 0 : i32
          %dma_start3A_203 = tpu.memref_slice %arg17[%add3A_48, %dma_start3A_202] : memref<10248x128xf32, #tpu.memory_space<vmem_shared>> -> memref<64x128xf32, #tpu.memory_space<vmem_shared>>
          %dma_start3A_204 = arith.constant 0 : i32
          %dma_start3A_205 = tpu.memref_slice %arg17[%add3A_48, %dma_start3A_204] : memref<10248x128xf32, #tpu.memory_space<vmem_shared>> -> memref<64x128xf32, #tpu.memory_space<vmem_shared>>
          tpu.enqueue_dma source(%arg13 : memref<64x128xf32, #tpu.memory_space<vmem>>) target(%dma_start3A_205 : memref<64x128xf32, #tpu.memory_space<vmem_shared>>) target_semaphore(%run_scoped3A : memref<!tpu.dma_semaphore, #tpu.memory_space<semaphore_mem>>)
          %dma_wait3A = arith.constant 0 : i32
          %dma_wait3A_206 = tpu.memref_slice %arg17[%add3A_48, %dma_wait3A] : memref<10248x128xf32, #tpu.memory_space<vmem_shared>> -> memref<64x128xf32, #tpu.memory_space<vmem_shared>>
          %dma_wait3A_207 = arith.constant 0 : i32
          %dma_wait3A_208 = tpu.memref_slice %arg17[%add3A_48, %dma_wait3A_207] : memref<10248x128xf32, #tpu.memory_space<vmem_shared>> -> memref<64x128xf32, #tpu.memory_space<vmem_shared>>
          tpu.wait_dma2 semaphore(%run_scoped3A : memref<!tpu.dma_semaphore, #tpu.memory_space<semaphore_mem>>) src(%arg13 : memref<64x128xf32, #tpu.memory_space<vmem>>) dst(%dma_wait3A_208 : memref<64x128xf32, #tpu.memory_space<vmem_shared>>)
          tpu.yield
        }) : () -> ()
        %mul3A_49 = arith.constant 640 : i32
        %mul3A_50 = arith.muli %arg1, %mul3A_49 : i32
        %add3A_51 = arith.constant 384 : i32
        %add3A_52 = arith.addi %mul3A_50, %add3A_51 : i32
        "tpu.region"() ({
          %run_scoped3A = tpu.sem_alloc : memref<!tpu.dma_semaphore, #tpu.memory_space<semaphore_mem>>
          %dma_start3A_202 = arith.constant 0 : i32
          %dma_start3A_203 = tpu.memref_slice %arg17[%add3A_52, %dma_start3A_202] : memref<10248x128xf32, #tpu.memory_space<vmem_shared>> -> memref<64x128xf32, #tpu.memory_space<vmem_shared>>
          %dma_start3A_204 = arith.constant 0 : i32
          %dma_start3A_205 = tpu.memref_slice %arg17[%add3A_52, %dma_start3A_204] : memref<10248x128xf32, #tpu.memory_space<vmem_shared>> -> memref<64x128xf32, #tpu.memory_space<vmem_shared>>
          tpu.enqueue_dma source(%arg13 : memref<64x128xf32, #tpu.memory_space<vmem>>) target(%dma_start3A_205 : memref<64x128xf32, #tpu.memory_space<vmem_shared>>) target_semaphore(%run_scoped3A : memref<!tpu.dma_semaphore, #tpu.memory_space<semaphore_mem>>)
          %dma_wait3A = arith.constant 0 : i32
          %dma_wait3A_206 = tpu.memref_slice %arg17[%add3A_52, %dma_wait3A] : memref<10248x128xf32, #tpu.memory_space<vmem_shared>> -> memref<64x128xf32, #tpu.memory_space<vmem_shared>>
          %dma_wait3A_207 = arith.constant 0 : i32
          %dma_wait3A_208 = tpu.memref_slice %arg17[%add3A_52, %dma_wait3A_207] : memref<10248x128xf32, #tpu.memory_space<vmem_shared>> -> memref<64x128xf32, #tpu.memory_space<vmem_shared>>
          tpu.wait_dma2 semaphore(%run_scoped3A : memref<!tpu.dma_semaphore, #tpu.memory_space<semaphore_mem>>) src(%arg13 : memref<64x128xf32, #tpu.memory_space<vmem>>) dst(%dma_wait3A_208 : memref<64x128xf32, #tpu.memory_space<vmem_shared>>)
          tpu.yield
        }) : () -> ()
        %mul3A_53 = arith.constant 640 : i32
        %mul3A_54 = arith.muli %arg1, %mul3A_53 : i32
        %add3A_55 = arith.constant 448 : i32
        %add3A_56 = arith.addi %mul3A_54, %add3A_55 : i32
        "tpu.region"() ({
          %run_scoped3A = tpu.sem_alloc : memref<!tpu.dma_semaphore, #tpu.memory_space<semaphore_mem>>
          %dma_start3A_202 = arith.constant 0 : i32
          %dma_start3A_203 = tpu.memref_slice %arg17[%add3A_56, %dma_start3A_202] : memref<10248x128xf32, #tpu.memory_space<vmem_shared>> -> memref<64x128xf32, #tpu.memory_space<vmem_shared>>
          %dma_start3A_204 = arith.constant 0 : i32
          %dma_start3A_205 = tpu.memref_slice %arg17[%add3A_56, %dma_start3A_204] : memref<10248x128xf32, #tpu.memory_space<vmem_shared>> -> memref<64x128xf32, #tpu.memory_space<vmem_shared>>
          tpu.enqueue_dma source(%arg13 : memref<64x128xf32, #tpu.memory_space<vmem>>) target(%dma_start3A_205 : memref<64x128xf32, #tpu.memory_space<vmem_shared>>) target_semaphore(%run_scoped3A : memref<!tpu.dma_semaphore, #tpu.memory_space<semaphore_mem>>)
          %dma_wait3A = arith.constant 0 : i32
          %dma_wait3A_206 = tpu.memref_slice %arg17[%add3A_56, %dma_wait3A] : memref<10248x128xf32, #tpu.memory_space<vmem_shared>> -> memref<64x128xf32, #tpu.memory_space<vmem_shared>>
          %dma_wait3A_207 = arith.constant 0 : i32
          %dma_wait3A_208 = tpu.memref_slice %arg17[%add3A_56, %dma_wait3A_207] : memref<10248x128xf32, #tpu.memory_space<vmem_shared>> -> memref<64x128xf32, #tpu.memory_space<vmem_shared>>
          tpu.wait_dma2 semaphore(%run_scoped3A : memref<!tpu.dma_semaphore, #tpu.memory_space<semaphore_mem>>) src(%arg13 : memref<64x128xf32, #tpu.memory_space<vmem>>) dst(%dma_wait3A_208 : memref<64x128xf32, #tpu.memory_space<vmem_shared>>)
          tpu.yield
        }) : () -> ()
        %mul3A_57 = arith.constant 640 : i32
        %mul3A_58 = arith.muli %arg1, %mul3A_57 : i32
        %add3A_59 = arith.constant 512 : i32
        %add3A_60 = arith.addi %mul3A_58, %add3A_59 : i32
        "tpu.region"() ({
          %run_scoped3A = tpu.sem_alloc : memref<!tpu.dma_semaphore, #tpu.memory_space<semaphore_mem>>
          %dma_start3A_202 = arith.constant 0 : i32
          %dma_start3A_203 = tpu.memref_slice %arg17[%add3A_60, %dma_start3A_202] : memref<10248x128xf32, #tpu.memory_space<vmem_shared>> -> memref<64x128xf32, #tpu.memory_space<vmem_shared>>
          %dma_start3A_204 = arith.constant 0 : i32
          %dma_start3A_205 = tpu.memref_slice %arg17[%add3A_60, %dma_start3A_204] : memref<10248x128xf32, #tpu.memory_space<vmem_shared>> -> memref<64x128xf32, #tpu.memory_space<vmem_shared>>
          tpu.enqueue_dma source(%arg13 : memref<64x128xf32, #tpu.memory_space<vmem>>) target(%dma_start3A_205 : memref<64x128xf32, #tpu.memory_space<vmem_shared>>) target_semaphore(%run_scoped3A : memref<!tpu.dma_semaphore, #tpu.memory_space<semaphore_mem>>)
          %dma_wait3A = arith.constant 0 : i32
          %dma_wait3A_206 = tpu.memref_slice %arg17[%add3A_60, %dma_wait3A] : memref<10248x128xf32, #tpu.memory_space<vmem_shared>> -> memref<64x128xf32, #tpu.memory_space<vmem_shared>>
          %dma_wait3A_207 = arith.constant 0 : i32
          %dma_wait3A_208 = tpu.memref_slice %arg17[%add3A_60, %dma_wait3A_207] : memref<10248x128xf32, #tpu.memory_space<vmem_shared>> -> memref<64x128xf32, #tpu.memory_space<vmem_shared>>
          tpu.wait_dma2 semaphore(%run_scoped3A : memref<!tpu.dma_semaphore, #tpu.memory_space<semaphore_mem>>) src(%arg13 : memref<64x128xf32, #tpu.memory_space<vmem>>) dst(%dma_wait3A_208 : memref<64x128xf32, #tpu.memory_space<vmem_shared>>)
          tpu.yield
        }) : () -> ()
        %mul3A_61 = arith.constant 640 : i32
        %mul3A_62 = arith.muli %arg1, %mul3A_61 : i32
        %add3A_63 = arith.constant 576 : i32
        %add3A_64 = arith.addi %mul3A_62, %add3A_63 : i32
        "tpu.region"() ({
          %run_scoped3A = tpu.sem_alloc : memref<!tpu.dma_semaphore, #tpu.memory_space<semaphore_mem>>
          %dma_start3A_202 = arith.constant 0 : i32
          %dma_start3A_203 = tpu.memref_slice %arg17[%add3A_64, %dma_start3A_202] : memref<10248x128xf32, #tpu.memory_space<vmem_shared>> -> memref<64x128xf32, #tpu.memory_space<vmem_shared>>
          %dma_start3A_204 = arith.constant 0 : i32
          %dma_start3A_205 = tpu.memref_slice %arg17[%add3A_64, %dma_start3A_204] : memref<10248x128xf32, #tpu.memory_space<vmem_shared>> -> memref<64x128xf32, #tpu.memory_space<vmem_shared>>
          tpu.enqueue_dma source(%arg13 : memref<64x128xf32, #tpu.memory_space<vmem>>) target(%dma_start3A_205 : memref<64x128xf32, #tpu.memory_space<vmem_shared>>) target_semaphore(%run_scoped3A : memref<!tpu.dma_semaphore, #tpu.memory_space<semaphore_mem>>)
          %dma_wait3A = arith.constant 0 : i32
          %dma_wait3A_206 = tpu.memref_slice %arg17[%add3A_64, %dma_wait3A] : memref<10248x128xf32, #tpu.memory_space<vmem_shared>> -> memref<64x128xf32, #tpu.memory_space<vmem_shared>>
          %dma_wait3A_207 = arith.constant 0 : i32
          %dma_wait3A_208 = tpu.memref_slice %arg17[%add3A_64, %dma_wait3A_207] : memref<10248x128xf32, #tpu.memory_space<vmem_shared>> -> memref<64x128xf32, #tpu.memory_space<vmem_shared>>
          tpu.wait_dma2 semaphore(%run_scoped3A : memref<!tpu.dma_semaphore, #tpu.memory_space<semaphore_mem>>) src(%arg13 : memref<64x128xf32, #tpu.memory_space<vmem>>) dst(%dma_wait3A_208 : memref<64x128xf32, #tpu.memory_space<vmem_shared>>)
          tpu.yield
        }) : () -> ()
        %barrier3A = arith.constant 0 : index
        tpu.barrier barrier_id(%barrier3A)
        %add3A_65 = arith.constant 0 : i32
        %add3A_66 = arith.addi %mul3A_0, %add3A_65 : i32
        %dma_start3A = tpu.memref_slice %arg3[%add3A_66] : memref<552960xi32, #tpu.memory_space<hbm>> -> memref<2160xi32, #tpu.memory_space<hbm>>
        %dma_start3A_67 = tpu.memref_slice %arg3[%add3A_66] : memref<552960xi32, #tpu.memory_space<hbm>> -> memref<2160xi32, #tpu.memory_space<hbm>>
        tpu.enqueue_dma source(%dma_start3A_67 : memref<2160xi32, #tpu.memory_space<hbm>>) target(%arg6 : memref<2160xi32, #tpu.memory_space<vmem>>) target_semaphore(%arg18 : memref<!tpu.dma_semaphore, #tpu.memory_space<semaphore_mem>>)
        %broadcast_in_dim3A = arith.constant 0 : i32
        %broadcast_in_dim3A_68 = vector.broadcast %broadcast_in_dim3A : i32 to vector<16xi32>
        %scan3A_69 = arith.constant 0 : i32
        %scan3A_70 = arith.constant 8 : i32
        %scan3A_71 = arith.addi %scan3A_69, %scan3A_70 : i32
        %scan3A_72 = arith.constant 1 : i32
        %scan3A_73 = scf.for %scan3A_202 = %scan3A_69 to %scan3A_71 step %scan3A_72 iter_args(%scan3A_203 = %broadcast_in_dim3A_68) -> (vector<16xi32>)  : i32 {
          %mul3A_204 = arith.constant 1 : i32
          %mul3A_205 = arith.muli %scan3A_202, %mul3A_204 : i32
          %add3A_206 = arith.constant 0 : i32
          %add3A_207 = arith.addi %add3A_206, %mul3A_205 : i32
          %mul3A_208 = arith.constant 2 : i32
          %mul3A_209 = arith.muli %mul3A_208, %add3A_207 : i32
          %add3A_210 = arith.constant 0 : i32
          %add3A_211 = arith.addi %mul3A_209, %add3A_210 : i32
          %add3A_212 = arith.constant 1 : i32
          %add3A_213 = arith.addi %add3A_211, %add3A_212 : i32
          %lt3A_214 = arith.constant 16 : i32
          %lt3A_215 = arith.cmpi slt, %add3A_213, %lt3A_214 : i32
          %convert_element_type3A_216 = arith.extui %lt3A_215 : i1 to i32
          %cond3A_217 = arith.constant 0 : i32
          %cond3A_218 = arith.cmpi ne, %convert_element_type3A_216, %cond3A_217 : i32
          scf.if %cond3A_218 {
            %add3A_286 = arith.constant 1 : i32
            %add3A_287 = arith.addi %add3A_211, %add3A_286 : i32
            %mul3A_288 = arith.constant 2160 : i32
            %mul3A_289 = arith.muli %add3A_287, %mul3A_288 : i32
            %add3A_290 = arith.addi %mul3A_0, %mul3A_289 : i32
            %dma_start3A_291 = tpu.memref_slice %arg3[%add3A_290] : memref<552960xi32, #tpu.memory_space<hbm>> -> memref<2160xi32, #tpu.memory_space<hbm>>
            %dma_start3A_292 = tpu.memref_slice %arg3[%add3A_290] : memref<552960xi32, #tpu.memory_space<hbm>> -> memref<2160xi32, #tpu.memory_space<hbm>>
            tpu.enqueue_dma source(%dma_start3A_292 : memref<2160xi32, #tpu.memory_space<hbm>>) target(%arg7 : memref<2160xi32, #tpu.memory_space<vmem>>) target_semaphore(%arg19 : memref<!tpu.dma_semaphore, #tpu.memory_space<semaphore_mem>>)
          } else {
          }
          %dma_wait3A = arith.constant 0 : i32
          %dma_wait3A_219 = tpu.memref_slice %arg3[%dma_wait3A] : memref<552960xi32, #tpu.memory_space<hbm>> -> memref<2160xi32, #tpu.memory_space<hbm>>
          %dma_wait3A_220 = arith.constant 0 : i32
          %dma_wait3A_221 = tpu.memref_slice %arg3[%dma_wait3A_220] : memref<552960xi32, #tpu.memory_space<hbm>> -> memref<2160xi32, #tpu.memory_space<hbm>>
          tpu.wait_dma2 semaphore(%arg18 : memref<!tpu.dma_semaphore, #tpu.memory_space<semaphore_mem>>) src(%dma_wait3A_221 : memref<2160xi32, #tpu.memory_space<hbm>>) dst(%arg6 : memref<2160xi32, #tpu.memory_space<vmem>>)
          %scan3A_222 = arith.constant 0 : i32
          %scan3A_223 = arith.constant 135 : i32
          %scan3A_224 = arith.addi %scan3A_222, %scan3A_223 : i32
          %scan3A_225 = arith.constant 1 : i32
          %scan3A_226 = scf.for %scan3A_286 = %scan3A_222 to %scan3A_224 step %scan3A_225 iter_args(%scan3A_287 = %scan3A_203) -> (vector<16xi32>)  : i32 {
            %mul3A_288 = arith.constant 1 : i32
            %mul3A_289 = arith.muli %scan3A_286, %mul3A_288 : i32
            %add3A_290 = arith.constant 0 : i32
            %add3A_291 = arith.addi %add3A_290, %mul3A_289 : i32
            %mul3A_292 = arith.constant 16 : i32
            %mul3A_293 = arith.muli %add3A_291, %mul3A_292 : i32
            %get3A = arith.index_cast %mul3A_293 : i32 to index
            %get3A_294 = tpu.vector_load %arg6[%get3A] {strides = array<i32>} : memref<2160xi32, #tpu.memory_space<vmem>>, vector<16xi32>,
            %sub3A_295 = vector.broadcast %mul3A_19 : i32 to vector<16xi32>
            %sub3A_296 = arith.subi %get3A_294, %sub3A_295 : vector<16xi32>
            %ge3A_297 = arith.constant 0 : i32
            %ge3A_298 = vector.broadcast %ge3A_297 : i32 to vector<16xi32>
            %ge3A_299 = arith.cmpi sge, %sub3A_296, %ge3A_298 : vector<16xi32>
            %lt3A_300 = arith.constant 10240 : i32
            %lt3A_301 = vector.broadcast %lt3A_300 : i32 to vector<16xi32>
            %lt3A_302 = arith.cmpi slt, %sub3A_296, %lt3A_301 : vector<16xi32>
            %and3A_303 = arith.andi %ge3A_299, %lt3A_302 : vector<16xi1>
            %mul3A_304 = arith.constant 2160 : i32
            %mul3A_305 = arith.muli %add3A_211, %mul3A_304 : i32
            %add3A_306 = arith.addi %mul3A_0, %mul3A_305 : i32
            %mul3A_307 = arith.constant 16 : i32
            %mul3A_308 = arith.muli %add3A_291, %mul3A_307 : i32
            %add3A_309 = arith.addi %add3A_306, %mul3A_308 : i32
            %add3A_310 = vector.broadcast %add3A_309 : i32 to vector<16xi32>
            %add3A_311 = arith.addi %add3A_310, %iota3A : vector<16xi32>
            %convert_element_type3A_312 = arith.extui %and3A_303 : vector<16xi1> to vector<16xi32>
            %broadcast_in_dim3A_313 = arith.constant true
            %broadcast_in_dim3A_314 = vector.broadcast %broadcast_in_dim3A_313 : i1 to vector<16xi1>
            %masked_cumsum3A = tpu.scan <sum>, %convert_element_type3A_312 masked %broadcast_in_dim3A_314 : vector<16xi32>, vector<16xi1> -> vector<16xi32>
            %add3A_315 = arith.addi %scan3A_287, %masked_cumsum3A : vector<16xi32>
            %sub3A_316 = arith.constant 1 : i32
            %sub3A_317 = vector.broadcast %sub3A_316 : i32 to vector<16xi32>
            %sub3A_318 = arith.subi %add3A_315, %sub3A_317 : vector<16xi32>
            %select_n3A_319 = arith.select %and3A_303, %sub3A_318, %add3A_2 : vector<16xi1>, vector<16xi32>
            tpu.vector_store_idx %arg8[%select_n3A_319], %add3A_311 : memref<9392xi32, #tpu.memory_space<vmem>>[vector<16xi32>], vector<16xi32>,
            %broadcast_in_dim3A_320 = vector.broadcast %scan3A : i32 to vector<16xi32>
            %select_n3A_321 = arith.select %and3A_303, %sub3A_296, %broadcast_in_dim3A_320 : vector<16xi1>, vector<16xi32>
            tpu.vector_store_idx %arg9[%select_n3A_319], %select_n3A_321 : memref<9392xi32, #tpu.memory_space<vmem>>[vector<16xi32>], vector<16xi32>,
            %all_reduce_population_count3A = tpu.all_reduce %and3A_303 {dim = 0 : i64, kind = #tpu.reduction_kind<sum>} : vector<16xi1> -> vector<16xi32>
            %add3A_322 = arith.addi %scan3A_287, %all_reduce_population_count3A : vector<16xi32>
            scf.yield %add3A_322 : vector<16xi32>
          }
          %scan3A_227 = arith.constant 135 : i32
          %reduce_max3A_228 = arith.constant true
          %reduce_max3A_229 = vector.broadcast %reduce_max3A_228 : i1 to vector<16xi1>
          %reduce_max3A_230 = arith.constant -2147483648 : i32
          %reduce_max3A_231 = vector.broadcast %reduce_max3A_230 : i32 to vector<16xi32>
          %reduce_max3A_232 = arith.xori %scan3A_226, %reduce_max3A_231 : vector<16xi32>
          %reduce_max3A_233 = tpu.scan <max>, %reduce_max3A_232 masked %reduce_max3A_229 : vector<16xi32>, vector<16xi1> -> vector<16xi32>
          %reduce_max3A_234 = arith.xori %reduce_max3A_233, %reduce_max3A_231 : vector<16xi32>
          %reduce_max3A_235 = vector.extract %reduce_max3A_234[15] : i32 from vector<16xi32>
          %ge3A = arith.constant 7168 : i32
          %ge3A_236 = arith.cmpi sge, %reduce_max3A_235, %ge3A : i32
          %convert_element_type3A_237 = arith.extui %ge3A_236 : i1 to i32
          %cond3A_238 = arith.constant 0 : i32
          %cond3A_239 = arith.cmpi ne, %convert_element_type3A_237, %cond3A_238 : i32
          scf.if %cond3A_239 {
            %add3A_286 = arith.constant 0 : i32
            %add3A_287 = arith.addi %reduce_max3A_235, %add3A_286 : i32
            %add3A_288 = vector.broadcast %add3A_287 : i32 to vector<16xi32>
            %add3A_289 = arith.addi %add3A_288, %iota3A : vector<16xi32>
            %broadcast_in_dim3A_290 = arith.constant 0 : i32
            %broadcast_in_dim3A_291 = vector.broadcast %broadcast_in_dim3A_290 : i32 to vector<16xi32>
            tpu.vector_store_idx %arg8[%add3A_289], %broadcast_in_dim3A_291 : memref<9392xi32, #tpu.memory_space<vmem>>[vector<16xi32>], vector<16xi32>,
            %broadcast_in_dim3A_292 = vector.broadcast %scan3A : i32 to vector<16xi32>
            tpu.vector_store_idx %arg9[%add3A_289], %broadcast_in_dim3A_292 : memref<9392xi32, #tpu.memory_space<vmem>>[vector<16xi32>], vector<16xi32>,
            %add3A_293 = arith.constant 16 : i32
            %add3A_294 = arith.addi %reduce_max3A_235, %add3A_293 : i32
            %add3A_295 = vector.broadcast %add3A_294 : i32 to vector<16xi32>
            %add3A_296 = arith.addi %add3A_295, %iota3A : vector<16xi32>
            %broadcast_in_dim3A_297 = arith.constant 0 : i32
            %broadcast_in_dim3A_298 = vector.broadcast %broadcast_in_dim3A_297 : i32 to vector<16xi32>
            tpu.vector_store_idx %arg8[%add3A_296], %broadcast_in_dim3A_298 : memref<9392xi32, #tpu.memory_space<vmem>>[vector<16xi32>], vector<16xi32>,
            %broadcast_in_dim3A_299 = vector.broadcast %scan3A : i32 to vector<16xi32>
            tpu.vector_store_idx %arg9[%add3A_296], %broadcast_in_dim3A_299 : memref<9392xi32, #tpu.memory_space<vmem>>[vector<16xi32>], vector<16xi32>,
            %add3A_300 = arith.constant 32 : i32
            %add3A_301 = arith.addi %reduce_max3A_235, %add3A_300 : i32
            %add3A_302 = vector.broadcast %add3A_301 : i32 to vector<16xi32>
            %add3A_303 = arith.addi %add3A_302, %iota3A : vector<16xi32>
            %broadcast_in_dim3A_304 = arith.constant 0 : i32
            %broadcast_in_dim3A_305 = vector.broadcast %broadcast_in_dim3A_304 : i32 to vector<16xi32>
            tpu.vector_store_idx %arg8[%add3A_303], %broadcast_in_dim3A_305 : memref<9392xi32, #tpu.memory_space<vmem>>[vector<16xi32>], vector<16xi32>,
            %broadcast_in_dim3A_306 = vector.broadcast %scan3A : i32 to vector<16xi32>
            tpu.vector_store_idx %arg9[%add3A_303], %broadcast_in_dim3A_306 : memref<9392xi32, #tpu.memory_space<vmem>>[vector<16xi32>], vector<16xi32>,
            %add3A_307 = arith.constant 48 : i32
            %add3A_308 = arith.addi %reduce_max3A_235, %add3A_307 : i32
            %add3A_309 = vector.broadcast %add3A_308 : i32 to vector<16xi32>
            %add3A_310 = arith.addi %add3A_309, %iota3A : vector<16xi32>
            %broadcast_in_dim3A_311 = arith.constant 0 : i32
            %broadcast_in_dim3A_312 = vector.broadcast %broadcast_in_dim3A_311 : i32 to vector<16xi32>
            tpu.vector_store_idx %arg8[%add3A_310], %broadcast_in_dim3A_312 : memref<9392xi32, #tpu.memory_space<vmem>>[vector<16xi32>], vector<16xi32>,
            %broadcast_in_dim3A_313 = vector.broadcast %scan3A : i32 to vector<16xi32>
            tpu.vector_store_idx %arg9[%add3A_310], %broadcast_in_dim3A_313 : memref<9392xi32, #tpu.memory_space<vmem>>[vector<16xi32>], vector<16xi32>,
            %add3A_314 = arith.constant 64 : i32
            %add3A_315 = arith.addi %reduce_max3A_235, %add3A_314 : i32
            %sub3A_316 = arith.constant 1 : i32
            %sub3A_317 = arith.subi %add3A_315, %sub3A_316 : i32
            %jit3A_318 = arith.constant 64 : i32
            %div3A_319 = arith.divsi %sub3A_317, %jit3A_318 : i32
            %sign3A_320 = arith.constant 0 : i32
            %sign3A_321 = arith.cmpi sgt, %sub3A_317, %sign3A_320 : i32
            %sign3A_322 = arith.extui %sign3A_321 : i1 to i32
            %sign3A_323 = arith.constant 0 : i32
            %sign3A_324 = arith.cmpi slt, %sub3A_317, %sign3A_323 : i32
            %sign3A_325 = arith.extui %sign3A_324 : i1 to i32
            %sign3A_326 = arith.subi %sign3A_322, %sign3A_325 : i32
            %sign3A_327 = arith.constant 0 : i32
            %sign3A_328 = arith.cmpi sgt, %jit3A_318, %sign3A_327 : i32
            %sign3A_329 = arith.extui %sign3A_328 : i1 to i32
            %sign3A_330 = arith.constant 0 : i32
            %sign3A_331 = arith.cmpi slt, %jit3A_318, %sign3A_330 : i32
            %sign3A_332 = arith.extui %sign3A_331 : i1 to i32
            %sign3A_333 = arith.subi %sign3A_329, %sign3A_332 : i32
            %ne3A_334 = arith.cmpi ne, %sign3A_326, %sign3A_333 : i32
            %rem3A_335 = arith.remsi %sub3A_317, %jit3A_318 : i32
            %ne3A_336 = arith.constant 0 : i32
            %ne3A_337 = arith.cmpi ne, %rem3A_335, %ne3A_336 : i32
            %and3A_338 = arith.andi %ne3A_334, %ne3A_337 : i1
            %sub3A_339 = arith.constant 1 : i32
            %sub3A_340 = arith.subi %div3A_319, %sub3A_339 : i32
            %select_n3A_341 = arith.select %and3A_338, %sub3A_340, %div3A_319 : i32
            %gt3A_342 = arith.constant 0 : i32
            %gt3A_343 = arith.cmpi sgt, %select_n3A_341, %gt3A_342 : i32
            %convert_element_type3A_344 = arith.extui %gt3A_343 : i1 to i32
            %cond3A_345 = arith.constant 0 : i32
            %cond3A_346 = arith.cmpi ne, %convert_element_type3A_344, %cond3A_345 : i32
            scf.if %cond3A_346 {
              %dma_start3A_412 = arith.constant 0 : i32
              %dma_start3A_413 = tpu.memref_slice %arg8[%dma_start3A_412] : memref<9392xi32, #tpu.memory_space<vmem>> -> memref<64xi32, #tpu.memory_space<vmem>>
              %dma_start3A_414 = arith.constant 0 : i32
              %dma_start3A_415 = arith.constant 0 : i32
              %dma_start3A_416 = tpu.memref_slice %arg2[%dma_start3A_414, %dma_start3A_415] : memref<552960x128xf32, #tpu.memory_space<hbm>> -> memref<552960x128xf32, #tpu.memory_space<hbm>>
              tpu.enqueue_indirect_dma source(%dma_start3A_416 : memref<552960x128xf32, #tpu.memory_space<hbm>>) target(%arg13 : memref<64x128xf32, #tpu.memory_space<vmem>>) offsets(%dma_start3A_413 : memref<64xi32, #tpu.memory_space<vmem>>) semaphore(%arg20 : memref<!tpu.dma_semaphore, #tpu.memory_space<semaphore_mem>>)
            } else {
            }
            %gt3A_347 = arith.constant 1 : i32
            %gt3A_348 = arith.cmpi sgt, %select_n3A_341, %gt3A_347 : i32
            %convert_element_type3A_349 = arith.extui %gt3A_348 : i1 to i32
            %cond3A_350 = arith.constant 0 : i32
            %cond3A_351 = arith.cmpi ne, %convert_element_type3A_349, %cond3A_350 : i32
            scf.if %cond3A_351 {
              %dma_start3A_412 = arith.constant 64 : i32
              %dma_start3A_413 = tpu.memref_slice %arg8[%dma_start3A_412] : memref<9392xi32, #tpu.memory_space<vmem>> -> memref<64xi32, #tpu.memory_space<vmem>>
              %dma_start3A_414 = arith.constant 0 : i32
              %dma_start3A_415 = arith.constant 0 : i32
              %dma_start3A_416 = tpu.memref_slice %arg2[%dma_start3A_414, %dma_start3A_415] : memref<552960x128xf32, #tpu.memory_space<hbm>> -> memref<552960x128xf32, #tpu.memory_space<hbm>>
              tpu.enqueue_indirect_dma source(%dma_start3A_416 : memref<552960x128xf32, #tpu.memory_space<hbm>>) target(%arg14 : memref<64x128xf32, #tpu.memory_space<vmem>>) offsets(%dma_start3A_413 : memref<64xi32, #tpu.memory_space<vmem>>) semaphore(%arg21 : memref<!tpu.dma_semaphore, #tpu.memory_space<semaphore_mem>>)
            } else {
            }
            %add3A_352 = arith.constant 2 : i32
            %add3A_353 = arith.addi %select_n3A_341, %add3A_352 : i32
            %jit3A_354 = arith.constant 3 : i32
            %div3A_355 = arith.divsi %add3A_353, %jit3A_354 : i32
            %sign3A_356 = arith.constant 0 : i32
            %sign3A_357 = arith.cmpi sgt, %add3A_353, %sign3A_356 : i32
            %sign3A_358 = arith.extui %sign3A_357 : i1 to i32
            %sign3A_359 = arith.constant 0 : i32
            %sign3A_360 = arith.cmpi slt, %add3A_353, %sign3A_359 : i32
            %sign3A_361 = arith.extui %sign3A_360 : i1 to i32
            %sign3A_362 = arith.subi %sign3A_358, %sign3A_361 : i32
            %sign3A_363 = arith.constant 0 : i32
            %sign3A_364 = arith.cmpi sgt, %jit3A_354, %sign3A_363 : i32
            %sign3A_365 = arith.extui %sign3A_364 : i1 to i32
            %sign3A_366 = arith.constant 0 : i32
            %sign3A_367 = arith.cmpi slt, %jit3A_354, %sign3A_366 : i32
            %sign3A_368 = arith.extui %sign3A_367 : i1 to i32
            %sign3A_369 = arith.subi %sign3A_365, %sign3A_368 : i32
            %ne3A_370 = arith.cmpi ne, %sign3A_362, %sign3A_369 : i32
            %rem3A_371 = arith.remsi %add3A_353, %jit3A_354 : i32
            %ne3A_372 = arith.constant 0 : i32
            %ne3A_373 = arith.cmpi ne, %rem3A_371, %ne3A_372 : i32
            %and3A_374 = arith.andi %ne3A_370, %ne3A_373 : i1
            %sub3A_375 = arith.constant 1 : i32
            %sub3A_376 = arith.subi %div3A_355, %sub3A_375 : i32
            %select_n3A_377 = arith.select %and3A_374, %sub3A_376, %div3A_355 : i32
            %sub3A_378 = arith.constant 0 : i32
            %sub3A_379 = arith.subi %select_n3A_377, %sub3A_378 : i32
            %sub3A_380 = arith.constant 1 : i32
            %sub3A_381 = arith.constant 1 : i32
            %sub3A_382 = arith.subi %sub3A_380, %sub3A_381 : i32
            %add3A_383 = arith.addi %sub3A_379, %sub3A_382 : i32
            %div3A_384 = arith.constant 1 : i32
            %div3A_385 = arith.divsi %add3A_383, %div3A_384 : i32
            %while3A_386 = arith.constant 1 : i32
            %while3A_387 = arith.constant 0 : i32
            %while3A_388 = arith.constant 0 : i32
            %while3A_389 = arith.subi %div3A_385, %while3A_388 : i32
            %while3A_390 = arith.addi %while3A_388, %while3A_389 : i32
            %while3A_391 = arith.constant 1 : i32
            %while3A_392 = arith.divsi %while3A_389, %while3A_391 : i32
            %while3A_393 = arith.muli %while3A_392, %while3A_391 : i32
            %while3A_394 = arith.addi %while3A_388, %while3A_393 : i32
            %while3A_395 = arith.constant 1 : i32
            scf.for %while3A_412 = %while3A_388 to %while3A_394 step %while3A_395  : i32 {
              %mul3A_413 = arith.muli %while3A_412, %while3A_386 : i32
              %add3A_414 = arith.addi %while3A_387, %mul3A_413 : i32
              %mul3A_415 = arith.constant 3 : i32
              %mul3A_416 = arith.muli %mul3A_415, %add3A_414 : i32
              %add3A_417 = arith.constant 0 : i32
              %add3A_418 = arith.addi %mul3A_416, %add3A_417 : i32
              %lt3A_419 = arith.cmpi slt, %add3A_418, %select_n3A_341 : i32
              %convert_element_type3A_420 = arith.extui %lt3A_419 : i1 to i32
              %cond3A_421 = arith.constant 0 : i32
              %cond3A_422 = arith.cmpi ne, %convert_element_type3A_420, %cond3A_421 : i32
              scf.if %cond3A_422 {
                %dma_wait3A_439 = arith.constant 0 : i32
                %dma_wait3A_440 = arith.constant 0 : i32
                %dma_wait3A_441 = tpu.memref_slice %arg2[%dma_wait3A_439, %dma_wait3A_440] : memref<552960x128xf32, #tpu.memory_space<hbm>> -> memref<64x128xf32, #tpu.memory_space<hbm>>
                %dma_wait3A_442 = arith.constant 0 : i32
                %dma_wait3A_443 = arith.constant 0 : i32
                %dma_wait3A_444 = tpu.memref_slice %arg2[%dma_wait3A_442, %dma_wait3A_443] : memref<552960x128xf32, #tpu.memory_space<hbm>> -> memref<64x128xf32, #tpu.memory_space<hbm>>
                tpu.wait_dma2 semaphore(%arg20 : memref<!tpu.dma_semaphore, #tpu.memory_space<semaphore_mem>>) src(%dma_wait3A_444 : memref<64x128xf32, #tpu.memory_space<hbm>>) dst(%arg13 : memref<64x128xf32, #tpu.memory_space<vmem>>)
                %mul3A_445 = arith.constant 64 : i32
                %mul3A_446 = arith.muli %add3A_418, %mul3A_445 : i32
                %add3A_447 = arith.constant 0 : i32
                %add3A_448 = arith.addi %mul3A_446, %add3A_447 : i32
                %get3A = arith.index_cast %add3A_448 : i32 to index
                %get3A_449 = tpu.vector_load %arg9[%get3A] {strides = array<i32>} : memref<9392xi32, #tpu.memory_space<vmem>>, vector<16xi32>,
                %swap3A = arith.constant 0 : index
                %swap3A_450 = tpu.vector_load %arg10[%swap3A] {strides = array<i32>} : memref<64xi32, #tpu.memory_space<vmem>>, vector<16xi32>,
                tpu.vector_store %arg10[%swap3A], %get3A_449 {strides = array<i32>} : memref<64xi32, #tpu.memory_space<vmem>>, vector<16xi32>,
                %mul3A_451 = arith.constant 64 : i32
                %mul3A_452 = arith.muli %add3A_418, %mul3A_451 : i32
                %add3A_453 = arith.constant 16 : i32
                %add3A_454 = arith.addi %mul3A_452, %add3A_453 : i32
                %get3A_455 = arith.index_cast %add3A_454 : i32 to index
                %get3A_456 = tpu.vector_load %arg9[%get3A_455] {strides = array<i32>} : memref<9392xi32, #tpu.memory_space<vmem>>, vector<16xi32>,
                %swap3A_457 = arith.constant 16 : index
                %swap3A_458 = tpu.vector_load %arg10[%swap3A_457] {strides = array<i32>} : memref<64xi32, #tpu.memory_space<vmem>>, vector<16xi32>,
                tpu.vector_store %arg10[%swap3A_457], %get3A_456 {strides = array<i32>} : memref<64xi32, #tpu.memory_space<vmem>>, vector<16xi32>,
                %mul3A_459 = arith.constant 64 : i32
                %mul3A_460 = arith.muli %add3A_418, %mul3A_459 : i32
                %add3A_461 = arith.constant 32 : i32
                %add3A_462 = arith.addi %mul3A_460, %add3A_461 : i32
                %get3A_463 = arith.index_cast %add3A_462 : i32 to index
                %get3A_464 = tpu.vector_load %arg9[%get3A_463] {strides = array<i32>} : memref<9392xi32, #tpu.memory_space<vmem>>, vector<16xi32>,
                %swap3A_465 = arith.constant 32 : index
                %swap3A_466 = tpu.vector_load %arg10[%swap3A_465] {strides = array<i32>} : memref<64xi32, #tpu.memory_space<vmem>>, vector<16xi32>,
                tpu.vector_store %arg10[%swap3A_465], %get3A_464 {strides = array<i32>} : memref<64xi32, #tpu.memory_space<vmem>>, vector<16xi32>,
                %mul3A_467 = arith.constant 64 : i32
                %mul3A_468 = arith.muli %add3A_418, %mul3A_467 : i32
                %add3A_469 = arith.constant 48 : i32
                %add3A_470 = arith.addi %mul3A_468, %add3A_469 : i32
                %get3A_471 = arith.index_cast %add3A_470 : i32 to index
                %get3A_472 = tpu.vector_load %arg9[%get3A_471] {strides = array<i32>} : memref<9392xi32, #tpu.memory_space<vmem>>, vector<16xi32>,
                %swap3A_473 = arith.constant 48 : index
                %swap3A_474 = tpu.vector_load %arg10[%swap3A_473] {strides = array<i32>} : memref<64xi32, #tpu.memory_space<vmem>>, vector<16xi32>,
                tpu.vector_store %arg10[%swap3A_473], %get3A_472 {strides = array<i32>} : memref<64xi32, #tpu.memory_space<vmem>>, vector<16xi32>,
                %dma_start3A_475 = arith.constant 0 : i32
                %dma_start3A_476 = arith.constant 0 : i32
                %dma_start3A_477 = tpu.memref_slice %arg17[%dma_start3A_475, %dma_start3A_476] : memref<10248x128xf32, #tpu.memory_space<vmem_shared>> -> memref<10248x128xf32, #tpu.memory_space<vmem_shared>>
                tpu.enqueue_indirect_dma source(%arg13 : memref<64x128xf32, #tpu.memory_space<vmem>>) target(%dma_start3A_477 : memref<10248x128xf32, #tpu.memory_space<vmem_shared>>) offsets(%arg10 : memref<64xi32, #tpu.memory_space<vmem>>) semaphore(%arg23 : memref<!tpu.dma_semaphore, #tpu.memory_space<semaphore_mem>>) {add = true}
                %add3A_478 = arith.constant 2 : i32
                %add3A_479 = arith.addi %add3A_418, %add3A_478 : i32
                %lt3A_480 = arith.cmpi slt, %add3A_479, %select_n3A_341 : i32
                %convert_element_type3A_481 = arith.extui %lt3A_480 : i1 to i32
                %cond3A_482 = arith.constant 0 : i32
                %cond3A_483 = arith.cmpi ne, %convert_element_type3A_481, %cond3A_482 : i32
                scf.if %cond3A_483 {
                  %ge3A_484 = arith.constant 1 : i32
                  %ge3A_485 = arith.cmpi sge, %add3A_418, %ge3A_484 : i32
                  %convert_element_type3A_486 = arith.extui %ge3A_485 : i1 to i32
                  %cond3A_487 = arith.constant 0 : i32
                  %cond3A_488 = arith.cmpi ne, %convert_element_type3A_486, %cond3A_487 : i32
                  scf.if %cond3A_488 {
                    %dma_wait3A_497 = arith.constant 0 : i32
                    %dma_wait3A_498 = arith.constant 0 : i32
                    %dma_wait3A_499 = tpu.memref_slice %arg17[%dma_wait3A_497, %dma_wait3A_498] : memref<10248x128xf32, #tpu.memory_space<vmem_shared>> -> memref<64x128xf32, #tpu.memory_space<vmem_shared>>
                    %dma_wait3A_500 = arith.constant 0 : i32
                    %dma_wait3A_501 = arith.constant 0 : i32
                    %dma_wait3A_502 = tpu.memref_slice %arg17[%dma_wait3A_500, %dma_wait3A_501] : memref<10248x128xf32, #tpu.memory_space<vmem_shared>> -> memref<64x128xf32, #tpu.memory_space<vmem_shared>>
                    tpu.wait_dma2 semaphore(%arg25 : memref<!tpu.dma_semaphore, #tpu.memory_space<semaphore_mem>>) src(%arg15 : memref<64x128xf32, #tpu.memory_space<vmem>>) dst(%dma_wait3A_502 : memref<64x128xf32, #tpu.memory_space<vmem_shared>>)
                  } else {
                  }
                  %add3A_489 = arith.constant 2 : i32
                  %add3A_490 = arith.addi %add3A_418, %add3A_489 : i32
                  %mul3A_491 = arith.constant 64 : i32
                  %mul3A_492 = arith.muli %add3A_490, %mul3A_491 : i32
                  %dma_start3A_493 = tpu.memref_slice %arg8[%mul3A_492] : memref<9392xi32, #tpu.memory_space<vmem>> -> memref<64xi32, #tpu.memory_space<vmem>>
                  %dma_start3A_494 = arith.constant 0 : i32
                  %dma_start3A_495 = arith.constant 0 : i32
                  %dma_start3A_496 = tpu.memref_slice %arg2[%dma_start3A_494, %dma_start3A_495] : memref<552960x128xf32, #tpu.memory_space<hbm>> -> memref<552960x128xf32, #tpu.memory_space<hbm>>
                  tpu.enqueue_indirect_dma source(%dma_start3A_496 : memref<552960x128xf32, #tpu.memory_space<hbm>>) target(%arg15 : memref<64x128xf32, #tpu.memory_space<vmem>>) offsets(%dma_start3A_493 : memref<64xi32, #tpu.memory_space<vmem>>) semaphore(%arg22 : memref<!tpu.dma_semaphore, #tpu.memory_space<semaphore_mem>>)
                } else {
                }
              } else {
              }
              %mul3A_423 = arith.constant 3 : i32
              %mul3A_424 = arith.muli %mul3A_423, %add3A_414 : i32
              %add3A_425 = arith.constant 1 : i32
              %add3A_426 = arith.addi %mul3A_424, %add3A_425 : i32
              %lt3A_427 = arith.cmpi slt, %add3A_426, %select_n3A_341 : i32
              %convert_element_type3A_428 = arith.extui %lt3A_427 : i1 to i32
              %cond3A_429 = arith.constant 0 : i32
              %cond3A_430 = arith.cmpi ne, %convert_element_type3A_428, %cond3A_429 : i32
              scf.if %cond3A_430 {
                %dma_wait3A_439 = arith.constant 0 : i32
                %dma_wait3A_440 = arith.constant 0 : i32
                %dma_wait3A_441 = tpu.memref_slice %arg2[%dma_wait3A_439, %dma_wait3A_440] : memref<552960x128xf32, #tpu.memory_space<hbm>> -> memref<64x128xf32, #tpu.memory_space<hbm>>
                %dma_wait3A_442 = arith.constant 0 : i32
                %dma_wait3A_443 = arith.constant 0 : i32
                %dma_wait3A_444 = tpu.memref_slice %arg2[%dma_wait3A_442, %dma_wait3A_443] : memref<552960x128xf32, #tpu.memory_space<hbm>> -> memref<64x128xf32, #tpu.memory_space<hbm>>
                tpu.wait_dma2 semaphore(%arg21 : memref<!tpu.dma_semaphore, #tpu.memory_space<semaphore_mem>>) src(%dma_wait3A_444 : memref<64x128xf32, #tpu.memory_space<hbm>>) dst(%arg14 : memref<64x128xf32, #tpu.memory_space<vmem>>)
                %mul3A_445 = arith.constant 64 : i32
                %mul3A_446 = arith.muli %add3A_426, %mul3A_445 : i32
                %add3A_447 = arith.constant 0 : i32
                %add3A_448 = arith.addi %mul3A_446, %add3A_447 : i32
                %get3A = arith.index_cast %add3A_448 : i32 to index
                %get3A_449 = tpu.vector_load %arg9[%get3A] {strides = array<i32>} : memref<9392xi32, #tpu.memory_space<vmem>>, vector<16xi32>,
                %swap3A = arith.constant 0 : index
                %swap3A_450 = tpu.vector_load %arg11[%swap3A] {strides = array<i32>} : memref<64xi32, #tpu.memory_space<vmem>>, vector<16xi32>,
                tpu.vector_store %arg11[%swap3A], %get3A_449 {strides = array<i32>} : memref<64xi32, #tpu.memory_space<vmem>>, vector<16xi32>,
                %mul3A_451 = arith.constant 64 : i32
                %mul3A_452 = arith.muli %add3A_426, %mul3A_451 : i32
                %add3A_453 = arith.constant 16 : i32
                %add3A_454 = arith.addi %mul3A_452, %add3A_453 : i32
                %get3A_455 = arith.index_cast %add3A_454 : i32 to index
                %get3A_456 = tpu.vector_load %arg9[%get3A_455] {strides = array<i32>} : memref<9392xi32, #tpu.memory_space<vmem>>, vector<16xi32>,
                %swap3A_457 = arith.constant 16 : index
                %swap3A_458 = tpu.vector_load %arg11[%swap3A_457] {strides = array<i32>} : memref<64xi32, #tpu.memory_space<vmem>>, vector<16xi32>,
                tpu.vector_store %arg11[%swap3A_457], %get3A_456 {strides = array<i32>} : memref<64xi32, #tpu.memory_space<vmem>>, vector<16xi32>,
                %mul3A_459 = arith.constant 64 : i32
                %mul3A_460 = arith.muli %add3A_426, %mul3A_459 : i32
                %add3A_461 = arith.constant 32 : i32
                %add3A_462 = arith.addi %mul3A_460, %add3A_461 : i32
                %get3A_463 = arith.index_cast %add3A_462 : i32 to index
                %get3A_464 = tpu.vector_load %arg9[%get3A_463] {strides = array<i32>} : memref<9392xi32, #tpu.memory_space<vmem>>, vector<16xi32>,
                %swap3A_465 = arith.constant 32 : index
                %swap3A_466 = tpu.vector_load %arg11[%swap3A_465] {strides = array<i32>} : memref<64xi32, #tpu.memory_space<vmem>>, vector<16xi32>,
                tpu.vector_store %arg11[%swap3A_465], %get3A_464 {strides = array<i32>} : memref<64xi32, #tpu.memory_space<vmem>>, vector<16xi32>,
                %mul3A_467 = arith.constant 64 : i32
                %mul3A_468 = arith.muli %add3A_426, %mul3A_467 : i32
                %add3A_469 = arith.constant 48 : i32
                %add3A_470 = arith.addi %mul3A_468, %add3A_469 : i32
                %get3A_471 = arith.index_cast %add3A_470 : i32 to index
                %get3A_472 = tpu.vector_load %arg9[%get3A_471] {strides = array<i32>} : memref<9392xi32, #tpu.memory_space<vmem>>, vector<16xi32>,
                %swap3A_473 = arith.constant 48 : index
                %swap3A_474 = tpu.vector_load %arg11[%swap3A_473] {strides = array<i32>} : memref<64xi32, #tpu.memory_space<vmem>>, vector<16xi32>,
                tpu.vector_store %arg11[%swap3A_473], %get3A_472 {strides = array<i32>} : memref<64xi32, #tpu.memory_space<vmem>>, vector<16xi32>,
                %dma_start3A_475 = arith.constant 0 : i32
                %dma_start3A_476 = arith.constant 0 : i32
                %dma_start3A_477 = tpu.memref_slice %arg17[%dma_start3A_475, %dma_start3A_476] : memref<10248x128xf32, #tpu.memory_space<vmem_shared>> -> memref<10248x128xf32, #tpu.memory_space<vmem_shared>>
                tpu.enqueue_indirect_dma source(%arg14 : memref<64x128xf32, #tpu.memory_space<vmem>>) target(%dma_start3A_477 : memref<10248x128xf32, #tpu.memory_space<vmem_shared>>) offsets(%arg11 : memref<64xi32, #tpu.memory_space<vmem>>) semaphore(%arg24 : memref<!tpu.dma_semaphore, #tpu.memory_space<semaphore_mem>>) {add = true}
                %add3A_478 = arith.constant 2 : i32
                %add3A_479 = arith.addi %add3A_426, %add3A_478 : i32
                %lt3A_480 = arith.cmpi slt, %add3A_479, %select_n3A_341 : i32
                %convert_element_type3A_481 = arith.extui %lt3A_480 : i1 to i32
                %cond3A_482 = arith.constant 0 : i32
                %cond3A_483 = arith.cmpi ne, %convert_element_type3A_481, %cond3A_482 : i32
                scf.if %cond3A_483 {
                  %ge3A_484 = arith.constant 1 : i32
                  %ge3A_485 = arith.cmpi sge, %add3A_426, %ge3A_484 : i32
                  %convert_element_type3A_486 = arith.extui %ge3A_485 : i1 to i32
                  %cond3A_487 = arith.constant 0 : i32
                  %cond3A_488 = arith.cmpi ne, %convert_element_type3A_486, %cond3A_487 : i32
                  scf.if %cond3A_488 {
                    %dma_wait3A_497 = arith.constant 0 : i32
                    %dma_wait3A_498 = arith.constant 0 : i32
                    %dma_wait3A_499 = tpu.memref_slice %arg17[%dma_wait3A_497, %dma_wait3A_498] : memref<10248x128xf32, #tpu.memory_space<vmem_shared>> -> memref<64x128xf32, #tpu.memory_space<vmem_shared>>
                    %dma_wait3A_500 = arith.constant 0 : i32
                    %dma_wait3A_501 = arith.constant 0 : i32
                    %dma_wait3A_502 = tpu.memref_slice %arg17[%dma_wait3A_500, %dma_wait3A_501] : memref<10248x128xf32, #tpu.memory_space<vmem_shared>> -> memref<64x128xf32, #tpu.memory_space<vmem_shared>>
                    tpu.wait_dma2 semaphore(%arg23 : memref<!tpu.dma_semaphore, #tpu.memory_space<semaphore_mem>>) src(%arg13 : memref<64x128xf32, #tpu.memory_space<vmem>>) dst(%dma_wait3A_502 : memref<64x128xf32, #tpu.memory_space<vmem_shared>>)
                  } else {
                  }
                  %add3A_489 = arith.constant 2 : i32
                  %add3A_490 = arith.addi %add3A_426, %add3A_489 : i32
                  %mul3A_491 = arith.constant 64 : i32
                  %mul3A_492 = arith.muli %add3A_490, %mul3A_491 : i32
                  %dma_start3A_493 = tpu.memref_slice %arg8[%mul3A_492] : memref<9392xi32, #tpu.memory_space<vmem>> -> memref<64xi32, #tpu.memory_space<vmem>>
                  %dma_start3A_494 = arith.constant 0 : i32
                  %dma_start3A_495 = arith.constant 0 : i32
                  %dma_start3A_496 = tpu.memref_slice %arg2[%dma_start3A_494, %dma_start3A_495] : memref<552960x128xf32, #tpu.memory_space<hbm>> -> memref<552960x128xf32, #tpu.memory_space<hbm>>
                  tpu.enqueue_indirect_dma source(%dma_start3A_496 : memref<552960x128xf32, #tpu.memory_space<hbm>>) target(%arg13 : memref<64x128xf32, #tpu.memory_space<vmem>>) offsets(%dma_start3A_493 : memref<64xi32, #tpu.memory_space<vmem>>) semaphore(%arg20 : memref<!tpu.dma_semaphore, #tpu.memory_space<semaphore_mem>>)
                } else {
                }
              } else {
              }
              %mul3A_431 = arith.constant 3 : i32
              %mul3A_432 = arith.muli %mul3A_431, %add3A_414 : i32
              %add3A_433 = arith.constant 2 : i32
              %add3A_434 = arith.addi %mul3A_432, %add3A_433 : i32
              %lt3A_435 = arith.cmpi slt, %add3A_434, %select_n3A_341 : i32
              %convert_element_type3A_436 = arith.extui %lt3A_435 : i1 to i32
              %cond3A_437 = arith.constant 0 : i32
              %cond3A_438 = arith.cmpi ne, %convert_element_type3A_436, %cond3A_437 : i32
              scf.if %cond3A_438 {
                %dma_wait3A_439 = arith.constant 0 : i32
                %dma_wait3A_440 = arith.constant 0 : i32
                %dma_wait3A_441 = tpu.memref_slice %arg2[%dma_wait3A_439, %dma_wait3A_440] : memref<552960x128xf32, #tpu.memory_space<hbm>> -> memref<64x128xf32, #tpu.memory_space<hbm>>
                %dma_wait3A_442 = arith.constant 0 : i32
                %dma_wait3A_443 = arith.constant 0 : i32
                %dma_wait3A_444 = tpu.memref_slice %arg2[%dma_wait3A_442, %dma_wait3A_443] : memref<552960x128xf32, #tpu.memory_space<hbm>> -> memref<64x128xf32, #tpu.memory_space<hbm>>
                tpu.wait_dma2 semaphore(%arg22 : memref<!tpu.dma_semaphore, #tpu.memory_space<semaphore_mem>>) src(%dma_wait3A_444 : memref<64x128xf32, #tpu.memory_space<hbm>>) dst(%arg15 : memref<64x128xf32, #tpu.memory_space<vmem>>)
                %mul3A_445 = arith.constant 64 : i32
                %mul3A_446 = arith.muli %add3A_434, %mul3A_445 : i32
                %add3A_447 = arith.constant 0 : i32
                %add3A_448 = arith.addi %mul3A_446, %add3A_447 : i32
                %get3A = arith.index_cast %add3A_448 : i32 to index
                %get3A_449 = tpu.vector_load %arg9[%get3A] {strides = array<i32>} : memref<9392xi32, #tpu.memory_space<vmem>>, vector<16xi32>,
                %swap3A = arith.constant 0 : index
                %swap3A_450 = tpu.vector_load %arg12[%swap3A] {strides = array<i32>} : memref<64xi32, #tpu.memory_space<vmem>>, vector<16xi32>,
                tpu.vector_store %arg12[%swap3A], %get3A_449 {strides = array<i32>} : memref<64xi32, #tpu.memory_space<vmem>>, vector<16xi32>,
                %mul3A_451 = arith.constant 64 : i32
                %mul3A_452 = arith.muli %add3A_434, %mul3A_451 : i32
                %add3A_453 = arith.constant 16 : i32
                %add3A_454 = arith.addi %mul3A_452, %add3A_453 : i32
                %get3A_455 = arith.index_cast %add3A_454 : i32 to index
                %get3A_456 = tpu.vector_load %arg9[%get3A_455] {strides = array<i32>} : memref<9392xi32, #tpu.memory_space<vmem>>, vector<16xi32>,
                %swap3A_457 = arith.constant 16 : index
                %swap3A_458 = tpu.vector_load %arg12[%swap3A_457] {strides = array<i32>} : memref<64xi32, #tpu.memory_space<vmem>>, vector<16xi32>,
                tpu.vector_store %arg12[%swap3A_457], %get3A_456 {strides = array<i32>} : memref<64xi32, #tpu.memory_space<vmem>>, vector<16xi32>,
                %mul3A_459 = arith.constant 64 : i32
                %mul3A_460 = arith.muli %add3A_434, %mul3A_459 : i32
                %add3A_461 = arith.constant 32 : i32
                %add3A_462 = arith.addi %mul3A_460, %add3A_461 : i32
                %get3A_463 = arith.index_cast %add3A_462 : i32 to index
                %get3A_464 = tpu.vector_load %arg9[%get3A_463] {strides = array<i32>} : memref<9392xi32, #tpu.memory_space<vmem>>, vector<16xi32>,
                %swap3A_465 = arith.constant 32 : index
                %swap3A_466 = tpu.vector_load %arg12[%swap3A_465] {strides = array<i32>} : memref<64xi32, #tpu.memory_space<vmem>>, vector<16xi32>,
                tpu.vector_store %arg12[%swap3A_465], %get3A_464 {strides = array<i32>} : memref<64xi32, #tpu.memory_space<vmem>>, vector<16xi32>,
                %mul3A_467 = arith.constant 64 : i32
                %mul3A_468 = arith.muli %add3A_434, %mul3A_467 : i32
                %add3A_469 = arith.constant 48 : i32
                %add3A_470 = arith.addi %mul3A_468, %add3A_469 : i32
                %get3A_471 = arith.index_cast %add3A_470 : i32 to index
                %get3A_472 = tpu.vector_load %arg9[%get3A_471] {strides = array<i32>} : memref<9392xi32, #tpu.memory_space<vmem>>, vector<16xi32>,
                %swap3A_473 = arith.constant 48 : index
                %swap3A_474 = tpu.vector_load %arg12[%swap3A_473] {strides = array<i32>} : memref<64xi32, #tpu.memory_space<vmem>>, vector<16xi32>,
                tpu.vector_store %arg12[%swap3A_473], %get3A_472 {strides = array<i32>} : memref<64xi32, #tpu.memory_space<vmem>>, vector<16xi32>,
                %dma_start3A_475 = arith.constant 0 : i32
                %dma_start3A_476 = arith.constant 0 : i32
                %dma_start3A_477 = tpu.memref_slice %arg17[%dma_start3A_475, %dma_start3A_476] : memref<10248x128xf32, #tpu.memory_space<vmem_shared>> -> memref<10248x128xf32, #tpu.memory_space<vmem_shared>>
                tpu.enqueue_indirect_dma source(%arg15 : memref<64x128xf32, #tpu.memory_space<vmem>>) target(%dma_start3A_477 : memref<10248x128xf32, #tpu.memory_space<vmem_shared>>) offsets(%arg12 : memref<64xi32, #tpu.memory_space<vmem>>) semaphore(%arg25 : memref<!tpu.dma_semaphore, #tpu.memory_space<semaphore_mem>>) {add = true}
                %add3A_478 = arith.constant 2 : i32
                %add3A_479 = arith.addi %add3A_434, %add3A_478 : i32
                %lt3A_480 = arith.cmpi slt, %add3A_479, %select_n3A_341 : i32
                %convert_element_type3A_481 = arith.extui %lt3A_480 : i1 to i32
                %cond3A_482 = arith.constant 0 : i32
                %cond3A_483 = arith.cmpi ne, %convert_element_type3A_481, %cond3A_482 : i32
                scf.if %cond3A_483 {
                  %ge3A_484 = arith.constant 1 : i32
                  %ge3A_485 = arith.cmpi sge, %add3A_434, %ge3A_484 : i32
                  %convert_element_type3A_486 = arith.extui %ge3A_485 : i1 to i32
                  %cond3A_487 = arith.constant 0 : i32
                  %cond3A_488 = arith.cmpi ne, %convert_element_type3A_486, %cond3A_487 : i32
                  scf.if %cond3A_488 {
                    %dma_wait3A_497 = arith.constant 0 : i32
                    %dma_wait3A_498 = arith.constant 0 : i32
                    %dma_wait3A_499 = tpu.memref_slice %arg17[%dma_wait3A_497, %dma_wait3A_498] : memref<10248x128xf32, #tpu.memory_space<vmem_shared>> -> memref<64x128xf32, #tpu.memory_space<vmem_shared>>
                    %dma_wait3A_500 = arith.constant 0 : i32
                    %dma_wait3A_501 = arith.constant 0 : i32
                    %dma_wait3A_502 = tpu.memref_slice %arg17[%dma_wait3A_500, %dma_wait3A_501] : memref<10248x128xf32, #tpu.memory_space<vmem_shared>> -> memref<64x128xf32, #tpu.memory_space<vmem_shared>>
                    tpu.wait_dma2 semaphore(%arg24 : memref<!tpu.dma_semaphore, #tpu.memory_space<semaphore_mem>>) src(%arg14 : memref<64x128xf32, #tpu.memory_space<vmem>>) dst(%dma_wait3A_502 : memref<64x128xf32, #tpu.memory_space<vmem_shared>>)
                  } else {
                  }
                  %add3A_489 = arith.constant 2 : i32
                  %add3A_490 = arith.addi %add3A_434, %add3A_489 : i32
                  %mul3A_491 = arith.constant 64 : i32
                  %mul3A_492 = arith.muli %add3A_490, %mul3A_491 : i32
                  %dma_start3A_493 = tpu.memref_slice %arg8[%mul3A_492] : memref<9392xi32, #tpu.memory_space<vmem>> -> memref<64xi32, #tpu.memory_space<vmem>>
                  %dma_start3A_494 = arith.constant 0 : i32
                  %dma_start3A_495 = arith.constant 0 : i32
                  %dma_start3A_496 = tpu.memref_slice %arg2[%dma_start3A_494, %dma_start3A_495] : memref<552960x128xf32, #tpu.memory_space<hbm>> -> memref<552960x128xf32, #tpu.memory_space<hbm>>
                  tpu.enqueue_indirect_dma source(%dma_start3A_496 : memref<552960x128xf32, #tpu.memory_space<hbm>>) target(%arg14 : memref<64x128xf32, #tpu.memory_space<vmem>>) offsets(%dma_start3A_493 : memref<64xi32, #tpu.memory_space<vmem>>) semaphore(%arg21 : memref<!tpu.dma_semaphore, #tpu.memory_space<semaphore_mem>>)
                } else {
                }
              } else {
              }
            }
            %while3A_396 = arith.constant 1 : i32
            scf.for %while3A_412 = %while3A_394 to %while3A_390 step %while3A_396  : i32 {
              %mul3A_413 = arith.muli %while3A_412, %while3A_386 : i32
              %add3A_414 = arith.addi %while3A_387, %mul3A_413 : i32
              %mul3A_415 = arith.constant 3 : i32
              %mul3A_416 = arith.muli %mul3A_415, %add3A_414 : i32
              %add3A_417 = arith.constant 0 : i32
              %add3A_418 = arith.addi %mul3A_416, %add3A_417 : i32
              %lt3A_419 = arith.cmpi slt, %add3A_418, %select_n3A_341 : i32
              %convert_element_type3A_420 = arith.extui %lt3A_419 : i1 to i32
              %cond3A_421 = arith.constant 0 : i32
              %cond3A_422 = arith.cmpi ne, %convert_element_type3A_420, %cond3A_421 : i32
              scf.if %cond3A_422 {
                %dma_wait3A_439 = arith.constant 0 : i32
                %dma_wait3A_440 = arith.constant 0 : i32
                %dma_wait3A_441 = tpu.memref_slice %arg2[%dma_wait3A_439, %dma_wait3A_440] : memref<552960x128xf32, #tpu.memory_space<hbm>> -> memref<64x128xf32, #tpu.memory_space<hbm>>
                %dma_wait3A_442 = arith.constant 0 : i32
                %dma_wait3A_443 = arith.constant 0 : i32
                %dma_wait3A_444 = tpu.memref_slice %arg2[%dma_wait3A_442, %dma_wait3A_443] : memref<552960x128xf32, #tpu.memory_space<hbm>> -> memref<64x128xf32, #tpu.memory_space<hbm>>
                tpu.wait_dma2 semaphore(%arg20 : memref<!tpu.dma_semaphore, #tpu.memory_space<semaphore_mem>>) src(%dma_wait3A_444 : memref<64x128xf32, #tpu.memory_space<hbm>>) dst(%arg13 : memref<64x128xf32, #tpu.memory_space<vmem>>)
                %mul3A_445 = arith.constant 64 : i32
                %mul3A_446 = arith.muli %add3A_418, %mul3A_445 : i32
                %add3A_447 = arith.constant 0 : i32
                %add3A_448 = arith.addi %mul3A_446, %add3A_447 : i32
                %get3A = arith.index_cast %add3A_448 : i32 to index
                %get3A_449 = tpu.vector_load %arg9[%get3A] {strides = array<i32>} : memref<9392xi32, #tpu.memory_space<vmem>>, vector<16xi32>,
                %swap3A = arith.constant 0 : index
                %swap3A_450 = tpu.vector_load %arg10[%swap3A] {strides = array<i32>} : memref<64xi32, #tpu.memory_space<vmem>>, vector<16xi32>,
                tpu.vector_store %arg10[%swap3A], %get3A_449 {strides = array<i32>} : memref<64xi32, #tpu.memory_space<vmem>>, vector<16xi32>,
                %mul3A_451 = arith.constant 64 : i32
                %mul3A_452 = arith.muli %add3A_418, %mul3A_451 : i32
                %add3A_453 = arith.constant 16 : i32
                %add3A_454 = arith.addi %mul3A_452, %add3A_453 : i32
                %get3A_455 = arith.index_cast %add3A_454 : i32 to index
                %get3A_456 = tpu.vector_load %arg9[%get3A_455] {strides = array<i32>} : memref<9392xi32, #tpu.memory_space<vmem>>, vector<16xi32>,
                %swap3A_457 = arith.constant 16 : index
                %swap3A_458 = tpu.vector_load %arg10[%swap3A_457] {strides = array<i32>} : memref<64xi32, #tpu.memory_space<vmem>>, vector<16xi32>,
                tpu.vector_store %arg10[%swap3A_457], %get3A_456 {strides = array<i32>} : memref<64xi32, #tpu.memory_space<vmem>>, vector<16xi32>,
                %mul3A_459 = arith.constant 64 : i32
                %mul3A_460 = arith.muli %add3A_418, %mul3A_459 : i32
                %add3A_461 = arith.constant 32 : i32
                %add3A_462 = arith.addi %mul3A_460, %add3A_461 : i32
                %get3A_463 = arith.index_cast %add3A_462 : i32 to index
                %get3A_464 = tpu.vector_load %arg9[%get3A_463] {strides = array<i32>} : memref<9392xi32, #tpu.memory_space<vmem>>, vector<16xi32>,
                %swap3A_465 = arith.constant 32 : index
                %swap3A_466 = tpu.vector_load %arg10[%swap3A_465] {strides = array<i32>} : memref<64xi32, #tpu.memory_space<vmem>>, vector<16xi32>,
                tpu.vector_store %arg10[%swap3A_465], %get3A_464 {strides = array<i32>} : memref<64xi32, #tpu.memory_space<vmem>>, vector<16xi32>,
                %mul3A_467 = arith.constant 64 : i32
                %mul3A_468 = arith.muli %add3A_418, %mul3A_467 : i32
                %add3A_469 = arith.constant 48 : i32
                %add3A_470 = arith.addi %mul3A_468, %add3A_469 : i32
                %get3A_471 = arith.index_cast %add3A_470 : i32 to index
                %get3A_472 = tpu.vector_load %arg9[%get3A_471] {strides = array<i32>} : memref<9392xi32, #tpu.memory_space<vmem>>, vector<16xi32>,
                %swap3A_473 = arith.constant 48 : index
                %swap3A_474 = tpu.vector_load %arg10[%swap3A_473] {strides = array<i32>} : memref<64xi32, #tpu.memory_space<vmem>>, vector<16xi32>,
                tpu.vector_store %arg10[%swap3A_473], %get3A_472 {strides = array<i32>} : memref<64xi32, #tpu.memory_space<vmem>>, vector<16xi32>,
                %dma_start3A_475 = arith.constant 0 : i32
                %dma_start3A_476 = arith.constant 0 : i32
                %dma_start3A_477 = tpu.memref_slice %arg17[%dma_start3A_475, %dma_start3A_476] : memref<10248x128xf32, #tpu.memory_space<vmem_shared>> -> memref<10248x128xf32, #tpu.memory_space<vmem_shared>>
                tpu.enqueue_indirect_dma source(%arg13 : memref<64x128xf32, #tpu.memory_space<vmem>>) target(%dma_start3A_477 : memref<10248x128xf32, #tpu.memory_space<vmem_shared>>) offsets(%arg10 : memref<64xi32, #tpu.memory_space<vmem>>) semaphore(%arg23 : memref<!tpu.dma_semaphore, #tpu.memory_space<semaphore_mem>>) {add = true}
                %add3A_478 = arith.constant 2 : i32
                %add3A_479 = arith.addi %add3A_418, %add3A_478 : i32
                %lt3A_480 = arith.cmpi slt, %add3A_479, %select_n3A_341 : i32
                %convert_element_type3A_481 = arith.extui %lt3A_480 : i1 to i32
                %cond3A_482 = arith.constant 0 : i32
                %cond3A_483 = arith.cmpi ne, %convert_element_type3A_481, %cond3A_482 : i32
                scf.if %cond3A_483 {
                  %ge3A_484 = arith.constant 1 : i32
                  %ge3A_485 = arith.cmpi sge, %add3A_418, %ge3A_484 : i32
                  %convert_element_type3A_486 = arith.extui %ge3A_485 : i1 to i32
                  %cond3A_487 = arith.constant 0 : i32
                  %cond3A_488 = arith.cmpi ne, %convert_element_type3A_486, %cond3A_487 : i32
                  scf.if %cond3A_488 {
                    %dma_wait3A_497 = arith.constant 0 : i32
                    %dma_wait3A_498 = arith.constant 0 : i32
                    %dma_wait3A_499 = tpu.memref_slice %arg17[%dma_wait3A_497, %dma_wait3A_498] : memref<10248x128xf32, #tpu.memory_space<vmem_shared>> -> memref<64x128xf32, #tpu.memory_space<vmem_shared>>
                    %dma_wait3A_500 = arith.constant 0 : i32
                    %dma_wait3A_501 = arith.constant 0 : i32
                    %dma_wait3A_502 = tpu.memref_slice %arg17[%dma_wait3A_500, %dma_wait3A_501] : memref<10248x128xf32, #tpu.memory_space<vmem_shared>> -> memref<64x128xf32, #tpu.memory_space<vmem_shared>>
                    tpu.wait_dma2 semaphore(%arg25 : memref<!tpu.dma_semaphore, #tpu.memory_space<semaphore_mem>>) src(%arg15 : memref<64x128xf32, #tpu.memory_space<vmem>>) dst(%dma_wait3A_502 : memref<64x128xf32, #tpu.memory_space<vmem_shared>>)
                  } else {
                  }
                  %add3A_489 = arith.constant 2 : i32
                  %add3A_490 = arith.addi %add3A_418, %add3A_489 : i32
                  %mul3A_491 = arith.constant 64 : i32
                  %mul3A_492 = arith.muli %add3A_490, %mul3A_491 : i32
                  %dma_start3A_493 = tpu.memref_slice %arg8[%mul3A_492] : memref<9392xi32, #tpu.memory_space<vmem>> -> memref<64xi32, #tpu.memory_space<vmem>>
                  %dma_start3A_494 = arith.constant 0 : i32
                  %dma_start3A_495 = arith.constant 0 : i32
                  %dma_start3A_496 = tpu.memref_slice %arg2[%dma_start3A_494, %dma_start3A_495] : memref<552960x128xf32, #tpu.memory_space<hbm>> -> memref<552960x128xf32, #tpu.memory_space<hbm>>
                  tpu.enqueue_indirect_dma source(%dma_start3A_496 : memref<552960x128xf32, #tpu.memory_space<hbm>>) target(%arg15 : memref<64x128xf32, #tpu.memory_space<vmem>>) offsets(%dma_start3A_493 : memref<64xi32, #tpu.memory_space<vmem>>) semaphore(%arg22 : memref<!tpu.dma_semaphore, #tpu.memory_space<semaphore_mem>>)
                } else {
                }
              } else {
              }
              %mul3A_423 = arith.constant 3 : i32
              %mul3A_424 = arith.muli %mul3A_423, %add3A_414 : i32
              %add3A_425 = arith.constant 1 : i32
              %add3A_426 = arith.addi %mul3A_424, %add3A_425 : i32
              %lt3A_427 = arith.cmpi slt, %add3A_426, %select_n3A_341 : i32
              %convert_element_type3A_428 = arith.extui %lt3A_427 : i1 to i32
              %cond3A_429 = arith.constant 0 : i32
              %cond3A_430 = arith.cmpi ne, %convert_element_type3A_428, %cond3A_429 : i32
              scf.if %cond3A_430 {
                %dma_wait3A_439 = arith.constant 0 : i32
                %dma_wait3A_440 = arith.constant 0 : i32
                %dma_wait3A_441 = tpu.memref_slice %arg2[%dma_wait3A_439, %dma_wait3A_440] : memref<552960x128xf32, #tpu.memory_space<hbm>> -> memref<64x128xf32, #tpu.memory_space<hbm>>
                %dma_wait3A_442 = arith.constant 0 : i32
                %dma_wait3A_443 = arith.constant 0 : i32
                %dma_wait3A_444 = tpu.memref_slice %arg2[%dma_wait3A_442, %dma_wait3A_443] : memref<552960x128xf32, #tpu.memory_space<hbm>> -> memref<64x128xf32, #tpu.memory_space<hbm>>
                tpu.wait_dma2 semaphore(%arg21 : memref<!tpu.dma_semaphore, #tpu.memory_space<semaphore_mem>>) src(%dma_wait3A_444 : memref<64x128xf32, #tpu.memory_space<hbm>>) dst(%arg14 : memref<64x128xf32, #tpu.memory_space<vmem>>)
                %mul3A_445 = arith.constant 64 : i32
                %mul3A_446 = arith.muli %add3A_426, %mul3A_445 : i32
                %add3A_447 = arith.constant 0 : i32
                %add3A_448 = arith.addi %mul3A_446, %add3A_447 : i32
                %get3A = arith.index_cast %add3A_448 : i32 to index
                %get3A_449 = tpu.vector_load %arg9[%get3A] {strides = array<i32>} : memref<9392xi32, #tpu.memory_space<vmem>>, vector<16xi32>,
                %swap3A = arith.constant 0 : index
                %swap3A_450 = tpu.vector_load %arg11[%swap3A] {strides = array<i32>} : memref<64xi32, #tpu.memory_space<vmem>>, vector<16xi32>,
                tpu.vector_store %arg11[%swap3A], %get3A_449 {strides = array<i32>} : memref<64xi32, #tpu.memory_space<vmem>>, vector<16xi32>,
                %mul3A_451 = arith.constant 64 : i32
                %mul3A_452 = arith.muli %add3A_426, %mul3A_451 : i32
                %add3A_453 = arith.constant 16 : i32
                %add3A_454 = arith.addi %mul3A_452, %add3A_453 : i32
                %get3A_455 = arith.index_cast %add3A_454 : i32 to index
                %get3A_456 = tpu.vector_load %arg9[%get3A_455] {strides = array<i32>} : memref<9392xi32, #tpu.memory_space<vmem>>, vector<16xi32>,
                %swap3A_457 = arith.constant 16 : index
                %swap3A_458 = tpu.vector_load %arg11[%swap3A_457] {strides = array<i32>} : memref<64xi32, #tpu.memory_space<vmem>>, vector<16xi32>,
                tpu.vector_store %arg11[%swap3A_457], %get3A_456 {strides = array<i32>} : memref<64xi32, #tpu.memory_space<vmem>>, vector<16xi32>,
                %mul3A_459 = arith.constant 64 : i32
                %mul3A_460 = arith.muli %add3A_426, %mul3A_459 : i32
                %add3A_461 = arith.constant 32 : i32
                %add3A_462 = arith.addi %mul3A_460, %add3A_461 : i32
                %get3A_463 = arith.index_cast %add3A_462 : i32 to index
                %get3A_464 = tpu.vector_load %arg9[%get3A_463] {strides = array<i32>} : memref<9392xi32, #tpu.memory_space<vmem>>, vector<16xi32>,
                %swap3A_465 = arith.constant 32 : index
                %swap3A_466 = tpu.vector_load %arg11[%swap3A_465] {strides = array<i32>} : memref<64xi32, #tpu.memory_space<vmem>>, vector<16xi32>,
                tpu.vector_store %arg11[%swap3A_465], %get3A_464 {strides = array<i32>} : memref<64xi32, #tpu.memory_space<vmem>>, vector<16xi32>,
                %mul3A_467 = arith.constant 64 : i32
                %mul3A_468 = arith.muli %add3A_426, %mul3A_467 : i32
                %add3A_469 = arith.constant 48 : i32
                %add3A_470 = arith.addi %mul3A_468, %add3A_469 : i32
                %get3A_471 = arith.index_cast %add3A_470 : i32 to index
                %get3A_472 = tpu.vector_load %arg9[%get3A_471] {strides = array<i32>} : memref<9392xi32, #tpu.memory_space<vmem>>, vector<16xi32>,
                %swap3A_473 = arith.constant 48 : index
                %swap3A_474 = tpu.vector_load %arg11[%swap3A_473] {strides = array<i32>} : memref<64xi32, #tpu.memory_space<vmem>>, vector<16xi32>,
                tpu.vector_store %arg11[%swap3A_473], %get3A_472 {strides = array<i32>} : memref<64xi32, #tpu.memory_space<vmem>>, vector<16xi32>,
                %dma_start3A_475 = arith.constant 0 : i32
                %dma_start3A_476 = arith.constant 0 : i32
                %dma_start3A_477 = tpu.memref_slice %arg17[%dma_start3A_475, %dma_start3A_476] : memref<10248x128xf32, #tpu.memory_space<vmem_shared>> -> memref<10248x128xf32, #tpu.memory_space<vmem_shared>>
                tpu.enqueue_indirect_dma source(%arg14 : memref<64x128xf32, #tpu.memory_space<vmem>>) target(%dma_start3A_477 : memref<10248x128xf32, #tpu.memory_space<vmem_shared>>) offsets(%arg11 : memref<64xi32, #tpu.memory_space<vmem>>) semaphore(%arg24 : memref<!tpu.dma_semaphore, #tpu.memory_space<semaphore_mem>>) {add = true}
                %add3A_478 = arith.constant 2 : i32
                %add3A_479 = arith.addi %add3A_426, %add3A_478 : i32
                %lt3A_480 = arith.cmpi slt, %add3A_479, %select_n3A_341 : i32
                %convert_element_type3A_481 = arith.extui %lt3A_480 : i1 to i32
                %cond3A_482 = arith.constant 0 : i32
                %cond3A_483 = arith.cmpi ne, %convert_element_type3A_481, %cond3A_482 : i32
                scf.if %cond3A_483 {
                  %ge3A_484 = arith.constant 1 : i32
                  %ge3A_485 = arith.cmpi sge, %add3A_426, %ge3A_484 : i32
                  %convert_element_type3A_486 = arith.extui %ge3A_485 : i1 to i32
                  %cond3A_487 = arith.constant 0 : i32
                  %cond3A_488 = arith.cmpi ne, %convert_element_type3A_486, %cond3A_487 : i32
                  scf.if %cond3A_488 {
                    %dma_wait3A_497 = arith.constant 0 : i32
                    %dma_wait3A_498 = arith.constant 0 : i32
                    %dma_wait3A_499 = tpu.memref_slice %arg17[%dma_wait3A_497, %dma_wait3A_498] : memref<10248x128xf32, #tpu.memory_space<vmem_shared>> -> memref<64x128xf32, #tpu.memory_space<vmem_shared>>
                    %dma_wait3A_500 = arith.constant 0 : i32
                    %dma_wait3A_501 = arith.constant 0 : i32
                    %dma_wait3A_502 = tpu.memref_slice %arg17[%dma_wait3A_500, %dma_wait3A_501] : memref<10248x128xf32, #tpu.memory_space<vmem_shared>> -> memref<64x128xf32, #tpu.memory_space<vmem_shared>>
                    tpu.wait_dma2 semaphore(%arg23 : memref<!tpu.dma_semaphore, #tpu.memory_space<semaphore_mem>>) src(%arg13 : memref<64x128xf32, #tpu.memory_space<vmem>>) dst(%dma_wait3A_502 : memref<64x128xf32, #tpu.memory_space<vmem_shared>>)
                  } else {
                  }
                  %add3A_489 = arith.constant 2 : i32
                  %add3A_490 = arith.addi %add3A_426, %add3A_489 : i32
                  %mul3A_491 = arith.constant 64 : i32
                  %mul3A_492 = arith.muli %add3A_490, %mul3A_491 : i32
                  %dma_start3A_493 = tpu.memref_slice %arg8[%mul3A_492] : memref<9392xi32, #tpu.memory_space<vmem>> -> memref<64xi32, #tpu.memory_space<vmem>>
                  %dma_start3A_494 = arith.constant 0 : i32
                  %dma_start3A_495 = arith.constant 0 : i32
                  %dma_start3A_496 = tpu.memref_slice %arg2[%dma_start3A_494, %dma_start3A_495] : memref<552960x128xf32, #tpu.memory_space<hbm>> -> memref<552960x128xf32, #tpu.memory_space<hbm>>
                  tpu.enqueue_indirect_dma source(%dma_start3A_496 : memref<552960x128xf32, #tpu.memory_space<hbm>>) target(%arg13 : memref<64x128xf32, #tpu.memory_space<vmem>>) offsets(%dma_start3A_493 : memref<64xi32, #tpu.memory_space<vmem>>) semaphore(%arg20 : memref<!tpu.dma_semaphore, #tpu.memory_space<semaphore_mem>>)
                } else {
                }
              } else {
              }
              %mul3A_431 = arith.constant 3 : i32
              %mul3A_432 = arith.muli %mul3A_431, %add3A_414 : i32
              %add3A_433 = arith.constant 2 : i32
              %add3A_434 = arith.addi %mul3A_432, %add3A_433 : i32
              %lt3A_435 = arith.cmpi slt, %add3A_434, %select_n3A_341 : i32
              %convert_element_type3A_436 = arith.extui %lt3A_435 : i1 to i32
              %cond3A_437 = arith.constant 0 : i32
              %cond3A_438 = arith.cmpi ne, %convert_element_type3A_436, %cond3A_437 : i32
              scf.if %cond3A_438 {
                %dma_wait3A_439 = arith.constant 0 : i32
                %dma_wait3A_440 = arith.constant 0 : i32
                %dma_wait3A_441 = tpu.memref_slice %arg2[%dma_wait3A_439, %dma_wait3A_440] : memref<552960x128xf32, #tpu.memory_space<hbm>> -> memref<64x128xf32, #tpu.memory_space<hbm>>
                %dma_wait3A_442 = arith.constant 0 : i32
                %dma_wait3A_443 = arith.constant 0 : i32
                %dma_wait3A_444 = tpu.memref_slice %arg2[%dma_wait3A_442, %dma_wait3A_443] : memref<552960x128xf32, #tpu.memory_space<hbm>> -> memref<64x128xf32, #tpu.memory_space<hbm>>
                tpu.wait_dma2 semaphore(%arg22 : memref<!tpu.dma_semaphore, #tpu.memory_space<semaphore_mem>>) src(%dma_wait3A_444 : memref<64x128xf32, #tpu.memory_space<hbm>>) dst(%arg15 : memref<64x128xf32, #tpu.memory_space<vmem>>)
                %mul3A_445 = arith.constant 64 : i32
                %mul3A_446 = arith.muli %add3A_434, %mul3A_445 : i32
                %add3A_447 = arith.constant 0 : i32
                %add3A_448 = arith.addi %mul3A_446, %add3A_447 : i32
                %get3A = arith.index_cast %add3A_448 : i32 to index
                %get3A_449 = tpu.vector_load %arg9[%get3A] {strides = array<i32>} : memref<9392xi32, #tpu.memory_space<vmem>>, vector<16xi32>,
                %swap3A = arith.constant 0 : index
                %swap3A_450 = tpu.vector_load %arg12[%swap3A] {strides = array<i32>} : memref<64xi32, #tpu.memory_space<vmem>>, vector<16xi32>,
                tpu.vector_store %arg12[%swap3A], %get3A_449 {strides = array<i32>} : memref<64xi32, #tpu.memory_space<vmem>>, vector<16xi32>,
                %mul3A_451 = arith.constant 64 : i32
                %mul3A_452 = arith.muli %add3A_434, %mul3A_451 : i32
                %add3A_453 = arith.constant 16 : i32
                %add3A_454 = arith.addi %mul3A_452, %add3A_453 : i32
                %get3A_455 = arith.index_cast %add3A_454 : i32 to index
                %get3A_456 = tpu.vector_load %arg9[%get3A_455] {strides = array<i32>} : memref<9392xi32, #tpu.memory_space<vmem>>, vector<16xi32>,
                %swap3A_457 = arith.constant 16 : index
                %swap3A_458 = tpu.vector_load %arg12[%swap3A_457] {strides = array<i32>} : memref<64xi32, #tpu.memory_space<vmem>>, vector<16xi32>,
                tpu.vector_store %arg12[%swap3A_457], %get3A_456 {strides = array<i32>} : memref<64xi32, #tpu.memory_space<vmem>>, vector<16xi32>,
                %mul3A_459 = arith.constant 64 : i32
                %mul3A_460 = arith.muli %add3A_434, %mul3A_459 : i32
                %add3A_461 = arith.constant 32 : i32
                %add3A_462 = arith.addi %mul3A_460, %add3A_461 : i32
                %get3A_463 = arith.index_cast %add3A_462 : i32 to index
                %get3A_464 = tpu.vector_load %arg9[%get3A_463] {strides = array<i32>} : memref<9392xi32, #tpu.memory_space<vmem>>, vector<16xi32>,
                %swap3A_465 = arith.constant 32 : index
                %swap3A_466 = tpu.vector_load %arg12[%swap3A_465] {strides = array<i32>} : memref<64xi32, #tpu.memory_space<vmem>>, vector<16xi32>,
                tpu.vector_store %arg12[%swap3A_465], %get3A_464 {strides = array<i32>} : memref<64xi32, #tpu.memory_space<vmem>>, vector<16xi32>,
                %mul3A_467 = arith.constant 64 : i32
                %mul3A_468 = arith.muli %add3A_434, %mul3A_467 : i32
                %add3A_469 = arith.constant 48 : i32
                %add3A_470 = arith.addi %mul3A_468, %add3A_469 : i32
                %get3A_471 = arith.index_cast %add3A_470 : i32 to index
                %get3A_472 = tpu.vector_load %arg9[%get3A_471] {strides = array<i32>} : memref<9392xi32, #tpu.memory_space<vmem>>, vector<16xi32>,
                %swap3A_473 = arith.constant 48 : index
                %swap3A_474 = tpu.vector_load %arg12[%swap3A_473] {strides = array<i32>} : memref<64xi32, #tpu.memory_space<vmem>>, vector<16xi32>,
                tpu.vector_store %arg12[%swap3A_473], %get3A_472 {strides = array<i32>} : memref<64xi32, #tpu.memory_space<vmem>>, vector<16xi32>,
                %dma_start3A_475 = arith.constant 0 : i32
                %dma_start3A_476 = arith.constant 0 : i32
                %dma_start3A_477 = tpu.memref_slice %arg17[%dma_start3A_475, %dma_start3A_476] : memref<10248x128xf32, #tpu.memory_space<vmem_shared>> -> memref<10248x128xf32, #tpu.memory_space<vmem_shared>>
                tpu.enqueue_indirect_dma source(%arg15 : memref<64x128xf32, #tpu.memory_space<vmem>>) target(%dma_start3A_477 : memref<10248x128xf32, #tpu.memory_space<vmem_shared>>) offsets(%arg12 : memref<64xi32, #tpu.memory_space<vmem>>) semaphore(%arg25 : memref<!tpu.dma_semaphore, #tpu.memory_space<semaphore_mem>>) {add = true}
                %add3A_478 = arith.constant 2 : i32
                %add3A_479 = arith.addi %add3A_434, %add3A_478 : i32
                %lt3A_480 = arith.cmpi slt, %add3A_479, %select_n3A_341 : i32
                %convert_element_type3A_481 = arith.extui %lt3A_480 : i1 to i32
                %cond3A_482 = arith.constant 0 : i32
                %cond3A_483 = arith.cmpi ne, %convert_element_type3A_481, %cond3A_482 : i32
                scf.if %cond3A_483 {
                  %ge3A_484 = arith.constant 1 : i32
                  %ge3A_485 = arith.cmpi sge, %add3A_434, %ge3A_484 : i32
                  %convert_element_type3A_486 = arith.extui %ge3A_485 : i1 to i32
                  %cond3A_487 = arith.constant 0 : i32
                  %cond3A_488 = arith.cmpi ne, %convert_element_type3A_486, %cond3A_487 : i32
                  scf.if %cond3A_488 {
                    %dma_wait3A_497 = arith.constant 0 : i32
                    %dma_wait3A_498 = arith.constant 0 : i32
                    %dma_wait3A_499 = tpu.memref_slice %arg17[%dma_wait3A_497, %dma_wait3A_498] : memref<10248x128xf32, #tpu.memory_space<vmem_shared>> -> memref<64x128xf32, #tpu.memory_space<vmem_shared>>
                    %dma_wait3A_500 = arith.constant 0 : i32
                    %dma_wait3A_501 = arith.constant 0 : i32
                    %dma_wait3A_502 = tpu.memref_slice %arg17[%dma_wait3A_500, %dma_wait3A_501] : memref<10248x128xf32, #tpu.memory_space<vmem_shared>> -> memref<64x128xf32, #tpu.memory_space<vmem_shared>>
                    tpu.wait_dma2 semaphore(%arg24 : memref<!tpu.dma_semaphore, #tpu.memory_space<semaphore_mem>>) src(%arg14 : memref<64x128xf32, #tpu.memory_space<vmem>>) dst(%dma_wait3A_502 : memref<64x128xf32, #tpu.memory_space<vmem_shared>>)
                  } else {
                  }
                  %add3A_489 = arith.constant 2 : i32
                  %add3A_490 = arith.addi %add3A_434, %add3A_489 : i32
                  %mul3A_491 = arith.constant 64 : i32
                  %mul3A_492 = arith.muli %add3A_490, %mul3A_491 : i32
                  %dma_start3A_493 = tpu.memref_slice %arg8[%mul3A_492] : memref<9392xi32, #tpu.memory_space<vmem>> -> memref<64xi32, #tpu.memory_space<vmem>>
                  %dma_start3A_494 = arith.constant 0 : i32
                  %dma_start3A_495 = arith.constant 0 : i32
                  %dma_start3A_496 = tpu.memref_slice %arg2[%dma_start3A_494, %dma_start3A_495] : memref<552960x128xf32, #tpu.memory_space<hbm>> -> memref<552960x128xf32, #tpu.memory_space<hbm>>
                  tpu.enqueue_indirect_dma source(%dma_start3A_496 : memref<552960x128xf32, #tpu.memory_space<hbm>>) target(%arg14 : memref<64x128xf32, #tpu.memory_space<vmem>>) offsets(%dma_start3A_493 : memref<64xi32, #tpu.memory_space<vmem>>) semaphore(%arg21 : memref<!tpu.dma_semaphore, #tpu.memory_space<semaphore_mem>>)
                } else {
                }
              } else {
              }
            }
            %gt3A_397 = arith.constant 0 : i32
            %gt3A_398 = arith.cmpi sgt, %select_n3A_341, %gt3A_397 : i32
            %convert_element_type3A_399 = arith.extui %gt3A_398 : i1 to i32
            %cond3A_400 = arith.constant 0 : i32
            %cond3A_401 = arith.cmpi ne, %convert_element_type3A_399, %cond3A_400 : i32
            scf.if %cond3A_401 {
              %dma_wait3A_412 = arith.constant 0 : i32
              %dma_wait3A_413 = arith.constant 0 : i32
              %dma_wait3A_414 = tpu.memref_slice %arg17[%dma_wait3A_412, %dma_wait3A_413] : memref<10248x128xf32, #tpu.memory_space<vmem_shared>> -> memref<64x128xf32, #tpu.memory_space<vmem_shared>>
              %dma_wait3A_415 = arith.constant 0 : i32
              %dma_wait3A_416 = arith.constant 0 : i32
              %dma_wait3A_417 = tpu.memref_slice %arg17[%dma_wait3A_415, %dma_wait3A_416] : memref<10248x128xf32, #tpu.memory_space<vmem_shared>> -> memref<64x128xf32, #tpu.memory_space<vmem_shared>>
              tpu.wait_dma2 semaphore(%arg23 : memref<!tpu.dma_semaphore, #tpu.memory_space<semaphore_mem>>) src(%arg13 : memref<64x128xf32, #tpu.memory_space<vmem>>) dst(%dma_wait3A_417 : memref<64x128xf32, #tpu.memory_space<vmem_shared>>)
            } else {
            }
            %gt3A_402 = arith.constant 1 : i32
            %gt3A_403 = arith.cmpi sgt, %select_n3A_341, %gt3A_402 : i32
            %convert_element_type3A_404 = arith.extui %gt3A_403 : i1 to i32
            %cond3A_405 = arith.constant 0 : i32
            %cond3A_406 = arith.cmpi ne, %convert_element_type3A_404, %cond3A_405 : i32
            scf.if %cond3A_406 {
              %dma_wait3A_412 = arith.constant 0 : i32
              %dma_wait3A_413 = arith.constant 0 : i32
              %dma_wait3A_414 = tpu.memref_slice %arg17[%dma_wait3A_412, %dma_wait3A_413] : memref<10248x128xf32, #tpu.memory_space<vmem_shared>> -> memref<64x128xf32, #tpu.memory_space<vmem_shared>>
              %dma_wait3A_415 = arith.constant 0 : i32
              %dma_wait3A_416 = arith.constant 0 : i32
              %dma_wait3A_417 = tpu.memref_slice %arg17[%dma_wait3A_415, %dma_wait3A_416] : memref<10248x128xf32, #tpu.memory_space<vmem_shared>> -> memref<64x128xf32, #tpu.memory_space<vmem_shared>>
              tpu.wait_dma2 semaphore(%arg24 : memref<!tpu.dma_semaphore, #tpu.memory_space<semaphore_mem>>) src(%arg14 : memref<64x128xf32, #tpu.memory_space<vmem>>) dst(%dma_wait3A_417 : memref<64x128xf32, #tpu.memory_space<vmem_shared>>)
            } else {
            }
            %gt3A_407 = arith.constant 2 : i32
            %gt3A_408 = arith.cmpi sgt, %select_n3A_341, %gt3A_407 : i32
            %convert_element_type3A_409 = arith.extui %gt3A_408 : i1 to i32
            %cond3A_410 = arith.constant 0 : i32
            %cond3A_411 = arith.cmpi ne, %convert_element_type3A_409, %cond3A_410 : i32
            scf.if %cond3A_411 {
              %dma_wait3A_412 = arith.constant 0 : i32
              %dma_wait3A_413 = arith.constant 0 : i32
              %dma_wait3A_414 = tpu.memref_slice %arg17[%dma_wait3A_412, %dma_wait3A_413] : memref<10248x128xf32, #tpu.memory_space<vmem_shared>> -> memref<64x128xf32, #tpu.memory_space<vmem_shared>>
              %dma_wait3A_415 = arith.constant 0 : i32
              %dma_wait3A_416 = arith.constant 0 : i32
              %dma_wait3A_417 = tpu.memref_slice %arg17[%dma_wait3A_415, %dma_wait3A_416] : memref<10248x128xf32, #tpu.memory_space<vmem_shared>> -> memref<64x128xf32, #tpu.memory_space<vmem_shared>>
              tpu.wait_dma2 semaphore(%arg25 : memref<!tpu.dma_semaphore, #tpu.memory_space<semaphore_mem>>) src(%arg15 : memref<64x128xf32, #tpu.memory_space<vmem>>) dst(%dma_wait3A_417 : memref<64x128xf32, #tpu.memory_space<vmem_shared>>)
            } else {
            }
          } else {
          }
          %ge3A_240 = arith.constant 7168 : i32
          %ge3A_241 = arith.cmpi sge, %reduce_max3A_235, %ge3A_240 : i32
          %broadcast_in_dim3A_242 = vector.broadcast %ge3A_241 : i1 to vector<16xi1>
          %broadcast_in_dim3A_243 = arith.constant 0 : i32
          %broadcast_in_dim3A_244 = vector.broadcast %broadcast_in_dim3A_243 : i32 to vector<16xi32>
          %select_n3A_245 = arith.select %broadcast_in_dim3A_242, %broadcast_in_dim3A_244, %scan3A_226 : vector<16xi1>, vector<16xi32>
          %mul3A_246 = arith.constant 2 : i32
          %mul3A_247 = arith.muli %mul3A_246, %add3A_207 : i32
          %add3A_248 = arith.constant 1 : i32
          %add3A_249 = arith.addi %mul3A_247, %add3A_248 : i32
          %add3A_250 = arith.constant 1 : i32
          %add3A_251 = arith.addi %add3A_249, %add3A_250 : i32
          %lt3A_252 = arith.constant 16 : i32
          %lt3A_253 = arith.cmpi slt, %add3A_251, %lt3A_252 : i32
          %convert_element_type3A_254 = arith.extui %lt3A_253 : i1 to i32
          %cond3A_255 = arith.constant 0 : i32
          %cond3A_256 = arith.cmpi ne, %convert_element_type3A_254, %cond3A_255 : i32
          scf.if %cond3A_256 {
            %add3A_286 = arith.constant 1 : i32
            %add3A_287 = arith.addi %add3A_249, %add3A_286 : i32
            %mul3A_288 = arith.constant 2160 : i32
            %mul3A_289 = arith.muli %add3A_287, %mul3A_288 : i32
            %add3A_290 = arith.addi %mul3A_0, %mul3A_289 : i32
            %dma_start3A_291 = tpu.memref_slice %arg3[%add3A_290] : memref<552960xi32, #tpu.memory_space<hbm>> -> memref<2160xi32, #tpu.memory_space<hbm>>
            %dma_start3A_292 = tpu.memref_slice %arg3[%add3A_290] : memref<552960xi32, #tpu.memory_space<hbm>> -> memref<2160xi32, #tpu.memory_space<hbm>>
            tpu.enqueue_dma source(%dma_start3A_292 : memref<2160xi32, #tpu.memory_space<hbm>>) target(%arg6 : memref<2160xi32, #tpu.memory_space<vmem>>) target_semaphore(%arg18 : memref<!tpu.dma_semaphore, #tpu.memory_space<semaphore_mem>>)
          } else {
          }
          %dma_wait3A_257 = arith.constant 0 : i32
          %dma_wait3A_258 = tpu.memref_slice %arg3[%dma_wait3A_257] : memref<552960xi32, #tpu.memory_space<hbm>> -> memref<2160xi32, #tpu.memory_space<hbm>>
          %dma_wait3A_259 = arith.constant 0 : i32
          %dma_wait3A_260 = tpu.memref_slice %arg3[%dma_wait3A_259] : memref<552960xi32, #tpu.memory_space<hbm>> -> memref<2160xi32, #tpu.memory_space<hbm>>
          tpu.wait_dma2 semaphore(%arg19 : memref<!tpu.dma_semaphore, #tpu.memory_space<semaphore_mem>>) src(%dma_wait3A_260 : memref<2160xi32, #tpu.memory_space<hbm>>) dst(%arg7 : memref<2160xi32, #tpu.memory_space<vmem>>)
          %scan3A_261 = arith.constant 0 : i32
          %scan3A_262 = arith.constant 135 : i32
          %scan3A_263 = arith.addi %scan3A_261, %scan3A_262 : i32
          %scan3A_264 = arith.constant 1 : i32
          %scan3A_265 = scf.for %scan3A_286 = %scan3A_261 to %scan3A_263 step %scan3A_264 iter_args(%scan3A_287 = %select_n3A_245) -> (vector<16xi32>)  : i32 {
            %mul3A_288 = arith.constant 1 : i32
            %mul3A_289 = arith.muli %scan3A_286, %mul3A_288 : i32
            %add3A_290 = arith.constant 0 : i32
            %add3A_291 = arith.addi %add3A_290, %mul3A_289 : i32
            %mul3A_292 = arith.constant 16 : i32
            %mul3A_293 = arith.muli %add3A_291, %mul3A_292 : i32
            %get3A = arith.index_cast %mul3A_293 : i32 to index
            %get3A_294 = tpu.vector_load %arg7[%get3A] {strides = array<i32>} : memref<2160xi32, #tpu.memory_space<vmem>>, vector<16xi32>,
            %sub3A_295 = vector.broadcast %mul3A_19 : i32 to vector<16xi32>
            %sub3A_296 = arith.subi %get3A_294, %sub3A_295 : vector<16xi32>
            %ge3A_297 = arith.constant 0 : i32
            %ge3A_298 = vector.broadcast %ge3A_297 : i32 to vector<16xi32>
            %ge3A_299 = arith.cmpi sge, %sub3A_296, %ge3A_298 : vector<16xi32>
            %lt3A_300 = arith.constant 10240 : i32
            %lt3A_301 = vector.broadcast %lt3A_300 : i32 to vector<16xi32>
            %lt3A_302 = arith.cmpi slt, %sub3A_296, %lt3A_301 : vector<16xi32>
            %and3A_303 = arith.andi %ge3A_299, %lt3A_302 : vector<16xi1>
            %mul3A_304 = arith.constant 2160 : i32
            %mul3A_305 = arith.muli %add3A_249, %mul3A_304 : i32
            %add3A_306 = arith.addi %mul3A_0, %mul3A_305 : i32
            %mul3A_307 = arith.constant 16 : i32
            %mul3A_308 = arith.muli %add3A_291, %mul3A_307 : i32
            %add3A_309 = arith.addi %add3A_306, %mul3A_308 : i32
            %add3A_310 = vector.broadcast %add3A_309 : i32 to vector<16xi32>
            %add3A_311 = arith.addi %add3A_310, %iota3A : vector<16xi32>
            %convert_element_type3A_312 = arith.extui %and3A_303 : vector<16xi1> to vector<16xi32>
            %broadcast_in_dim3A_313 = arith.constant true
            %broadcast_in_dim3A_314 = vector.broadcast %broadcast_in_dim3A_313 : i1 to vector<16xi1>
            %masked_cumsum3A = tpu.scan <sum>, %convert_element_type3A_312 masked %broadcast_in_dim3A_314 : vector<16xi32>, vector<16xi1> -> vector<16xi32>
            %add3A_315 = arith.addi %scan3A_287, %masked_cumsum3A : vector<16xi32>
            %sub3A_316 = arith.constant 1 : i32
            %sub3A_317 = vector.broadcast %sub3A_316 : i32 to vector<16xi32>
            %sub3A_318 = arith.subi %add3A_315, %sub3A_317 : vector<16xi32>
            %select_n3A_319 = arith.select %and3A_303, %sub3A_318, %add3A_2 : vector<16xi1>, vector<16xi32>
            tpu.vector_store_idx %arg8[%select_n3A_319], %add3A_311 : memref<9392xi32, #tpu.memory_space<vmem>>[vector<16xi32>], vector<16xi32>,
            %broadcast_in_dim3A_320 = vector.broadcast %scan3A : i32 to vector<16xi32>
            %select_n3A_321 = arith.select %and3A_303, %sub3A_296, %broadcast_in_dim3A_320 : vector<16xi1>, vector<16xi32>
            tpu.vector_store_idx %arg9[%select_n3A_319], %select_n3A_321 : memref<9392xi32, #tpu.memory_space<vmem>>[vector<16xi32>], vector<16xi32>,
            %all_reduce_population_count3A = tpu.all_reduce %and3A_303 {dim = 0 : i64, kind = #tpu.reduction_kind<sum>} : vector<16xi1> -> vector<16xi32>
            %add3A_322 = arith.addi %scan3A_287, %all_reduce_population_count3A : vector<16xi32>
            scf.yield %add3A_322 : vector<16xi32>
          }
          %scan3A_266 = arith.constant 135 : i32
          %reduce_max3A_267 = arith.constant true
          %reduce_max3A_268 = vector.broadcast %reduce_max3A_267 : i1 to vector<16xi1>
          %reduce_max3A_269 = arith.constant -2147483648 : i32
          %reduce_max3A_270 = vector.broadcast %reduce_max3A_269 : i32 to vector<16xi32>
          %reduce_max3A_271 = arith.xori %scan3A_265, %reduce_max3A_270 : vector<16xi32>
          %reduce_max3A_272 = tpu.scan <max>, %reduce_max3A_271 masked %reduce_max3A_268 : vector<16xi32>, vector<16xi1> -> vector<16xi32>
          %reduce_max3A_273 = arith.xori %reduce_max3A_272, %reduce_max3A_270 : vector<16xi32>
          %reduce_max3A_274 = vector.extract %reduce_max3A_273[15] : i32 from vector<16xi32>
          %ge3A_275 = arith.constant 7168 : i32
          %ge3A_276 = arith.cmpi sge, %reduce_max3A_274, %ge3A_275 : i32
          %convert_element_type3A_277 = arith.extui %ge3A_276 : i1 to i32
          %cond3A_278 = arith.constant 0 : i32
          %cond3A_279 = arith.cmpi ne, %convert_element_type3A_277, %cond3A_278 : i32
          scf.if %cond3A_279 {
            %add3A_286 = arith.constant 0 : i32
            %add3A_287 = arith.addi %reduce_max3A_274, %add3A_286 : i32
            %add3A_288 = vector.broadcast %add3A_287 : i32 to vector<16xi32>
            %add3A_289 = arith.addi %add3A_288, %iota3A : vector<16xi32>
            %broadcast_in_dim3A_290 = arith.constant 0 : i32
            %broadcast_in_dim3A_291 = vector.broadcast %broadcast_in_dim3A_290 : i32 to vector<16xi32>
            tpu.vector_store_idx %arg8[%add3A_289], %broadcast_in_dim3A_291 : memref<9392xi32, #tpu.memory_space<vmem>>[vector<16xi32>], vector<16xi32>,
            %broadcast_in_dim3A_292 = vector.broadcast %scan3A : i32 to vector<16xi32>
            tpu.vector_store_idx %arg9[%add3A_289], %broadcast_in_dim3A_292 : memref<9392xi32, #tpu.memory_space<vmem>>[vector<16xi32>], vector<16xi32>,
            %add3A_293 = arith.constant 16 : i32
            %add3A_294 = arith.addi %reduce_max3A_274, %add3A_293 : i32
            %add3A_295 = vector.broadcast %add3A_294 : i32 to vector<16xi32>
            %add3A_296 = arith.addi %add3A_295, %iota3A : vector<16xi32>
            %broadcast_in_dim3A_297 = arith.constant 0 : i32
            %broadcast_in_dim3A_298 = vector.broadcast %broadcast_in_dim3A_297 : i32 to vector<16xi32>
            tpu.vector_store_idx %arg8[%add3A_296], %broadcast_in_dim3A_298 : memref<9392xi32, #tpu.memory_space<vmem>>[vector<16xi32>], vector<16xi32>,
            %broadcast_in_dim3A_299 = vector.broadcast %scan3A : i32 to vector<16xi32>
            tpu.vector_store_idx %arg9[%add3A_296], %broadcast_in_dim3A_299 : memref<9392xi32, #tpu.memory_space<vmem>>[vector<16xi32>], vector<16xi32>,
            %add3A_300 = arith.constant 32 : i32
            %add3A_301 = arith.addi %reduce_max3A_274, %add3A_300 : i32
            %add3A_302 = vector.broadcast %add3A_301 : i32 to vector<16xi32>
            %add3A_303 = arith.addi %add3A_302, %iota3A : vector<16xi32>
            %broadcast_in_dim3A_304 = arith.constant 0 : i32
            %broadcast_in_dim3A_305 = vector.broadcast %broadcast_in_dim3A_304 : i32 to vector<16xi32>
            tpu.vector_store_idx %arg8[%add3A_303], %broadcast_in_dim3A_305 : memref<9392xi32, #tpu.memory_space<vmem>>[vector<16xi32>], vector<16xi32>,
            %broadcast_in_dim3A_306 = vector.broadcast %scan3A : i32 to vector<16xi32>
            tpu.vector_store_idx %arg9[%add3A_303], %broadcast_in_dim3A_306 : memref<9392xi32, #tpu.memory_space<vmem>>[vector<16xi32>], vector<16xi32>,
            %add3A_307 = arith.constant 48 : i32
            %add3A_308 = arith.addi %reduce_max3A_274, %add3A_307 : i32
            %add3A_309 = vector.broadcast %add3A_308 : i32 to vector<16xi32>
            %add3A_310 = arith.addi %add3A_309, %iota3A : vector<16xi32>
            %broadcast_in_dim3A_311 = arith.constant 0 : i32
            %broadcast_in_dim3A_312 = vector.broadcast %broadcast_in_dim3A_311 : i32 to vector<16xi32>
            tpu.vector_store_idx %arg8[%add3A_310], %broadcast_in_dim3A_312 : memref<9392xi32, #tpu.memory_space<vmem>>[vector<16xi32>], vector<16xi32>,
            %broadcast_in_dim3A_313 = vector.broadcast %scan3A : i32 to vector<16xi32>
            tpu.vector_store_idx %arg9[%add3A_310], %broadcast_in_dim3A_313 : memref<9392xi32, #tpu.memory_space<vmem>>[vector<16xi32>], vector<16xi32>,
            %add3A_314 = arith.constant 64 : i32
            %add3A_315 = arith.addi %reduce_max3A_274, %add3A_314 : i32
            %sub3A_316 = arith.constant 1 : i32
            %sub3A_317 = arith.subi %add3A_315, %sub3A_316 : i32
            %jit3A_318 = arith.constant 64 : i32
            %div3A_319 = arith.divsi %sub3A_317, %jit3A_318 : i32
            %sign3A_320 = arith.constant 0 : i32
            %sign3A_321 = arith.cmpi sgt, %sub3A_317, %sign3A_320 : i32
            %sign3A_322 = arith.extui %sign3A_321 : i1 to i32
            %sign3A_323 = arith.constant 0 : i32
            %sign3A_324 = arith.cmpi slt, %sub3A_317, %sign3A_323 : i32
            %sign3A_325 = arith.extui %sign3A_324 : i1 to i32
            %sign3A_326 = arith.subi %sign3A_322, %sign3A_325 : i32
            %sign3A_327 = arith.constant 0 : i32
            %sign3A_328 = arith.cmpi sgt, %jit3A_318, %sign3A_327 : i32
            %sign3A_329 = arith.extui %sign3A_328 : i1 to i32
            %sign3A_330 = arith.constant 0 : i32
            %sign3A_331 = arith.cmpi slt, %jit3A_318, %sign3A_330 : i32
            %sign3A_332 = arith.extui %sign3A_331 : i1 to i32
            %sign3A_333 = arith.subi %sign3A_329, %sign3A_332 : i32
            %ne3A_334 = arith.cmpi ne, %sign3A_326, %sign3A_333 : i32
            %rem3A_335 = arith.remsi %sub3A_317, %jit3A_318 : i32
            %ne3A_336 = arith.constant 0 : i32
            %ne3A_337 = arith.cmpi ne, %rem3A_335, %ne3A_336 : i32
            %and3A_338 = arith.andi %ne3A_334, %ne3A_337 : i1
            %sub3A_339 = arith.constant 1 : i32
            %sub3A_340 = arith.subi %div3A_319, %sub3A_339 : i32
            %select_n3A_341 = arith.select %and3A_338, %sub3A_340, %div3A_319 : i32
            %gt3A_342 = arith.constant 0 : i32
            %gt3A_343 = arith.cmpi sgt, %select_n3A_341, %gt3A_342 : i32
            %convert_element_type3A_344 = arith.extui %gt3A_343 : i1 to i32
            %cond3A_345 = arith.constant 0 : i32
            %cond3A_346 = arith.cmpi ne, %convert_element_type3A_344, %cond3A_345 : i32
            scf.if %cond3A_346 {
              %dma_start3A_412 = arith.constant 0 : i32
              %dma_start3A_413 = tpu.memref_slice %arg8[%dma_start3A_412] : memref<9392xi32, #tpu.memory_space<vmem>> -> memref<64xi32, #tpu.memory_space<vmem>>
              %dma_start3A_414 = arith.constant 0 : i32
              %dma_start3A_415 = arith.constant 0 : i32
              %dma_start3A_416 = tpu.memref_slice %arg2[%dma_start3A_414, %dma_start3A_415] : memref<552960x128xf32, #tpu.memory_space<hbm>> -> memref<552960x128xf32, #tpu.memory_space<hbm>>
              tpu.enqueue_indirect_dma source(%dma_start3A_416 : memref<552960x128xf32, #tpu.memory_space<hbm>>) target(%arg13 : memref<64x128xf32, #tpu.memory_space<vmem>>) offsets(%dma_start3A_413 : memref<64xi32, #tpu.memory_space<vmem>>) semaphore(%arg20 : memref<!tpu.dma_semaphore, #tpu.memory_space<semaphore_mem>>)
            } else {
            }
            %gt3A_347 = arith.constant 1 : i32
            %gt3A_348 = arith.cmpi sgt, %select_n3A_341, %gt3A_347 : i32
            %convert_element_type3A_349 = arith.extui %gt3A_348 : i1 to i32
            %cond3A_350 = arith.constant 0 : i32
            %cond3A_351 = arith.cmpi ne, %convert_element_type3A_349, %cond3A_350 : i32
            scf.if %cond3A_351 {
              %dma_start3A_412 = arith.constant 64 : i32
              %dma_start3A_413 = tpu.memref_slice %arg8[%dma_start3A_412] : memref<9392xi32, #tpu.memory_space<vmem>> -> memref<64xi32, #tpu.memory_space<vmem>>
              %dma_start3A_414 = arith.constant 0 : i32
              %dma_start3A_415 = arith.constant 0 : i32
              %dma_start3A_416 = tpu.memref_slice %arg2[%dma_start3A_414, %dma_start3A_415] : memref<552960x128xf32, #tpu.memory_space<hbm>> -> memref<552960x128xf32, #tpu.memory_space<hbm>>
              tpu.enqueue_indirect_dma source(%dma_start3A_416 : memref<552960x128xf32, #tpu.memory_space<hbm>>) target(%arg14 : memref<64x128xf32, #tpu.memory_space<vmem>>) offsets(%dma_start3A_413 : memref<64xi32, #tpu.memory_space<vmem>>) semaphore(%arg21 : memref<!tpu.dma_semaphore, #tpu.memory_space<semaphore_mem>>)
            } else {
            }
            %add3A_352 = arith.constant 2 : i32
            %add3A_353 = arith.addi %select_n3A_341, %add3A_352 : i32
            %jit3A_354 = arith.constant 3 : i32
            %div3A_355 = arith.divsi %add3A_353, %jit3A_354 : i32
            %sign3A_356 = arith.constant 0 : i32
            %sign3A_357 = arith.cmpi sgt, %add3A_353, %sign3A_356 : i32
            %sign3A_358 = arith.extui %sign3A_357 : i1 to i32
            %sign3A_359 = arith.constant 0 : i32
            %sign3A_360 = arith.cmpi slt, %add3A_353, %sign3A_359 : i32
            %sign3A_361 = arith.extui %sign3A_360 : i1 to i32
            %sign3A_362 = arith.subi %sign3A_358, %sign3A_361 : i32
            %sign3A_363 = arith.constant 0 : i32
            %sign3A_364 = arith.cmpi sgt, %jit3A_354, %sign3A_363 : i32
            %sign3A_365 = arith.extui %sign3A_364 : i1 to i32
            %sign3A_366 = arith.constant 0 : i32
            %sign3A_367 = arith.cmpi slt, %jit3A_354, %sign3A_366 : i32
            %sign3A_368 = arith.extui %sign3A_367 : i1 to i32
            %sign3A_369 = arith.subi %sign3A_365, %sign3A_368 : i32
            %ne3A_370 = arith.cmpi ne, %sign3A_362, %sign3A_369 : i32
            %rem3A_371 = arith.remsi %add3A_353, %jit3A_354 : i32
            %ne3A_372 = arith.constant 0 : i32
            %ne3A_373 = arith.cmpi ne, %rem3A_371, %ne3A_372 : i32
            %and3A_374 = arith.andi %ne3A_370, %ne3A_373 : i1
            %sub3A_375 = arith.constant 1 : i32
            %sub3A_376 = arith.subi %div3A_355, %sub3A_375 : i32
            %select_n3A_377 = arith.select %and3A_374, %sub3A_376, %div3A_355 : i32
            %sub3A_378 = arith.constant 0 : i32
            %sub3A_379 = arith.subi %select_n3A_377, %sub3A_378 : i32
            %sub3A_380 = arith.constant 1 : i32
            %sub3A_381 = arith.constant 1 : i32
            %sub3A_382 = arith.subi %sub3A_380, %sub3A_381 : i32
            %add3A_383 = arith.addi %sub3A_379, %sub3A_382 : i32
            %div3A_384 = arith.constant 1 : i32
            %div3A_385 = arith.divsi %add3A_383, %div3A_384 : i32
            %while3A_386 = arith.constant 1 : i32
            %while3A_387 = arith.constant 0 : i32
            %while3A_388 = arith.constant 0 : i32
            %while3A_389 = arith.subi %div3A_385, %while3A_388 : i32
            %while3A_390 = arith.addi %while3A_388, %while3A_389 : i32
            %while3A_391 = arith.constant 1 : i32
            %while3A_392 = arith.divsi %while3A_389, %while3A_391 : i32
            %while3A_393 = arith.muli %while3A_392, %while3A_391 : i32
            %while3A_394 = arith.addi %while3A_388, %while3A_393 : i32
            %while3A_395 = arith.constant 1 : i32
            scf.for %while3A_412 = %while3A_388 to %while3A_394 step %while3A_395  : i32 {
              %mul3A_413 = arith.muli %while3A_412, %while3A_386 : i32
              %add3A_414 = arith.addi %while3A_387, %mul3A_413 : i32
              %mul3A_415 = arith.constant 3 : i32
              %mul3A_416 = arith.muli %mul3A_415, %add3A_414 : i32
              %add3A_417 = arith.constant 0 : i32
              %add3A_418 = arith.addi %mul3A_416, %add3A_417 : i32
              %lt3A_419 = arith.cmpi slt, %add3A_418, %select_n3A_341 : i32
              %convert_element_type3A_420 = arith.extui %lt3A_419 : i1 to i32
              %cond3A_421 = arith.constant 0 : i32
              %cond3A_422 = arith.cmpi ne, %convert_element_type3A_420, %cond3A_421 : i32
              scf.if %cond3A_422 {
                %dma_wait3A_439 = arith.constant 0 : i32
                %dma_wait3A_440 = arith.constant 0 : i32
                %dma_wait3A_441 = tpu.memref_slice %arg2[%dma_wait3A_439, %dma_wait3A_440] : memref<552960x128xf32, #tpu.memory_space<hbm>> -> memref<64x128xf32, #tpu.memory_space<hbm>>
                %dma_wait3A_442 = arith.constant 0 : i32
                %dma_wait3A_443 = arith.constant 0 : i32
                %dma_wait3A_444 = tpu.memref_slice %arg2[%dma_wait3A_442, %dma_wait3A_443] : memref<552960x128xf32, #tpu.memory_space<hbm>> -> memref<64x128xf32, #tpu.memory_space<hbm>>
                tpu.wait_dma2 semaphore(%arg20 : memref<!tpu.dma_semaphore, #tpu.memory_space<semaphore_mem>>) src(%dma_wait3A_444 : memref<64x128xf32, #tpu.memory_space<hbm>>) dst(%arg13 : memref<64x128xf32, #tpu.memory_space<vmem>>)
                %mul3A_445 = arith.constant 64 : i32
                %mul3A_446 = arith.muli %add3A_418, %mul3A_445 : i32
                %add3A_447 = arith.constant 0 : i32
                %add3A_448 = arith.addi %mul3A_446, %add3A_447 : i32
                %get3A = arith.index_cast %add3A_448 : i32 to index
                %get3A_449 = tpu.vector_load %arg9[%get3A] {strides = array<i32>} : memref<9392xi32, #tpu.memory_space<vmem>>, vector<16xi32>,
                %swap3A = arith.constant 0 : index
                %swap3A_450 = tpu.vector_load %arg10[%swap3A] {strides = array<i32>} : memref<64xi32, #tpu.memory_space<vmem>>, vector<16xi32>,
                tpu.vector_store %arg10[%swap3A], %get3A_449 {strides = array<i32>} : memref<64xi32, #tpu.memory_space<vmem>>, vector<16xi32>,
                %mul3A_451 = arith.constant 64 : i32
                %mul3A_452 = arith.muli %add3A_418, %mul3A_451 : i32
                %add3A_453 = arith.constant 16 : i32
                %add3A_454 = arith.addi %mul3A_452, %add3A_453 : i32
                %get3A_455 = arith.index_cast %add3A_454 : i32 to index
                %get3A_456 = tpu.vector_load %arg9[%get3A_455] {strides = array<i32>} : memref<9392xi32, #tpu.memory_space<vmem>>, vector<16xi32>,
                %swap3A_457 = arith.constant 16 : index
                %swap3A_458 = tpu.vector_load %arg10[%swap3A_457] {strides = array<i32>} : memref<64xi32, #tpu.memory_space<vmem>>, vector<16xi32>,
                tpu.vector_store %arg10[%swap3A_457], %get3A_456 {strides = array<i32>} : memref<64xi32, #tpu.memory_space<vmem>>, vector<16xi32>,
                %mul3A_459 = arith.constant 64 : i32
                %mul3A_460 = arith.muli %add3A_418, %mul3A_459 : i32
                %add3A_461 = arith.constant 32 : i32
                %add3A_462 = arith.addi %mul3A_460, %add3A_461 : i32
                %get3A_463 = arith.index_cast %add3A_462 : i32 to index
                %get3A_464 = tpu.vector_load %arg9[%get3A_463] {strides = array<i32>} : memref<9392xi32, #tpu.memory_space<vmem>>, vector<16xi32>,
                %swap3A_465 = arith.constant 32 : index
                %swap3A_466 = tpu.vector_load %arg10[%swap3A_465] {strides = array<i32>} : memref<64xi32, #tpu.memory_space<vmem>>, vector<16xi32>,
                tpu.vector_store %arg10[%swap3A_465], %get3A_464 {strides = array<i32>} : memref<64xi32, #tpu.memory_space<vmem>>, vector<16xi32>,
                %mul3A_467 = arith.constant 64 : i32
                %mul3A_468 = arith.muli %add3A_418, %mul3A_467 : i32
                %add3A_469 = arith.constant 48 : i32
                %add3A_470 = arith.addi %mul3A_468, %add3A_469 : i32
                %get3A_471 = arith.index_cast %add3A_470 : i32 to index
                %get3A_472 = tpu.vector_load %arg9[%get3A_471] {strides = array<i32>} : memref<9392xi32, #tpu.memory_space<vmem>>, vector<16xi32>,
                %swap3A_473 = arith.constant 48 : index
                %swap3A_474 = tpu.vector_load %arg10[%swap3A_473] {strides = array<i32>} : memref<64xi32, #tpu.memory_space<vmem>>, vector<16xi32>,
                tpu.vector_store %arg10[%swap3A_473], %get3A_472 {strides = array<i32>} : memref<64xi32, #tpu.memory_space<vmem>>, vector<16xi32>,
                %dma_start3A_475 = arith.constant 0 : i32
                %dma_start3A_476 = arith.constant 0 : i32
                %dma_start3A_477 = tpu.memref_slice %arg17[%dma_start3A_475, %dma_start3A_476] : memref<10248x128xf32, #tpu.memory_space<vmem_shared>> -> memref<10248x128xf32, #tpu.memory_space<vmem_shared>>
                tpu.enqueue_indirect_dma source(%arg13 : memref<64x128xf32, #tpu.memory_space<vmem>>) target(%dma_start3A_477 : memref<10248x128xf32, #tpu.memory_space<vmem_shared>>) offsets(%arg10 : memref<64xi32, #tpu.memory_space<vmem>>) semaphore(%arg23 : memref<!tpu.dma_semaphore, #tpu.memory_space<semaphore_mem>>) {add = true}
                %add3A_478 = arith.constant 2 : i32
                %add3A_479 = arith.addi %add3A_418, %add3A_478 : i32
                %lt3A_480 = arith.cmpi slt, %add3A_479, %select_n3A_341 : i32
                %convert_element_type3A_481 = arith.extui %lt3A_480 : i1 to i32
                %cond3A_482 = arith.constant 0 : i32
                %cond3A_483 = arith.cmpi ne, %convert_element_type3A_481, %cond3A_482 : i32
                scf.if %cond3A_483 {
                  %ge3A_484 = arith.constant 1 : i32
                  %ge3A_485 = arith.cmpi sge, %add3A_418, %ge3A_484 : i32
                  %convert_element_type3A_486 = arith.extui %ge3A_485 : i1 to i32
                  %cond3A_487 = arith.constant 0 : i32
                  %cond3A_488 = arith.cmpi ne, %convert_element_type3A_486, %cond3A_487 : i32
                  scf.if %cond3A_488 {
                    %dma_wait3A_497 = arith.constant 0 : i32
                    %dma_wait3A_498 = arith.constant 0 : i32
                    %dma_wait3A_499 = tpu.memref_slice %arg17[%dma_wait3A_497, %dma_wait3A_498] : memref<10248x128xf32, #tpu.memory_space<vmem_shared>> -> memref<64x128xf32, #tpu.memory_space<vmem_shared>>
                    %dma_wait3A_500 = arith.constant 0 : i32
                    %dma_wait3A_501 = arith.constant 0 : i32
                    %dma_wait3A_502 = tpu.memref_slice %arg17[%dma_wait3A_500, %dma_wait3A_501] : memref<10248x128xf32, #tpu.memory_space<vmem_shared>> -> memref<64x128xf32, #tpu.memory_space<vmem_shared>>
                    tpu.wait_dma2 semaphore(%arg25 : memref<!tpu.dma_semaphore, #tpu.memory_space<semaphore_mem>>) src(%arg15 : memref<64x128xf32, #tpu.memory_space<vmem>>) dst(%dma_wait3A_502 : memref<64x128xf32, #tpu.memory_space<vmem_shared>>)
                  } else {
                  }
                  %add3A_489 = arith.constant 2 : i32
                  %add3A_490 = arith.addi %add3A_418, %add3A_489 : i32
                  %mul3A_491 = arith.constant 64 : i32
                  %mul3A_492 = arith.muli %add3A_490, %mul3A_491 : i32
                  %dma_start3A_493 = tpu.memref_slice %arg8[%mul3A_492] : memref<9392xi32, #tpu.memory_space<vmem>> -> memref<64xi32, #tpu.memory_space<vmem>>
                  %dma_start3A_494 = arith.constant 0 : i32
                  %dma_start3A_495 = arith.constant 0 : i32
                  %dma_start3A_496 = tpu.memref_slice %arg2[%dma_start3A_494, %dma_start3A_495] : memref<552960x128xf32, #tpu.memory_space<hbm>> -> memref<552960x128xf32, #tpu.memory_space<hbm>>
                  tpu.enqueue_indirect_dma source(%dma_start3A_496 : memref<552960x128xf32, #tpu.memory_space<hbm>>) target(%arg15 : memref<64x128xf32, #tpu.memory_space<vmem>>) offsets(%dma_start3A_493 : memref<64xi32, #tpu.memory_space<vmem>>) semaphore(%arg22 : memref<!tpu.dma_semaphore, #tpu.memory_space<semaphore_mem>>)
                } else {
                }
              } else {
              }
              %mul3A_423 = arith.constant 3 : i32
              %mul3A_424 = arith.muli %mul3A_423, %add3A_414 : i32
              %add3A_425 = arith.constant 1 : i32
              %add3A_426 = arith.addi %mul3A_424, %add3A_425 : i32
              %lt3A_427 = arith.cmpi slt, %add3A_426, %select_n3A_341 : i32
              %convert_element_type3A_428 = arith.extui %lt3A_427 : i1 to i32
              %cond3A_429 = arith.constant 0 : i32
              %cond3A_430 = arith.cmpi ne, %convert_element_type3A_428, %cond3A_429 : i32
              scf.if %cond3A_430 {
                %dma_wait3A_439 = arith.constant 0 : i32
                %dma_wait3A_440 = arith.constant 0 : i32
                %dma_wait3A_441 = tpu.memref_slice %arg2[%dma_wait3A_439, %dma_wait3A_440] : memref<552960x128xf32, #tpu.memory_space<hbm>> -> memref<64x128xf32, #tpu.memory_space<hbm>>
                %dma_wait3A_442 = arith.constant 0 : i32
                %dma_wait3A_443 = arith.constant 0 : i32
                %dma_wait3A_444 = tpu.memref_slice %arg2[%dma_wait3A_442, %dma_wait3A_443] : memref<552960x128xf32, #tpu.memory_space<hbm>> -> memref<64x128xf32, #tpu.memory_space<hbm>>
                tpu.wait_dma2 semaphore(%arg21 : memref<!tpu.dma_semaphore, #tpu.memory_space<semaphore_mem>>) src(%dma_wait3A_444 : memref<64x128xf32, #tpu.memory_space<hbm>>) dst(%arg14 : memref<64x128xf32, #tpu.memory_space<vmem>>)
                %mul3A_445 = arith.constant 64 : i32
                %mul3A_446 = arith.muli %add3A_426, %mul3A_445 : i32
                %add3A_447 = arith.constant 0 : i32
                %add3A_448 = arith.addi %mul3A_446, %add3A_447 : i32
                %get3A = arith.index_cast %add3A_448 : i32 to index
                %get3A_449 = tpu.vector_load %arg9[%get3A] {strides = array<i32>} : memref<9392xi32, #tpu.memory_space<vmem>>, vector<16xi32>,
                %swap3A = arith.constant 0 : index
                %swap3A_450 = tpu.vector_load %arg11[%swap3A] {strides = array<i32>} : memref<64xi32, #tpu.memory_space<vmem>>, vector<16xi32>,
                tpu.vector_store %arg11[%swap3A], %get3A_449 {strides = array<i32>} : memref<64xi32, #tpu.memory_space<vmem>>, vector<16xi32>,
                %mul3A_451 = arith.constant 64 : i32
                %mul3A_452 = arith.muli %add3A_426, %mul3A_451 : i32
                %add3A_453 = arith.constant 16 : i32
                %add3A_454 = arith.addi %mul3A_452, %add3A_453 : i32
                %get3A_455 = arith.index_cast %add3A_454 : i32 to index
                %get3A_456 = tpu.vector_load %arg9[%get3A_455] {strides = array<i32>} : memref<9392xi32, #tpu.memory_space<vmem>>, vector<16xi32>,
                %swap3A_457 = arith.constant 16 : index
                %swap3A_458 = tpu.vector_load %arg11[%swap3A_457] {strides = array<i32>} : memref<64xi32, #tpu.memory_space<vmem>>, vector<16xi32>,
                tpu.vector_store %arg11[%swap3A_457], %get3A_456 {strides = array<i32>} : memref<64xi32, #tpu.memory_space<vmem>>, vector<16xi32>,
                %mul3A_459 = arith.constant 64 : i32
                %mul3A_460 = arith.muli %add3A_426, %mul3A_459 : i32
                %add3A_461 = arith.constant 32 : i32
                %add3A_462 = arith.addi %mul3A_460, %add3A_461 : i32
                %get3A_463 = arith.index_cast %add3A_462 : i32 to index
                %get3A_464 = tpu.vector_load %arg9[%get3A_463] {strides = array<i32>} : memref<9392xi32, #tpu.memory_space<vmem>>, vector<16xi32>,
                %swap3A_465 = arith.constant 32 : index
                %swap3A_466 = tpu.vector_load %arg11[%swap3A_465] {strides = array<i32>} : memref<64xi32, #tpu.memory_space<vmem>>, vector<16xi32>,
                tpu.vector_store %arg11[%swap3A_465], %get3A_464 {strides = array<i32>} : memref<64xi32, #tpu.memory_space<vmem>>, vector<16xi32>,
                %mul3A_467 = arith.constant 64 : i32
                %mul3A_468 = arith.muli %add3A_426, %mul3A_467 : i32
                %add3A_469 = arith.constant 48 : i32
                %add3A_470 = arith.addi %mul3A_468, %add3A_469 : i32
                %get3A_471 = arith.index_cast %add3A_470 : i32 to index
                %get3A_472 = tpu.vector_load %arg9[%get3A_471] {strides = array<i32>} : memref<9392xi32, #tpu.memory_space<vmem>>, vector<16xi32>,
                %swap3A_473 = arith.constant 48 : index
                %swap3A_474 = tpu.vector_load %arg11[%swap3A_473] {strides = array<i32>} : memref<64xi32, #tpu.memory_space<vmem>>, vector<16xi32>,
                tpu.vector_store %arg11[%swap3A_473], %get3A_472 {strides = array<i32>} : memref<64xi32, #tpu.memory_space<vmem>>, vector<16xi32>,
                %dma_start3A_475 = arith.constant 0 : i32
                %dma_start3A_476 = arith.constant 0 : i32
                %dma_start3A_477 = tpu.memref_slice %arg17[%dma_start3A_475, %dma_start3A_476] : memref<10248x128xf32, #tpu.memory_space<vmem_shared>> -> memref<10248x128xf32, #tpu.memory_space<vmem_shared>>
                tpu.enqueue_indirect_dma source(%arg14 : memref<64x128xf32, #tpu.memory_space<vmem>>) target(%dma_start3A_477 : memref<10248x128xf32, #tpu.memory_space<vmem_shared>>) offsets(%arg11 : memref<64xi32, #tpu.memory_space<vmem>>) semaphore(%arg24 : memref<!tpu.dma_semaphore, #tpu.memory_space<semaphore_mem>>) {add = true}
                %add3A_478 = arith.constant 2 : i32
                %add3A_479 = arith.addi %add3A_426, %add3A_478 : i32
                %lt3A_480 = arith.cmpi slt, %add3A_479, %select_n3A_341 : i32
                %convert_element_type3A_481 = arith.extui %lt3A_480 : i1 to i32
                %cond3A_482 = arith.constant 0 : i32
                %cond3A_483 = arith.cmpi ne, %convert_element_type3A_481, %cond3A_482 : i32
                scf.if %cond3A_483 {
                  %ge3A_484 = arith.constant 1 : i32
                  %ge3A_485 = arith.cmpi sge, %add3A_426, %ge3A_484 : i32
                  %convert_element_type3A_486 = arith.extui %ge3A_485 : i1 to i32
                  %cond3A_487 = arith.constant 0 : i32
                  %cond3A_488 = arith.cmpi ne, %convert_element_type3A_486, %cond3A_487 : i32
                  scf.if %cond3A_488 {
                    %dma_wait3A_497 = arith.constant 0 : i32
                    %dma_wait3A_498 = arith.constant 0 : i32
                    %dma_wait3A_499 = tpu.memref_slice %arg17[%dma_wait3A_497, %dma_wait3A_498] : memref<10248x128xf32, #tpu.memory_space<vmem_shared>> -> memref<64x128xf32, #tpu.memory_space<vmem_shared>>
                    %dma_wait3A_500 = arith.constant 0 : i32
                    %dma_wait3A_501 = arith.constant 0 : i32
                    %dma_wait3A_502 = tpu.memref_slice %arg17[%dma_wait3A_500, %dma_wait3A_501] : memref<10248x128xf32, #tpu.memory_space<vmem_shared>> -> memref<64x128xf32, #tpu.memory_space<vmem_shared>>
                    tpu.wait_dma2 semaphore(%arg23 : memref<!tpu.dma_semaphore, #tpu.memory_space<semaphore_mem>>) src(%arg13 : memref<64x128xf32, #tpu.memory_space<vmem>>) dst(%dma_wait3A_502 : memref<64x128xf32, #tpu.memory_space<vmem_shared>>)
                  } else {
                  }
                  %add3A_489 = arith.constant 2 : i32
                  %add3A_490 = arith.addi %add3A_426, %add3A_489 : i32
                  %mul3A_491 = arith.constant 64 : i32
                  %mul3A_492 = arith.muli %add3A_490, %mul3A_491 : i32
                  %dma_start3A_493 = tpu.memref_slice %arg8[%mul3A_492] : memref<9392xi32, #tpu.memory_space<vmem>> -> memref<64xi32, #tpu.memory_space<vmem>>
                  %dma_start3A_494 = arith.constant 0 : i32
                  %dma_start3A_495 = arith.constant 0 : i32
                  %dma_start3A_496 = tpu.memref_slice %arg2[%dma_start3A_494, %dma_start3A_495] : memref<552960x128xf32, #tpu.memory_space<hbm>> -> memref<552960x128xf32, #tpu.memory_space<hbm>>
                  tpu.enqueue_indirect_dma source(%dma_start3A_496 : memref<552960x128xf32, #tpu.memory_space<hbm>>) target(%arg13 : memref<64x128xf32, #tpu.memory_space<vmem>>) offsets(%dma_start3A_493 : memref<64xi32, #tpu.memory_space<vmem>>) semaphore(%arg20 : memref<!tpu.dma_semaphore, #tpu.memory_space<semaphore_mem>>)
                } else {
                }
              } else {
              }
              %mul3A_431 = arith.constant 3 : i32
              %mul3A_432 = arith.muli %mul3A_431, %add3A_414 : i32
              %add3A_433 = arith.constant 2 : i32
              %add3A_434 = arith.addi %mul3A_432, %add3A_433 : i32
              %lt3A_435 = arith.cmpi slt, %add3A_434, %select_n3A_341 : i32
              %convert_element_type3A_436 = arith.extui %lt3A_435 : i1 to i32
              %cond3A_437 = arith.constant 0 : i32
              %cond3A_438 = arith.cmpi ne, %convert_element_type3A_436, %cond3A_437 : i32
              scf.if %cond3A_438 {
                %dma_wait3A_439 = arith.constant 0 : i32
                %dma_wait3A_440 = arith.constant 0 : i32
                %dma_wait3A_441 = tpu.memref_slice %arg2[%dma_wait3A_439, %dma_wait3A_440] : memref<552960x128xf32, #tpu.memory_space<hbm>> -> memref<64x128xf32, #tpu.memory_space<hbm>>
                %dma_wait3A_442 = arith.constant 0 : i32
                %dma_wait3A_443 = arith.constant 0 : i32
                %dma_wait3A_444 = tpu.memref_slice %arg2[%dma_wait3A_442, %dma_wait3A_443] : memref<552960x128xf32, #tpu.memory_space<hbm>> -> memref<64x128xf32, #tpu.memory_space<hbm>>
                tpu.wait_dma2 semaphore(%arg22 : memref<!tpu.dma_semaphore, #tpu.memory_space<semaphore_mem>>) src(%dma_wait3A_444 : memref<64x128xf32, #tpu.memory_space<hbm>>) dst(%arg15 : memref<64x128xf32, #tpu.memory_space<vmem>>)
                %mul3A_445 = arith.constant 64 : i32
                %mul3A_446 = arith.muli %add3A_434, %mul3A_445 : i32
                %add3A_447 = arith.constant 0 : i32
                %add3A_448 = arith.addi %mul3A_446, %add3A_447 : i32
                %get3A = arith.index_cast %add3A_448 : i32 to index
                %get3A_449 = tpu.vector_load %arg9[%get3A] {strides = array<i32>} : memref<9392xi32, #tpu.memory_space<vmem>>, vector<16xi32>,
                %swap3A = arith.constant 0 : index
                %swap3A_450 = tpu.vector_load %arg12[%swap3A] {strides = array<i32>} : memref<64xi32, #tpu.memory_space<vmem>>, vector<16xi32>,
                tpu.vector_store %arg12[%swap3A], %get3A_449 {strides = array<i32>} : memref<64xi32, #tpu.memory_space<vmem>>, vector<16xi32>,
                %mul3A_451 = arith.constant 64 : i32
                %mul3A_452 = arith.muli %add3A_434, %mul3A_451 : i32
                %add3A_453 = arith.constant 16 : i32
                %add3A_454 = arith.addi %mul3A_452, %add3A_453 : i32
                %get3A_455 = arith.index_cast %add3A_454 : i32 to index
                %get3A_456 = tpu.vector_load %arg9[%get3A_455] {strides = array<i32>} : memref<9392xi32, #tpu.memory_space<vmem>>, vector<16xi32>,
                %swap3A_457 = arith.constant 16 : index
                %swap3A_458 = tpu.vector_load %arg12[%swap3A_457] {strides = array<i32>} : memref<64xi32, #tpu.memory_space<vmem>>, vector<16xi32>,
                tpu.vector_store %arg12[%swap3A_457], %get3A_456 {strides = array<i32>} : memref<64xi32, #tpu.memory_space<vmem>>, vector<16xi32>,
                %mul3A_459 = arith.constant 64 : i32
                %mul3A_460 = arith.muli %add3A_434, %mul3A_459 : i32
                %add3A_461 = arith.constant 32 : i32
                %add3A_462 = arith.addi %mul3A_460, %add3A_461 : i32
                %get3A_463 = arith.index_cast %add3A_462 : i32 to index
                %get3A_464 = tpu.vector_load %arg9[%get3A_463] {strides = array<i32>} : memref<9392xi32, #tpu.memory_space<vmem>>, vector<16xi32>,
                %swap3A_465 = arith.constant 32 : index
                %swap3A_466 = tpu.vector_load %arg12[%swap3A_465] {strides = array<i32>} : memref<64xi32, #tpu.memory_space<vmem>>, vector<16xi32>,
                tpu.vector_store %arg12[%swap3A_465], %get3A_464 {strides = array<i32>} : memref<64xi32, #tpu.memory_space<vmem>>, vector<16xi32>,
                %mul3A_467 = arith.constant 64 : i32
                %mul3A_468 = arith.muli %add3A_434, %mul3A_467 : i32
                %add3A_469 = arith.constant 48 : i32
                %add3A_470 = arith.addi %mul3A_468, %add3A_469 : i32
                %get3A_471 = arith.index_cast %add3A_470 : i32 to index
                %get3A_472 = tpu.vector_load %arg9[%get3A_471] {strides = array<i32>} : memref<9392xi32, #tpu.memory_space<vmem>>, vector<16xi32>,
                %swap3A_473 = arith.constant 48 : index
                %swap3A_474 = tpu.vector_load %arg12[%swap3A_473] {strides = array<i32>} : memref<64xi32, #tpu.memory_space<vmem>>, vector<16xi32>,
                tpu.vector_store %arg12[%swap3A_473], %get3A_472 {strides = array<i32>} : memref<64xi32, #tpu.memory_space<vmem>>, vector<16xi32>,
                %dma_start3A_475 = arith.constant 0 : i32
                %dma_start3A_476 = arith.constant 0 : i32
                %dma_start3A_477 = tpu.memref_slice %arg17[%dma_start3A_475, %dma_start3A_476] : memref<10248x128xf32, #tpu.memory_space<vmem_shared>> -> memref<10248x128xf32, #tpu.memory_space<vmem_shared>>
                tpu.enqueue_indirect_dma source(%arg15 : memref<64x128xf32, #tpu.memory_space<vmem>>) target(%dma_start3A_477 : memref<10248x128xf32, #tpu.memory_space<vmem_shared>>) offsets(%arg12 : memref<64xi32, #tpu.memory_space<vmem>>) semaphore(%arg25 : memref<!tpu.dma_semaphore, #tpu.memory_space<semaphore_mem>>) {add = true}
                %add3A_478 = arith.constant 2 : i32
                %add3A_479 = arith.addi %add3A_434, %add3A_478 : i32
                %lt3A_480 = arith.cmpi slt, %add3A_479, %select_n3A_341 : i32
                %convert_element_type3A_481 = arith.extui %lt3A_480 : i1 to i32
                %cond3A_482 = arith.constant 0 : i32
                %cond3A_483 = arith.cmpi ne, %convert_element_type3A_481, %cond3A_482 : i32
                scf.if %cond3A_483 {
                  %ge3A_484 = arith.constant 1 : i32
                  %ge3A_485 = arith.cmpi sge, %add3A_434, %ge3A_484 : i32
                  %convert_element_type3A_486 = arith.extui %ge3A_485 : i1 to i32
                  %cond3A_487 = arith.constant 0 : i32
                  %cond3A_488 = arith.cmpi ne, %convert_element_type3A_486, %cond3A_487 : i32
                  scf.if %cond3A_488 {
                    %dma_wait3A_497 = arith.constant 0 : i32
                    %dma_wait3A_498 = arith.constant 0 : i32
                    %dma_wait3A_499 = tpu.memref_slice %arg17[%dma_wait3A_497, %dma_wait3A_498] : memref<10248x128xf32, #tpu.memory_space<vmem_shared>> -> memref<64x128xf32, #tpu.memory_space<vmem_shared>>
                    %dma_wait3A_500 = arith.constant 0 : i32
                    %dma_wait3A_501 = arith.constant 0 : i32
                    %dma_wait3A_502 = tpu.memref_slice %arg17[%dma_wait3A_500, %dma_wait3A_501] : memref<10248x128xf32, #tpu.memory_space<vmem_shared>> -> memref<64x128xf32, #tpu.memory_space<vmem_shared>>
                    tpu.wait_dma2 semaphore(%arg24 : memref<!tpu.dma_semaphore, #tpu.memory_space<semaphore_mem>>) src(%arg14 : memref<64x128xf32, #tpu.memory_space<vmem>>) dst(%dma_wait3A_502 : memref<64x128xf32, #tpu.memory_space<vmem_shared>>)
                  } else {
                  }
                  %add3A_489 = arith.constant 2 : i32
                  %add3A_490 = arith.addi %add3A_434, %add3A_489 : i32
                  %mul3A_491 = arith.constant 64 : i32
                  %mul3A_492 = arith.muli %add3A_490, %mul3A_491 : i32
                  %dma_start3A_493 = tpu.memref_slice %arg8[%mul3A_492] : memref<9392xi32, #tpu.memory_space<vmem>> -> memref<64xi32, #tpu.memory_space<vmem>>
                  %dma_start3A_494 = arith.constant 0 : i32
                  %dma_start3A_495 = arith.constant 0 : i32
                  %dma_start3A_496 = tpu.memref_slice %arg2[%dma_start3A_494, %dma_start3A_495] : memref<552960x128xf32, #tpu.memory_space<hbm>> -> memref<552960x128xf32, #tpu.memory_space<hbm>>
                  tpu.enqueue_indirect_dma source(%dma_start3A_496 : memref<552960x128xf32, #tpu.memory_space<hbm>>) target(%arg14 : memref<64x128xf32, #tpu.memory_space<vmem>>) offsets(%dma_start3A_493 : memref<64xi32, #tpu.memory_space<vmem>>) semaphore(%arg21 : memref<!tpu.dma_semaphore, #tpu.memory_space<semaphore_mem>>)
                } else {
                }
              } else {
              }
            }
            %while3A_396 = arith.constant 1 : i32
            scf.for %while3A_412 = %while3A_394 to %while3A_390 step %while3A_396  : i32 {
              %mul3A_413 = arith.muli %while3A_412, %while3A_386 : i32
              %add3A_414 = arith.addi %while3A_387, %mul3A_413 : i32
              %mul3A_415 = arith.constant 3 : i32
              %mul3A_416 = arith.muli %mul3A_415, %add3A_414 : i32
              %add3A_417 = arith.constant 0 : i32
              %add3A_418 = arith.addi %mul3A_416, %add3A_417 : i32
              %lt3A_419 = arith.cmpi slt, %add3A_418, %select_n3A_341 : i32
              %convert_element_type3A_420 = arith.extui %lt3A_419 : i1 to i32
              %cond3A_421 = arith.constant 0 : i32
              %cond3A_422 = arith.cmpi ne, %convert_element_type3A_420, %cond3A_421 : i32
              scf.if %cond3A_422 {
                %dma_wait3A_439 = arith.constant 0 : i32
                %dma_wait3A_440 = arith.constant 0 : i32
                %dma_wait3A_441 = tpu.memref_slice %arg2[%dma_wait3A_439, %dma_wait3A_440] : memref<552960x128xf32, #tpu.memory_space<hbm>> -> memref<64x128xf32, #tpu.memory_space<hbm>>
                %dma_wait3A_442 = arith.constant 0 : i32
                %dma_wait3A_443 = arith.constant 0 : i32
                %dma_wait3A_444 = tpu.memref_slice %arg2[%dma_wait3A_442, %dma_wait3A_443] : memref<552960x128xf32, #tpu.memory_space<hbm>> -> memref<64x128xf32, #tpu.memory_space<hbm>>
                tpu.wait_dma2 semaphore(%arg20 : memref<!tpu.dma_semaphore, #tpu.memory_space<semaphore_mem>>) src(%dma_wait3A_444 : memref<64x128xf32, #tpu.memory_space<hbm>>) dst(%arg13 : memref<64x128xf32, #tpu.memory_space<vmem>>)
                %mul3A_445 = arith.constant 64 : i32
                %mul3A_446 = arith.muli %add3A_418, %mul3A_445 : i32
                %add3A_447 = arith.constant 0 : i32
                %add3A_448 = arith.addi %mul3A_446, %add3A_447 : i32
                %get3A = arith.index_cast %add3A_448 : i32 to index
                %get3A_449 = tpu.vector_load %arg9[%get3A] {strides = array<i32>} : memref<9392xi32, #tpu.memory_space<vmem>>, vector<16xi32>,
                %swap3A = arith.constant 0 : index
                %swap3A_450 = tpu.vector_load %arg10[%swap3A] {strides = array<i32>} : memref<64xi32, #tpu.memory_space<vmem>>, vector<16xi32>,
                tpu.vector_store %arg10[%swap3A], %get3A_449 {strides = array<i32>} : memref<64xi32, #tpu.memory_space<vmem>>, vector<16xi32>,
                %mul3A_451 = arith.constant 64 : i32
                %mul3A_452 = arith.muli %add3A_418, %mul3A_451 : i32
                %add3A_453 = arith.constant 16 : i32
                %add3A_454 = arith.addi %mul3A_452, %add3A_453 : i32
                %get3A_455 = arith.index_cast %add3A_454 : i32 to index
                %get3A_456 = tpu.vector_load %arg9[%get3A_455] {strides = array<i32>} : memref<9392xi32, #tpu.memory_space<vmem>>, vector<16xi32>,
                %swap3A_457 = arith.constant 16 : index
                %swap3A_458 = tpu.vector_load %arg10[%swap3A_457] {strides = array<i32>} : memref<64xi32, #tpu.memory_space<vmem>>, vector<16xi32>,
                tpu.vector_store %arg10[%swap3A_457], %get3A_456 {strides = array<i32>} : memref<64xi32, #tpu.memory_space<vmem>>, vector<16xi32>,
                %mul3A_459 = arith.constant 64 : i32
                %mul3A_460 = arith.muli %add3A_418, %mul3A_459 : i32
                %add3A_461 = arith.constant 32 : i32
                %add3A_462 = arith.addi %mul3A_460, %add3A_461 : i32
                %get3A_463 = arith.index_cast %add3A_462 : i32 to index
                %get3A_464 = tpu.vector_load %arg9[%get3A_463] {strides = array<i32>} : memref<9392xi32, #tpu.memory_space<vmem>>, vector<16xi32>,
                %swap3A_465 = arith.constant 32 : index
                %swap3A_466 = tpu.vector_load %arg10[%swap3A_465] {strides = array<i32>} : memref<64xi32, #tpu.memory_space<vmem>>, vector<16xi32>,
                tpu.vector_store %arg10[%swap3A_465], %get3A_464 {strides = array<i32>} : memref<64xi32, #tpu.memory_space<vmem>>, vector<16xi32>,
                %mul3A_467 = arith.constant 64 : i32
                %mul3A_468 = arith.muli %add3A_418, %mul3A_467 : i32
                %add3A_469 = arith.constant 48 : i32
                %add3A_470 = arith.addi %mul3A_468, %add3A_469 : i32
                %get3A_471 = arith.index_cast %add3A_470 : i32 to index
                %get3A_472 = tpu.vector_load %arg9[%get3A_471] {strides = array<i32>} : memref<9392xi32, #tpu.memory_space<vmem>>, vector<16xi32>,
                %swap3A_473 = arith.constant 48 : index
                %swap3A_474 = tpu.vector_load %arg10[%swap3A_473] {strides = array<i32>} : memref<64xi32, #tpu.memory_space<vmem>>, vector<16xi32>,
                tpu.vector_store %arg10[%swap3A_473], %get3A_472 {strides = array<i32>} : memref<64xi32, #tpu.memory_space<vmem>>, vector<16xi32>,
                %dma_start3A_475 = arith.constant 0 : i32
                %dma_start3A_476 = arith.constant 0 : i32
                %dma_start3A_477 = tpu.memref_slice %arg17[%dma_start3A_475, %dma_start3A_476] : memref<10248x128xf32, #tpu.memory_space<vmem_shared>> -> memref<10248x128xf32, #tpu.memory_space<vmem_shared>>
                tpu.enqueue_indirect_dma source(%arg13 : memref<64x128xf32, #tpu.memory_space<vmem>>) target(%dma_start3A_477 : memref<10248x128xf32, #tpu.memory_space<vmem_shared>>) offsets(%arg10 : memref<64xi32, #tpu.memory_space<vmem>>) semaphore(%arg23 : memref<!tpu.dma_semaphore, #tpu.memory_space<semaphore_mem>>) {add = true}
                %add3A_478 = arith.constant 2 : i32
                %add3A_479 = arith.addi %add3A_418, %add3A_478 : i32
                %lt3A_480 = arith.cmpi slt, %add3A_479, %select_n3A_341 : i32
                %convert_element_type3A_481 = arith.extui %lt3A_480 : i1 to i32
                %cond3A_482 = arith.constant 0 : i32
                %cond3A_483 = arith.cmpi ne, %convert_element_type3A_481, %cond3A_482 : i32
                scf.if %cond3A_483 {
                  %ge3A_484 = arith.constant 1 : i32
                  %ge3A_485 = arith.cmpi sge, %add3A_418, %ge3A_484 : i32
                  %convert_element_type3A_486 = arith.extui %ge3A_485 : i1 to i32
                  %cond3A_487 = arith.constant 0 : i32
                  %cond3A_488 = arith.cmpi ne, %convert_element_type3A_486, %cond3A_487 : i32
                  scf.if %cond3A_488 {
                    %dma_wait3A_497 = arith.constant 0 : i32
                    %dma_wait3A_498 = arith.constant 0 : i32
                    %dma_wait3A_499 = tpu.memref_slice %arg17[%dma_wait3A_497, %dma_wait3A_498] : memref<10248x128xf32, #tpu.memory_space<vmem_shared>> -> memref<64x128xf32, #tpu.memory_space<vmem_shared>>
                    %dma_wait3A_500 = arith.constant 0 : i32
                    %dma_wait3A_501 = arith.constant 0 : i32
                    %dma_wait3A_502 = tpu.memref_slice %arg17[%dma_wait3A_500, %dma_wait3A_501] : memref<10248x128xf32, #tpu.memory_space<vmem_shared>> -> memref<64x128xf32, #tpu.memory_space<vmem_shared>>
                    tpu.wait_dma2 semaphore(%arg25 : memref<!tpu.dma_semaphore, #tpu.memory_space<semaphore_mem>>) src(%arg15 : memref<64x128xf32, #tpu.memory_space<vmem>>) dst(%dma_wait3A_502 : memref<64x128xf32, #tpu.memory_space<vmem_shared>>)
                  } else {
                  }
                  %add3A_489 = arith.constant 2 : i32
                  %add3A_490 = arith.addi %add3A_418, %add3A_489 : i32
                  %mul3A_491 = arith.constant 64 : i32
                  %mul3A_492 = arith.muli %add3A_490, %mul3A_491 : i32
                  %dma_start3A_493 = tpu.memref_slice %arg8[%mul3A_492] : memref<9392xi32, #tpu.memory_space<vmem>> -> memref<64xi32, #tpu.memory_space<vmem>>
                  %dma_start3A_494 = arith.constant 0 : i32
                  %dma_start3A_495 = arith.constant 0 : i32
                  %dma_start3A_496 = tpu.memref_slice %arg2[%dma_start3A_494, %dma_start3A_495] : memref<552960x128xf32, #tpu.memory_space<hbm>> -> memref<552960x128xf32, #tpu.memory_space<hbm>>
                  tpu.enqueue_indirect_dma source(%dma_start3A_496 : memref<552960x128xf32, #tpu.memory_space<hbm>>) target(%arg15 : memref<64x128xf32, #tpu.memory_space<vmem>>) offsets(%dma_start3A_493 : memref<64xi32, #tpu.memory_space<vmem>>) semaphore(%arg22 : memref<!tpu.dma_semaphore, #tpu.memory_space<semaphore_mem>>)
                } else {
                }
              } else {
              }
              %mul3A_423 = arith.constant 3 : i32
              %mul3A_424 = arith.muli %mul3A_423, %add3A_414 : i32
              %add3A_425 = arith.constant 1 : i32
              %add3A_426 = arith.addi %mul3A_424, %add3A_425 : i32
              %lt3A_427 = arith.cmpi slt, %add3A_426, %select_n3A_341 : i32
              %convert_element_type3A_428 = arith.extui %lt3A_427 : i1 to i32
              %cond3A_429 = arith.constant 0 : i32
              %cond3A_430 = arith.cmpi ne, %convert_element_type3A_428, %cond3A_429 : i32
              scf.if %cond3A_430 {
                %dma_wait3A_439 = arith.constant 0 : i32
                %dma_wait3A_440 = arith.constant 0 : i32
                %dma_wait3A_441 = tpu.memref_slice %arg2[%dma_wait3A_439, %dma_wait3A_440] : memref<552960x128xf32, #tpu.memory_space<hbm>> -> memref<64x128xf32, #tpu.memory_space<hbm>>
                %dma_wait3A_442 = arith.constant 0 : i32
                %dma_wait3A_443 = arith.constant 0 : i32
                %dma_wait3A_444 = tpu.memref_slice %arg2[%dma_wait3A_442, %dma_wait3A_443] : memref<552960x128xf32, #tpu.memory_space<hbm>> -> memref<64x128xf32, #tpu.memory_space<hbm>>
                tpu.wait_dma2 semaphore(%arg21 : memref<!tpu.dma_semaphore, #tpu.memory_space<semaphore_mem>>) src(%dma_wait3A_444 : memref<64x128xf32, #tpu.memory_space<hbm>>) dst(%arg14 : memref<64x128xf32, #tpu.memory_space<vmem>>)
                %mul3A_445 = arith.constant 64 : i32
                %mul3A_446 = arith.muli %add3A_426, %mul3A_445 : i32
                %add3A_447 = arith.constant 0 : i32
                %add3A_448 = arith.addi %mul3A_446, %add3A_447 : i32
                %get3A = arith.index_cast %add3A_448 : i32 to index
                %get3A_449 = tpu.vector_load %arg9[%get3A] {strides = array<i32>} : memref<9392xi32, #tpu.memory_space<vmem>>, vector<16xi32>,
                %swap3A = arith.constant 0 : index
                %swap3A_450 = tpu.vector_load %arg11[%swap3A] {strides = array<i32>} : memref<64xi32, #tpu.memory_space<vmem>>, vector<16xi32>,
                tpu.vector_store %arg11[%swap3A], %get3A_449 {strides = array<i32>} : memref<64xi32, #tpu.memory_space<vmem>>, vector<16xi32>,
                %mul3A_451 = arith.constant 64 : i32
                %mul3A_452 = arith.muli %add3A_426, %mul3A_451 : i32
                %add3A_453 = arith.constant 16 : i32
                %add3A_454 = arith.addi %mul3A_452, %add3A_453 : i32
                %get3A_455 = arith.index_cast %add3A_454 : i32 to index
                %get3A_456 = tpu.vector_load %arg9[%get3A_455] {strides = array<i32>} : memref<9392xi32, #tpu.memory_space<vmem>>, vector<16xi32>,
                %swap3A_457 = arith.constant 16 : index
                %swap3A_458 = tpu.vector_load %arg11[%swap3A_457] {strides = array<i32>} : memref<64xi32, #tpu.memory_space<vmem>>, vector<16xi32>,
                tpu.vector_store %arg11[%swap3A_457], %get3A_456 {strides = array<i32>} : memref<64xi32, #tpu.memory_space<vmem>>, vector<16xi32>,
                %mul3A_459 = arith.constant 64 : i32
                %mul3A_460 = arith.muli %add3A_426, %mul3A_459 : i32
                %add3A_461 = arith.constant 32 : i32
                %add3A_462 = arith.addi %mul3A_460, %add3A_461 : i32
                %get3A_463 = arith.index_cast %add3A_462 : i32 to index
                %get3A_464 = tpu.vector_load %arg9[%get3A_463] {strides = array<i32>} : memref<9392xi32, #tpu.memory_space<vmem>>, vector<16xi32>,
                %swap3A_465 = arith.constant 32 : index
                %swap3A_466 = tpu.vector_load %arg11[%swap3A_465] {strides = array<i32>} : memref<64xi32, #tpu.memory_space<vmem>>, vector<16xi32>,
                tpu.vector_store %arg11[%swap3A_465], %get3A_464 {strides = array<i32>} : memref<64xi32, #tpu.memory_space<vmem>>, vector<16xi32>,
                %mul3A_467 = arith.constant 64 : i32
                %mul3A_468 = arith.muli %add3A_426, %mul3A_467 : i32
                %add3A_469 = arith.constant 48 : i32
                %add3A_470 = arith.addi %mul3A_468, %add3A_469 : i32
                %get3A_471 = arith.index_cast %add3A_470 : i32 to index
                %get3A_472 = tpu.vector_load %arg9[%get3A_471] {strides = array<i32>} : memref<9392xi32, #tpu.memory_space<vmem>>, vector<16xi32>,
                %swap3A_473 = arith.constant 48 : index
                %swap3A_474 = tpu.vector_load %arg11[%swap3A_473] {strides = array<i32>} : memref<64xi32, #tpu.memory_space<vmem>>, vector<16xi32>,
                tpu.vector_store %arg11[%swap3A_473], %get3A_472 {strides = array<i32>} : memref<64xi32, #tpu.memory_space<vmem>>, vector<16xi32>,
                %dma_start3A_475 = arith.constant 0 : i32
                %dma_start3A_476 = arith.constant 0 : i32
                %dma_start3A_477 = tpu.memref_slice %arg17[%dma_start3A_475, %dma_start3A_476] : memref<10248x128xf32, #tpu.memory_space<vmem_shared>> -> memref<10248x128xf32, #tpu.memory_space<vmem_shared>>
                tpu.enqueue_indirect_dma source(%arg14 : memref<64x128xf32, #tpu.memory_space<vmem>>) target(%dma_start3A_477 : memref<10248x128xf32, #tpu.memory_space<vmem_shared>>) offsets(%arg11 : memref<64xi32, #tpu.memory_space<vmem>>) semaphore(%arg24 : memref<!tpu.dma_semaphore, #tpu.memory_space<semaphore_mem>>) {add = true}
                %add3A_478 = arith.constant 2 : i32
                %add3A_479 = arith.addi %add3A_426, %add3A_478 : i32
                %lt3A_480 = arith.cmpi slt, %add3A_479, %select_n3A_341 : i32
                %convert_element_type3A_481 = arith.extui %lt3A_480 : i1 to i32
                %cond3A_482 = arith.constant 0 : i32
                %cond3A_483 = arith.cmpi ne, %convert_element_type3A_481, %cond3A_482 : i32
                scf.if %cond3A_483 {
                  %ge3A_484 = arith.constant 1 : i32
                  %ge3A_485 = arith.cmpi sge, %add3A_426, %ge3A_484 : i32
                  %convert_element_type3A_486 = arith.extui %ge3A_485 : i1 to i32
                  %cond3A_487 = arith.constant 0 : i32
                  %cond3A_488 = arith.cmpi ne, %convert_element_type3A_486, %cond3A_487 : i32
                  scf.if %cond3A_488 {
                    %dma_wait3A_497 = arith.constant 0 : i32
                    %dma_wait3A_498 = arith.constant 0 : i32
                    %dma_wait3A_499 = tpu.memref_slice %arg17[%dma_wait3A_497, %dma_wait3A_498] : memref<10248x128xf32, #tpu.memory_space<vmem_shared>> -> memref<64x128xf32, #tpu.memory_space<vmem_shared>>
                    %dma_wait3A_500 = arith.constant 0 : i32
                    %dma_wait3A_501 = arith.constant 0 : i32
                    %dma_wait3A_502 = tpu.memref_slice %arg17[%dma_wait3A_500, %dma_wait3A_501] : memref<10248x128xf32, #tpu.memory_space<vmem_shared>> -> memref<64x128xf32, #tpu.memory_space<vmem_shared>>
                    tpu.wait_dma2 semaphore(%arg23 : memref<!tpu.dma_semaphore, #tpu.memory_space<semaphore_mem>>) src(%arg13 : memref<64x128xf32, #tpu.memory_space<vmem>>) dst(%dma_wait3A_502 : memref<64x128xf32, #tpu.memory_space<vmem_shared>>)
                  } else {
                  }
                  %add3A_489 = arith.constant 2 : i32
                  %add3A_490 = arith.addi %add3A_426, %add3A_489 : i32
                  %mul3A_491 = arith.constant 64 : i32
                  %mul3A_492 = arith.muli %add3A_490, %mul3A_491 : i32
                  %dma_start3A_493 = tpu.memref_slice %arg8[%mul3A_492] : memref<9392xi32, #tpu.memory_space<vmem>> -> memref<64xi32, #tpu.memory_space<vmem>>
                  %dma_start3A_494 = arith.constant 0 : i32
                  %dma_start3A_495 = arith.constant 0 : i32
                  %dma_start3A_496 = tpu.memref_slice %arg2[%dma_start3A_494, %dma_start3A_495] : memref<552960x128xf32, #tpu.memory_space<hbm>> -> memref<552960x128xf32, #tpu.memory_space<hbm>>
                  tpu.enqueue_indirect_dma source(%dma_start3A_496 : memref<552960x128xf32, #tpu.memory_space<hbm>>) target(%arg13 : memref<64x128xf32, #tpu.memory_space<vmem>>) offsets(%dma_start3A_493 : memref<64xi32, #tpu.memory_space<vmem>>) semaphore(%arg20 : memref<!tpu.dma_semaphore, #tpu.memory_space<semaphore_mem>>)
                } else {
                }
              } else {
              }
              %mul3A_431 = arith.constant 3 : i32
              %mul3A_432 = arith.muli %mul3A_431, %add3A_414 : i32
              %add3A_433 = arith.constant 2 : i32
              %add3A_434 = arith.addi %mul3A_432, %add3A_433 : i32
              %lt3A_435 = arith.cmpi slt, %add3A_434, %select_n3A_341 : i32
              %convert_element_type3A_436 = arith.extui %lt3A_435 : i1 to i32
              %cond3A_437 = arith.constant 0 : i32
              %cond3A_438 = arith.cmpi ne, %convert_element_type3A_436, %cond3A_437 : i32
              scf.if %cond3A_438 {
                %dma_wait3A_439 = arith.constant 0 : i32
                %dma_wait3A_440 = arith.constant 0 : i32
                %dma_wait3A_441 = tpu.memref_slice %arg2[%dma_wait3A_439, %dma_wait3A_440] : memref<552960x128xf32, #tpu.memory_space<hbm>> -> memref<64x128xf32, #tpu.memory_space<hbm>>
                %dma_wait3A_442 = arith.constant 0 : i32
                %dma_wait3A_443 = arith.constant 0 : i32
                %dma_wait3A_444 = tpu.memref_slice %arg2[%dma_wait3A_442, %dma_wait3A_443] : memref<552960x128xf32, #tpu.memory_space<hbm>> -> memref<64x128xf32, #tpu.memory_space<hbm>>
                tpu.wait_dma2 semaphore(%arg22 : memref<!tpu.dma_semaphore, #tpu.memory_space<semaphore_mem>>) src(%dma_wait3A_444 : memref<64x128xf32, #tpu.memory_space<hbm>>) dst(%arg15 : memref<64x128xf32, #tpu.memory_space<vmem>>)
                %mul3A_445 = arith.constant 64 : i32
                %mul3A_446 = arith.muli %add3A_434, %mul3A_445 : i32
                %add3A_447 = arith.constant 0 : i32
                %add3A_448 = arith.addi %mul3A_446, %add3A_447 : i32
                %get3A = arith.index_cast %add3A_448 : i32 to index
                %get3A_449 = tpu.vector_load %arg9[%get3A] {strides = array<i32>} : memref<9392xi32, #tpu.memory_space<vmem>>, vector<16xi32>,
                %swap3A = arith.constant 0 : index
                %swap3A_450 = tpu.vector_load %arg12[%swap3A] {strides = array<i32>} : memref<64xi32, #tpu.memory_space<vmem>>, vector<16xi32>,
                tpu.vector_store %arg12[%swap3A], %get3A_449 {strides = array<i32>} : memref<64xi32, #tpu.memory_space<vmem>>, vector<16xi32>,
                %mul3A_451 = arith.constant 64 : i32
                %mul3A_452 = arith.muli %add3A_434, %mul3A_451 : i32
                %add3A_453 = arith.constant 16 : i32
                %add3A_454 = arith.addi %mul3A_452, %add3A_453 : i32
                %get3A_455 = arith.index_cast %add3A_454 : i32 to index
                %get3A_456 = tpu.vector_load %arg9[%get3A_455] {strides = array<i32>} : memref<9392xi32, #tpu.memory_space<vmem>>, vector<16xi32>,
                %swap3A_457 = arith.constant 16 : index
                %swap3A_458 = tpu.vector_load %arg12[%swap3A_457] {strides = array<i32>} : memref<64xi32, #tpu.memory_space<vmem>>, vector<16xi32>,
                tpu.vector_store %arg12[%swap3A_457], %get3A_456 {strides = array<i32>} : memref<64xi32, #tpu.memory_space<vmem>>, vector<16xi32>,
                %mul3A_459 = arith.constant 64 : i32
                %mul3A_460 = arith.muli %add3A_434, %mul3A_459 : i32
                %add3A_461 = arith.constant 32 : i32
                %add3A_462 = arith.addi %mul3A_460, %add3A_461 : i32
                %get3A_463 = arith.index_cast %add3A_462 : i32 to index
                %get3A_464 = tpu.vector_load %arg9[%get3A_463] {strides = array<i32>} : memref<9392xi32, #tpu.memory_space<vmem>>, vector<16xi32>,
                %swap3A_465 = arith.constant 32 : index
                %swap3A_466 = tpu.vector_load %arg12[%swap3A_465] {strides = array<i32>} : memref<64xi32, #tpu.memory_space<vmem>>, vector<16xi32>,
                tpu.vector_store %arg12[%swap3A_465], %get3A_464 {strides = array<i32>} : memref<64xi32, #tpu.memory_space<vmem>>, vector<16xi32>,
                %mul3A_467 = arith.constant 64 : i32
                %mul3A_468 = arith.muli %add3A_434, %mul3A_467 : i32
                %add3A_469 = arith.constant 48 : i32
                %add3A_470 = arith.addi %mul3A_468, %add3A_469 : i32
                %get3A_471 = arith.index_cast %add3A_470 : i32 to index
                %get3A_472 = tpu.vector_load %arg9[%get3A_471] {strides = array<i32>} : memref<9392xi32, #tpu.memory_space<vmem>>, vector<16xi32>,
                %swap3A_473 = arith.constant 48 : index
                %swap3A_474 = tpu.vector_load %arg12[%swap3A_473] {strides = array<i32>} : memref<64xi32, #tpu.memory_space<vmem>>, vector<16xi32>,
                tpu.vector_store %arg12[%swap3A_473], %get3A_472 {strides = array<i32>} : memref<64xi32, #tpu.memory_space<vmem>>, vector<16xi32>,
                %dma_start3A_475 = arith.constant 0 : i32
                %dma_start3A_476 = arith.constant 0 : i32
                %dma_start3A_477 = tpu.memref_slice %arg17[%dma_start3A_475, %dma_start3A_476] : memref<10248x128xf32, #tpu.memory_space<vmem_shared>> -> memref<10248x128xf32, #tpu.memory_space<vmem_shared>>
                tpu.enqueue_indirect_dma source(%arg15 : memref<64x128xf32, #tpu.memory_space<vmem>>) target(%dma_start3A_477 : memref<10248x128xf32, #tpu.memory_space<vmem_shared>>) offsets(%arg12 : memref<64xi32, #tpu.memory_space<vmem>>) semaphore(%arg25 : memref<!tpu.dma_semaphore, #tpu.memory_space<semaphore_mem>>) {add = true}
                %add3A_478 = arith.constant 2 : i32
                %add3A_479 = arith.addi %add3A_434, %add3A_478 : i32
                %lt3A_480 = arith.cmpi slt, %add3A_479, %select_n3A_341 : i32
                %convert_element_type3A_481 = arith.extui %lt3A_480 : i1 to i32
                %cond3A_482 = arith.constant 0 : i32
                %cond3A_483 = arith.cmpi ne, %convert_element_type3A_481, %cond3A_482 : i32
                scf.if %cond3A_483 {
                  %ge3A_484 = arith.constant 1 : i32
                  %ge3A_485 = arith.cmpi sge, %add3A_434, %ge3A_484 : i32
                  %convert_element_type3A_486 = arith.extui %ge3A_485 : i1 to i32
                  %cond3A_487 = arith.constant 0 : i32
                  %cond3A_488 = arith.cmpi ne, %convert_element_type3A_486, %cond3A_487 : i32
                  scf.if %cond3A_488 {
                    %dma_wait3A_497 = arith.constant 0 : i32
                    %dma_wait3A_498 = arith.constant 0 : i32
                    %dma_wait3A_499 = tpu.memref_slice %arg17[%dma_wait3A_497, %dma_wait3A_498] : memref<10248x128xf32, #tpu.memory_space<vmem_shared>> -> memref<64x128xf32, #tpu.memory_space<vmem_shared>>
                    %dma_wait3A_500 = arith.constant 0 : i32
                    %dma_wait3A_501 = arith.constant 0 : i32
                    %dma_wait3A_502 = tpu.memref_slice %arg17[%dma_wait3A_500, %dma_wait3A_501] : memref<10248x128xf32, #tpu.memory_space<vmem_shared>> -> memref<64x128xf32, #tpu.memory_space<vmem_shared>>
                    tpu.wait_dma2 semaphore(%arg24 : memref<!tpu.dma_semaphore, #tpu.memory_space<semaphore_mem>>) src(%arg14 : memref<64x128xf32, #tpu.memory_space<vmem>>) dst(%dma_wait3A_502 : memref<64x128xf32, #tpu.memory_space<vmem_shared>>)
                  } else {
                  }
                  %add3A_489 = arith.constant 2 : i32
                  %add3A_490 = arith.addi %add3A_434, %add3A_489 : i32
                  %mul3A_491 = arith.constant 64 : i32
                  %mul3A_492 = arith.muli %add3A_490, %mul3A_491 : i32
                  %dma_start3A_493 = tpu.memref_slice %arg8[%mul3A_492] : memref<9392xi32, #tpu.memory_space<vmem>> -> memref<64xi32, #tpu.memory_space<vmem>>
                  %dma_start3A_494 = arith.constant 0 : i32
                  %dma_start3A_495 = arith.constant 0 : i32
                  %dma_start3A_496 = tpu.memref_slice %arg2[%dma_start3A_494, %dma_start3A_495] : memref<552960x128xf32, #tpu.memory_space<hbm>> -> memref<552960x128xf32, #tpu.memory_space<hbm>>
                  tpu.enqueue_indirect_dma source(%dma_start3A_496 : memref<552960x128xf32, #tpu.memory_space<hbm>>) target(%arg14 : memref<64x128xf32, #tpu.memory_space<vmem>>) offsets(%dma_start3A_493 : memref<64xi32, #tpu.memory_space<vmem>>) semaphore(%arg21 : memref<!tpu.dma_semaphore, #tpu.memory_space<semaphore_mem>>)
                } else {
                }
              } else {
              }
            }
            %gt3A_397 = arith.constant 0 : i32
            %gt3A_398 = arith.cmpi sgt, %select_n3A_341, %gt3A_397 : i32
            %convert_element_type3A_399 = arith.extui %gt3A_398 : i1 to i32
            %cond3A_400 = arith.constant 0 : i32
            %cond3A_401 = arith.cmpi ne, %convert_element_type3A_399, %cond3A_400 : i32
            scf.if %cond3A_401 {
              %dma_wait3A_412 = arith.constant 0 : i32
              %dma_wait3A_413 = arith.constant 0 : i32
              %dma_wait3A_414 = tpu.memref_slice %arg17[%dma_wait3A_412, %dma_wait3A_413] : memref<10248x128xf32, #tpu.memory_space<vmem_shared>> -> memref<64x128xf32, #tpu.memory_space<vmem_shared>>
              %dma_wait3A_415 = arith.constant 0 : i32
              %dma_wait3A_416 = arith.constant 0 : i32
              %dma_wait3A_417 = tpu.memref_slice %arg17[%dma_wait3A_415, %dma_wait3A_416] : memref<10248x128xf32, #tpu.memory_space<vmem_shared>> -> memref<64x128xf32, #tpu.memory_space<vmem_shared>>
              tpu.wait_dma2 semaphore(%arg23 : memref<!tpu.dma_semaphore, #tpu.memory_space<semaphore_mem>>) src(%arg13 : memref<64x128xf32, #tpu.memory_space<vmem>>) dst(%dma_wait3A_417 : memref<64x128xf32, #tpu.memory_space<vmem_shared>>)
            } else {
            }
            %gt3A_402 = arith.constant 1 : i32
            %gt3A_403 = arith.cmpi sgt, %select_n3A_341, %gt3A_402 : i32
            %convert_element_type3A_404 = arith.extui %gt3A_403 : i1 to i32
            %cond3A_405 = arith.constant 0 : i32
            %cond3A_406 = arith.cmpi ne, %convert_element_type3A_404, %cond3A_405 : i32
            scf.if %cond3A_406 {
              %dma_wait3A_412 = arith.constant 0 : i32
              %dma_wait3A_413 = arith.constant 0 : i32
              %dma_wait3A_414 = tpu.memref_slice %arg17[%dma_wait3A_412, %dma_wait3A_413] : memref<10248x128xf32, #tpu.memory_space<vmem_shared>> -> memref<64x128xf32, #tpu.memory_space<vmem_shared>>
              %dma_wait3A_415 = arith.constant 0 : i32
              %dma_wait3A_416 = arith.constant 0 : i32
              %dma_wait3A_417 = tpu.memref_slice %arg17[%dma_wait3A_415, %dma_wait3A_416] : memref<10248x128xf32, #tpu.memory_space<vmem_shared>> -> memref<64x128xf32, #tpu.memory_space<vmem_shared>>
              tpu.wait_dma2 semaphore(%arg24 : memref<!tpu.dma_semaphore, #tpu.memory_space<semaphore_mem>>) src(%arg14 : memref<64x128xf32, #tpu.memory_space<vmem>>) dst(%dma_wait3A_417 : memref<64x128xf32, #tpu.memory_space<vmem_shared>>)
            } else {
            }
            %gt3A_407 = arith.constant 2 : i32
            %gt3A_408 = arith.cmpi sgt, %select_n3A_341, %gt3A_407 : i32
            %convert_element_type3A_409 = arith.extui %gt3A_408 : i1 to i32
            %cond3A_410 = arith.constant 0 : i32
            %cond3A_411 = arith.cmpi ne, %convert_element_type3A_409, %cond3A_410 : i32
            scf.if %cond3A_411 {
              %dma_wait3A_412 = arith.constant 0 : i32
              %dma_wait3A_413 = arith.constant 0 : i32
              %dma_wait3A_414 = tpu.memref_slice %arg17[%dma_wait3A_412, %dma_wait3A_413] : memref<10248x128xf32, #tpu.memory_space<vmem_shared>> -> memref<64x128xf32, #tpu.memory_space<vmem_shared>>
              %dma_wait3A_415 = arith.constant 0 : i32
              %dma_wait3A_416 = arith.constant 0 : i32
              %dma_wait3A_417 = tpu.memref_slice %arg17[%dma_wait3A_415, %dma_wait3A_416] : memref<10248x128xf32, #tpu.memory_space<vmem_shared>> -> memref<64x128xf32, #tpu.memory_space<vmem_shared>>
              tpu.wait_dma2 semaphore(%arg25 : memref<!tpu.dma_semaphore, #tpu.memory_space<semaphore_mem>>) src(%arg15 : memref<64x128xf32, #tpu.memory_space<vmem>>) dst(%dma_wait3A_417 : memref<64x128xf32, #tpu.memory_space<vmem_shared>>)
            } else {
            }
          } else {
          }
          %ge3A_280 = arith.constant 7168 : i32
          %ge3A_281 = arith.cmpi sge, %reduce_max3A_274, %ge3A_280 : i32
          %broadcast_in_dim3A_282 = vector.broadcast %ge3A_281 : i1 to vector<16xi1>
          %broadcast_in_dim3A_283 = arith.constant 0 : i32
          %broadcast_in_dim3A_284 = vector.broadcast %broadcast_in_dim3A_283 : i32 to vector<16xi32>
          %select_n3A_285 = arith.select %broadcast_in_dim3A_282, %broadcast_in_dim3A_284, %scan3A_265 : vector<16xi1>, vector<16xi32>
          scf.yield %select_n3A_285 : vector<16xi32>
        }
        %scan3A_74 = arith.constant 8 : i32
        %reduce_max3A = arith.constant true
        %reduce_max3A_75 = vector.broadcast %reduce_max3A : i1 to vector<16xi1>
        %reduce_max3A_76 = arith.constant -2147483648 : i32
        %reduce_max3A_77 = vector.broadcast %reduce_max3A_76 : i32 to vector<16xi32>
        %reduce_max3A_78 = arith.xori %scan3A_73, %reduce_max3A_77 : vector<16xi32>
        %reduce_max3A_79 = tpu.scan <max>, %reduce_max3A_78 masked %reduce_max3A_75 : vector<16xi32>, vector<16xi1> -> vector<16xi32>
        %reduce_max3A_80 = arith.xori %reduce_max3A_79, %reduce_max3A_77 : vector<16xi32>
        %reduce_max3A_81 = vector.extract %reduce_max3A_80[15] : i32 from vector<16xi32>
        %add3A_82 = arith.constant 0 : i32
        %add3A_83 = arith.addi %reduce_max3A_81, %add3A_82 : i32
        %add3A_84 = vector.broadcast %add3A_83 : i32 to vector<16xi32>
        %add3A_85 = arith.addi %add3A_84, %iota3A : vector<16xi32>
        %broadcast_in_dim3A_86 = arith.constant 0 : i32
        %broadcast_in_dim3A_87 = vector.broadcast %broadcast_in_dim3A_86 : i32 to vector<16xi32>
        tpu.vector_store_idx %arg8[%add3A_85], %broadcast_in_dim3A_87 : memref<9392xi32, #tpu.memory_space<vmem>>[vector<16xi32>], vector<16xi32>,
        %broadcast_in_dim3A_88 = vector.broadcast %scan3A : i32 to vector<16xi32>
        tpu.vector_store_idx %arg9[%add3A_85], %broadcast_in_dim3A_88 : memref<9392xi32, #tpu.memory_space<vmem>>[vector<16xi32>], vector<16xi32>,
        %add3A_89 = arith.constant 16 : i32
        %add3A_90 = arith.addi %reduce_max3A_81, %add3A_89 : i32
        %add3A_91 = vector.broadcast %add3A_90 : i32 to vector<16xi32>
        %add3A_92 = arith.addi %add3A_91, %iota3A : vector<16xi32>
        %broadcast_in_dim3A_93 = arith.constant 0 : i32
        %broadcast_in_dim3A_94 = vector.broadcast %broadcast_in_dim3A_93 : i32 to vector<16xi32>
        tpu.vector_store_idx %arg8[%add3A_92], %broadcast_in_dim3A_94 : memref<9392xi32, #tpu.memory_space<vmem>>[vector<16xi32>], vector<16xi32>,
        %broadcast_in_dim3A_95 = vector.broadcast %scan3A : i32 to vector<16xi32>
        tpu.vector_store_idx %arg9[%add3A_92], %broadcast_in_dim3A_95 : memref<9392xi32, #tpu.memory_space<vmem>>[vector<16xi32>], vector<16xi32>,
        %add3A_96 = arith.constant 32 : i32
        %add3A_97 = arith.addi %reduce_max3A_81, %add3A_96 : i32
        %add3A_98 = vector.broadcast %add3A_97 : i32 to vector<16xi32>
        %add3A_99 = arith.addi %add3A_98, %iota3A : vector<16xi32>
        %broadcast_in_dim3A_100 = arith.constant 0 : i32
        %broadcast_in_dim3A_101 = vector.broadcast %broadcast_in_dim3A_100 : i32 to vector<16xi32>
        tpu.vector_store_idx %arg8[%add3A_99], %broadcast_in_dim3A_101 : memref<9392xi32, #tpu.memory_space<vmem>>[vector<16xi32>], vector<16xi32>,
        %broadcast_in_dim3A_102 = vector.broadcast %scan3A : i32 to vector<16xi32>
        tpu.vector_store_idx %arg9[%add3A_99], %broadcast_in_dim3A_102 : memref<9392xi32, #tpu.memory_space<vmem>>[vector<16xi32>], vector<16xi32>,
        %add3A_103 = arith.constant 48 : i32
        %add3A_104 = arith.addi %reduce_max3A_81, %add3A_103 : i32
        %add3A_105 = vector.broadcast %add3A_104 : i32 to vector<16xi32>
        %add3A_106 = arith.addi %add3A_105, %iota3A : vector<16xi32>
        %broadcast_in_dim3A_107 = arith.constant 0 : i32
        %broadcast_in_dim3A_108 = vector.broadcast %broadcast_in_dim3A_107 : i32 to vector<16xi32>
        tpu.vector_store_idx %arg8[%add3A_106], %broadcast_in_dim3A_108 : memref<9392xi32, #tpu.memory_space<vmem>>[vector<16xi32>], vector<16xi32>,
        %broadcast_in_dim3A_109 = vector.broadcast %scan3A : i32 to vector<16xi32>
        tpu.vector_store_idx %arg9[%add3A_106], %broadcast_in_dim3A_109 : memref<9392xi32, #tpu.memory_space<vmem>>[vector<16xi32>], vector<16xi32>,
        %add3A_110 = arith.constant 64 : i32
        %add3A_111 = arith.addi %reduce_max3A_81, %add3A_110 : i32
        %sub3A = arith.constant 1 : i32
        %sub3A_112 = arith.subi %add3A_111, %sub3A : i32
        %jit3A = arith.constant 64 : i32
        %div3A = arith.divsi %sub3A_112, %jit3A : i32
        %sign3A = arith.constant 0 : i32
        %sign3A_113 = arith.cmpi sgt, %sub3A_112, %sign3A : i32
        %sign3A_114 = arith.extui %sign3A_113 : i1 to i32
        %sign3A_115 = arith.constant 0 : i32
        %sign3A_116 = arith.cmpi slt, %sub3A_112, %sign3A_115 : i32
        %sign3A_117 = arith.extui %sign3A_116 : i1 to i32
        %sign3A_118 = arith.subi %sign3A_114, %sign3A_117 : i32
        %sign3A_119 = arith.constant 0 : i32
        %sign3A_120 = arith.cmpi sgt, %jit3A, %sign3A_119 : i32
        %sign3A_121 = arith.extui %sign3A_120 : i1 to i32
        %sign3A_122 = arith.constant 0 : i32
        %sign3A_123 = arith.cmpi slt, %jit3A, %sign3A_122 : i32
        %sign3A_124 = arith.extui %sign3A_123 : i1 to i32
        %sign3A_125 = arith.subi %sign3A_121, %sign3A_124 : i32
        %ne3A = arith.cmpi ne, %sign3A_118, %sign3A_125 : i32
        %rem3A = arith.remsi %sub3A_112, %jit3A : i32
        %ne3A_126 = arith.constant 0 : i32
        %ne3A_127 = arith.cmpi ne, %rem3A, %ne3A_126 : i32
        %and3A = arith.andi %ne3A, %ne3A_127 : i1
        %sub3A_128 = arith.constant 1 : i32
        %sub3A_129 = arith.subi %div3A, %sub3A_128 : i32
        %select_n3A = arith.select %and3A, %sub3A_129, %div3A : i32
        %gt3A = arith.constant 0 : i32
        %gt3A_130 = arith.cmpi sgt, %select_n3A, %gt3A : i32
        %convert_element_type3A_131 = arith.extui %gt3A_130 : i1 to i32
        %cond3A_132 = arith.constant 0 : i32
        %cond3A_133 = arith.cmpi ne, %convert_element_type3A_131, %cond3A_132 : i32
        scf.if %cond3A_133 {
          %dma_start3A_202 = arith.constant 0 : i32
          %dma_start3A_203 = tpu.memref_slice %arg8[%dma_start3A_202] : memref<9392xi32, #tpu.memory_space<vmem>> -> memref<64xi32, #tpu.memory_space<vmem>>
          %dma_start3A_204 = arith.constant 0 : i32
          %dma_start3A_205 = arith.constant 0 : i32
          %dma_start3A_206 = tpu.memref_slice %arg2[%dma_start3A_204, %dma_start3A_205] : memref<552960x128xf32, #tpu.memory_space<hbm>> -> memref<552960x128xf32, #tpu.memory_space<hbm>>
          tpu.enqueue_indirect_dma source(%dma_start3A_206 : memref<552960x128xf32, #tpu.memory_space<hbm>>) target(%arg13 : memref<64x128xf32, #tpu.memory_space<vmem>>) offsets(%dma_start3A_203 : memref<64xi32, #tpu.memory_space<vmem>>) semaphore(%arg20 : memref<!tpu.dma_semaphore, #tpu.memory_space<semaphore_mem>>)
        } else {
        }
        %gt3A_134 = arith.constant 1 : i32
        %gt3A_135 = arith.cmpi sgt, %select_n3A, %gt3A_134 : i32
        %convert_element_type3A_136 = arith.extui %gt3A_135 : i1 to i32
        %cond3A_137 = arith.constant 0 : i32
        %cond3A_138 = arith.cmpi ne, %convert_element_type3A_136, %cond3A_137 : i32
        scf.if %cond3A_138 {
          %dma_start3A_202 = arith.constant 64 : i32
          %dma_start3A_203 = tpu.memref_slice %arg8[%dma_start3A_202] : memref<9392xi32, #tpu.memory_space<vmem>> -> memref<64xi32, #tpu.memory_space<vmem>>
          %dma_start3A_204 = arith.constant 0 : i32
          %dma_start3A_205 = arith.constant 0 : i32
          %dma_start3A_206 = tpu.memref_slice %arg2[%dma_start3A_204, %dma_start3A_205] : memref<552960x128xf32, #tpu.memory_space<hbm>> -> memref<552960x128xf32, #tpu.memory_space<hbm>>
          tpu.enqueue_indirect_dma source(%dma_start3A_206 : memref<552960x128xf32, #tpu.memory_space<hbm>>) target(%arg14 : memref<64x128xf32, #tpu.memory_space<vmem>>) offsets(%dma_start3A_203 : memref<64xi32, #tpu.memory_space<vmem>>) semaphore(%arg21 : memref<!tpu.dma_semaphore, #tpu.memory_space<semaphore_mem>>)
        } else {
        }
        %add3A_139 = arith.constant 2 : i32
        %add3A_140 = arith.addi %select_n3A, %add3A_139 : i32
        %jit3A_141 = arith.constant 3 : i32
        %div3A_142 = arith.divsi %add3A_140, %jit3A_141 : i32
        %sign3A_143 = arith.constant 0 : i32
        %sign3A_144 = arith.cmpi sgt, %add3A_140, %sign3A_143 : i32
        %sign3A_145 = arith.extui %sign3A_144 : i1 to i32
        %sign3A_146 = arith.constant 0 : i32
        %sign3A_147 = arith.cmpi slt, %add3A_140, %sign3A_146 : i32
        %sign3A_148 = arith.extui %sign3A_147 : i1 to i32
        %sign3A_149 = arith.subi %sign3A_145, %sign3A_148 : i32
        %sign3A_150 = arith.constant 0 : i32
        %sign3A_151 = arith.cmpi sgt, %jit3A_141, %sign3A_150 : i32
        %sign3A_152 = arith.extui %sign3A_151 : i1 to i32
        %sign3A_153 = arith.constant 0 : i32
        %sign3A_154 = arith.cmpi slt, %jit3A_141, %sign3A_153 : i32
        %sign3A_155 = arith.extui %sign3A_154 : i1 to i32
        %sign3A_156 = arith.subi %sign3A_152, %sign3A_155 : i32
        %ne3A_157 = arith.cmpi ne, %sign3A_149, %sign3A_156 : i32
        %rem3A_158 = arith.remsi %add3A_140, %jit3A_141 : i32
        %ne3A_159 = arith.constant 0 : i32
        %ne3A_160 = arith.cmpi ne, %rem3A_158, %ne3A_159 : i32
        %and3A_161 = arith.andi %ne3A_157, %ne3A_160 : i1
        %sub3A_162 = arith.constant 1 : i32
        %sub3A_163 = arith.subi %div3A_142, %sub3A_162 : i32
        %select_n3A_164 = arith.select %and3A_161, %sub3A_163, %div3A_142 : i32
        %sub3A_165 = arith.constant 0 : i32
        %sub3A_166 = arith.subi %select_n3A_164, %sub3A_165 : i32
        %sub3A_167 = arith.constant 1 : i32
        %sub3A_168 = arith.constant 1 : i32
        %sub3A_169 = arith.subi %sub3A_167, %sub3A_168 : i32
        %add3A_170 = arith.addi %sub3A_166, %sub3A_169 : i32
        %div3A_171 = arith.constant 1 : i32
        %div3A_172 = arith.divsi %add3A_170, %div3A_171 : i32
        %while3A = arith.constant 1 : i32
        %while3A_173 = arith.constant 0 : i32
        %while3A_174 = arith.constant 0 : i32
        %while3A_175 = arith.subi %div3A_172, %while3A_174 : i32
        %while3A_176 = arith.addi %while3A_174, %while3A_175 : i32
        %while3A_177 = arith.constant 1 : i32
        %while3A_178 = arith.divsi %while3A_175, %while3A_177 : i32
        %while3A_179 = arith.muli %while3A_178, %while3A_177 : i32
        %while3A_180 = arith.addi %while3A_174, %while3A_179 : i32
        %while3A_181 = arith.constant 1 : i32
        scf.for %while3A_202 = %while3A_174 to %while3A_180 step %while3A_181  : i32 {
          %mul3A_203 = arith.muli %while3A_202, %while3A : i32
          %add3A_204 = arith.addi %while3A_173, %mul3A_203 : i32
          %mul3A_205 = arith.constant 3 : i32
          %mul3A_206 = arith.muli %mul3A_205, %add3A_204 : i32
          %add3A_207 = arith.constant 0 : i32
          %add3A_208 = arith.addi %mul3A_206, %add3A_207 : i32
          %lt3A_209 = arith.cmpi slt, %add3A_208, %select_n3A : i32
          %convert_element_type3A_210 = arith.extui %lt3A_209 : i1 to i32
          %cond3A_211 = arith.constant 0 : i32
          %cond3A_212 = arith.cmpi ne, %convert_element_type3A_210, %cond3A_211 : i32
          scf.if %cond3A_212 {
            %dma_wait3A = arith.constant 0 : i32
            %dma_wait3A_229 = arith.constant 0 : i32
            %dma_wait3A_230 = tpu.memref_slice %arg2[%dma_wait3A, %dma_wait3A_229] : memref<552960x128xf32, #tpu.memory_space<hbm>> -> memref<64x128xf32, #tpu.memory_space<hbm>>
            %dma_wait3A_231 = arith.constant 0 : i32
            %dma_wait3A_232 = arith.constant 0 : i32
            %dma_wait3A_233 = tpu.memref_slice %arg2[%dma_wait3A_231, %dma_wait3A_232] : memref<552960x128xf32, #tpu.memory_space<hbm>> -> memref<64x128xf32, #tpu.memory_space<hbm>>
            tpu.wait_dma2 semaphore(%arg20 : memref<!tpu.dma_semaphore, #tpu.memory_space<semaphore_mem>>) src(%dma_wait3A_233 : memref<64x128xf32, #tpu.memory_space<hbm>>) dst(%arg13 : memref<64x128xf32, #tpu.memory_space<vmem>>)
            %mul3A_234 = arith.constant 64 : i32
            %mul3A_235 = arith.muli %add3A_208, %mul3A_234 : i32
            %add3A_236 = arith.constant 0 : i32
            %add3A_237 = arith.addi %mul3A_235, %add3A_236 : i32
            %get3A = arith.index_cast %add3A_237 : i32 to index
            %get3A_238 = tpu.vector_load %arg9[%get3A] {strides = array<i32>} : memref<9392xi32, #tpu.memory_space<vmem>>, vector<16xi32>,
            %swap3A = arith.constant 0 : index
            %swap3A_239 = tpu.vector_load %arg10[%swap3A] {strides = array<i32>} : memref<64xi32, #tpu.memory_space<vmem>>, vector<16xi32>,
            tpu.vector_store %arg10[%swap3A], %get3A_238 {strides = array<i32>} : memref<64xi32, #tpu.memory_space<vmem>>, vector<16xi32>,
            %mul3A_240 = arith.constant 64 : i32
            %mul3A_241 = arith.muli %add3A_208, %mul3A_240 : i32
            %add3A_242 = arith.constant 16 : i32
            %add3A_243 = arith.addi %mul3A_241, %add3A_242 : i32
            %get3A_244 = arith.index_cast %add3A_243 : i32 to index
            %get3A_245 = tpu.vector_load %arg9[%get3A_244] {strides = array<i32>} : memref<9392xi32, #tpu.memory_space<vmem>>, vector<16xi32>,
            %swap3A_246 = arith.constant 16 : index
            %swap3A_247 = tpu.vector_load %arg10[%swap3A_246] {strides = array<i32>} : memref<64xi32, #tpu.memory_space<vmem>>, vector<16xi32>,
            tpu.vector_store %arg10[%swap3A_246], %get3A_245 {strides = array<i32>} : memref<64xi32, #tpu.memory_space<vmem>>, vector<16xi32>,
            %mul3A_248 = arith.constant 64 : i32
            %mul3A_249 = arith.muli %add3A_208, %mul3A_248 : i32
            %add3A_250 = arith.constant 32 : i32
            %add3A_251 = arith.addi %mul3A_249, %add3A_250 : i32
            %get3A_252 = arith.index_cast %add3A_251 : i32 to index
            %get3A_253 = tpu.vector_load %arg9[%get3A_252] {strides = array<i32>} : memref<9392xi32, #tpu.memory_space<vmem>>, vector<16xi32>,
            %swap3A_254 = arith.constant 32 : index
            %swap3A_255 = tpu.vector_load %arg10[%swap3A_254] {strides = array<i32>} : memref<64xi32, #tpu.memory_space<vmem>>, vector<16xi32>,
            tpu.vector_store %arg10[%swap3A_254], %get3A_253 {strides = array<i32>} : memref<64xi32, #tpu.memory_space<vmem>>, vector<16xi32>,
            %mul3A_256 = arith.constant 64 : i32
            %mul3A_257 = arith.muli %add3A_208, %mul3A_256 : i32
            %add3A_258 = arith.constant 48 : i32
            %add3A_259 = arith.addi %mul3A_257, %add3A_258 : i32
            %get3A_260 = arith.index_cast %add3A_259 : i32 to index
            %get3A_261 = tpu.vector_load %arg9[%get3A_260] {strides = array<i32>} : memref<9392xi32, #tpu.memory_space<vmem>>, vector<16xi32>,
            %swap3A_262 = arith.constant 48 : index
            %swap3A_263 = tpu.vector_load %arg10[%swap3A_262] {strides = array<i32>} : memref<64xi32, #tpu.memory_space<vmem>>, vector<16xi32>,
            tpu.vector_store %arg10[%swap3A_262], %get3A_261 {strides = array<i32>} : memref<64xi32, #tpu.memory_space<vmem>>, vector<16xi32>,
            %dma_start3A_264 = arith.constant 0 : i32
            %dma_start3A_265 = arith.constant 0 : i32
            %dma_start3A_266 = tpu.memref_slice %arg17[%dma_start3A_264, %dma_start3A_265] : memref<10248x128xf32, #tpu.memory_space<vmem_shared>> -> memref<10248x128xf32, #tpu.memory_space<vmem_shared>>
            tpu.enqueue_indirect_dma source(%arg13 : memref<64x128xf32, #tpu.memory_space<vmem>>) target(%dma_start3A_266 : memref<10248x128xf32, #tpu.memory_space<vmem_shared>>) offsets(%arg10 : memref<64xi32, #tpu.memory_space<vmem>>) semaphore(%arg23 : memref<!tpu.dma_semaphore, #tpu.memory_space<semaphore_mem>>) {add = true}
            %add3A_267 = arith.constant 2 : i32
            %add3A_268 = arith.addi %add3A_208, %add3A_267 : i32
            %lt3A_269 = arith.cmpi slt, %add3A_268, %select_n3A : i32
            %convert_element_type3A_270 = arith.extui %lt3A_269 : i1 to i32
            %cond3A_271 = arith.constant 0 : i32
            %cond3A_272 = arith.cmpi ne, %convert_element_type3A_270, %cond3A_271 : i32
            scf.if %cond3A_272 {
              %ge3A = arith.constant 1 : i32
              %ge3A_273 = arith.cmpi sge, %add3A_208, %ge3A : i32
              %convert_element_type3A_274 = arith.extui %ge3A_273 : i1 to i32
              %cond3A_275 = arith.constant 0 : i32
              %cond3A_276 = arith.cmpi ne, %convert_element_type3A_274, %cond3A_275 : i32
              scf.if %cond3A_276 {
                %dma_wait3A_285 = arith.constant 0 : i32
                %dma_wait3A_286 = arith.constant 0 : i32
                %dma_wait3A_287 = tpu.memref_slice %arg17[%dma_wait3A_285, %dma_wait3A_286] : memref<10248x128xf32, #tpu.memory_space<vmem_shared>> -> memref<64x128xf32, #tpu.memory_space<vmem_shared>>
                %dma_wait3A_288 = arith.constant 0 : i32
                %dma_wait3A_289 = arith.constant 0 : i32
                %dma_wait3A_290 = tpu.memref_slice %arg17[%dma_wait3A_288, %dma_wait3A_289] : memref<10248x128xf32, #tpu.memory_space<vmem_shared>> -> memref<64x128xf32, #tpu.memory_space<vmem_shared>>
                tpu.wait_dma2 semaphore(%arg25 : memref<!tpu.dma_semaphore, #tpu.memory_space<semaphore_mem>>) src(%arg15 : memref<64x128xf32, #tpu.memory_space<vmem>>) dst(%dma_wait3A_290 : memref<64x128xf32, #tpu.memory_space<vmem_shared>>)
              } else {
              }
              %add3A_277 = arith.constant 2 : i32
              %add3A_278 = arith.addi %add3A_208, %add3A_277 : i32
              %mul3A_279 = arith.constant 64 : i32
              %mul3A_280 = arith.muli %add3A_278, %mul3A_279 : i32
              %dma_start3A_281 = tpu.memref_slice %arg8[%mul3A_280] : memref<9392xi32, #tpu.memory_space<vmem>> -> memref<64xi32, #tpu.memory_space<vmem>>
              %dma_start3A_282 = arith.constant 0 : i32
              %dma_start3A_283 = arith.constant 0 : i32
              %dma_start3A_284 = tpu.memref_slice %arg2[%dma_start3A_282, %dma_start3A_283] : memref<552960x128xf32, #tpu.memory_space<hbm>> -> memref<552960x128xf32, #tpu.memory_space<hbm>>
              tpu.enqueue_indirect_dma source(%dma_start3A_284 : memref<552960x128xf32, #tpu.memory_space<hbm>>) target(%arg15 : memref<64x128xf32, #tpu.memory_space<vmem>>) offsets(%dma_start3A_281 : memref<64xi32, #tpu.memory_space<vmem>>) semaphore(%arg22 : memref<!tpu.dma_semaphore, #tpu.memory_space<semaphore_mem>>)
            } else {
            }
          } else {
          }
          %mul3A_213 = arith.constant 3 : i32
          %mul3A_214 = arith.muli %mul3A_213, %add3A_204 : i32
          %add3A_215 = arith.constant 1 : i32
          %add3A_216 = arith.addi %mul3A_214, %add3A_215 : i32
          %lt3A_217 = arith.cmpi slt, %add3A_216, %select_n3A : i32
          %convert_element_type3A_218 = arith.extui %lt3A_217 : i1 to i32
          %cond3A_219 = arith.constant 0 : i32
          %cond3A_220 = arith.cmpi ne, %convert_element_type3A_218, %cond3A_219 : i32
          scf.if %cond3A_220 {
            %dma_wait3A = arith.constant 0 : i32
            %dma_wait3A_229 = arith.constant 0 : i32
            %dma_wait3A_230 = tpu.memref_slice %arg2[%dma_wait3A, %dma_wait3A_229] : memref<552960x128xf32, #tpu.memory_space<hbm>> -> memref<64x128xf32, #tpu.memory_space<hbm>>
            %dma_wait3A_231 = arith.constant 0 : i32
            %dma_wait3A_232 = arith.constant 0 : i32
            %dma_wait3A_233 = tpu.memref_slice %arg2[%dma_wait3A_231, %dma_wait3A_232] : memref<552960x128xf32, #tpu.memory_space<hbm>> -> memref<64x128xf32, #tpu.memory_space<hbm>>
            tpu.wait_dma2 semaphore(%arg21 : memref<!tpu.dma_semaphore, #tpu.memory_space<semaphore_mem>>) src(%dma_wait3A_233 : memref<64x128xf32, #tpu.memory_space<hbm>>) dst(%arg14 : memref<64x128xf32, #tpu.memory_space<vmem>>)
            %mul3A_234 = arith.constant 64 : i32
            %mul3A_235 = arith.muli %add3A_216, %mul3A_234 : i32
            %add3A_236 = arith.constant 0 : i32
            %add3A_237 = arith.addi %mul3A_235, %add3A_236 : i32
            %get3A = arith.index_cast %add3A_237 : i32 to index
            %get3A_238 = tpu.vector_load %arg9[%get3A] {strides = array<i32>} : memref<9392xi32, #tpu.memory_space<vmem>>, vector<16xi32>,
            %swap3A = arith.constant 0 : index
            %swap3A_239 = tpu.vector_load %arg11[%swap3A] {strides = array<i32>} : memref<64xi32, #tpu.memory_space<vmem>>, vector<16xi32>,
            tpu.vector_store %arg11[%swap3A], %get3A_238 {strides = array<i32>} : memref<64xi32, #tpu.memory_space<vmem>>, vector<16xi32>,
            %mul3A_240 = arith.constant 64 : i32
            %mul3A_241 = arith.muli %add3A_216, %mul3A_240 : i32
            %add3A_242 = arith.constant 16 : i32
            %add3A_243 = arith.addi %mul3A_241, %add3A_242 : i32
            %get3A_244 = arith.index_cast %add3A_243 : i32 to index
            %get3A_245 = tpu.vector_load %arg9[%get3A_244] {strides = array<i32>} : memref<9392xi32, #tpu.memory_space<vmem>>, vector<16xi32>,
            %swap3A_246 = arith.constant 16 : index
            %swap3A_247 = tpu.vector_load %arg11[%swap3A_246] {strides = array<i32>} : memref<64xi32, #tpu.memory_space<vmem>>, vector<16xi32>,
            tpu.vector_store %arg11[%swap3A_246], %get3A_245 {strides = array<i32>} : memref<64xi32, #tpu.memory_space<vmem>>, vector<16xi32>,
            %mul3A_248 = arith.constant 64 : i32
            %mul3A_249 = arith.muli %add3A_216, %mul3A_248 : i32
            %add3A_250 = arith.constant 32 : i32
            %add3A_251 = arith.addi %mul3A_249, %add3A_250 : i32
            %get3A_252 = arith.index_cast %add3A_251 : i32 to index
            %get3A_253 = tpu.vector_load %arg9[%get3A_252] {strides = array<i32>} : memref<9392xi32, #tpu.memory_space<vmem>>, vector<16xi32>,
            %swap3A_254 = arith.constant 32 : index
            %swap3A_255 = tpu.vector_load %arg11[%swap3A_254] {strides = array<i32>} : memref<64xi32, #tpu.memory_space<vmem>>, vector<16xi32>,
            tpu.vector_store %arg11[%swap3A_254], %get3A_253 {strides = array<i32>} : memref<64xi32, #tpu.memory_space<vmem>>, vector<16xi32>,
            %mul3A_256 = arith.constant 64 : i32
            %mul3A_257 = arith.muli %add3A_216, %mul3A_256 : i32
            %add3A_258 = arith.constant 48 : i32
            %add3A_259 = arith.addi %mul3A_257, %add3A_258 : i32
            %get3A_260 = arith.index_cast %add3A_259 : i32 to index
            %get3A_261 = tpu.vector_load %arg9[%get3A_260] {strides = array<i32>} : memref<9392xi32, #tpu.memory_space<vmem>>, vector<16xi32>,
            %swap3A_262 = arith.constant 48 : index
            %swap3A_263 = tpu.vector_load %arg11[%swap3A_262] {strides = array<i32>} : memref<64xi32, #tpu.memory_space<vmem>>, vector<16xi32>,
            tpu.vector_store %arg11[%swap3A_262], %get3A_261 {strides = array<i32>} : memref<64xi32, #tpu.memory_space<vmem>>, vector<16xi32>,
            %dma_start3A_264 = arith.constant 0 : i32
            %dma_start3A_265 = arith.constant 0 : i32
            %dma_start3A_266 = tpu.memref_slice %arg17[%dma_start3A_264, %dma_start3A_265] : memref<10248x128xf32, #tpu.memory_space<vmem_shared>> -> memref<10248x128xf32, #tpu.memory_space<vmem_shared>>
            tpu.enqueue_indirect_dma source(%arg14 : memref<64x128xf32, #tpu.memory_space<vmem>>) target(%dma_start3A_266 : memref<10248x128xf32, #tpu.memory_space<vmem_shared>>) offsets(%arg11 : memref<64xi32, #tpu.memory_space<vmem>>) semaphore(%arg24 : memref<!tpu.dma_semaphore, #tpu.memory_space<semaphore_mem>>) {add = true}
            %add3A_267 = arith.constant 2 : i32
            %add3A_268 = arith.addi %add3A_216, %add3A_267 : i32
            %lt3A_269 = arith.cmpi slt, %add3A_268, %select_n3A : i32
            %convert_element_type3A_270 = arith.extui %lt3A_269 : i1 to i32
            %cond3A_271 = arith.constant 0 : i32
            %cond3A_272 = arith.cmpi ne, %convert_element_type3A_270, %cond3A_271 : i32
            scf.if %cond3A_272 {
              %ge3A = arith.constant 1 : i32
              %ge3A_273 = arith.cmpi sge, %add3A_216, %ge3A : i32
              %convert_element_type3A_274 = arith.extui %ge3A_273 : i1 to i32
              %cond3A_275 = arith.constant 0 : i32
              %cond3A_276 = arith.cmpi ne, %convert_element_type3A_274, %cond3A_275 : i32
              scf.if %cond3A_276 {
                %dma_wait3A_285 = arith.constant 0 : i32
                %dma_wait3A_286 = arith.constant 0 : i32
                %dma_wait3A_287 = tpu.memref_slice %arg17[%dma_wait3A_285, %dma_wait3A_286] : memref<10248x128xf32, #tpu.memory_space<vmem_shared>> -> memref<64x128xf32, #tpu.memory_space<vmem_shared>>
                %dma_wait3A_288 = arith.constant 0 : i32
                %dma_wait3A_289 = arith.constant 0 : i32
                %dma_wait3A_290 = tpu.memref_slice %arg17[%dma_wait3A_288, %dma_wait3A_289] : memref<10248x128xf32, #tpu.memory_space<vmem_shared>> -> memref<64x128xf32, #tpu.memory_space<vmem_shared>>
                tpu.wait_dma2 semaphore(%arg23 : memref<!tpu.dma_semaphore, #tpu.memory_space<semaphore_mem>>) src(%arg13 : memref<64x128xf32, #tpu.memory_space<vmem>>) dst(%dma_wait3A_290 : memref<64x128xf32, #tpu.memory_space<vmem_shared>>)
              } else {
              }
              %add3A_277 = arith.constant 2 : i32
              %add3A_278 = arith.addi %add3A_216, %add3A_277 : i32
              %mul3A_279 = arith.constant 64 : i32
              %mul3A_280 = arith.muli %add3A_278, %mul3A_279 : i32
              %dma_start3A_281 = tpu.memref_slice %arg8[%mul3A_280] : memref<9392xi32, #tpu.memory_space<vmem>> -> memref<64xi32, #tpu.memory_space<vmem>>
              %dma_start3A_282 = arith.constant 0 : i32
              %dma_start3A_283 = arith.constant 0 : i32
              %dma_start3A_284 = tpu.memref_slice %arg2[%dma_start3A_282, %dma_start3A_283] : memref<552960x128xf32, #tpu.memory_space<hbm>> -> memref<552960x128xf32, #tpu.memory_space<hbm>>
              tpu.enqueue_indirect_dma source(%dma_start3A_284 : memref<552960x128xf32, #tpu.memory_space<hbm>>) target(%arg13 : memref<64x128xf32, #tpu.memory_space<vmem>>) offsets(%dma_start3A_281 : memref<64xi32, #tpu.memory_space<vmem>>) semaphore(%arg20 : memref<!tpu.dma_semaphore, #tpu.memory_space<semaphore_mem>>)
            } else {
            }
          } else {
          }
          %mul3A_221 = arith.constant 3 : i32
          %mul3A_222 = arith.muli %mul3A_221, %add3A_204 : i32
          %add3A_223 = arith.constant 2 : i32
          %add3A_224 = arith.addi %mul3A_222, %add3A_223 : i32
          %lt3A_225 = arith.cmpi slt, %add3A_224, %select_n3A : i32
          %convert_element_type3A_226 = arith.extui %lt3A_225 : i1 to i32
          %cond3A_227 = arith.constant 0 : i32
          %cond3A_228 = arith.cmpi ne, %convert_element_type3A_226, %cond3A_227 : i32
          scf.if %cond3A_228 {
            %dma_wait3A = arith.constant 0 : i32
            %dma_wait3A_229 = arith.constant 0 : i32
            %dma_wait3A_230 = tpu.memref_slice %arg2[%dma_wait3A, %dma_wait3A_229] : memref<552960x128xf32, #tpu.memory_space<hbm>> -> memref<64x128xf32, #tpu.memory_space<hbm>>
            %dma_wait3A_231 = arith.constant 0 : i32
            %dma_wait3A_232 = arith.constant 0 : i32
            %dma_wait3A_233 = tpu.memref_slice %arg2[%dma_wait3A_231, %dma_wait3A_232] : memref<552960x128xf32, #tpu.memory_space<hbm>> -> memref<64x128xf32, #tpu.memory_space<hbm>>
            tpu.wait_dma2 semaphore(%arg22 : memref<!tpu.dma_semaphore, #tpu.memory_space<semaphore_mem>>) src(%dma_wait3A_233 : memref<64x128xf32, #tpu.memory_space<hbm>>) dst(%arg15 : memref<64x128xf32, #tpu.memory_space<vmem>>)
            %mul3A_234 = arith.constant 64 : i32
            %mul3A_235 = arith.muli %add3A_224, %mul3A_234 : i32
            %add3A_236 = arith.constant 0 : i32
            %add3A_237 = arith.addi %mul3A_235, %add3A_236 : i32
            %get3A = arith.index_cast %add3A_237 : i32 to index
            %get3A_238 = tpu.vector_load %arg9[%get3A] {strides = array<i32>} : memref<9392xi32, #tpu.memory_space<vmem>>, vector<16xi32>,
            %swap3A = arith.constant 0 : index
            %swap3A_239 = tpu.vector_load %arg12[%swap3A] {strides = array<i32>} : memref<64xi32, #tpu.memory_space<vmem>>, vector<16xi32>,
            tpu.vector_store %arg12[%swap3A], %get3A_238 {strides = array<i32>} : memref<64xi32, #tpu.memory_space<vmem>>, vector<16xi32>,
            %mul3A_240 = arith.constant 64 : i32
            %mul3A_241 = arith.muli %add3A_224, %mul3A_240 : i32
            %add3A_242 = arith.constant 16 : i32
            %add3A_243 = arith.addi %mul3A_241, %add3A_242 : i32
            %get3A_244 = arith.index_cast %add3A_243 : i32 to index
            %get3A_245 = tpu.vector_load %arg9[%get3A_244] {strides = array<i32>} : memref<9392xi32, #tpu.memory_space<vmem>>, vector<16xi32>,
            %swap3A_246 = arith.constant 16 : index
            %swap3A_247 = tpu.vector_load %arg12[%swap3A_246] {strides = array<i32>} : memref<64xi32, #tpu.memory_space<vmem>>, vector<16xi32>,
            tpu.vector_store %arg12[%swap3A_246], %get3A_245 {strides = array<i32>} : memref<64xi32, #tpu.memory_space<vmem>>, vector<16xi32>,
            %mul3A_248 = arith.constant 64 : i32
            %mul3A_249 = arith.muli %add3A_224, %mul3A_248 : i32
            %add3A_250 = arith.constant 32 : i32
            %add3A_251 = arith.addi %mul3A_249, %add3A_250 : i32
            %get3A_252 = arith.index_cast %add3A_251 : i32 to index
            %get3A_253 = tpu.vector_load %arg9[%get3A_252] {strides = array<i32>} : memref<9392xi32, #tpu.memory_space<vmem>>, vector<16xi32>,
            %swap3A_254 = arith.constant 32 : index
            %swap3A_255 = tpu.vector_load %arg12[%swap3A_254] {strides = array<i32>} : memref<64xi32, #tpu.memory_space<vmem>>, vector<16xi32>,
            tpu.vector_store %arg12[%swap3A_254], %get3A_253 {strides = array<i32>} : memref<64xi32, #tpu.memory_space<vmem>>, vector<16xi32>,
            %mul3A_256 = arith.constant 64 : i32
            %mul3A_257 = arith.muli %add3A_224, %mul3A_256 : i32
            %add3A_258 = arith.constant 48 : i32
            %add3A_259 = arith.addi %mul3A_257, %add3A_258 : i32
            %get3A_260 = arith.index_cast %add3A_259 : i32 to index
            %get3A_261 = tpu.vector_load %arg9[%get3A_260] {strides = array<i32>} : memref<9392xi32, #tpu.memory_space<vmem>>, vector<16xi32>,
            %swap3A_262 = arith.constant 48 : index
            %swap3A_263 = tpu.vector_load %arg12[%swap3A_262] {strides = array<i32>} : memref<64xi32, #tpu.memory_space<vmem>>, vector<16xi32>,
            tpu.vector_store %arg12[%swap3A_262], %get3A_261 {strides = array<i32>} : memref<64xi32, #tpu.memory_space<vmem>>, vector<16xi32>,
            %dma_start3A_264 = arith.constant 0 : i32
            %dma_start3A_265 = arith.constant 0 : i32
            %dma_start3A_266 = tpu.memref_slice %arg17[%dma_start3A_264, %dma_start3A_265] : memref<10248x128xf32, #tpu.memory_space<vmem_shared>> -> memref<10248x128xf32, #tpu.memory_space<vmem_shared>>
            tpu.enqueue_indirect_dma source(%arg15 : memref<64x128xf32, #tpu.memory_space<vmem>>) target(%dma_start3A_266 : memref<10248x128xf32, #tpu.memory_space<vmem_shared>>) offsets(%arg12 : memref<64xi32, #tpu.memory_space<vmem>>) semaphore(%arg25 : memref<!tpu.dma_semaphore, #tpu.memory_space<semaphore_mem>>) {add = true}
            %add3A_267 = arith.constant 2 : i32
            %add3A_268 = arith.addi %add3A_224, %add3A_267 : i32
            %lt3A_269 = arith.cmpi slt, %add3A_268, %select_n3A : i32
            %convert_element_type3A_270 = arith.extui %lt3A_269 : i1 to i32
            %cond3A_271 = arith.constant 0 : i32
            %cond3A_272 = arith.cmpi ne, %convert_element_type3A_270, %cond3A_271 : i32
            scf.if %cond3A_272 {
              %ge3A = arith.constant 1 : i32
              %ge3A_273 = arith.cmpi sge, %add3A_224, %ge3A : i32
              %convert_element_type3A_274 = arith.extui %ge3A_273 : i1 to i32
              %cond3A_275 = arith.constant 0 : i32
              %cond3A_276 = arith.cmpi ne, %convert_element_type3A_274, %cond3A_275 : i32
              scf.if %cond3A_276 {
                %dma_wait3A_285 = arith.constant 0 : i32
                %dma_wait3A_286 = arith.constant 0 : i32
                %dma_wait3A_287 = tpu.memref_slice %arg17[%dma_wait3A_285, %dma_wait3A_286] : memref<10248x128xf32, #tpu.memory_space<vmem_shared>> -> memref<64x128xf32, #tpu.memory_space<vmem_shared>>
                %dma_wait3A_288 = arith.constant 0 : i32
                %dma_wait3A_289 = arith.constant 0 : i32
                %dma_wait3A_290 = tpu.memref_slice %arg17[%dma_wait3A_288, %dma_wait3A_289] : memref<10248x128xf32, #tpu.memory_space<vmem_shared>> -> memref<64x128xf32, #tpu.memory_space<vmem_shared>>
                tpu.wait_dma2 semaphore(%arg24 : memref<!tpu.dma_semaphore, #tpu.memory_space<semaphore_mem>>) src(%arg14 : memref<64x128xf32, #tpu.memory_space<vmem>>) dst(%dma_wait3A_290 : memref<64x128xf32, #tpu.memory_space<vmem_shared>>)
              } else {
              }
              %add3A_277 = arith.constant 2 : i32
              %add3A_278 = arith.addi %add3A_224, %add3A_277 : i32
              %mul3A_279 = arith.constant 64 : i32
              %mul3A_280 = arith.muli %add3A_278, %mul3A_279 : i32
              %dma_start3A_281 = tpu.memref_slice %arg8[%mul3A_280] : memref<9392xi32, #tpu.memory_space<vmem>> -> memref<64xi32, #tpu.memory_space<vmem>>
              %dma_start3A_282 = arith.constant 0 : i32
              %dma_start3A_283 = arith.constant 0 : i32
              %dma_start3A_284 = tpu.memref_slice %arg2[%dma_start3A_282, %dma_start3A_283] : memref<552960x128xf32, #tpu.memory_space<hbm>> -> memref<552960x128xf32, #tpu.memory_space<hbm>>
              tpu.enqueue_indirect_dma source(%dma_start3A_284 : memref<552960x128xf32, #tpu.memory_space<hbm>>) target(%arg14 : memref<64x128xf32, #tpu.memory_space<vmem>>) offsets(%dma_start3A_281 : memref<64xi32, #tpu.memory_space<vmem>>) semaphore(%arg21 : memref<!tpu.dma_semaphore, #tpu.memory_space<semaphore_mem>>)
            } else {
            }
          } else {
          }
        }
        %while3A_182 = arith.constant 1 : i32
        scf.for %while3A_202 = %while3A_180 to %while3A_176 step %while3A_182  : i32 {
          %mul3A_203 = arith.muli %while3A_202, %while3A : i32
          %add3A_204 = arith.addi %while3A_173, %mul3A_203 : i32
          %mul3A_205 = arith.constant 3 : i32
          %mul3A_206 = arith.muli %mul3A_205, %add3A_204 : i32
          %add3A_207 = arith.constant 0 : i32
          %add3A_208 = arith.addi %mul3A_206, %add3A_207 : i32
          %lt3A_209 = arith.cmpi slt, %add3A_208, %select_n3A : i32
          %convert_element_type3A_210 = arith.extui %lt3A_209 : i1 to i32
          %cond3A_211 = arith.constant 0 : i32
          %cond3A_212 = arith.cmpi ne, %convert_element_type3A_210, %cond3A_211 : i32
          scf.if %cond3A_212 {
            %dma_wait3A = arith.constant 0 : i32
            %dma_wait3A_229 = arith.constant 0 : i32
            %dma_wait3A_230 = tpu.memref_slice %arg2[%dma_wait3A, %dma_wait3A_229] : memref<552960x128xf32, #tpu.memory_space<hbm>> -> memref<64x128xf32, #tpu.memory_space<hbm>>
            %dma_wait3A_231 = arith.constant 0 : i32
            %dma_wait3A_232 = arith.constant 0 : i32
            %dma_wait3A_233 = tpu.memref_slice %arg2[%dma_wait3A_231, %dma_wait3A_232] : memref<552960x128xf32, #tpu.memory_space<hbm>> -> memref<64x128xf32, #tpu.memory_space<hbm>>
            tpu.wait_dma2 semaphore(%arg20 : memref<!tpu.dma_semaphore, #tpu.memory_space<semaphore_mem>>) src(%dma_wait3A_233 : memref<64x128xf32, #tpu.memory_space<hbm>>) dst(%arg13 : memref<64x128xf32, #tpu.memory_space<vmem>>)
            %mul3A_234 = arith.constant 64 : i32
            %mul3A_235 = arith.muli %add3A_208, %mul3A_234 : i32
            %add3A_236 = arith.constant 0 : i32
            %add3A_237 = arith.addi %mul3A_235, %add3A_236 : i32
            %get3A = arith.index_cast %add3A_237 : i32 to index
            %get3A_238 = tpu.vector_load %arg9[%get3A] {strides = array<i32>} : memref<9392xi32, #tpu.memory_space<vmem>>, vector<16xi32>,
            %swap3A = arith.constant 0 : index
            %swap3A_239 = tpu.vector_load %arg10[%swap3A] {strides = array<i32>} : memref<64xi32, #tpu.memory_space<vmem>>, vector<16xi32>,
            tpu.vector_store %arg10[%swap3A], %get3A_238 {strides = array<i32>} : memref<64xi32, #tpu.memory_space<vmem>>, vector<16xi32>,
            %mul3A_240 = arith.constant 64 : i32
            %mul3A_241 = arith.muli %add3A_208, %mul3A_240 : i32
            %add3A_242 = arith.constant 16 : i32
            %add3A_243 = arith.addi %mul3A_241, %add3A_242 : i32
            %get3A_244 = arith.index_cast %add3A_243 : i32 to index
            %get3A_245 = tpu.vector_load %arg9[%get3A_244] {strides = array<i32>} : memref<9392xi32, #tpu.memory_space<vmem>>, vector<16xi32>,
            %swap3A_246 = arith.constant 16 : index
            %swap3A_247 = tpu.vector_load %arg10[%swap3A_246] {strides = array<i32>} : memref<64xi32, #tpu.memory_space<vmem>>, vector<16xi32>,
            tpu.vector_store %arg10[%swap3A_246], %get3A_245 {strides = array<i32>} : memref<64xi32, #tpu.memory_space<vmem>>, vector<16xi32>,
            %mul3A_248 = arith.constant 64 : i32
            %mul3A_249 = arith.muli %add3A_208, %mul3A_248 : i32
            %add3A_250 = arith.constant 32 : i32
            %add3A_251 = arith.addi %mul3A_249, %add3A_250 : i32
            %get3A_252 = arith.index_cast %add3A_251 : i32 to index
            %get3A_253 = tpu.vector_load %arg9[%get3A_252] {strides = array<i32>} : memref<9392xi32, #tpu.memory_space<vmem>>, vector<16xi32>,
            %swap3A_254 = arith.constant 32 : index
            %swap3A_255 = tpu.vector_load %arg10[%swap3A_254] {strides = array<i32>} : memref<64xi32, #tpu.memory_space<vmem>>, vector<16xi32>,
            tpu.vector_store %arg10[%swap3A_254], %get3A_253 {strides = array<i32>} : memref<64xi32, #tpu.memory_space<vmem>>, vector<16xi32>,
            %mul3A_256 = arith.constant 64 : i32
            %mul3A_257 = arith.muli %add3A_208, %mul3A_256 : i32
            %add3A_258 = arith.constant 48 : i32
            %add3A_259 = arith.addi %mul3A_257, %add3A_258 : i32
            %get3A_260 = arith.index_cast %add3A_259 : i32 to index
            %get3A_261 = tpu.vector_load %arg9[%get3A_260] {strides = array<i32>} : memref<9392xi32, #tpu.memory_space<vmem>>, vector<16xi32>,
            %swap3A_262 = arith.constant 48 : index
            %swap3A_263 = tpu.vector_load %arg10[%swap3A_262] {strides = array<i32>} : memref<64xi32, #tpu.memory_space<vmem>>, vector<16xi32>,
            tpu.vector_store %arg10[%swap3A_262], %get3A_261 {strides = array<i32>} : memref<64xi32, #tpu.memory_space<vmem>>, vector<16xi32>,
            %dma_start3A_264 = arith.constant 0 : i32
            %dma_start3A_265 = arith.constant 0 : i32
            %dma_start3A_266 = tpu.memref_slice %arg17[%dma_start3A_264, %dma_start3A_265] : memref<10248x128xf32, #tpu.memory_space<vmem_shared>> -> memref<10248x128xf32, #tpu.memory_space<vmem_shared>>
            tpu.enqueue_indirect_dma source(%arg13 : memref<64x128xf32, #tpu.memory_space<vmem>>) target(%dma_start3A_266 : memref<10248x128xf32, #tpu.memory_space<vmem_shared>>) offsets(%arg10 : memref<64xi32, #tpu.memory_space<vmem>>) semaphore(%arg23 : memref<!tpu.dma_semaphore, #tpu.memory_space<semaphore_mem>>) {add = true}
            %add3A_267 = arith.constant 2 : i32
            %add3A_268 = arith.addi %add3A_208, %add3A_267 : i32
            %lt3A_269 = arith.cmpi slt, %add3A_268, %select_n3A : i32
            %convert_element_type3A_270 = arith.extui %lt3A_269 : i1 to i32
            %cond3A_271 = arith.constant 0 : i32
            %cond3A_272 = arith.cmpi ne, %convert_element_type3A_270, %cond3A_271 : i32
            scf.if %cond3A_272 {
              %ge3A = arith.constant 1 : i32
              %ge3A_273 = arith.cmpi sge, %add3A_208, %ge3A : i32
              %convert_element_type3A_274 = arith.extui %ge3A_273 : i1 to i32
              %cond3A_275 = arith.constant 0 : i32
              %cond3A_276 = arith.cmpi ne, %convert_element_type3A_274, %cond3A_275 : i32
              scf.if %cond3A_276 {
                %dma_wait3A_285 = arith.constant 0 : i32
                %dma_wait3A_286 = arith.constant 0 : i32
                %dma_wait3A_287 = tpu.memref_slice %arg17[%dma_wait3A_285, %dma_wait3A_286] : memref<10248x128xf32, #tpu.memory_space<vmem_shared>> -> memref<64x128xf32, #tpu.memory_space<vmem_shared>>
                %dma_wait3A_288 = arith.constant 0 : i32
                %dma_wait3A_289 = arith.constant 0 : i32
                %dma_wait3A_290 = tpu.memref_slice %arg17[%dma_wait3A_288, %dma_wait3A_289] : memref<10248x128xf32, #tpu.memory_space<vmem_shared>> -> memref<64x128xf32, #tpu.memory_space<vmem_shared>>
                tpu.wait_dma2 semaphore(%arg25 : memref<!tpu.dma_semaphore, #tpu.memory_space<semaphore_mem>>) src(%arg15 : memref<64x128xf32, #tpu.memory_space<vmem>>) dst(%dma_wait3A_290 : memref<64x128xf32, #tpu.memory_space<vmem_shared>>)
              } else {
              }
              %add3A_277 = arith.constant 2 : i32
              %add3A_278 = arith.addi %add3A_208, %add3A_277 : i32
              %mul3A_279 = arith.constant 64 : i32
              %mul3A_280 = arith.muli %add3A_278, %mul3A_279 : i32
              %dma_start3A_281 = tpu.memref_slice %arg8[%mul3A_280] : memref<9392xi32, #tpu.memory_space<vmem>> -> memref<64xi32, #tpu.memory_space<vmem>>
              %dma_start3A_282 = arith.constant 0 : i32
              %dma_start3A_283 = arith.constant 0 : i32
              %dma_start3A_284 = tpu.memref_slice %arg2[%dma_start3A_282, %dma_start3A_283] : memref<552960x128xf32, #tpu.memory_space<hbm>> -> memref<552960x128xf32, #tpu.memory_space<hbm>>
              tpu.enqueue_indirect_dma source(%dma_start3A_284 : memref<552960x128xf32, #tpu.memory_space<hbm>>) target(%arg15 : memref<64x128xf32, #tpu.memory_space<vmem>>) offsets(%dma_start3A_281 : memref<64xi32, #tpu.memory_space<vmem>>) semaphore(%arg22 : memref<!tpu.dma_semaphore, #tpu.memory_space<semaphore_mem>>)
            } else {
            }
          } else {
          }
          %mul3A_213 = arith.constant 3 : i32
          %mul3A_214 = arith.muli %mul3A_213, %add3A_204 : i32
          %add3A_215 = arith.constant 1 : i32
          %add3A_216 = arith.addi %mul3A_214, %add3A_215 : i32
          %lt3A_217 = arith.cmpi slt, %add3A_216, %select_n3A : i32
          %convert_element_type3A_218 = arith.extui %lt3A_217 : i1 to i32
          %cond3A_219 = arith.constant 0 : i32
          %cond3A_220 = arith.cmpi ne, %convert_element_type3A_218, %cond3A_219 : i32
          scf.if %cond3A_220 {
            %dma_wait3A = arith.constant 0 : i32
            %dma_wait3A_229 = arith.constant 0 : i32
            %dma_wait3A_230 = tpu.memref_slice %arg2[%dma_wait3A, %dma_wait3A_229] : memref<552960x128xf32, #tpu.memory_space<hbm>> -> memref<64x128xf32, #tpu.memory_space<hbm>>
            %dma_wait3A_231 = arith.constant 0 : i32
            %dma_wait3A_232 = arith.constant 0 : i32
            %dma_wait3A_233 = tpu.memref_slice %arg2[%dma_wait3A_231, %dma_wait3A_232] : memref<552960x128xf32, #tpu.memory_space<hbm>> -> memref<64x128xf32, #tpu.memory_space<hbm>>
            tpu.wait_dma2 semaphore(%arg21 : memref<!tpu.dma_semaphore, #tpu.memory_space<semaphore_mem>>) src(%dma_wait3A_233 : memref<64x128xf32, #tpu.memory_space<hbm>>) dst(%arg14 : memref<64x128xf32, #tpu.memory_space<vmem>>)
            %mul3A_234 = arith.constant 64 : i32
            %mul3A_235 = arith.muli %add3A_216, %mul3A_234 : i32
            %add3A_236 = arith.constant 0 : i32
            %add3A_237 = arith.addi %mul3A_235, %add3A_236 : i32
            %get3A = arith.index_cast %add3A_237 : i32 to index
            %get3A_238 = tpu.vector_load %arg9[%get3A] {strides = array<i32>} : memref<9392xi32, #tpu.memory_space<vmem>>, vector<16xi32>,
            %swap3A = arith.constant 0 : index
            %swap3A_239 = tpu.vector_load %arg11[%swap3A] {strides = array<i32>} : memref<64xi32, #tpu.memory_space<vmem>>, vector<16xi32>,
            tpu.vector_store %arg11[%swap3A], %get3A_238 {strides = array<i32>} : memref<64xi32, #tpu.memory_space<vmem>>, vector<16xi32>,
            %mul3A_240 = arith.constant 64 : i32
            %mul3A_241 = arith.muli %add3A_216, %mul3A_240 : i32
            %add3A_242 = arith.constant 16 : i32
            %add3A_243 = arith.addi %mul3A_241, %add3A_242 : i32
            %get3A_244 = arith.index_cast %add3A_243 : i32 to index
            %get3A_245 = tpu.vector_load %arg9[%get3A_244] {strides = array<i32>} : memref<9392xi32, #tpu.memory_space<vmem>>, vector<16xi32>,
            %swap3A_246 = arith.constant 16 : index
            %swap3A_247 = tpu.vector_load %arg11[%swap3A_246] {strides = array<i32>} : memref<64xi32, #tpu.memory_space<vmem>>, vector<16xi32>,
            tpu.vector_store %arg11[%swap3A_246], %get3A_245 {strides = array<i32>} : memref<64xi32, #tpu.memory_space<vmem>>, vector<16xi32>,
            %mul3A_248 = arith.constant 64 : i32
            %mul3A_249 = arith.muli %add3A_216, %mul3A_248 : i32
            %add3A_250 = arith.constant 32 : i32
            %add3A_251 = arith.addi %mul3A_249, %add3A_250 : i32
            %get3A_252 = arith.index_cast %add3A_251 : i32 to index
            %get3A_253 = tpu.vector_load %arg9[%get3A_252] {strides = array<i32>} : memref<9392xi32, #tpu.memory_space<vmem>>, vector<16xi32>,
            %swap3A_254 = arith.constant 32 : index
            %swap3A_255 = tpu.vector_load %arg11[%swap3A_254] {strides = array<i32>} : memref<64xi32, #tpu.memory_space<vmem>>, vector<16xi32>,
            tpu.vector_store %arg11[%swap3A_254], %get3A_253 {strides = array<i32>} : memref<64xi32, #tpu.memory_space<vmem>>, vector<16xi32>,
            %mul3A_256 = arith.constant 64 : i32
            %mul3A_257 = arith.muli %add3A_216, %mul3A_256 : i32
            %add3A_258 = arith.constant 48 : i32
            %add3A_259 = arith.addi %mul3A_257, %add3A_258 : i32
            %get3A_260 = arith.index_cast %add3A_259 : i32 to index
            %get3A_261 = tpu.vector_load %arg9[%get3A_260] {strides = array<i32>} : memref<9392xi32, #tpu.memory_space<vmem>>, vector<16xi32>,
            %swap3A_262 = arith.constant 48 : index
            %swap3A_263 = tpu.vector_load %arg11[%swap3A_262] {strides = array<i32>} : memref<64xi32, #tpu.memory_space<vmem>>, vector<16xi32>,
            tpu.vector_store %arg11[%swap3A_262], %get3A_261 {strides = array<i32>} : memref<64xi32, #tpu.memory_space<vmem>>, vector<16xi32>,
            %dma_start3A_264 = arith.constant 0 : i32
            %dma_start3A_265 = arith.constant 0 : i32
            %dma_start3A_266 = tpu.memref_slice %arg17[%dma_start3A_264, %dma_start3A_265] : memref<10248x128xf32, #tpu.memory_space<vmem_shared>> -> memref<10248x128xf32, #tpu.memory_space<vmem_shared>>
            tpu.enqueue_indirect_dma source(%arg14 : memref<64x128xf32, #tpu.memory_space<vmem>>) target(%dma_start3A_266 : memref<10248x128xf32, #tpu.memory_space<vmem_shared>>) offsets(%arg11 : memref<64xi32, #tpu.memory_space<vmem>>) semaphore(%arg24 : memref<!tpu.dma_semaphore, #tpu.memory_space<semaphore_mem>>) {add = true}
            %add3A_267 = arith.constant 2 : i32
            %add3A_268 = arith.addi %add3A_216, %add3A_267 : i32
            %lt3A_269 = arith.cmpi slt, %add3A_268, %select_n3A : i32
            %convert_element_type3A_270 = arith.extui %lt3A_269 : i1 to i32
            %cond3A_271 = arith.constant 0 : i32
            %cond3A_272 = arith.cmpi ne, %convert_element_type3A_270, %cond3A_271 : i32
            scf.if %cond3A_272 {
              %ge3A = arith.constant 1 : i32
              %ge3A_273 = arith.cmpi sge, %add3A_216, %ge3A : i32
              %convert_element_type3A_274 = arith.extui %ge3A_273 : i1 to i32
              %cond3A_275 = arith.constant 0 : i32
              %cond3A_276 = arith.cmpi ne, %convert_element_type3A_274, %cond3A_275 : i32
              scf.if %cond3A_276 {
                %dma_wait3A_285 = arith.constant 0 : i32
                %dma_wait3A_286 = arith.constant 0 : i32
                %dma_wait3A_287 = tpu.memref_slice %arg17[%dma_wait3A_285, %dma_wait3A_286] : memref<10248x128xf32, #tpu.memory_space<vmem_shared>> -> memref<64x128xf32, #tpu.memory_space<vmem_shared>>
                %dma_wait3A_288 = arith.constant 0 : i32
                %dma_wait3A_289 = arith.constant 0 : i32
                %dma_wait3A_290 = tpu.memref_slice %arg17[%dma_wait3A_288, %dma_wait3A_289] : memref<10248x128xf32, #tpu.memory_space<vmem_shared>> -> memref<64x128xf32, #tpu.memory_space<vmem_shared>>
                tpu.wait_dma2 semaphore(%arg23 : memref<!tpu.dma_semaphore, #tpu.memory_space<semaphore_mem>>) src(%arg13 : memref<64x128xf32, #tpu.memory_space<vmem>>) dst(%dma_wait3A_290 : memref<64x128xf32, #tpu.memory_space<vmem_shared>>)
              } else {
              }
              %add3A_277 = arith.constant 2 : i32
              %add3A_278 = arith.addi %add3A_216, %add3A_277 : i32
              %mul3A_279 = arith.constant 64 : i32
              %mul3A_280 = arith.muli %add3A_278, %mul3A_279 : i32
              %dma_start3A_281 = tpu.memref_slice %arg8[%mul3A_280] : memref<9392xi32, #tpu.memory_space<vmem>> -> memref<64xi32, #tpu.memory_space<vmem>>
              %dma_start3A_282 = arith.constant 0 : i32
              %dma_start3A_283 = arith.constant 0 : i32
              %dma_start3A_284 = tpu.memref_slice %arg2[%dma_start3A_282, %dma_start3A_283] : memref<552960x128xf32, #tpu.memory_space<hbm>> -> memref<552960x128xf32, #tpu.memory_space<hbm>>
              tpu.enqueue_indirect_dma source(%dma_start3A_284 : memref<552960x128xf32, #tpu.memory_space<hbm>>) target(%arg13 : memref<64x128xf32, #tpu.memory_space<vmem>>) offsets(%dma_start3A_281 : memref<64xi32, #tpu.memory_space<vmem>>) semaphore(%arg20 : memref<!tpu.dma_semaphore, #tpu.memory_space<semaphore_mem>>)
            } else {
            }
          } else {
          }
          %mul3A_221 = arith.constant 3 : i32
          %mul3A_222 = arith.muli %mul3A_221, %add3A_204 : i32
          %add3A_223 = arith.constant 2 : i32
          %add3A_224 = arith.addi %mul3A_222, %add3A_223 : i32
          %lt3A_225 = arith.cmpi slt, %add3A_224, %select_n3A : i32
          %convert_element_type3A_226 = arith.extui %lt3A_225 : i1 to i32
          %cond3A_227 = arith.constant 0 : i32
          %cond3A_228 = arith.cmpi ne, %convert_element_type3A_226, %cond3A_227 : i32
          scf.if %cond3A_228 {
            %dma_wait3A = arith.constant 0 : i32
            %dma_wait3A_229 = arith.constant 0 : i32
            %dma_wait3A_230 = tpu.memref_slice %arg2[%dma_wait3A, %dma_wait3A_229] : memref<552960x128xf32, #tpu.memory_space<hbm>> -> memref<64x128xf32, #tpu.memory_space<hbm>>
            %dma_wait3A_231 = arith.constant 0 : i32
            %dma_wait3A_232 = arith.constant 0 : i32
            %dma_wait3A_233 = tpu.memref_slice %arg2[%dma_wait3A_231, %dma_wait3A_232] : memref<552960x128xf32, #tpu.memory_space<hbm>> -> memref<64x128xf32, #tpu.memory_space<hbm>>
            tpu.wait_dma2 semaphore(%arg22 : memref<!tpu.dma_semaphore, #tpu.memory_space<semaphore_mem>>) src(%dma_wait3A_233 : memref<64x128xf32, #tpu.memory_space<hbm>>) dst(%arg15 : memref<64x128xf32, #tpu.memory_space<vmem>>)
            %mul3A_234 = arith.constant 64 : i32
            %mul3A_235 = arith.muli %add3A_224, %mul3A_234 : i32
            %add3A_236 = arith.constant 0 : i32
            %add3A_237 = arith.addi %mul3A_235, %add3A_236 : i32
            %get3A = arith.index_cast %add3A_237 : i32 to index
            %get3A_238 = tpu.vector_load %arg9[%get3A] {strides = array<i32>} : memref<9392xi32, #tpu.memory_space<vmem>>, vector<16xi32>,
            %swap3A = arith.constant 0 : index
            %swap3A_239 = tpu.vector_load %arg12[%swap3A] {strides = array<i32>} : memref<64xi32, #tpu.memory_space<vmem>>, vector<16xi32>,
            tpu.vector_store %arg12[%swap3A], %get3A_238 {strides = array<i32>} : memref<64xi32, #tpu.memory_space<vmem>>, vector<16xi32>,
            %mul3A_240 = arith.constant 64 : i32
            %mul3A_241 = arith.muli %add3A_224, %mul3A_240 : i32
            %add3A_242 = arith.constant 16 : i32
            %add3A_243 = arith.addi %mul3A_241, %add3A_242 : i32
            %get3A_244 = arith.index_cast %add3A_243 : i32 to index
            %get3A_245 = tpu.vector_load %arg9[%get3A_244] {strides = array<i32>} : memref<9392xi32, #tpu.memory_space<vmem>>, vector<16xi32>,
            %swap3A_246 = arith.constant 16 : index
            %swap3A_247 = tpu.vector_load %arg12[%swap3A_246] {strides = array<i32>} : memref<64xi32, #tpu.memory_space<vmem>>, vector<16xi32>,
            tpu.vector_store %arg12[%swap3A_246], %get3A_245 {strides = array<i32>} : memref<64xi32, #tpu.memory_space<vmem>>, vector<16xi32>,
            %mul3A_248 = arith.constant 64 : i32
            %mul3A_249 = arith.muli %add3A_224, %mul3A_248 : i32
            %add3A_250 = arith.constant 32 : i32
            %add3A_251 = arith.addi %mul3A_249, %add3A_250 : i32
            %get3A_252 = arith.index_cast %add3A_251 : i32 to index
            %get3A_253 = tpu.vector_load %arg9[%get3A_252] {strides = array<i32>} : memref<9392xi32, #tpu.memory_space<vmem>>, vector<16xi32>,
            %swap3A_254 = arith.constant 32 : index
            %swap3A_255 = tpu.vector_load %arg12[%swap3A_254] {strides = array<i32>} : memref<64xi32, #tpu.memory_space<vmem>>, vector<16xi32>,
            tpu.vector_store %arg12[%swap3A_254], %get3A_253 {strides = array<i32>} : memref<64xi32, #tpu.memory_space<vmem>>, vector<16xi32>,
            %mul3A_256 = arith.constant 64 : i32
            %mul3A_257 = arith.muli %add3A_224, %mul3A_256 : i32
            %add3A_258 = arith.constant 48 : i32
            %add3A_259 = arith.addi %mul3A_257, %add3A_258 : i32
            %get3A_260 = arith.index_cast %add3A_259 : i32 to index
            %get3A_261 = tpu.vector_load %arg9[%get3A_260] {strides = array<i32>} : memref<9392xi32, #tpu.memory_space<vmem>>, vector<16xi32>,
            %swap3A_262 = arith.constant 48 : index
            %swap3A_263 = tpu.vector_load %arg12[%swap3A_262] {strides = array<i32>} : memref<64xi32, #tpu.memory_space<vmem>>, vector<16xi32>,
            tpu.vector_store %arg12[%swap3A_262], %get3A_261 {strides = array<i32>} : memref<64xi32, #tpu.memory_space<vmem>>, vector<16xi32>,
            %dma_start3A_264 = arith.constant 0 : i32
            %dma_start3A_265 = arith.constant 0 : i32
            %dma_start3A_266 = tpu.memref_slice %arg17[%dma_start3A_264, %dma_start3A_265] : memref<10248x128xf32, #tpu.memory_space<vmem_shared>> -> memref<10248x128xf32, #tpu.memory_space<vmem_shared>>
            tpu.enqueue_indirect_dma source(%arg15 : memref<64x128xf32, #tpu.memory_space<vmem>>) target(%dma_start3A_266 : memref<10248x128xf32, #tpu.memory_space<vmem_shared>>) offsets(%arg12 : memref<64xi32, #tpu.memory_space<vmem>>) semaphore(%arg25 : memref<!tpu.dma_semaphore, #tpu.memory_space<semaphore_mem>>) {add = true}
            %add3A_267 = arith.constant 2 : i32
            %add3A_268 = arith.addi %add3A_224, %add3A_267 : i32
            %lt3A_269 = arith.cmpi slt, %add3A_268, %select_n3A : i32
            %convert_element_type3A_270 = arith.extui %lt3A_269 : i1 to i32
            %cond3A_271 = arith.constant 0 : i32
            %cond3A_272 = arith.cmpi ne, %convert_element_type3A_270, %cond3A_271 : i32
            scf.if %cond3A_272 {
              %ge3A = arith.constant 1 : i32
              %ge3A_273 = arith.cmpi sge, %add3A_224, %ge3A : i32
              %convert_element_type3A_274 = arith.extui %ge3A_273 : i1 to i32
              %cond3A_275 = arith.constant 0 : i32
              %cond3A_276 = arith.cmpi ne, %convert_element_type3A_274, %cond3A_275 : i32
              scf.if %cond3A_276 {
                %dma_wait3A_285 = arith.constant 0 : i32
                %dma_wait3A_286 = arith.constant 0 : i32
                %dma_wait3A_287 = tpu.memref_slice %arg17[%dma_wait3A_285, %dma_wait3A_286] : memref<10248x128xf32, #tpu.memory_space<vmem_shared>> -> memref<64x128xf32, #tpu.memory_space<vmem_shared>>
                %dma_wait3A_288 = arith.constant 0 : i32
                %dma_wait3A_289 = arith.constant 0 : i32
                %dma_wait3A_290 = tpu.memref_slice %arg17[%dma_wait3A_288, %dma_wait3A_289] : memref<10248x128xf32, #tpu.memory_space<vmem_shared>> -> memref<64x128xf32, #tpu.memory_space<vmem_shared>>
                tpu.wait_dma2 semaphore(%arg24 : memref<!tpu.dma_semaphore, #tpu.memory_space<semaphore_mem>>) src(%arg14 : memref<64x128xf32, #tpu.memory_space<vmem>>) dst(%dma_wait3A_290 : memref<64x128xf32, #tpu.memory_space<vmem_shared>>)
              } else {
              }
              %add3A_277 = arith.constant 2 : i32
              %add3A_278 = arith.addi %add3A_224, %add3A_277 : i32
              %mul3A_279 = arith.constant 64 : i32
              %mul3A_280 = arith.muli %add3A_278, %mul3A_279 : i32
              %dma_start3A_281 = tpu.memref_slice %arg8[%mul3A_280] : memref<9392xi32, #tpu.memory_space<vmem>> -> memref<64xi32, #tpu.memory_space<vmem>>
              %dma_start3A_282 = arith.constant 0 : i32
              %dma_start3A_283 = arith.constant 0 : i32
              %dma_start3A_284 = tpu.memref_slice %arg2[%dma_start3A_282, %dma_start3A_283] : memref<552960x128xf32, #tpu.memory_space<hbm>> -> memref<552960x128xf32, #tpu.memory_space<hbm>>
              tpu.enqueue_indirect_dma source(%dma_start3A_284 : memref<552960x128xf32, #tpu.memory_space<hbm>>) target(%arg14 : memref<64x128xf32, #tpu.memory_space<vmem>>) offsets(%dma_start3A_281 : memref<64xi32, #tpu.memory_space<vmem>>) semaphore(%arg21 : memref<!tpu.dma_semaphore, #tpu.memory_space<semaphore_mem>>)
            } else {
            }
          } else {
          }
        }
        %gt3A_183 = arith.constant 0 : i32
        %gt3A_184 = arith.cmpi sgt, %select_n3A, %gt3A_183 : i32
        %convert_element_type3A_185 = arith.extui %gt3A_184 : i1 to i32
        %cond3A_186 = arith.constant 0 : i32
        %cond3A_187 = arith.cmpi ne, %convert_element_type3A_185, %cond3A_186 : i32
        scf.if %cond3A_187 {
          %dma_wait3A = arith.constant 0 : i32
          %dma_wait3A_202 = arith.constant 0 : i32
          %dma_wait3A_203 = tpu.memref_slice %arg17[%dma_wait3A, %dma_wait3A_202] : memref<10248x128xf32, #tpu.memory_space<vmem_shared>> -> memref<64x128xf32, #tpu.memory_space<vmem_shared>>
          %dma_wait3A_204 = arith.constant 0 : i32
          %dma_wait3A_205 = arith.constant 0 : i32
          %dma_wait3A_206 = tpu.memref_slice %arg17[%dma_wait3A_204, %dma_wait3A_205] : memref<10248x128xf32, #tpu.memory_space<vmem_shared>> -> memref<64x128xf32, #tpu.memory_space<vmem_shared>>
          tpu.wait_dma2 semaphore(%arg23 : memref<!tpu.dma_semaphore, #tpu.memory_space<semaphore_mem>>) src(%arg13 : memref<64x128xf32, #tpu.memory_space<vmem>>) dst(%dma_wait3A_206 : memref<64x128xf32, #tpu.memory_space<vmem_shared>>)
        } else {
        }
        %gt3A_188 = arith.constant 1 : i32
        %gt3A_189 = arith.cmpi sgt, %select_n3A, %gt3A_188 : i32
        %convert_element_type3A_190 = arith.extui %gt3A_189 : i1 to i32
        %cond3A_191 = arith.constant 0 : i32
        %cond3A_192 = arith.cmpi ne, %convert_element_type3A_190, %cond3A_191 : i32
        scf.if %cond3A_192 {
          %dma_wait3A = arith.constant 0 : i32
          %dma_wait3A_202 = arith.constant 0 : i32
          %dma_wait3A_203 = tpu.memref_slice %arg17[%dma_wait3A, %dma_wait3A_202] : memref<10248x128xf32, #tpu.memory_space<vmem_shared>> -> memref<64x128xf32, #tpu.memory_space<vmem_shared>>
          %dma_wait3A_204 = arith.constant 0 : i32
          %dma_wait3A_205 = arith.constant 0 : i32
          %dma_wait3A_206 = tpu.memref_slice %arg17[%dma_wait3A_204, %dma_wait3A_205] : memref<10248x128xf32, #tpu.memory_space<vmem_shared>> -> memref<64x128xf32, #tpu.memory_space<vmem_shared>>
          tpu.wait_dma2 semaphore(%arg24 : memref<!tpu.dma_semaphore, #tpu.memory_space<semaphore_mem>>) src(%arg14 : memref<64x128xf32, #tpu.memory_space<vmem>>) dst(%dma_wait3A_206 : memref<64x128xf32, #tpu.memory_space<vmem_shared>>)
        } else {
        }
        %gt3A_193 = arith.constant 2 : i32
        %gt3A_194 = arith.cmpi sgt, %select_n3A, %gt3A_193 : i32
        %convert_element_type3A_195 = arith.extui %gt3A_194 : i1 to i32
        %cond3A_196 = arith.constant 0 : i32
        %cond3A_197 = arith.cmpi ne, %convert_element_type3A_195, %cond3A_196 : i32
        scf.if %cond3A_197 {
          %dma_wait3A = arith.constant 0 : i32
          %dma_wait3A_202 = arith.constant 0 : i32
          %dma_wait3A_203 = tpu.memref_slice %arg17[%dma_wait3A, %dma_wait3A_202] : memref<10248x128xf32, #tpu.memory_space<vmem_shared>> -> memref<64x128xf32, #tpu.memory_space<vmem_shared>>
          %dma_wait3A_204 = arith.constant 0 : i32
          %dma_wait3A_205 = arith.constant 0 : i32
          %dma_wait3A_206 = tpu.memref_slice %arg17[%dma_wait3A_204, %dma_wait3A_205] : memref<10248x128xf32, #tpu.memory_space<vmem_shared>> -> memref<64x128xf32, #tpu.memory_space<vmem_shared>>
          tpu.wait_dma2 semaphore(%arg25 : memref<!tpu.dma_semaphore, #tpu.memory_space<semaphore_mem>>) src(%arg15 : memref<64x128xf32, #tpu.memory_space<vmem>>) dst(%dma_wait3A_206 : memref<64x128xf32, #tpu.memory_space<vmem_shared>>)
        } else {
        }
        %barrier3A_198 = arith.constant 0 : index
        tpu.barrier barrier_id(%barrier3A_198)
        %mul3A_199 = arith.constant 640 : i32
        %mul3A_200 = arith.muli %arg1, %mul3A_199 : i32
        %add3A_201 = arith.addi %mul3A_19, %mul3A_200 : i32
        "tpu.region"() ({
          %run_scoped3A = tpu.sem_alloc : memref<!tpu.dma_semaphore, #tpu.memory_space<semaphore_mem>>
          %dma_start3A_202 = arith.constant 0 : i32
          %dma_start3A_203 = tpu.memref_slice %arg5[%add3A_201, %dma_start3A_202] : memref<102400x128xf32, #tpu.memory_space<hbm>> -> memref<640x128xf32, #tpu.memory_space<hbm>>
          %dma_start3A_204 = arith.constant 0 : i32
          %dma_start3A_205 = tpu.memref_slice %arg17[%mul3A_200, %dma_start3A_204] : memref<10248x128xf32, #tpu.memory_space<vmem_shared>> -> memref<640x128xf32, #tpu.memory_space<vmem_shared>>
          tpu.enqueue_dma source(%dma_start3A_205 : memref<640x128xf32, #tpu.memory_space<vmem_shared>>) target(%dma_start3A_203 : memref<640x128xf32, #tpu.memory_space<hbm>>) target_semaphore(%run_scoped3A : memref<!tpu.dma_semaphore, #tpu.memory_space<semaphore_mem>>)
          %dma_wait3A = arith.constant 0 : i32
          %dma_wait3A_206 = tpu.memref_slice %arg5[%add3A_201, %dma_wait3A] : memref<102400x128xf32, #tpu.memory_space<hbm>> -> memref<640x128xf32, #tpu.memory_space<hbm>>
          %dma_wait3A_207 = arith.constant 0 : i32
          %dma_wait3A_208 = tpu.memref_slice %arg17[%mul3A_200, %dma_wait3A_207] : memref<10248x128xf32, #tpu.memory_space<vmem_shared>> -> memref<640x128xf32, #tpu.memory_space<vmem_shared>>
          tpu.wait_dma2 semaphore(%run_scoped3A : memref<!tpu.dma_semaphore, #tpu.memory_space<semaphore_mem>>) src(%dma_wait3A_208 : memref<640x128xf32, #tpu.memory_space<vmem_shared>>) dst(%dma_wait3A_206 : memref<640x128xf32, #tpu.memory_space<hbm>>)
          tpu.yield
        }) : () -> ()
      } else {
      }
    }
    %scan3A_7 = arith.constant 5 : i32
    return
  }
}

module attributes {stable_mosaic.version = 14 : i64} {
  func.func @body(%arg0: i32, %arg1: i32, %arg2: memref<2048x128xbf16, #tpu.memory_space<vmem>>, %arg3: memref<1x128x128xbf16, #tpu.memory_space<vmem>>, %arg4: memref<2048x128xf32, #tpu.memory_space<vmem>>) attributes {dimension_semantics = [#tpu.dimension_semantics<arbitrary>, #tpu.dimension_semantics<arbitrary>], iteration_bounds = array<i64: 27, 10>, scalar_prefetch = 0 : i64, scratch_operands = 0 : i64, tpu.core_type = #tpu.core_type<tc>, window_params = [{transform_indices = @transform_0, window_bounds = array<i64: 2048, 128>}, {transform_indices = @transform_1, window_bounds = array<i64: 1, 128, 128>}, {transform_indices = @transform_2, window_bounds = array<i64: 2048, 128>}]} {
    %get3A = arith.constant 0 : index
    %get3A_0 = arith.constant 0 : index
    %get3A_1 = vector.load %arg2[%get3A, %get3A_0] : memref<2048x128xbf16, #tpu.memory_space<vmem>>, vector<2048x128xbf16>
    %get3A_2 = arith.constant 0 : index
    %get3A_3 = arith.constant 0 : index
    %get3A_4 = arith.constant 0 : index
    %get3A_5 = vector.load %arg3[%get3A_2, %get3A_3, %get3A_4] : memref<1x128x128xbf16, #tpu.memory_space<vmem>>, vector<1x128x128xbf16>
    %get3A_6 = vector.shape_cast %get3A_5 : vector<1x128x128xbf16> to vector<128x128xbf16>
    %dot_general3A = arith.constant dense<0.000000e+00> : vector<2048x128xf32>
    %dot_general3A_7 = tpu.matmul %get3A_1, %get3A_6, %dot_general3A {dimension_numbers = #tpu.dot_dimension_numbers<[1], [0], [0], [1], [0, 0, 1, 1], [], []>, transpose_lhs_hint = false} : vector<2048x128xbf16>, vector<128x128xbf16>, vector<2048x128xf32> -> vector<2048x128xf32>
    %swap3A = arith.constant 0 : index
    %swap3A_8 = arith.constant 0 : index
    %swap3A_9 = vector.load %arg4[%swap3A, %swap3A_8] : memref<2048x128xf32, #tpu.memory_space<vmem>>, vector<2048x128xf32>
    tpu.vector_store %arg4[%swap3A, %swap3A_8], %dot_general3A_7 {strides = array<i32>} : memref<2048x128xf32, #tpu.memory_space<vmem>>, vector<2048x128xf32>,
    return
  }
  func.func @transform_0(%arg0: i32, %arg1: i32) -> (i32, i32) {
    %mul3A = arith.constant 10 : i32
    %mul3A_0 = arith.muli %arg0, %mul3A : i32
    %add3A = arith.addi %mul3A_0, %arg1 : i32
    %c0_i32 = arith.constant 0 : i32
    %c0_i32_1 = arith.constant 0 : i32
    return %add3A, %c0_i32 : i32, i32
  }
  func.func @transform_1(%arg0: i32, %arg1: i32) -> (i32, i32, i32) {
    %c0_i32 = arith.constant 0 : i32
    %c0_i32_0 = arith.constant 0 : i32
    %c0_i32_1 = arith.constant 0 : i32
    return %arg0, %c0_i32, %c0_i32_0 : i32, i32, i32
  }
  func.func @transform_2(%arg0: i32, %arg1: i32) -> (i32, i32) {
    %mul3A = arith.constant 10 : i32
    %mul3A_0 = arith.muli %arg0, %mul3A : i32
    %add3A = arith.addi %mul3A_0, %arg1 : i32
    %c0_i32 = arith.constant 0 : i32
    %c0_i32_1 = arith.constant 0 : i32
    return %add3A, %c0_i32 : i32, i32
  }
}

</mosaic_0001>

<sc_bundles>
// kernel: kernel.5.cloned.1.call-start
scs
__scs_entry_jumppad:
0x0: {  	(pc) =	sbr.rel $0x88, $3  }
0x1: {  	(tag) =	ssettag $0x0;
	lr =	simm.s32 $0x1  }
0x2: {  	[smem:$0x3F9C] =	sst lr;
	_ =	strace $0xD0000000  }
0x3: {  	_ = 	snop  }
0x4: {  	_ = 	snop  }
0x5: {  	_ = 	snop  }
0x6: {  	_ = 	snop  }
0x7: {  	_ = 	snop  }
__scs_overlays_trampoline_lowered:
0x8: {  	[smem:$0x3FAB] =	sst s0  }
0x9: {  	[smem:$0x3FAC] =	sst s1  }
0xa: {  	[smem:$0x3FAD] =	sst s2  }
0xb: {  	[smem:$0x3FAE] =	sst s3  }
0xc: {  	[smem:$0x3FAF] =	sst s4  }
0xd: {  	[smem:$0x3FB0] =	sst s5  }
0xe: {  	[smem:$0x3FB1] =	sst s6  }
0xf: {  	[smem:$0x3FB2] =	sst s7  }
0x10: {  	[smem:$0x3FB3] =	sst s8  }
0x11: {  	[smem:$0x3FB4] =	sst s9;
	s0 =	simm.s32 @!p0 $0x0  }
0x12: {  	s1 =	sld [smem:$0x3F9A];
	s0 =	simm.s32 @p0 $0x1  }
0x13: {  	[smem:$0x3FB5] =	sst s0;
	s0 =	simm.s32 @!p1 $0x0  }
0x14: {  	s2 =	sld [smem:$0x3F99];
	s0 =	simm.s32 @p1 $0x1  }
0x15: {  	[smem:$0x3FB6] =	sst s0;
	s0 =	simm.s32 @!p2 $0x0  }
0x16: {  	s3 =	sld [smem:$0x3FDB];
	s0 =	simm.s32 @p2 $0x1  }
0x17: {  	s4 =	simm.s32 $0x1BF5;
	[smem:$0x3FB8] =	sst s0  }
0x18: {  	s0 =	sld [smem:$0x3F9B];
	_ =	swait.ge [sflag:s4], $0x0  }
0x19: {  	s7 =	sld [smem:$0x3F9C]  }
0x1a: {  	s8 =	sadd.s32 $0xFFFFE003, lr  }
0x1b: {  	s9 =	sadd.s32 $0xFFFFFEF7, lr;
	s5 =	simm.s32 $0xFFFFFFFF;
	p2 =	slt.u32 s8, $0xFFFFF086  }
0x1c: {  	p1 =	slt.u32 s9, $0xF7A;
	s5 =	simm.s32 @!p2 $0x0  }
0x1d: {  	s5 =	simm.s32 @p1 $0x1;
	p0 =	seq.s32 s7, s2  }
0x1e: {  	s7 =	smul.u32 @!p0 $0xF7A, s2;
	p2 =	seq.s32 @!p0 s5, $0x0  }
0x1f: {  	s9 =	smul.u32 $0xF7A, s1;
	s8 =	simm.s32 @!p0 $0x1BF5;
	p2 =	por !p2, p0  }
0x20: {  	[sflag:s8] =	ssyncset.s32 @!p0 $0xFFFFF086;
	s6 =	sadd.s32 @!p0 s3, s7;
	s7 =	simm.s32 @!p0 $0x108  }
0x21: {  	s3 =	sadd.s32 s3, s9;
	s6 =	sadd.s32 @!p0 $0x88, s6;
	s7 =	simm.s32 @p2 $0x1082  }
0x22: {  	[simem:s7], [sflag:s8] =	dma.local @!p0 [hbm:s6], $0xF7A  }
0x23: {  	s9 =	sor.u32 $0xD0000000, s2;
	s6 =	simm.s32 $0x108;
	_ =	swait.ge @!p0 [sflag:s8], $0x0  }
0x24: {  	s3 =	sadd.s32 $0x88, s3;
	s6 =	simm.s32 @!p1 $0x1082;
	[sflag:s4] =	ssyncset.s32 $0xFFFFF086  }
0x25: {  	[simem:s6], [sflag:s4] =	dma.local [hbm:s3], $0xF7A  }
0x26: {  	[smem:$0x3F9C] =	sst s1;
	(tag) =	ssettag s2;
	_ =	strace s9  }
0x27: {  	s1 =	sld [smem:$0x3FAC]  }
0x28: {  	s2 =	sld [smem:$0x3FAD]  }
0x29: {  	s4 =	sld [smem:$0x3FAF]  }
0x2a: {  	p0 =	seq.s32 s5, $0x0;
	s5 =	sld [smem:$0x3FB0]  }
0x2b: {  	s6 =	sld [smem:$0x3FB1]  }
0x2c: {  	s7 =	sld [smem:$0x3FB2]  }
0x2d: {  	s3 =	simm.s32 $0x108;
	s8 =	sld [smem:$0x3FB3]  }
0x2e: {  	s3 =	simm.s32 @!p0 $0x1082;
	s9 =	sld [smem:$0x3FB4]  }
0x2f: {  	lr =	sadd.s32 s0, s3;
	s0 =	sld [smem:$0x3FAB]  }
0x30: {  	s3 =	sld [smem:$0x3FAE]  }
0x31: {  	[smem:$0x3FB7] =	sst s10  }
0x32: {  	s10 =	sld [smem:$0x3FB5];
	_ =	sdelay $0x3  }
0x33: {  	p0 =	seq.s32 s10, $0x1;
	s10 =	sld [smem:$0x3FB7];
	_ =	sdelay $0x3  }
0x34: {  	[smem:$0x3FB7] =	sst s10  }
0x35: {  	s10 =	sld [smem:$0x3FB6];
	_ =	sdelay $0x3  }
0x36: {  	p1 =	seq.s32 s10, $0x1;
	s10 =	sld [smem:$0x3FB7];
	_ =	sdelay $0x3  }
0x37: {  	[smem:$0x3FB7] =	sst s10  }
0x38: {  	s10 =	sld [smem:$0x3FB8]  }
0x39: {  	_ = 	snop;
	(pc) =	sbr.ind lr, $3  }
0x3a: {  	_ = 	snop  }
0x3b: {  	_ = 	snop  }
0x3c: {  	p2 =	seq.s32 s10, $0x1;
	s10 =	sld [smem:$0x3FB7]  }
0x3d: {  	_ =	shalt  }
0x3e: {  	_ =	shalt  }
0x3f: {  	_ =	shalt  }
0x40: {  	_ =	shalt  }
0x41: {  	_ =	shalt  }
0x42: {  	_ =	shalt  }
0x43: {  	_ =	shalt  }
0x44: {  	_ =	shalt  }
0x45: {  	_ =	shalt  }
0x46: {  	_ =	shalt  }
0x47: {  	_ =	shalt  }
0x48: {  	_ =	shalt  }
0x49: {  	_ =	shalt  }
0x4a: {  	_ =	shalt  }
0x4b: {  	_ =	shalt  }
0x4c: {  	_ =	shalt  }
0x4d: {  	_ =	shalt  }
0x4e: {  	_ =	shalt  }
0x4f: {  	_ =	shalt  }
0x50: {  	_ =	shalt  }
0x51: {  	_ =	shalt  }
0x52: {  	_ =	shalt  }
0x53: {  	_ =	shalt  }
0x54: {  	_ =	shalt  }
0x55: {  	_ =	shalt  }
0x56: {  	_ =	shalt  }
0x57: {  	_ =	shalt  }
0x58: {  	_ =	shalt  }
0x59: {  	_ =	shalt  }
0x5a: {  	_ =	shalt  }
0x5b: {  	_ =	shalt  }
0x5c: {  	_ =	shalt  }
0x5d: {  	_ =	shalt  }
0x5e: {  	_ =	shalt  }
0x5f: {  	_ =	shalt  }
0x60: {  	_ =	shalt  }
0x61: {  	_ =	shalt  }
0x62: {  	_ =	shalt  }
0x63: {  	_ =	shalt  }
0x64: {  	_ =	shalt  }
0x65: {  	_ =	shalt  }
0x66: {  	_ =	shalt  }
0x67: {  	_ =	shalt  }
0x68: {  	_ =	shalt  }
0x69: {  	_ =	shalt  }
0x6a: {  	_ =	shalt  }
0x6b: {  	_ =	shalt  }
0x6c: {  	_ =	shalt  }
0x6d: {  	_ =	shalt  }
0x6e: {  	_ =	shalt  }
0x6f: {  	_ =	shalt  }
0x70: {  	_ =	shalt  }
0x71: {  	_ =	shalt  }
0x72: {  	_ =	shalt  }
0x73: {  	_ =	shalt  }
0x74: {  	_ =	shalt  }
0x75: {  	_ =	shalt  }
0x76: {  	_ =	shalt  }
0x77: {  	_ =	shalt  }
0x78: {  	_ =	shalt  }
0x79: {  	_ =	shalt  }
0x7a: {  	_ =	shalt  }
0x7b: {  	_ =	shalt  }
0x7c: {  	_ =	shalt  }
0x7d: {  	_ =	shalt  }
0x7e: {  	_ =	shalt  }
0x7f: {  	_ =	shalt  }
0x80: {  	_ =	shalt  }
0x81: {  	_ =	shalt  }
0x82: {  	_ =	shalt  }
0x83: {  	_ =	shalt  }
0x84: {  	_ =	shalt  }
0x85: {  	_ =	shalt  }
0x86: {  	_ =	shalt  }
0x87: {  	_ =	shalt  }
.Lfunc_end0:
.L_simem_size_0:
called_computation.3_lowered:
.L_overlay_start_0:
0x88: {  	s2 =	sld [smem:$0x3FD9]  }
0x89: {  	s3 =	sld [smem:$0x3FFE];
	_ =	sdelay $0x1  }
0x8a: {  	s1 =	srdreg.scid  }
0x8b: {  	s0 =	sand.u32 $0x1, s1  }
0x8c: {  	s16 =	sshll.u32 s0, $0xA;
	s2 =	sadd.s32 s3, s2  }
0x8d: {  	s2 =	sadd.s32 s2, s16  }
0x8e: {  	[smem:$0x3FC3] =	sst s2  }
0x8f: {  	_ = 	snop  }
0x90: {  	(tm) =	ssettm $0x1  }
0x91: {  	s17 =	sld [smem:$0x3FFB];
	_ =	sdelay $0x3  }
0x92: {  	_ =	strace s17  }
0x93: {  	s2 =	sld [smem:$0x3FFC];
	_ =	sdelay $0x3  }
0x94: {  	_ =	strace s2  }
0x95: {  	s2 =	sld [smem:$0x3FFD];
	_ =	sdelay $0x3  }
0x96: {  	_ =	strace s2  }
0x97: {  	_ =	strace $0x8FFFFFFF  }
0x98: {  	s18 =	sld [smem:$0x3FDB];
	_ =	sdelay $0x1  }
0x99: {  	s19 =	simm.s32 $_scs_section_size  }
0x9a: {  	s4 =	simm.s32 $_size__tile_overlayer_lowered;
	s5 =	simm.s32 $_tile_overlayer_lowered  }
0x9b: {  	s22 =	simm.s32 $0x1BFF;
	s21 =	sshll.u32 s5, $0x1;
	s2 =	sadd.s32 s19, s18  }
0x9c: {  	s6 =	simm.s32 $0x0;
	s20 =	sshll.u32 s4, $0x1;
	s4 =	sadd.s32 s21, s2  }
0x9d: {  	[timem:s6], [sflag:s22] =	dma.local [hbm:s4], s20  }
0x9e: {  	_ =	swait.ge [sflag:s22], s20  }
0x9f: {  	s3 =	ssub.s32 $0x0, s20;
	[sflag:s22] =	ssyncset.done $0x0  }
0xa0: {  	[sflag:s22] =	ssyncadd.s32 s3;
	_ =	sdelay $0x1  }
0xa1: {  	s23 =	simm.s32 $0x1B8B  }
0xa2: {  	_ =	swait.ge [sflag:s23], $0x1  }
0xa3: {  	[sflag:s23] =	ssyncset.done $0x0  }
0xa4: {  	s25 =	simm.s32 $0x1B8E;
	s24 =	sld [smem:$0x3FFE];
	[sflag:s23] =	ssyncadd.s32 $0xFFFFFFFF  }
0xa5: {  	s26 =	simm.s32 $execute0_lowered;
	[smem:$0x3FD2] =	sst s25  }
0xa6: {  	s4 =	sshll.u32 s26, $0x1;
	_ =	strace $0x80000049;
	[dreg:$0x1] =	wrdreg $0xFFFFFFFF  }
0xa7: {  	s28 =	simm.s32 $_size_execute0_lowered;
	s2 =	sadd.s32 s2, s4;
	[dreg:$0x0] =	wrdreg $0x0  }
0xa8: {  	s4 =	sshll.u32 s28, $0x1;
	[dreg:$0x2] =	wrdreg s2  }
0xa9: {  	[dreg:$0x3] =	wrdreg s4  }
0xaa: {  	[dreg:$0x4] =	wrdreg $0xC0  }
0xab: {  	_ =	task [dreg:s6], $0x5FFFF  }
0xac: {  	[dreg:$0x1] =	wrdreg $0xFFFFFFFF  }
0xad: {  	[dreg:$0x0] =	wrdreg $0x60  }
0xae: {  	[dreg:$0x2] =	wrdreg s24  }
0xaf: {  	[dreg:$0x3] =	wrdreg $0x9  }
0xb0: {  	_ =	task.clear_ibuf [dreg:s6], $0x4FFFF;
	_ =	strace $0x90000049  }
0xb1: {  	s29 =	simm.s32 $0x9;
	_ =	strace $0x8000004B  }
0xb2: {  	_ =	swait.ge [sflag:s29], $0x1  }
0xb3: {  	[sflag:s29] =	ssyncadd.s32 $0xFFFFFFFF  }
0xb4: {  	_ =	strace $0x9000004B  }
0xb5: {  	_ =	sfence  }
0xb6: {  	s30 =	sld [smem:$0x0];
	_ =	sdelay $0x2  }
0xb7: {  	s31 =	sshll.u32 s1, $0xD;
	s1 =	sshrl.u32 s1, $0x2  }
0xb8: {  	s3 =	sand.u32 $0x4000, s31;
	s1 =	sadd.s32 s1, s30  }
0xb9: {  	s0 =	sor.u32 s3, s0;
	s1 =	sshll.u32 s1, $0x11  }
0xba: {  	s0 =	sor.u32 s1, s0  }
0xbb: {  	s0 =	sadd.s32 $0x8F2B, s0  }
0xbc: {  	[sflag:s0] =	ssyncadd.remote.s32 $0x1  }
0xbd: {  	_ =	sfence.sel $0xFFFF  }
0xbe: {  	[dreg:$0x0] =	wrdreg $0xFFFFFFFF;
	(pc) =	sbr.abs _section_cstart, $3  }
0xbf: {  	[dreg:$0x1] =	wrdreg $0xFFFFFFFF  }
0xc0: {  	_ =	task.clear_ibuf [dreg:s6], $0x2FFFF;
	_ =	strace $0x9FFFFFFF  }
0xc1: {  	(tm) =	ssettm $0x7FFFFFFF  }
tec
execute0_lowered:
.L_overlay_start_1:
0x0: {  	(tag) =	ssettag $0x1  }
0x1: {  	s0 =	srdreg.scid;
	s9 =	stileid.u32  }
0x2: {  	s4 =	rddreg [dreg:$0x0];
	s2 =	simm.s32 $0x0;
	s28 =	simm.s32 $0x1  }
0x3: {  	s0 =	sand.u32 $0x1, s0;
	s1 =	sshll.u32 s9, $0x1;
	s9 =	smul.u32 $0x8700, s9  }
0x4: {  	s1 =	sor.u32 s0, s1;
	s7 =	ssub.s32 $0x2, s0;
	s0 =	smul.u32 $0x4380, s0  }
0x5: {  	s30 =	simm.s32 $0xA380;
	s31 =	simm.s32 $0x2;
	s3 =	smul.u32 $0x4380, s1  }
0x6: {  	s29 =	simm.s32 $0x4;
	[smem:$0x7FF] =	sst s2;
	s6 =	smul.u32 $0x10E000, s1  }
0x7: {  	_ =	strace $0x8000004A;
	s1 =	smul.u32 $0x21C00, s1;
	s8 =	sshrl.u32 s7, $0x1  }
0x8: {  	s7 =	ssub.s32 s7, s8;
	s0 =	sadd.s32 s0, s9;
	s5 =	sshrl.u32 s3, $0x3  }
0x9: {  	s3 =	sadd.s32 $0x1600, s4;
	s6 =	sshrl.u32 s6, $0x3;
	s0 =	sshll.u32 s0, $0x3  }
0xa: {  	s26 =	smax.u32 s7, $0x1;
	s5 =	sadd.s32 s5, s4;
	s4 =	sadd.s32 $0x199400, s4  }
0xb: {  	[dreg:$0xc] =	wrdreg s26;
	s26 =	simm.s32 $0x8380;
	s5 =	sadd.s32 $0x188600, s5  }
0xc: {  	s6 =	sadd.s32 s4, s6;
	s1 =	sadd.s32 s4, s1;
	[dreg:$0x2] =	wrdreg s5  }
0xd: {  	s0 =	sadd.s32 s4, s0;
	[dreg:$0x3] =	wrdreg s1;
	s18 =	sadd.s32 $0x400, s6  }
0xe: {  	s4 =	simm.s32 $0x5;
	s19 =	sadd.s32 $0x800, s6;
	[dreg:$0x4] =	wrdreg s18  }
0xf: {  	s20 =	sadd.s32 $0x20400, s6;
	s21 =	sadd.s32 $0x20800, s6;
	[dreg:$0x5] =	wrdreg s19  }
0x10: {  	s22 =	sadd.s32 $0x20C00, s6;
	s23 =	sadd.s32 $0x21000, s6;
	[dreg:$0x6] =	wrdreg s20  }
0x11: {  	s24 =	sadd.s32 $0x21400, s6;
	s25 =	sadd.s32 $0x21800, s6;
	[dreg:$0x7] =	wrdreg s21  }
0x12: {  	s15 =	sadd.s32 $0x1400, s0;
	s16 =	sadd.s32 $0x1000, s0;
	[dreg:$0x8] =	wrdreg s22  }
0x13: {  	s17 =	sadd.s32 $0xC00, s0;
	s1 =	simm.s32 $0xE380;
	[dreg:$0x9] =	wrdreg s23  }
0x14: {  	s5 =	simm.s32 $0x6;
	s6 =	simm.s32 $0x0;
	[dreg:$0xa] =	wrdreg s24  }
0x15: {  	[dreg:$0xb] =	wrdreg s25;
	s18 =	sadd.s32 $0x2000, s0;
	s19 =	sadd.s32 $0x1C00, s0  }
0x16: {  	s20 =	sadd.s32 $0x1800, s0;
	s22 =	simm.s32 $0x80;
	s23 =	simm.s32 $0x4380  }
0x17: {  	s24 =	simm.s32 $0x6380;
	s0 =	simm.s32 $0xC380;
	s25 =	simm.s32 $0x3  }
.LBB2_1:
0x18: {  	s7 =	rddreg [dreg:$0x2];
	s11 =	simm.s32 $0x7  }
0x19: {  	[tilespmem:s2], [sflag:$0x7] =	stream.linear.gather [hbm4b:s7+s2], $0x4380, $0x38;
	[tilespmem:$0x10380] =	vst v63  }
0x1a: {  	_ =	swait.ge [sflag:s11], $0x4380  }
0x1b: {  	[sflag:s11] =	ssyncset.done $0x0  }
0x1c: {  	[sflag:s11] =	ssyncadd.s32 $0xFFFFBC80  }
0x1d: {  	[tilespmem:s23], [sflag:$0x1] =	stream.indirect.gather [hbm4b:s3+s22], $0x40, s2, s22, $0xb8;
	[tilespmem:$0x10380] =	vst v63  }
0x1e: {  	_ = 	snop  }
0x1f: {  	[tilespmem:s24], [sflag:$0x2] =	stream.indirect.gather [hbm4b:s3+s22], $0x40, s22, s22, $0xb8;
	[tilespmem:$0x10380] =	vst v63  }
0x20: {  	s12 =	simm.s32 $0x100  }
0x21: {  	[tilespmem:s26], [sflag:$0x3] =	stream.indirect.gather [hbm4b:s3+s22], $0x40, s12, s22, $0xb8;
	[tilespmem:$0x10380] =	vst v63  }
0x22: {  	_ =	swait.ge [sflag:s28], $0x2000  }
0x23: {  	[sflag:s28] =	ssyncset.done $0x0  }
0x24: {  	s13 =	rddreg [dreg:$0x3];
	[sflag:s28] =	ssyncadd.s32 $0xFFFFE000  }
0x25: {  	[hbm4b:s13+s2] =	stream.linear.scatter [tilespmem:s23], [sflag:$0x1], $0x2000, $0x38;
	[tilespmem:$0x10380] =	vst v63  }
0x26: {  	s14 =	simm.s32 $0x180  }
0x27: {  	[tilespmem:s30], [sflag:$0x4] =	stream.indirect.gather [hbm4b:s3+s22], $0x40, s14, s22, $0xb8;
	[tilespmem:$0x10380] =	vst v63  }
0x28: {  	_ =	swait.ge [sflag:s31], $0x2000  }
0x29: {  	[sflag:s31] =	ssyncset.done $0x0  }
0x2a: {  	s21 =	rddreg [dreg:$0x4];
	[sflag:s31] =	ssyncadd.s32 $0xFFFFE000  }
0x2b: {  	[hbm4b:s21+s2] =	stream.linear.scatter [tilespmem:s24], [sflag:$0x2], $0x2000, $0x38;
	[tilespmem:$0x10380] =	vst v63  }
0x2c: {  	s8 =	simm.s32 $0x200  }
0x2d: {  	[tilespmem:s0], [sflag:$0x5] =	stream.indirect.gather [hbm4b:s3+s22], $0x40, s8, s22, $0xb8;
	[tilespmem:$0x10380] =	vst v63  }
0x2e: {  	_ =	swait.ge [sflag:s25], $0x2000  }
0x2f: {  	[sflag:s25] =	ssyncset.done $0x0  }
0x30: {  	s9 =	rddreg [dreg:$0x5];
	[sflag:s25] =	ssyncadd.s32 $0xFFFFE000  }
0x31: {  	[hbm4b:s9+s2] =	stream.linear.scatter [tilespmem:s26], [sflag:$0x3], $0x2000, $0x38;
	[tilespmem:$0x10380] =	vst v63  }
0x32: {  	s10 =	simm.s32 $0x280  }
0x33: {  	[tilespmem:s1], [sflag:$0x6] =	stream.indirect.gather [hbm4b:s3+s22], $0x40, s10, s22, $0xb8;
	[tilespmem:$0x10380] =	vst v63  }
0x34: {  	_ =	swait.ge [sflag:s29], $0x2000  }
0x35: {  	[sflag:s29] =	ssyncset.done $0x0  }
0x36: {  	[sflag:s29] =	ssyncadd.s32 $0xFFFFE000  }
0x37: {  	[hbm4b:s17+s2] =	stream.linear.scatter [tilespmem:s30], [sflag:$0x4], $0x2000, $0x38;
	[tilespmem:$0x10380] =	vst v63  }
0x38: {  	_ =	swait.ge [sflag:s28], $0x2000  }
0x39: {  	[sflag:s28] =	ssyncset.done $0x0  }
0x3a: {  	s11 =	simm.s32 $0x300;
	[sflag:s28] =	ssyncadd.s32 $0xFFFFE000  }
0x3b: {  	[tilespmem:s23], [sflag:$0x1] =	stream.indirect.gather [hbm4b:s3+s22], $0x40, s11, s22, $0xb8;
	[tilespmem:$0x10380] =	vst v63  }
0x3c: {  	_ =	swait.ge [sflag:s4], $0x2000  }
0x3d: {  	[sflag:s4] =	ssyncset.done $0x0  }
0x3e: {  	[sflag:s4] =	ssyncadd.s32 $0xFFFFE000  }
0x3f: {  	[hbm4b:s16+s2] =	stream.linear.scatter [tilespmem:s0], [sflag:$0x5], $0x2000, $0x38;
	[tilespmem:$0x10380] =	vst v63  }
0x40: {  	_ =	swait.ge [sflag:s31], $0x2000  }
0x41: {  	[sflag:s31] =	ssyncset.done $0x0  }
0x42: {  	s12 =	simm.s32 $0x380;
	[sflag:s31] =	ssyncadd.s32 $0xFFFFE000  }
0x43: {  	[tilespmem:s24], [sflag:$0x2] =	stream.indirect.gather [hbm4b:s3+s22], $0x40, s12, s22, $0xb8;
	[tilespmem:$0x10380] =	vst v63  }
0x44: {  	_ =	swait.ge [sflag:s5], $0x2000  }
0x45: {  	[sflag:s5] =	ssyncset.done $0x0  }
0x46: {  	[sflag:s5] =	ssyncadd.s32 $0xFFFFE000  }
0x47: {  	[hbm4b:s15+s2] =	stream.linear.scatter [tilespmem:s1], [sflag:$0x6], $0x2000, $0x38;
	[tilespmem:$0x10380] =	vst v63  }
0x48: {  	_ =	swait.ge [sflag:s25], $0x2000  }
0x49: {  	[sflag:s25] =	ssyncset.done $0x0  }
0x4a: {  	s13 =	simm.s32 $0x400;
	[sflag:s25] =	ssyncadd.s32 $0xFFFFE000  }
0x4b: {  	[tilespmem:s26], [sflag:$0x3] =	stream.indirect.gather [hbm4b:s3+s22], $0x40, s13, s22, $0xb8;
	[tilespmem:$0x10380] =	vst v63  }
0x4c: {  	_ =	swait.ge [sflag:s28], $0x2000  }
0x4d: {  	[sflag:s28] =	ssyncset.done $0x0  }
0x4e: {  	[sflag:s28] =	ssyncadd.s32 $0xFFFFE000  }
0x4f: {  	[hbm4b:s20+s2] =	stream.linear.scatter [tilespmem:s23], [sflag:$0x1], $0x2000, $0x38;
	[tilespmem:$0x10380] =	vst v63  }
0x50: {  	_ =	swait.ge [sflag:s29], $0x2000  }
0x51: {  	[sflag:s29] =	ssyncset.done $0x0  }
0x52: {  	s14 =	simm.s32 $0x480;
	[sflag:s29] =	ssyncadd.s32 $0xFFFFE000  }
0x53: {  	[tilespmem:s30], [sflag:$0x4] =	stream.indirect.gather [hbm4b:s3+s22], $0x40, s14, s22, $0xb8;
	[tilespmem:$0x10380] =	vst v63  }
0x54: {  	_ =	swait.ge [sflag:s31], $0x2000  }
0x55: {  	[sflag:s31] =	ssyncset.done $0x0  }
0x56: {  	[sflag:s31] =	ssyncadd.s32 $0xFFFFE000  }
0x57: {  	[hbm4b:s19+s2] =	stream.linear.scatter [tilespmem:s24], [sflag:$0x2], $0x2000, $0x38;
	[tilespmem:$0x10380] =	vst v63  }
0x58: {  	_ =	swait.ge [sflag:s4], $0x2000  }
0x59: {  	[sflag:s4] =	ssyncset.done $0x0  }
0x5a: {  	s21 =	simm.s32 $0x500;
	[sflag:s4] =	ssyncadd.s32 $0xFFFFE000  }
0x5b: {  	[tilespmem:s0], [sflag:$0x5] =	stream.indirect.gather [hbm4b:s3+s22], $0x40, s21, s22, $0xb8;
	[tilespmem:$0x10380] =	vst v63  }
0x5c: {  	_ =	swait.ge [sflag:s25], $0x2000  }
0x5d: {  	[sflag:s25] =	ssyncset.done $0x0  }
0x5e: {  	s7 =	simm.s32 $0xC00;
	s8 =	sadd.s32 $0x1800, s20;
	[sflag:s25] =	ssyncadd.s32 $0xFFFFE000  }
0x5f: {  	[hbm4b:s18+s2] =	stream.linear.scatter [tilespmem:s26], [sflag:$0x3], $0x2000, $0x38;
	[tilespmem:$0x10380] =	vst v63  }
0x60: {  	s9 =	sadd.s32 $0x1800, s18;
	s10 =	sadd.s32 $0x1800, s19;
	_ =	swait.ge [sflag:s5], $0x2000  }
0x61: {  	s11 =	sadd.s32 $0x1800, s16;
	s12 =	sadd.s32 $0x1800, s17;
	[sflag:s5] =	ssyncset.done $0x0  }
0x62: {  	s13 =	sadd.s32 $0x1800, s15;
	s14 =	simm.s32 $0x580;
	[sflag:s5] =	ssyncadd.s32 $0xFFFFE000  }
.LBB2_2:
0x63: {  	[tilespmem:s1], [sflag:$0x6] =	stream.indirect.gather [hbm4b:s3+s22], $0x40, s14, s22, $0xb8;
	[tilespmem:$0x10380] =	vst v63  }
0x64: {  	s14 =	smov.u32 s7  }
0x65: {  	p0 =	sne.s32 s7, $0xF000;
	s7 =	sadd.s32 $0xC00, s7;
	_ =	swait.ge [sflag:s29], $0x2000  }
0x66: {  	[sflag:s29] =	ssyncset.done $0x0  }
0x67: {  	[sflag:s29] =	ssyncadd.s32 $0xFFFFE000  }
0x68: {  	[hbm4b:s12+s2] =	stream.linear.scatter [tilespmem:s30], [sflag:$0x4], $0x2000, $0x38;
	[tilespmem:$0x10380] =	vst v63  }
0x69: {  	_ =	swait.ge [sflag:s28], $0x2000  }
0x6a: {  	s14 =	sshra.s32 s14, $0x2;
	[sflag:s28] =	ssyncset.done $0x0  }
0x6b: {  	s21 =	sadd.s32 $0x300, s14;
	[sflag:s28] =	ssyncadd.s32 $0xFFFFE000  }
0x6c: {  	[tilespmem:s23], [sflag:$0x1] =	stream.indirect.gather [hbm4b:s3+s22], $0x40, s21, s22, $0xb8;
	[tilespmem:$0x10380] =	vst v63  }
0x6d: {  	_ =	swait.ge [sflag:s4], $0x2000  }
0x6e: {  	[sflag:s4] =	ssyncset.done $0x0  }
0x6f: {  	[sflag:s4] =	ssyncadd.s32 $0xFFFFE000  }
0x70: {  	[hbm4b:s11+s2] =	stream.linear.scatter [tilespmem:s0], [sflag:$0x5], $0x2000, $0x38;
	[tilespmem:$0x10380] =	vst v63  }
0x71: {  	_ =	swait.ge [sflag:s31], $0x2000  }
0x72: {  	[sflag:s31] =	ssyncset.done $0x0  }
0x73: {  	s21 =	sadd.s32 $0x380, s14;
	[sflag:s31] =	ssyncadd.s32 $0xFFFFE000  }
0x74: {  	[tilespmem:s24], [sflag:$0x2] =	stream.indirect.gather [hbm4b:s3+s22], $0x40, s21, s22, $0xb8;
	[tilespmem:$0x10380] =	vst v63  }
0x75: {  	_ =	swait.ge [sflag:s5], $0x2000  }
0x76: {  	[sflag:s5] =	ssyncset.done $0x0  }
0x77: {  	[sflag:s5] =	ssyncadd.s32 $0xFFFFE000  }
0x78: {  	[hbm4b:s13+s2] =	stream.linear.scatter [tilespmem:s1], [sflag:$0x6], $0x2000, $0x38;
	[tilespmem:$0x10380] =	vst v63  }
0x79: {  	_ =	swait.ge [sflag:s25], $0x2000  }
0x7a: {  	[sflag:s25] =	ssyncset.done $0x0  }
0x7b: {  	s21 =	sadd.s32 $0x400, s14;
	[sflag:s25] =	ssyncadd.s32 $0xFFFFE000  }
0x7c: {  	[tilespmem:s26], [sflag:$0x3] =	stream.indirect.gather [hbm4b:s3+s22], $0x40, s21, s22, $0xb8;
	[tilespmem:$0x10380] =	vst v63  }
0x7d: {  	_ =	swait.ge [sflag:s28], $0x2000  }
0x7e: {  	[sflag:s28] =	ssyncset.done $0x0  }
0x7f: {  	[sflag:s28] =	ssyncadd.s32 $0xFFFFE000  }
0x80: {  	[hbm4b:s8+s2] =	stream.linear.scatter [tilespmem:s23], [sflag:$0x1], $0x2000, $0x38;
	[tilespmem:$0x10380] =	vst v63  }
0x81: {  	_ =	swait.ge [sflag:s29], $0x2000  }
0x82: {  	[sflag:s29] =	ssyncset.done $0x0  }
0x83: {  	s21 =	sadd.s32 $0x480, s14;
	[sflag:s29] =	ssyncadd.s32 $0xFFFFE000  }
0x84: {  	[tilespmem:s30], [sflag:$0x4] =	stream.indirect.gather [hbm4b:s3+s22], $0x40, s21, s22, $0xb8;
	[tilespmem:$0x10380] =	vst v63  }
0x85: {  	_ =	swait.ge [sflag:s31], $0x2000  }
0x86: {  	[sflag:s31] =	ssyncset.done $0x0  }
0x87: {  	[sflag:s31] =	ssyncadd.s32 $0xFFFFE000  }
0x88: {  	[hbm4b:s10+s2] =	stream.linear.scatter [tilespmem:s24], [sflag:$0x2], $0x2000, $0x38;
	[tilespmem:$0x10380] =	vst v63  }
0x89: {  	_ =	swait.ge [sflag:s4], $0x2000  }
0x8a: {  	[sflag:s4] =	ssyncset.done $0x0  }
0x8b: {  	s21 =	sadd.s32 $0x500, s14;
	[sflag:s4] =	ssyncadd.s32 $0xFFFFE000  }
0x8c: {  	[tilespmem:s0], [sflag:$0x5] =	stream.indirect.gather [hbm4b:s3+s22], $0x40, s21, s22, $0xb8;
	[tilespmem:$0x10380] =	vst v63  }
0x8d: {  	_ =	swait.ge [sflag:s25], $0x2000  }
0x8e: {  	[sflag:s25] =	ssyncset.done $0x0  }
.Ltmp0:
0x8f: {  	s8 =	sadd.s32 $0x1800, s8;
	[sflag:s25] =	ssyncadd.s32 $0xFFFFE000;
	(pc) =	sbr.rel @p0 .LBB2_2-.Ltmp0, $4  }
0x90: {  	[hbm4b:s9+s2] =	stream.linear.scatter [tilespmem:s26], [sflag:$0x3], $0x2000, $0x38;
	[tilespmem:$0x10380] =	vst v63  }
0x91: {  	s10 =	sadd.s32 $0x1800, s10;
	s9 =	sadd.s32 $0x1800, s9;
	_ =	swait.ge [sflag:s5], $0x2000  }
0x92: {  	s12 =	sadd.s32 $0x1800, s12;
	s11 =	sadd.s32 $0x1800, s11;
	[sflag:s5] =	ssyncset.done $0x0  }
0x93: {  	s13 =	sadd.s32 $0x1800, s13;
	s14 =	sadd.s32 $0x580, s14;
	[sflag:s5] =	ssyncadd.s32 $0xFFFFE000  }
0x94: {  	[tilespmem:s1], [sflag:$0x6] =	stream.indirect.gather [hbm4b:s3+s22], $0x40, s14, s22, $0xb8;
	[tilespmem:$0x10380] =	vst v63  }
0x95: {  	_ =	swait.ge [sflag:s29], $0x2000  }
0x96: {  	[sflag:s29] =	ssyncset.done $0x0  }
0x97: {  	s7 =	rddreg [dreg:$0x6];
	[sflag:s29] =	ssyncadd.s32 $0xFFFFE000  }
0x98: {  	[hbm4b:s7+s2] =	stream.linear.scatter [tilespmem:s30], [sflag:$0x4], $0x2000, $0x38;
	[tilespmem:$0x10380] =	vst v63  }
0x99: {  	_ =	swait.ge [sflag:s28], $0x2000  }
0x9a: {  	[sflag:s28] =	ssyncset.done $0x0  }
0x9b: {  	s21 =	simm.s32 $0x4200;
	[sflag:s28] =	ssyncadd.s32 $0xFFFFE000  }
0x9c: {  	[tilespmem:s23], [sflag:$0x1] =	stream.indirect.gather [hbm4b:s3+s22], $0x40, s21, s22, $0xb8;
	[tilespmem:$0x10380] =	vst v63  }
0x9d: {  	_ =	swait.ge [sflag:s4], $0x2000  }
0x9e: {  	[sflag:s4] =	ssyncset.done $0x0  }
0x9f: {  	s8 =	rddreg [dreg:$0x7];
	[sflag:s4] =	ssyncadd.s32 $0xFFFFE000  }
0xa0: {  	[hbm4b:s8+s2] =	stream.linear.scatter [tilespmem:s0], [sflag:$0x5], $0x2000, $0x38;
	[tilespmem:$0x10380] =	vst v63  }
0xa1: {  	_ =	swait.ge [sflag:s31], $0x2000  }
0xa2: {  	[sflag:s31] =	ssyncset.done $0x0  }
0xa3: {  	s9 =	simm.s32 $0x4280;
	[sflag:s31] =	ssyncadd.s32 $0xFFFFE000  }
0xa4: {  	[tilespmem:s24], [sflag:$0x2] =	stream.indirect.gather [hbm4b:s3+s22], $0x40, s9, s22, $0xb8;
	[tilespmem:$0x10380] =	vst v63  }
0xa5: {  	_ =	swait.ge [sflag:s5], $0x2000  }
0xa6: {  	[sflag:s5] =	ssyncset.done $0x0  }
0xa7: {  	s10 =	rddreg [dreg:$0x8];
	[sflag:s5] =	ssyncadd.s32 $0xFFFFE000  }
0xa8: {  	[hbm4b:s10+s2] =	stream.linear.scatter [tilespmem:s1], [sflag:$0x6], $0x2000, $0x38;
	[tilespmem:$0x10380] =	vst v63  }
0xa9: {  	_ =	swait.ge [sflag:s25], $0x2000  }
0xaa: {  	[sflag:s25] =	ssyncset.done $0x0  }
0xab: {  	s11 =	simm.s32 $0x4300;
	[sflag:s25] =	ssyncadd.s32 $0xFFFFE000  }
0xac: {  	[tilespmem:s26], [sflag:$0x3] =	stream.indirect.gather [hbm4b:s3+s22], $0x40, s11, s22, $0xb8;
	[tilespmem:$0x10380] =	vst v63  }
0xad: {  	_ =	swait.ge [sflag:s28], $0x2000  }
0xae: {  	[sflag:s28] =	ssyncset.done $0x0  }
0xaf: {  	s12 =	rddreg [dreg:$0x9];
	[sflag:s28] =	ssyncadd.s32 $0xFFFFE000  }
0xb0: {  	[hbm4b:s12+s2] =	stream.linear.scatter [tilespmem:s23], [sflag:$0x1], $0x2000, $0x38;
	[tilespmem:$0x10380] =	vst v63  }
0xb1: {  	_ =	swait.ge [sflag:s31], $0x2000  }
0xb2: {  	[sflag:s31] =	ssyncset.done $0x0  }
0xb3: {  	s13 =	rddreg [dreg:$0xa];
	[sflag:s31] =	ssyncadd.s32 $0xFFFFE000  }
0xb4: {  	[hbm4b:s13+s2] =	stream.linear.scatter [tilespmem:s24], [sflag:$0x2], $0x2000, $0x38;
	[tilespmem:$0x10380] =	vst v63  }
0xb5: {  	_ =	swait.ge [sflag:s25], $0x2000  }
0xb6: {  	[sflag:s25] =	ssyncset.done $0x0  }
0xb7: {  	s14 =	rddreg [dreg:$0xb];
	[sflag:s25] =	ssyncadd.s32 $0xFFFFE000  }
0xb8: {  	[hbm4b:s14+s2] =	stream.linear.scatter [tilespmem:s26], [sflag:$0x3], $0x2000, $0x38;
	[tilespmem:$0x10380] =	vst v63  }
0xb9: {  	_ =	swait.ge [sflag:s28], $0x2000  }
0xba: {  	[sflag:s28] =	ssyncset.done $0x0  }
0xbb: {  	[sflag:s28] =	ssyncadd.s32 $0xFFFFE000  }
0xbc: {  	_ =	swait.ge [sflag:s31], $0x2000  }
0xbd: {  	[sflag:s31] =	ssyncset.done $0x0  }
0xbe: {  	[sflag:s31] =	ssyncadd.s32 $0xFFFFE000  }
0xbf: {  	_ =	swait.ge [sflag:s25], $0x2000  }
0xc0: {  	[sflag:s25] =	ssyncset.done $0x0  }
0xc1: {  	[sflag:s25] =	ssyncadd.s32 $0xFFFFE000  }
0xc2: {  	_ =	swait.ge [sflag:s29], $0x2000  }
0xc3: {  	[sflag:s29] =	ssyncset.done $0x0  }
0xc4: {  	[sflag:s29] =	ssyncadd.s32 $0xFFFFE000  }
0xc5: {  	_ =	swait.ge [sflag:s4], $0x2000  }
0xc6: {  	[sflag:s4] =	ssyncset.done $0x0  }
0xc7: {  	[sflag:s4] =	ssyncadd.s32 $0xFFFFE000  }
0xc8: {  	_ =	swait.ge [sflag:s5], $0x2000  }
0xc9: {  	s6 =	sadd.s32 $0x1, s6;
	s21 =	rddreg [dreg:$0xc]  }
0xca: {  	p0 =	sne.s32 s6, s21  }
.Ltmp1:
0xcb: {  	_ = 	snop;
	(pc) =	sbr.rel @p0 .LBB2_1-.Ltmp1, $3  }
0xcc: {  	_ =	sdelay $0x1  }
0xcd: {  	[sflag:s5] =	ssyncset.done $0x0  }
0xce: {  	[sflag:s5] =	ssyncadd.s32 $0xFFFFE000  }
0xcf: {  	_ =	sfence.sel $0x180000  }
0xd0: {  	[bflag:$0x0] =	sbarrier.arrive $0xFFFF  }
0xd1: {  	_ =	strace $0x9000004A  }
0xd2: {  	s0 =	stileid.u32;
	[bflag:$0x2] =	sbarrier.arrive $0xFFFF  }
0xd3: {  	p0 =	sne.s32 s0, $0x0;
	s0 =	rddreg [dreg:$0x1]  }
0xd4: {  	s0 =	sadd.s32 @!p0 $0x100000, s0  }
0xd5: {  	[sflag:s0] =	ssyncadd.tile.s32 @!p0 $0x1;
	_ =	shalt  }
.Lfunc_end2:
_tile_overlayer_lowered:
.L_overlay_start_2:
0xd6: {  	(tag) =	ssettag $0x2  }
0xd7: {  	s0 =	rddreg [dreg:$0x0];
	s2 =	stileid.u32  }
0xd8: {  	s1 =	rddreg [dreg:$0x1];
	p0 =	sne.s32 s2, $0x0  }
0xd9: {  	s3 =	rddreg [dreg:$0x2];
	[bflag:$0x3] =	sbarrier.arrive $0xFFFF;
	s2 =	simm.s32 @!p0 $0x1C07  }
0xda: {  	[timem:s3], [sflag:s2] =	dma.local @!p0 [hbm:s0], s1  }
0xdb: {  	s0 =	simm.s32 @!p0 $0x7  }
0xdc: {  	_ =	swait.ge @!p0 [sflag:s0], s1  }
0xdd: {  	s1 =	ssub.s32 @!p0 $0x0, s1;
	[sflag:s0] =	ssyncset.done @!p0 $0x0  }
0xde: {  	[sflag:s0] =	ssyncadd.s32 @!p0 s1  }
0xdf: {  	[bflag:$0x3] =	sbarrier.arrive $0xFFFF  }
0xe0: {  	_ =	shalt  }

// kernel: kernel.8.cloned.1.call-start
scs
__scs_entry_jumppad:
0x0: {  	(pc) =	sbr.rel $0x88, $3  }
0x1: {  	(tag) =	ssettag $0x0;
	lr =	simm.s32 $0x1  }
0x2: {  	[smem:$0x3F9C] =	sst lr;
	_ =	strace $0xD0000000  }
0x3: {  	_ = 	snop  }
0x4: {  	_ = 	snop  }
0x5: {  	_ = 	snop  }
0x6: {  	_ = 	snop  }
0x7: {  	_ = 	snop  }
__scs_overlays_trampoline_lowered:
0x8: {  	[smem:$0x3FAB] =	sst s0  }
0x9: {  	[smem:$0x3FAC] =	sst s1  }
0xa: {  	[smem:$0x3FAD] =	sst s2  }
0xb: {  	[smem:$0x3FAE] =	sst s3  }
0xc: {  	[smem:$0x3FAF] =	sst s4  }
0xd: {  	[smem:$0x3FB0] =	sst s5  }
0xe: {  	[smem:$0x3FB1] =	sst s6  }
0xf: {  	[smem:$0x3FB2] =	sst s7  }
0x10: {  	[smem:$0x3FB3] =	sst s8  }
0x11: {  	[smem:$0x3FB4] =	sst s9;
	s0 =	simm.s32 @!p0 $0x0  }
0x12: {  	s1 =	sld [smem:$0x3F9A];
	s0 =	simm.s32 @p0 $0x1  }
0x13: {  	[smem:$0x3FB5] =	sst s0;
	s0 =	simm.s32 @!p1 $0x0  }
0x14: {  	s2 =	sld [smem:$0x3F99];
	s0 =	simm.s32 @p1 $0x1  }
0x15: {  	[smem:$0x3FB6] =	sst s0;
	s0 =	simm.s32 @!p2 $0x0  }
0x16: {  	s3 =	sld [smem:$0x3FDB];
	s0 =	simm.s32 @p2 $0x1  }
0x17: {  	s4 =	simm.s32 $0x1BF5;
	[smem:$0x3FB8] =	sst s0  }
0x18: {  	s0 =	sld [smem:$0x3F9B];
	_ =	swait.ge [sflag:s4], $0x0  }
0x19: {  	s7 =	sld [smem:$0x3F9C]  }
0x1a: {  	s8 =	sadd.s32 $0xFFFFE003, lr  }
0x1b: {  	s9 =	sadd.s32 $0xFFFFFEF7, lr;
	s5 =	simm.s32 $0xFFFFFFFF;
	p2 =	slt.u32 s8, $0xFFFFF086  }
0x1c: {  	p1 =	slt.u32 s9, $0xF7A;
	s5 =	simm.s32 @!p2 $0x0  }
0x1d: {  	s5 =	simm.s32 @p1 $0x1;
	p0 =	seq.s32 s7, s2  }
0x1e: {  	s7 =	smul.u32 @!p0 $0xF7A, s2;
	p2 =	seq.s32 @!p0 s5, $0x0  }
0x1f: {  	s9 =	smul.u32 $0xF7A, s1;
	s8 =	simm.s32 @!p0 $0x1BF5;
	p2 =	por !p2, p0  }
0x20: {  	[sflag:s8] =	ssyncset.s32 @!p0 $0xFFFFF086;
	s6 =	sadd.s32 @!p0 s3, s7;
	s7 =	simm.s32 @!p0 $0x108  }
0x21: {  	s3 =	sadd.s32 s3, s9;
	s6 =	sadd.s32 @!p0 $0x88, s6;
	s7 =	simm.s32 @p2 $0x1082  }
0x22: {  	[simem:s7], [sflag:s8] =	dma.local @!p0 [hbm:s6], $0xF7A  }
0x23: {  	s9 =	sor.u32 $0xD0000000, s2;
	s6 =	simm.s32 $0x108;
	_ =	swait.ge @!p0 [sflag:s8], $0x0  }
0x24: {  	s3 =	sadd.s32 $0x88, s3;
	s6 =	simm.s32 @!p1 $0x1082;
	[sflag:s4] =	ssyncset.s32 $0xFFFFF086  }
0x25: {  	[simem:s6], [sflag:s4] =	dma.local [hbm:s3], $0xF7A  }
0x26: {  	[smem:$0x3F9C] =	sst s1;
	(tag) =	ssettag s2;
	_ =	strace s9  }
0x27: {  	s1 =	sld [smem:$0x3FAC]  }
0x28: {  	s2 =	sld [smem:$0x3FAD]  }
0x29: {  	s4 =	sld [smem:$0x3FAF]  }
0x2a: {  	p0 =	seq.s32 s5, $0x0;
	s5 =	sld [smem:$0x3FB0]  }
0x2b: {  	s6 =	sld [smem:$0x3FB1]  }
0x2c: {  	s7 =	sld [smem:$0x3FB2]  }
0x2d: {  	s3 =	simm.s32 $0x108;
	s8 =	sld [smem:$0x3FB3]  }
0x2e: {  	s3 =	simm.s32 @!p0 $0x1082;
	s9 =	sld [smem:$0x3FB4]  }
0x2f: {  	lr =	sadd.s32 s0, s3;
	s0 =	sld [smem:$0x3FAB]  }
0x30: {  	s3 =	sld [smem:$0x3FAE]  }
0x31: {  	[smem:$0x3FB7] =	sst s10  }
0x32: {  	s10 =	sld [smem:$0x3FB5];
	_ =	sdelay $0x3  }
0x33: {  	p0 =	seq.s32 s10, $0x1;
	s10 =	sld [smem:$0x3FB7];
	_ =	sdelay $0x3  }
0x34: {  	[smem:$0x3FB7] =	sst s10  }
0x35: {  	s10 =	sld [smem:$0x3FB6];
	_ =	sdelay $0x3  }
0x36: {  	p1 =	seq.s32 s10, $0x1;
	s10 =	sld [smem:$0x3FB7];
	_ =	sdelay $0x3  }
0x37: {  	[smem:$0x3FB7] =	sst s10  }
0x38: {  	s10 =	sld [smem:$0x3FB8]  }
0x39: {  	_ = 	snop;
	(pc) =	sbr.ind lr, $3  }
0x3a: {  	_ = 	snop  }
0x3b: {  	_ = 	snop  }
0x3c: {  	p2 =	seq.s32 s10, $0x1;
	s10 =	sld [smem:$0x3FB7]  }
0x3d: {  	_ =	shalt  }
0x3e: {  	_ =	shalt  }
0x3f: {  	_ =	shalt  }
0x40: {  	_ =	shalt  }
0x41: {  	_ =	shalt  }
0x42: {  	_ =	shalt  }
0x43: {  	_ =	shalt  }
0x44: {  	_ =	shalt  }
0x45: {  	_ =	shalt  }
0x46: {  	_ =	shalt  }
0x47: {  	_ =	shalt  }
0x48: {  	_ =	shalt  }
0x49: {  	_ =	shalt  }
0x4a: {  	_ =	shalt  }
0x4b: {  	_ =	shalt  }
0x4c: {  	_ =	shalt  }
0x4d: {  	_ =	shalt  }
0x4e: {  	_ =	shalt  }
0x4f: {  	_ =	shalt  }
0x50: {  	_ =	shalt  }
0x51: {  	_ =	shalt  }
0x52: {  	_ =	shalt  }
0x53: {  	_ =	shalt  }
0x54: {  	_ =	shalt  }
0x55: {  	_ =	shalt  }
0x56: {  	_ =	shalt  }
0x57: {  	_ =	shalt  }
0x58: {  	_ =	shalt  }
0x59: {  	_ =	shalt  }
0x5a: {  	_ =	shalt  }
0x5b: {  	_ =	shalt  }
0x5c: {  	_ =	shalt  }
0x5d: {  	_ =	shalt  }
0x5e: {  	_ =	shalt  }
0x5f: {  	_ =	shalt  }
0x60: {  	_ =	shalt  }
0x61: {  	_ =	shalt  }
0x62: {  	_ =	shalt  }
0x63: {  	_ =	shalt  }
0x64: {  	_ =	shalt  }
0x65: {  	_ =	shalt  }
0x66: {  	_ =	shalt  }
0x67: {  	_ =	shalt  }
0x68: {  	_ =	shalt  }
0x69: {  	_ =	shalt  }
0x6a: {  	_ =	shalt  }
0x6b: {  	_ =	shalt  }
0x6c: {  	_ =	shalt  }
0x6d: {  	_ =	shalt  }
0x6e: {  	_ =	shalt  }
0x6f: {  	_ =	shalt  }
0x70: {  	_ =	shalt  }
0x71: {  	_ =	shalt  }
0x72: {  	_ =	shalt  }
0x73: {  	_ =	shalt  }
0x74: {  	_ =	shalt  }
0x75: {  	_ =	shalt  }
0x76: {  	_ =	shalt  }
0x77: {  	_ =	shalt  }
0x78: {  	_ =	shalt  }
0x79: {  	_ =	shalt  }
0x7a: {  	_ =	shalt  }
0x7b: {  	_ =	shalt  }
0x7c: {  	_ =	shalt  }
0x7d: {  	_ =	shalt  }
0x7e: {  	_ =	shalt  }
0x7f: {  	_ =	shalt  }
0x80: {  	_ =	shalt  }
0x81: {  	_ =	shalt  }
0x82: {  	_ =	shalt  }
0x83: {  	_ =	shalt  }
0x84: {  	_ =	shalt  }
0x85: {  	_ =	shalt  }
0x86: {  	_ =	shalt  }
0x87: {  	_ =	shalt  }
.Lfunc_end0:
.L_simem_size_0:
called_computation.4_lowered:
.L_overlay_start_0:
0x88: {  	s2 =	sld [smem:$0x3FD9]  }
0x89: {  	s3 =	sld [smem:$0x3FFE];
	_ =	sdelay $0x1  }
0x8a: {  	s1 =	srdreg.scid  }
0x8b: {  	s0 =	sand.u32 $0x1, s1  }
0x8c: {  	s17 =	sshll.u32 s0, $0xA;
	s2 =	sadd.s32 s3, s2  }
0x8d: {  	s2 =	sadd.s32 s2, s17  }
0x8e: {  	[smem:$0x3FC3] =	sst s2  }
0x8f: {  	_ = 	snop  }
0x90: {  	s2 =	sld [smem:$0x3FC5]  }
0x91: {  	s18 =	sld [smem:$0x3FD0];
	(tm) =	ssettm $0x1  }
0x92: {  	s4 =	sld [smem:$0x3FFB];
	_ =	sdelay $0x3  }
0x93: {  	_ =	strace s4  }
0x94: {  	s4 =	sld [smem:$0x3FFC];
	_ =	sdelay $0x3  }
0x95: {  	_ =	strace s4  }
0x96: {  	s4 =	sld [smem:$0x3FFD];
	_ =	sdelay $0x3  }
0x97: {  	_ =	strace s4  }
0x98: {  	_ =	strace $0x8FFFFFFF  }
0x99: {  	s19 =	sld [smem:$0x3FDB];
	_ =	sdelay $0x1  }
0x9a: {  	s5 =	simm.s32 $_scs_section_size  }
0x9b: {  	s6 =	simm.s32 $_size__tile_overlayer_lowered;
	s7 =	simm.s32 $_tile_overlayer_lowered  }
0x9c: {  	s22 =	simm.s32 $0x1BFF;
	s21 =	sshll.u32 s7, $0x1;
	s4 =	sadd.s32 s5, s19  }
0x9d: {  	s8 =	simm.s32 $0x0;
	s20 =	sshll.u32 s6, $0x1;
	s6 =	sadd.s32 s21, s4  }
0x9e: {  	[timem:s8], [sflag:s22] =	dma.local [hbm:s6], s20  }
0x9f: {  	_ =	swait.ge [sflag:s22], s20  }
0xa0: {  	s5 =	ssub.s32 $0x0, s20;
	[sflag:s22] =	ssyncset.done $0x0  }
0xa1: {  	[sflag:s22] =	ssyncadd.s32 s5;
	_ =	sdelay $0x1  }
0xa2: {  	s23 =	simm.s32 $0x1B8B  }
0xa3: {  	_ =	swait.ge [sflag:s23], $0x1  }
0xa4: {  	[sflag:s23] =	ssyncset.done $0x0  }
0xa5: {  	s25 =	simm.s32 $0x1B8E;
	s24 =	sld [smem:$0x3FFE];
	[sflag:s23] =	ssyncadd.s32 $0xFFFFFFFF  }
0xa6: {  	s26 =	simm.s32 $execute0_lowered;
	[smem:$0x3FD2] =	sst s25  }
0xa7: {  	s6 =	sshll.u32 s26, $0x1;
	_ =	strace $0x80000052;
	[dreg:$0x1] =	wrdreg $0xFFFFFFFF  }
0xa8: {  	s28 =	simm.s32 $_size_execute0_lowered;
	s4 =	sadd.s32 s4, s6;
	[dreg:$0x0] =	wrdreg $0x0  }
0xa9: {  	s6 =	sshll.u32 s28, $0x1;
	[dreg:$0x2] =	wrdreg s4  }
0xaa: {  	[dreg:$0x3] =	wrdreg s6  }
0xab: {  	[dreg:$0x4] =	wrdreg $0xC0  }
0xac: {  	_ =	task [dreg:s8], $0x5FFFF  }
0xad: {  	[dreg:$0x1] =	wrdreg $0xFFFFFFFF  }
0xae: {  	[dreg:$0x0] =	wrdreg $0x60  }
0xaf: {  	[dreg:$0x2] =	wrdreg s24  }
0xb0: {  	[dreg:$0x3] =	wrdreg s18  }
0xb1: {  	[dreg:$0x4] =	wrdreg s2  }
0xb2: {  	[dreg:$0x5] =	wrdreg $0xBD000  }
0xb3: {  	[dreg:$0x6] =	wrdreg $0x9  }
0xb4: {  	_ =	task.clear_ibuf [dreg:s8], $0x7FFFF;
	_ =	strace $0x90000052  }
0xb5: {  	s29 =	simm.s32 $0x9;
	_ =	strace $0x80000054  }
0xb6: {  	_ =	swait.ge [sflag:s29], $0x1  }
0xb7: {  	[sflag:s29] =	ssyncadd.s32 $0xFFFFFFFF  }
0xb8: {  	_ =	strace $0x90000054  }
0xb9: {  	_ =	sfence  }
0xba: {  	s30 =	sld [smem:$0x0];
	_ =	sdelay $0x2  }
0xbb: {  	s31 =	sshll.u32 s1, $0xD;
	s1 =	sshrl.u32 s1, $0x2  }
0xbc: {  	s3 =	sand.u32 $0x4000, s31;
	s1 =	sadd.s32 s1, s30  }
0xbd: {  	s0 =	sor.u32 s3, s0;
	s1 =	sshll.u32 s1, $0x11  }
0xbe: {  	s0 =	sor.u32 s1, s0  }
0xbf: {  	s0 =	sadd.s32 $0x8F2B, s0  }
0xc0: {  	[sflag:s0] =	ssyncadd.remote.s32 $0x1  }
0xc1: {  	_ =	sfence.sel $0xFFFF  }
0xc2: {  	[dreg:$0x0] =	wrdreg $0xFFFFFFFF;
	(pc) =	sbr.abs _section_cstart, $3  }
0xc3: {  	[dreg:$0x1] =	wrdreg $0xFFFFFFFF  }
0xc4: {  	_ =	task.clear_ibuf [dreg:s8], $0x2FFFF;
	_ =	strace $0x9FFFFFFF  }
0xc5: {  	(tm) =	ssettm $0x7FFFFFFF  }
tec
execute0_lowered:
.L_overlay_start_1:
0x0: {  	(tag) =	ssettag $0x1  }
0x1: {  	s0 =	rddreg [dreg:$0x0]  }
0x2: {  	s1 =	rddreg [dreg:$0x1]  }
0x3: {  	s3 =	rddreg [dreg:$0x3];
	s2 =	simm.s32 $0x0;
	s14 =	srdreg.scid  }
0x4: {  	s5 =	stileid.u32;
	[smem:$0x7FF] =	sst s2;
	s4 =	sand.u32 $0x1, s14  }
0x5: {  	s15 =	smul.u32 $0x50000, s5;
	s7 =	sadd.s32 $0x1600, s0;
	s0 =	sadd.s32 $0x871600, s0  }
0x6: {  	s17 =	smul.u32 $0x280, s5;
	_ =	strace $0x80000053;
	[dreg:$0x6] =	wrdreg s0  }
0x7: {  	s8 =	smul.u32 $0x8700, s5;
	[dreg:$0x5] =	wrdreg s4  }
0x8: {  	s28 =	simm.s32 $0x5C80;
	s2 =	sshrl.u32 s15, $0x2;
	[dreg:$0x8] =	wrdreg s17  }
0x9: {  	s29 =	simm.s32 $0xA;
	[dreg:$0x7] =	wrdreg s8;
	s9 =	sadd.s32 s2, s3  }
0xa: {  	s30 =	simm.s32 $0x880;
	s2 =	sadd.s32 $0x2000, s9;
	[dreg:$0x9] =	wrdreg s9  }
0xb: {  	s31 =	simm.s32 $0x1;
	s18 =	sadd.s32 $0x4000, s9;
	[dreg:$0xa] =	wrdreg s2  }
0xc: {  	s5 =	simm.s32 $0x0;
	s19 =	sadd.s32 $0x6000, s9;
	[dreg:$0xb] =	wrdreg s18  }
0xd: {  	s16 =	ssub.s32 $0x2, s4;
	s20 =	sadd.s32 $0x8000, s9;
	[dreg:$0xc] =	wrdreg s19  }
0xe: {  	s4 =	sshrl.u32 s16, $0x1;
	s21 =	sadd.s32 $0xA000, s9;
	[dreg:$0xd] =	wrdreg s20  }
0xf: {  	s25 =	sshrl.u32 s8, $0x3;
	s22 =	sadd.s32 $0xC000, s9;
	[dreg:$0xe] =	wrdreg s21  }
0x10: {  	s6 =	sadd.s32 $0x870, s8;
	s23 =	sadd.s32 $0xE000, s9;
	[dreg:$0xf] =	wrdreg s22  }
.Ltmp0:
0x11: {  	s24 =	sadd.s32 $0x10000, s9;
	[dreg:$0x10] =	wrdreg s23;
	(pc) =	sbr.rel .LBB2_1-.Ltmp0, $4  }
0x12: {  	s0 =	ssub.s32 s16, s4;
	s26 =	sadd.s32 $0x12000, s9;
	[dreg:$0x11] =	wrdreg s24  }
0x13: {  	s0 =	smax.u32 s0, $0x1;
	[dreg:$0x12] =	wrdreg s26;
	s2 =	sadd.s32 s1, s25  }
0x14: {  	v0 =	vlaneseq.u32;
	s23 =	sadd.s32 $0x10E0, s8;
	[dreg:$0x14] =	wrdreg s0;
	s0 =	simm.s32 $0x1100  }
0x15: {  	v1 =	vimm.s32 $0x0;
	v3 =	vimm.s32 $0x2800;
	v2 =	vor.u32 $0x24A0, v0;
	s25 =	simm.s32 $0x2;
	[dreg:$0x13] =	wrdreg s2;
	s2 =	simm.s32 $0x3600  }
.LBB2_39:
0x16: {  	s5 =	rddreg [dreg:$0x15]  }
0x17: {  	s4 =	rddreg [dreg:$0x14];
	s5 =	sadd.s32 $0x1, s5  }
0x18: {  	p0 =	sne.s32 s5, s4  }
.Ltmp1:
0x19: {  	_ = 	snop;
	(pc) =	sbr.rel @!p0 .LBB2_40-.Ltmp1, $1  }
0x1a: {  	_ =	sdelay $0x3  }
.LBB2_1:
0x1b: {  	[dreg:$0x15] =	wrdreg s5  }
0x1c: {  	s4 =	rddreg [dreg:$0x2];
	s24 =	simm.s32 $0x0  }
.Ltmp2:
0x1d: {  	s8 =	simm.s32 $0xBC80;
	s26 =	simm.s32 $0x9;
	(pc) =	sbr.rel .LBB2_2-.Ltmp2, $4  }
0x1e: {  	[tilespmem:s8], [sflag:$0x9] =	stream.linear.gather [hbm4b:s4+s24], $0x80, $0x38;
	[tilespmem:$0x1FD40] =	vst v63  }
0x1f: {  	_ =	swait.ge [sflag:s26], $0x80  }
0x20: {  	[sflag:s26] =	ssyncset.done $0x0  }
0x21: {  	s24 =	simm.s32 $0x0;
	[sflag:s26] =	ssyncadd.s32 $0xFFFFFF80  }
.LBB2_32:
0x22: {  	_ = 	snop  }
.LBB2_37:
0x23: {  	p1 =	por p6, !p1  }
0x24: {  	[sflag:s15] =	ssyncset.done @!p1 $0x0  }
0x25: {  	s5 =	simm.s32 @!p5 $0x3;
	s11 =	simm.s32 @!p1 $0x7C80;
	[sflag:s15] =	ssyncadd.s32 @!p1 $0xFFFFE000  }
0x26: {  	[tilespmem:s11], [sflag:$0x4] =	stream.indirect.gather @!p1 [hbm4b:s7+s8], $0x80, s16, s8, $0xb8;
	[tilespmem:$0x1FD40] =	vst v63  }
0x27: {  	_ =	swait.ge @!p5 [sflag:s5], $0x2000  }
0x28: {  	[sflag:s5] =	ssyncset.done @!p5 $0x0  }
0x29: {  	[sflag:s5] =	ssyncadd.s32 @!p5 $0xFFFFE000  }
0x2a: {  	v4 =	vld @!p5 [tilespmem:s9+$0xFFFFFFA0];
	_ =	sdelay $0x4  }
0x2b: {  	[tilespmem:$0x5B00] =	vst @!p5 v4  }
0x2c: {  	v4 =	vld @!p5 [tilespmem:s9+$0xFFFFFFB0];
	_ =	sdelay $0x4  }
0x2d: {  	[tilespmem:$0x5B10] =	vst @!p5 v4  }
0x2e: {  	v4 =	vld @!p5 [tilespmem:s9+$0xFFFFFFC0];
	_ =	sdelay $0x4  }
0x2f: {  	[tilespmem:$0x5B20] =	vst @!p5 v4  }
0x30: {  	p1 =	sge.u32 @!p5 s12, s4;
	v4 =	vld @!p5 [tilespmem:s9+$0xFFFFFFD0]  }
0x31: {  	p4 =	por p1, p5  }
0x32: {  	p3 =	seq.s32 @!p4 s12, $0x2  }
0x33: {  	p1 =	por @!p5 p3, p1  }
0x34: {  	s8 =	simm.s32 @!p5 $0x40;
	p1 =	por p1, p5  }
0x35: {  	s11 =	simm.s32 @!p5 $0x5B00;
	s5 =	simm.s32 @!p5 $0x5C80;
	s13 =	simm.s32 @!p1 $0x8;
	[tilespmem:$0x5B30] =	vst @!p5 v4  }
0x36: {  	[spmem:s3] =	stream.indirect.scatter.add.f32 @!p5 [tilespmem:s5], [sflag:$0x6], $0x80, s11, s8, $0xb8;
	[tilespmem:$0x1FD40] =	vst v63  }
0x37: {  	s22 =	sadd.s32 $0xFFFFFFFF, s12;
	_ =	swait.ge @!p1 [sflag:s13], $0x2000  }
0x38: {  	p3 =	sge.s32 s22, s4;
	s8 =	simm.s32 @!p4 $0x40;
	[sflag:s13] =	ssyncset.done @!p1 $0x0  }
0x39: {  	s5 =	simm.s32 @!p4 $0x9C80;
	s11 =	simm.s32 @!p3 $0x4;
	[sflag:s13] =	ssyncadd.s32 @!p1 $0xFFFFE000  }
0x3a: {  	[tilespmem:s5], [sflag:$0x5] =	stream.indirect.gather @!p4 [hbm4b:s7+s8], $0x80, s10, s8, $0xb8;
	[tilespmem:$0x1FD40] =	vst v63  }
0x3b: {  	_ =	swait.ge @!p3 [sflag:s11], $0x2000  }
0x3c: {  	[sflag:s11] =	ssyncset.done @!p3 $0x0  }
0x3d: {  	[sflag:s11] =	ssyncadd.s32 @!p3 $0xFFFFE000  }
0x3e: {  	v4 =	vld @!p3 [tilespmem:s9+$0xFFFFFFE0];
	_ =	sdelay $0x4  }
0x3f: {  	[tilespmem:$0x5B80] =	vst @!p3 v4  }
0x40: {  	v4 =	vld @!p3 [tilespmem:s9+$0xFFFFFFF0];
	_ =	sdelay $0x4  }
0x41: {  	[tilespmem:$0x5B90] =	vst @!p3 v4  }
0x42: {  	v4 =	vld @!p3 [tilespmem:s9+$0x0];
	_ =	sdelay $0x4  }
0x43: {  	[tilespmem:$0x5BA0] =	vst @!p3 v4  }
0x44: {  	v4 =	vld @!p3 [tilespmem:s9+$0x10];
	_ =	sdelay $0x1  }
0x45: {  	s5 =	sadd.s32 @!p3 $0x1, s12  }
0x46: {  	p1 =	sge.s32 @!p3 s5, s4  }
0x47: {  	s8 =	simm.s32 @!p3 $0x40;
	p1 =	por p1, p3  }
0x48: {  	s5 =	simm.s32 @!p3 $0x7C80;
	s11 =	simm.s32 @!p3 $0x5B80;
	s13 =	simm.s32 @!p1 $0x6;
	[tilespmem:$0x5BB0] =	vst @!p3 v4  }
0x49: {  	[spmem:s3] =	stream.indirect.scatter.add.f32 @!p3 [tilespmem:s5], [sflag:$0x7], $0x80, s11, s8, $0xb8;
	[tilespmem:$0x1FD40] =	vst v63  }
0x4a: {  	s5 =	simm.s32 @!p1 $0x40;
	_ =	swait.ge @!p1 [sflag:s13], $0x2000  }
0x4b: {  	p3 =	sge.s32 s12, s4;
	s8 =	sadd.s32 @!p1 $0x40, s10;
	[sflag:s13] =	ssyncset.done @!p1 $0x0  }
0x4c: {  	s11 =	simm.s32 @!p1 $0x5C80;
	[sflag:s13] =	ssyncadd.s32 @!p1 $0xFFFFE000;
	s13 =	simm.s32 @!p3 $0x5  }
0x4d: {  	[tilespmem:s11], [sflag:$0x3] =	stream.indirect.gather @!p1 [hbm4b:s7+s5], $0x80, s8, s5, $0xb8;
	[tilespmem:$0x1FD40] =	vst v63  }
0x4e: {  	_ =	swait.ge @!p3 [sflag:s13], $0x2000  }
0x4f: {  	[sflag:s13] =	ssyncset.done @!p3 $0x0  }
0x50: {  	[sflag:s13] =	ssyncadd.s32 @!p3 $0xFFFFE000  }
0x51: {  	v4 =	vld @!p3 [tilespmem:s9+$0x20];
	_ =	sdelay $0x4  }
0x52: {  	[tilespmem:$0x5C00] =	vst @!p3 v4  }
0x53: {  	v4 =	vld @!p3 [tilespmem:s9+$0x30];
	_ =	sdelay $0x4  }
0x54: {  	[tilespmem:$0x5C10] =	vst @!p3 v4  }
0x55: {  	v4 =	vld @!p3 [tilespmem:s9+$0x40];
	_ =	sdelay $0x4  }
0x56: {  	[tilespmem:$0x5C20] =	vst @!p3 v4  }
0x57: {  	v4 =	vld @!p3 [tilespmem:s9+$0x50];
	_ =	sdelay $0x1  }
0x58: {  	s5 =	sadd.s32 @!p3 $0x2, s12  }
0x59: {  	p1 =	sge.s32 @!p3 s5, s4  }
0x5a: {  	s8 =	simm.s32 @!p3 $0x40;
	p1 =	por p1, p3  }
0x5b: {  	s5 =	simm.s32 @!p3 $0x9C80;
	s11 =	simm.s32 @!p1 $0x7;
	s9 =	simm.s32 @!p3 $0x5C00;
	[tilespmem:$0x5C30] =	vst @!p3 v4  }
0x5c: {  	[spmem:s3] =	stream.indirect.scatter.add.f32 @!p3 [tilespmem:s5], [sflag:$0x8], $0x80, s9, s8, $0xb8;
	[tilespmem:$0x1FD40] =	vst v63  }
0x5d: {  	_ =	swait.ge @!p1 [sflag:s11], $0x2000  }
0x5e: {  	s5 =	sadd.s32 @!p1 $0x80, s10;
	[sflag:s11] =	ssyncset.done @!p1 $0x0;
	s26 =	sld [smem:$0x7FB]  }
0x5f: {  	s8 =	simm.s32 @!p1 $0x40;
	s9 =	simm.s32 @!p1 $0x7C80;
	[sflag:s11] =	ssyncadd.s32 @!p1 $0xFFFFE000  }
0x60: {  	[tilespmem:s9], [sflag:$0x4] =	stream.indirect.gather @!p1 [hbm4b:s7+s8], $0x80, s5, s8, $0xb8;
	[tilespmem:$0x1FD40] =	vst v63  }
0x61: {  	p5 =	seq.s32 s26, $0x1  }
.LBB2_38:
0x62: {  	p1 =	por @!p0 $0x0, $0x0  }
0x63: {  	p2 =	por @!p2 $0x1, $0x1;
	p3 =	por !p5, p0;
	s5 =	simm.s32 @!p0 $0x6  }
0x64: {  	p2 =	por @!p3 p1, p1;
	p1 =	por $0x0, $0x0;
	_ =	swait.ge @!p0 [sflag:s5], $0x2000  }
0x65: {  	p1 =	por @!p0 p2, p2;
	[sflag:s5] =	ssyncset.done @!p0 $0x0  }
0x66: {  	[sflag:s5] =	ssyncadd.s32 @!p0 $0xFFFFE000;
	s5 =	simm.s32 @p1 $0x7  }
0x67: {  	_ =	swait.ge @p1 [sflag:s5], $0x2000  }
0x68: {  	p0 =	slt.s32 s4, $0x3;
	[sflag:s5] =	ssyncset.done @p1 $0x0  }
0x69: {  	s4 =	simm.s32 @!p0 $0x8;
	[sflag:s5] =	ssyncadd.s32 @p1 $0xFFFFE000  }
0x6a: {  	_ =	swait.ge @!p0 [sflag:s4], $0x2000  }
0x6b: {  	s21 =	stileid.u32;
	s26 =	simm.s32 $0x9;
	[sflag:s4] =	ssyncset.done @!p0 $0x0  }
0x6c: {  	s24 =	sadd.s32 $0x1, s24;
	s19 =	rddreg [dreg:$0x8];
	[sflag:s4] =	ssyncadd.s32 @!p0 $0xFFFFE000  }
0x6d: {  	s5 =	sshll.u32 s21, $0x6;
	s20 =	rddreg [dreg:$0x16];
	[bflag:$0x0] =	sbarrier.arrive $0xFFFF  }
0x6e: {  	s5 =	sor.u32 $0x1C09, s5;
	s4 =	sadd.s32 s19, s20;
	s8 =	rddreg [dreg:$0x6]  }
0x6f: {  	p0 =	sne.s32 s24, $0x5;
	s4 =	sshll.u32 s4, $0x4;
	s9 =	rddreg [dreg:$0x9]  }
.Ltmp3:
0x70: {  	s4 =	sadd.s32 s8, s4;
	s22 =	sshrl.u32 s9, $0x3;
	(pc) =	sbr.rel @!p0 .LBB2_39-.Ltmp3, $4  }
0x71: {  	[hbm:s4], [sflag:s5] =	dma.local [spmem:s22], $0x2800  }
0x72: {  	_ =	swait.ge [sflag:s26], $0x2800  }
0x73: {  	[sflag:s26] =	ssyncset.done $0x0  }
0x74: {  	[sflag:s26] =	ssyncadd.s32 $0xFFFFD800  }
.LBB2_2:
0x75: {  	s4 =	simm.s32 $0x0;
	v4 =	vld [tilespmem:$0xBC80];
	s5 =	simm.s32 $0x200  }
.LBB2_3:
0x76: {  	p0 =	sne.s32 s5, $0x7E00;
	_ =	sdelay $0x2  }
0x77: {  	s8 =	sshra.s32 s4, $0x2;
	s4 =	smov.u32 s5  }
0x78: {  	[tilespmem:s8+$0x5C80] =	vst v4  }
0x79: {  	v4 =	vld [tilespmem:$0xBC90];
	_ =	sdelay $0x4  }
0x7a: {  	[tilespmem:s8+$0x5C90] =	vst v4  }
0x7b: {  	v4 =	vld [tilespmem:$0xBCA0];
	_ =	sdelay $0x4  }
0x7c: {  	[tilespmem:s8+$0x5CA0] =	vst v4  }
0x7d: {  	v4 =	vld [tilespmem:$0xBCB0];
	_ =	sdelay $0x4  }
0x7e: {  	[tilespmem:s8+$0x5CB0] =	vst v4  }
0x7f: {  	v4 =	vld [tilespmem:$0xBCC0];
	_ =	sdelay $0x4  }
0x80: {  	[tilespmem:s8+$0x5CC0] =	vst v4  }
0x81: {  	v4 =	vld [tilespmem:$0xBCD0];
	_ =	sdelay $0x4  }
0x82: {  	[tilespmem:s8+$0x5CD0] =	vst v4  }
0x83: {  	v4 =	vld [tilespmem:$0xBCE0];
	_ =	sdelay $0x4  }
0x84: {  	[tilespmem:s8+$0x5CE0] =	vst v4  }
0x85: {  	v4 =	vld [tilespmem:$0xBCF0];
	_ =	sdelay $0x1  }
.Ltmp4:
0x86: {  	(pc) =	sbr.rel @p0 .LBB2_3-.Ltmp4, $3  }
0x87: {  	_ =	sdelay $0x1  }
0x88: {  	[tilespmem:s8+$0x5CF0] =	vst v4  }
0x89: {  	s5 =	sadd.s32 $0x200, s5;
	v4 =	vld [tilespmem:$0xBC80]  }
0x8a: {  	_ =	sdelay $0x2  }
0x8b: {  	s4 =	sshra.s32 s4, $0x2  }
0x8c: {  	[tilespmem:s4+$0x5C80] =	vst v4  }
0x8d: {  	v4 =	vld [tilespmem:$0xBC90];
	_ =	sdelay $0x4  }
0x8e: {  	[tilespmem:s4+$0x5C90] =	vst v4  }
0x8f: {  	v4 =	vld [tilespmem:$0xBCA0];
	_ =	sdelay $0x4  }
0x90: {  	[tilespmem:s4+$0x5CA0] =	vst v4  }
0x91: {  	v4 =	vld [tilespmem:$0xBCB0];
	_ =	sdelay $0x4  }
0x92: {  	[tilespmem:s4+$0x5CB0] =	vst v4  }
0x93: {  	v4 =	vld [tilespmem:$0xBCC0];
	_ =	sdelay $0x4  }
0x94: {  	[tilespmem:s4+$0x5CC0] =	vst v4  }
0x95: {  	v4 =	vld [tilespmem:$0xBCD0];
	_ =	sdelay $0x4  }
0x96: {  	[tilespmem:s4+$0x5CD0] =	vst v4  }
0x97: {  	v4 =	vld [tilespmem:$0xBCE0];
	_ =	sdelay $0x4  }
0x98: {  	[tilespmem:s4+$0x5CE0] =	vst v4  }
0x99: {  	v4 =	vld [tilespmem:$0xBCF0];
	_ =	sdelay $0x4  }
0x9a: {  	[tilespmem:s4+$0x5CF0] =	vst v4  }
0x9b: {  	[spmem:s9] =	stream.linear.scatter [tilespmem:s28], [sflag:$0xA], $0x2000, $0x38;
	[tilespmem:$0x1FD40] =	vst v63  }
0x9c: {  	_ =	swait.ge [sflag:s29], $0x2000  }
0x9d: {  	[sflag:s29] =	ssyncset.done $0x0  }
0x9e: {  	s13 =	rddreg [dreg:$0xa];
	[sflag:s29] =	ssyncadd.s32 $0xFFFFE000  }
0x9f: {  	[spmem:s13] =	stream.linear.scatter [tilespmem:s28], [sflag:$0xA], $0x2000, $0x38;
	[tilespmem:$0x1FD40] =	vst v63  }
0xa0: {  	_ =	swait.ge [sflag:s29], $0x2000  }
0xa1: {  	[sflag:s29] =	ssyncset.done $0x0  }
0xa2: {  	s14 =	rddreg [dreg:$0xb];
	[sflag:s29] =	ssyncadd.s32 $0xFFFFE000  }
0xa3: {  	[spmem:s14] =	stream.linear.scatter [tilespmem:s28], [sflag:$0xA], $0x2000, $0x38;
	[tilespmem:$0x1FD40] =	vst v63  }
0xa4: {  	_ =	swait.ge [sflag:s29], $0x2000  }
0xa5: {  	[sflag:s29] =	ssyncset.done $0x0  }
0xa6: {  	s15 =	rddreg [dreg:$0xc];
	[sflag:s29] =	ssyncadd.s32 $0xFFFFE000  }
0xa7: {  	[spmem:s15] =	stream.linear.scatter [tilespmem:s28], [sflag:$0xA], $0x2000, $0x38;
	[tilespmem:$0x1FD40] =	vst v63  }
0xa8: {  	_ =	swait.ge [sflag:s29], $0x2000  }
0xa9: {  	[sflag:s29] =	ssyncset.done $0x0  }
0xaa: {  	s16 =	rddreg [dreg:$0xd];
	[sflag:s29] =	ssyncadd.s32 $0xFFFFE000  }
0xab: {  	[spmem:s16] =	stream.linear.scatter [tilespmem:s28], [sflag:$0xA], $0x2000, $0x38;
	[tilespmem:$0x1FD40] =	vst v63  }
0xac: {  	_ =	swait.ge [sflag:s29], $0x2000  }
0xad: {  	[sflag:s29] =	ssyncset.done $0x0  }
0xae: {  	s17 =	rddreg [dreg:$0xe];
	[sflag:s29] =	ssyncadd.s32 $0xFFFFE000  }
0xaf: {  	[spmem:s17] =	stream.linear.scatter [tilespmem:s28], [sflag:$0xA], $0x2000, $0x38;
	[tilespmem:$0x1FD40] =	vst v63  }
0xb0: {  	_ =	swait.ge [sflag:s29], $0x2000  }
0xb1: {  	[sflag:s29] =	ssyncset.done $0x0  }
0xb2: {  	s18 =	rddreg [dreg:$0xf];
	[sflag:s29] =	ssyncadd.s32 $0xFFFFE000  }
0xb3: {  	[spmem:s18] =	stream.linear.scatter [tilespmem:s28], [sflag:$0xA], $0x2000, $0x38;
	[tilespmem:$0x1FD40] =	vst v63  }
0xb4: {  	_ =	swait.ge [sflag:s29], $0x2000  }
0xb5: {  	[sflag:s29] =	ssyncset.done $0x0  }
0xb6: {  	s19 =	rddreg [dreg:$0x10];
	[sflag:s29] =	ssyncadd.s32 $0xFFFFE000  }
0xb7: {  	[spmem:s19] =	stream.linear.scatter [tilespmem:s28], [sflag:$0xA], $0x2000, $0x38;
	[tilespmem:$0x1FD40] =	vst v63  }
0xb8: {  	_ =	swait.ge [sflag:s29], $0x2000  }
0xb9: {  	[sflag:s29] =	ssyncset.done $0x0  }
0xba: {  	s20 =	rddreg [dreg:$0x11];
	[sflag:s29] =	ssyncadd.s32 $0xFFFFE000  }
0xbb: {  	[spmem:s20] =	stream.linear.scatter [tilespmem:s28], [sflag:$0xA], $0x2000, $0x38;
	[tilespmem:$0x1FD40] =	vst v63  }
0xbc: {  	_ =	swait.ge [sflag:s29], $0x2000  }
0xbd: {  	[sflag:s29] =	ssyncset.done $0x0  }
0xbe: {  	s21 =	rddreg [dreg:$0x12];
	[sflag:s29] =	ssyncadd.s32 $0xFFFFE000  }
0xbf: {  	[spmem:s21] =	stream.linear.scatter [tilespmem:s28], [sflag:$0xA], $0x2000, $0x38;
	[tilespmem:$0x1FD40] =	vst v63  }
0xc0: {  	_ =	swait.ge [sflag:s29], $0x2000  }
0xc1: {  	[sflag:s29] =	ssyncset.done $0x0  }
0xc2: {  	s22 =	sshll.u32 s24, $0x1;
	[sflag:s29] =	ssyncadd.s32 $0xFFFFE000  }
.Ltmp5:
0xc3: {  	s5 =	rddreg [dreg:$0x5];
	[bflag:$0x0] =	sbarrier.arrive $0xFFFF;
	(pc) =	sbr.rel .LBB2_5-.Ltmp5, $4  }
0xc4: {  	s4 =	sor.u32 s5, s22;
	s26 =	rddreg [dreg:$0x13]  }
0xc5: {  	s8 =	smul.u32 $0x2800, s4;
	s4 =	simm.s32 $0x0;
	s9 =	rddreg [dreg:$0x7]  }
0xc6: {  	[tilespmem:s4], [sflag:$0x1] =	stream.linear.gather [hbm4b:s26+s4], $0x870, $0x38;
	[tilespmem:$0x1FD40] =	vst v63  }
0xc7: {  	v5 =	vimm.s32 $0x0;
	s10 =	simm.s32 $0x0;
	s22 =	smov.u32 s6;
	[dreg:$0x16] =	wrdreg s8;
	v4 =	vmov s8  }
.LBB2_22:
0xc8: {  	_ = 	snop  }
.LBB2_27:
0xc9: {  	p1 =	por p6, !p1  }
0xca: {  	[sflag:s19] =	ssyncset.done @!p1 $0x0  }
0xcb: {  	s5 =	simm.s32 @!p5 $0x3;
	s11 =	simm.s32 @!p1 $0x7C80;
	[sflag:s19] =	ssyncadd.s32 @!p1 $0xFFFFE000  }
0xcc: {  	[tilespmem:s11], [sflag:$0x4] =	stream.indirect.gather @!p1 [hbm4b:s7+s8], $0x80, s20, s8, $0xb8;
	[tilespmem:$0x1FD40] =	vst v63  }
0xcd: {  	_ =	swait.ge @!p5 [sflag:s5], $0x2000  }
0xce: {  	[sflag:s5] =	ssyncset.done @!p5 $0x0  }
0xcf: {  	[sflag:s5] =	ssyncadd.s32 @!p5 $0xFFFFE000  }
0xd0: {  	v6 =	vld @!p5 [tilespmem:s14+$0xFFFFFFA0];
	_ =	sdelay $0x4  }
0xd1: {  	[tilespmem:$0x5B00] =	vst @!p5 v6  }
0xd2: {  	v6 =	vld @!p5 [tilespmem:s14+$0xFFFFFFB0];
	_ =	sdelay $0x4  }
0xd3: {  	[tilespmem:$0x5B10] =	vst @!p5 v6  }
0xd4: {  	v6 =	vld @!p5 [tilespmem:s14+$0xFFFFFFC0];
	_ =	sdelay $0x4  }
0xd5: {  	[tilespmem:$0x5B20] =	vst @!p5 v6  }
0xd6: {  	p1 =	sge.u32 @!p5 s16, s13;
	v6 =	vld @!p5 [tilespmem:s14+$0xFFFFFFD0]  }
0xd7: {  	p4 =	por p1, p5  }
0xd8: {  	p3 =	seq.s32 @!p4 s16, $0x2  }
0xd9: {  	p1 =	por @!p5 p3, p1  }
0xda: {  	s8 =	simm.s32 @!p5 $0x40;
	p1 =	por p1, p5  }
0xdb: {  	s11 =	simm.s32 @!p5 $0x5B00;
	s5 =	simm.s32 @!p5 $0x5C80;
	s17 =	simm.s32 @!p1 $0x8;
	[tilespmem:$0x5B30] =	vst @!p5 v6  }
0xdc: {  	[spmem:s3] =	stream.indirect.scatter.add.f32 @!p5 [tilespmem:s5], [sflag:$0x6], $0x80, s11, s8, $0xb8;
	[tilespmem:$0x1FD40] =	vst v63  }
0xdd: {  	s21 =	sadd.s32 $0xFFFFFFFF, s16;
	_ =	swait.ge @!p1 [sflag:s17], $0x2000  }
0xde: {  	p3 =	sge.s32 s21, s13;
	s8 =	simm.s32 @!p4 $0x40;
	[sflag:s17] =	ssyncset.done @!p1 $0x0  }
0xdf: {  	s5 =	simm.s32 @!p4 $0x9C80;
	s11 =	simm.s32 @!p3 $0x4;
	[sflag:s17] =	ssyncadd.s32 @!p1 $0xFFFFE000  }
0xe0: {  	[tilespmem:s5], [sflag:$0x5] =	stream.indirect.gather @!p4 [hbm4b:s7+s8], $0x80, s15, s8, $0xb8;
	[tilespmem:$0x1FD40] =	vst v63  }
0xe1: {  	_ =	swait.ge @!p3 [sflag:s11], $0x2000  }
0xe2: {  	[sflag:s11] =	ssyncset.done @!p3 $0x0  }
0xe3: {  	[sflag:s11] =	ssyncadd.s32 @!p3 $0xFFFFE000  }
0xe4: {  	v6 =	vld @!p3 [tilespmem:s14+$0xFFFFFFE0];
	_ =	sdelay $0x4  }
0xe5: {  	[tilespmem:$0x5B80] =	vst @!p3 v6  }
0xe6: {  	v6 =	vld @!p3 [tilespmem:s14+$0xFFFFFFF0];
	_ =	sdelay $0x4  }
0xe7: {  	[tilespmem:$0x5B90] =	vst @!p3 v6  }
0xe8: {  	v6 =	vld @!p3 [tilespmem:s14+$0x0];
	_ =	sdelay $0x4  }
0xe9: {  	[tilespmem:$0x5BA0] =	vst @!p3 v6  }
0xea: {  	v6 =	vld @!p3 [tilespmem:s14+$0x10];
	_ =	sdelay $0x1  }
0xeb: {  	s5 =	sadd.s32 @!p3 $0x1, s16  }
0xec: {  	p1 =	sge.s32 @!p3 s5, s13  }
0xed: {  	s8 =	simm.s32 @!p3 $0x40;
	p1 =	por p1, p3  }
0xee: {  	s5 =	simm.s32 @!p3 $0x7C80;
	s11 =	simm.s32 @!p3 $0x5B80;
	s17 =	simm.s32 @!p1 $0x6;
	[tilespmem:$0x5BB0] =	vst @!p3 v6  }
0xef: {  	[spmem:s3] =	stream.indirect.scatter.add.f32 @!p3 [tilespmem:s5], [sflag:$0x7], $0x80, s11, s8, $0xb8;
	[tilespmem:$0x1FD40] =	vst v63  }
0xf0: {  	s5 =	simm.s32 @!p1 $0x40;
	_ =	swait.ge @!p1 [sflag:s17], $0x2000  }
0xf1: {  	p3 =	sge.s32 s16, s13;
	s8 =	sadd.s32 @!p1 $0x40, s15;
	[sflag:s17] =	ssyncset.done @!p1 $0x0  }
0xf2: {  	s11 =	simm.s32 @!p1 $0x5C80;
	[sflag:s17] =	ssyncadd.s32 @!p1 $0xFFFFE000;
	s17 =	simm.s32 @!p3 $0x5  }
0xf3: {  	[tilespmem:s11], [sflag:$0x3] =	stream.indirect.gather @!p1 [hbm4b:s7+s5], $0x80, s8, s5, $0xb8;
	[tilespmem:$0x1FD40] =	vst v63  }
0xf4: {  	_ =	swait.ge @!p3 [sflag:s17], $0x2000  }
0xf5: {  	[sflag:s17] =	ssyncset.done @!p3 $0x0  }
0xf6: {  	[sflag:s17] =	ssyncadd.s32 @!p3 $0xFFFFE000  }
0xf7: {  	v6 =	vld @!p3 [tilespmem:s14+$0x20];
	_ =	sdelay $0x4  }
0xf8: {  	[tilespmem:$0x5C00] =	vst @!p3 v6  }
0xf9: {  	v6 =	vld @!p3 [tilespmem:s14+$0x30];
	_ =	sdelay $0x4  }
0xfa: {  	[tilespmem:$0x5C10] =	vst @!p3 v6  }
0xfb: {  	v6 =	vld @!p3 [tilespmem:s14+$0x40];
	_ =	sdelay $0x4  }
0xfc: {  	[tilespmem:$0x5C20] =	vst @!p3 v6  }
0xfd: {  	v6 =	vld @!p3 [tilespmem:s14+$0x50];
	_ =	sdelay $0x1  }
0xfe: {  	s5 =	sadd.s32 @!p3 $0x2, s16  }
0xff: {  	p1 =	sge.s32 @!p3 s5, s13  }
0x100: {  	s8 =	simm.s32 @!p3 $0x40;
	p1 =	por p1, p3  }
0x101: {  	s11 =	simm.s32 @!p3 $0x5C00;
	s5 =	simm.s32 @!p3 $0x9C80;
	s14 =	simm.s32 @!p1 $0x7;
	[tilespmem:$0x5C30] =	vst @!p3 v6  }
0x102: {  	[spmem:s3] =	stream.indirect.scatter.add.f32 @!p3 [tilespmem:s5], [sflag:$0x8], $0x80, s11, s8, $0xb8;
	[tilespmem:$0x1FD40] =	vst v63  }
0x103: {  	_ =	swait.ge @!p1 [sflag:s14], $0x2000  }
0x104: {  	s5 =	sadd.s32 @!p1 $0x80, s15;
	[sflag:s14] =	ssyncset.done @!p1 $0x0;
	s26 =	sld [smem:$0x7FC]  }
0x105: {  	s8 =	simm.s32 @!p1 $0x40;
	s11 =	simm.s32 @!p1 $0x7C80;
	[sflag:s14] =	ssyncadd.s32 @!p1 $0xFFFFE000  }
0x106: {  	[tilespmem:s11], [sflag:$0x4] =	stream.indirect.gather @!p1 [hbm4b:s7+s8], $0x80, s5, s8, $0xb8;
	[tilespmem:$0x1FD40] =	vst v63  }
0x107: {  	p5 =	seq.s32 s26, $0x1  }
.LBB2_28:
0x108: {  	p1 =	por @!p0 $0x0, $0x0  }
0x109: {  	p2 =	por @!p2 $0x1, $0x1;
	p3 =	por !p5, p0;
	s5 =	simm.s32 @!p0 $0x6  }
0x10a: {  	p2 =	por @!p3 p1, p1;
	p1 =	por $0x0, $0x0;
	_ =	swait.ge @!p0 [sflag:s5], $0x2000  }
0x10b: {  	p1 =	por @!p0 p2, p2;
	[sflag:s5] =	ssyncset.done @!p0 $0x0  }
0x10c: {  	[sflag:s5] =	ssyncadd.s32 @!p0 $0xFFFFE000;
	s5 =	simm.s32 @p1 $0x7  }
0x10d: {  	_ =	swait.ge @p1 [sflag:s5], $0x2000  }
0x10e: {  	p0 =	slt.s32 s13, $0x3;
	[sflag:s5] =	ssyncset.done @p1 $0x0  }
0x10f: {  	[sflag:s5] =	ssyncadd.s32 @p1 $0xFFFFE000;
	s5 =	simm.s32 @!p0 $0x8  }
0x110: {  	_ =	swait.ge @!p0 [sflag:s5], $0x2000  }
0x111: {  	[sflag:s5] =	ssyncset.done @!p0 $0x0  }
0x112: {  	[sflag:s5] =	ssyncadd.s32 @!p0 $0xFFFFE000  }
.LBB2_29:
0x113: {  	s10 =	sadd.s32 $0x1, s10  }
0x114: {  	p1 =	sne.s32 s10, $0x8  }
.Ltmp6:
0x115: {  	_ = 	snop;
	(pc) =	sbr.rel @!p1 .LBB2_30-.Ltmp6, $3  }
0x116: {  	_ =	sdelay $0x1  }
0x117: {  	p0 =	sgt.s32 s12, $0x1BFF  }
0x118: {  	s9 =	sadd.s32 $0x10E0, s9;
	s22 =	sadd.s32 $0x10E0, s22;
	v5 =	vpsel p0, $0x0, v5  }
.LBB2_5:
0x119: {  	s12 =	smul.u32 $0x10E0, s10;
	_ =	sdelay $0x1  }
0x11a: {  	s8 =	sadd.s32 s12, s6  }
0x11b: {  	s8 =	sshrl.u32 s8, $0x3  }
0x11c: {  	s8 =	sadd.s32 s1, s8  }
0x11d: {  	[tilespmem:s30], [sflag:$0x2] =	stream.linear.gather [hbm4b:s8+s4], $0x870, $0x38;
	[tilespmem:$0x1FD40] =	vst v63  }
0x11e: {  	_ =	swait.ge [sflag:s31], $0x870  }
0x11f: {  	[sflag:s31] =	ssyncset.done $0x0  }
0x120: {  	s21 =	simm.s32 $0x0;
	[sflag:s31] =	ssyncadd.s32 $0xFFFFF790  }
0x121: {  	v6 =	vld [tilespmem:s21+$0x0];
	_ =	sdelay $0x4  }
0x122: {  	v6 =	vsub.s32 v6, v4  }
0x123: {  	vm0 =	vlt.u32 v6, $0x2800  }
0x124: {  	v7 =	vsel vm0, $0x1, v1  }
0x125: {  	(xrf0) =	vadd.scan.msk.s32 $0xffff, v7;
	_ =	sdelay $0x5  }
0x126: {  	v7, _, _ =	vpop (xrf0)  }
0x127: {  	v7 =	vadd.s32 v7, v5  }
0x128: {  	v7 =	vadd.s32 $0xFFFFFFFF, v7  }
0x129: {  	v7 =	vsel vm0, v7, v2;
	_ =	sdelay $0x3  }
0x12a: {  	v9 =	vor.u32 s9, v0;
	v6 =	vmin.u32 v6, $0x2800;
	v8 =	vmpcnt.ones.xlane vm0  }
0x12b: {  	[tilespmem:v7+s0+$0x0] =	vst.idx.msk $0xffff, v9  }
0x12c: {  	s26 =	simm.s32 $0x10;
	v5 =	vadd.s32 v5, v8;
	[tilespmem:v7+s2+$0x0] =	vst.idx.msk $0xffff, v6  }
0x12d: {  	s14 =	simm.s32 $0x80;
	s13 =	smov.u32 s9;
	v6 =	vmov v5;
	v7 =	vld [tilespmem:s26+$0x0]  }
.LBB2_6:
0x12e: {  	p0 =	sne.s32 s14, $0x2180;
	_ =	sdelay $0x3  }
0x12f: {  	v7 =	vsub.s32 v7, v4  }
0x130: {  	vm0 =	vlt.u32 v7, $0x2800;
	v7 =	vmin.u32 v7, $0x2800  }
0x131: {  	v8 =	vsel vm0, $0x1, v1;
	v9 =	vmpcnt.ones.xlane vm0  }
0x132: {  	(xrf0) =	vadd.scan.msk.s32 $0xffff, v8  }
0x133: {  	v5 =	vadd.s32 v5, v9;
	_ =	sdelay $0x4  }
0x134: {  	v8, _, _ =	vpop (xrf0)  }
0x135: {  	v8 =	vadd.s32 v8, v6;
	v6 =	vmov v5  }
0x136: {  	v8 =	vadd.s32 $0xFFFFFFFF, v8  }
0x137: {  	v8 =	vsel vm0, v8, v2;
	_ =	sdelay $0x2  }
.Ltmp7:
0x138: {  	s13 =	sadd.s32 $0x10, s13;
	(pc) =	sbr.rel @p0 .LBB2_6-.Ltmp7, $4  }
0x139: {  	v9 =	vor.u32 s13, v0  }
0x13a: {  	[tilespmem:v8+s0+$0x0] =	vst.idx.msk $0xffff, v9  }
0x13b: {  	s8 =	sshra.s32 s14, $0x2;
	[tilespmem:v8+s2+$0x0] =	vst.idx.msk $0xffff, v7  }
0x13c: {  	s14 =	sadd.s32 $0x40, s14;
	v7 =	vld [tilespmem:s8+$0x0]  }
0x13d: {  	_ =	sdelay $0x3  }
0x13e: {  	v7 =	vsub.s32 v7, v4  }
0x13f: {  	vm0 =	vlt.u32 v7, $0x2800  }
0x140: {  	v8 =	vmpcnt.ones.xlane vm0;
	_ =	sdelay $0x1  }
0x141: {  	v9 =	vsel vm0, $0x1, v1;
	v5 =	vadd.s32 v5, v8  }
0x142: {  	(xrf0) =	vadd.scan.msk.s32 $0xffff, v9;
	v8 =	vxor.u32 $0x80000000, v5  }
0x143: {  	(xrf0) =	vmax.scan.msk.u32 $0xffff, v8;
	_ =	sdelay $0x4  }
0x144: {  	v61, _, _ =	vpop (xrf0)  }
0x145: {  	v62, _, _ =	vpop (xrf0)  }
0x146: {  	(v2sf) =	vpush v62, $0xF;
	_ =	sdelay $0xd  }
0x147: {  	v6 =	vadd.s32 v61, v6  }
0x148: {  	s13 =	sadd.s32 $0x10, s13;
	v6 =	vadd.s32 $0xFFFFFFFF, v6;
	s8 =	spop (v2sf)  }
0x149: {  	v63 =	vor.u32 s13, v0;
	v6 =	vsel vm0, v6, v2;
	s13 =	sxor.u32 $0x80000000, s8  }
0x14a: {  	p0 =	slt.s32 s13, $0x1C00  }
.Ltmp8:
0x14b: {  	_ = 	snop;
	(pc) =	sbr.rel @p0 .LBB2_17-.Ltmp8, $3  }
0x14c: {  	_ =	sdelay $0x1  }
0x14d: {  	v7 =	vmin.u32 v7, $0x2800;
	[tilespmem:v6+s0+$0x0] =	vst.idx.msk $0xffff, v63  }
0x14e: {  	[tilespmem:v6+s2+$0x0] =	vst.idx.msk $0xffff, v7  }
0x14f: {  	v6 =	vadd.s32 s13, v0  }
0x150: {  	s14 =	sadd.s32 $0x80000010, s8  }
0x151: {  	v7 =	vadd.s32 s14, v0  }
0x152: {  	s15 =	sadd.s32 $0x80000020, s8;
	s16 =	sadd.s32 $0x8000003F, s8  }
0x153: {  	s17 =	sadd.s32 $0x80000030, s8;
	v8 =	vadd.s32 s15, v0;
	s15 =	sand.u32 $0x3F, s16  }
0x154: {  	s18 =	sshra.s32 s16, $0x1F;
	p0 =	slt.s32 s16, $0x1;
	p1 =	sne.s32 s15, $0x0;
	[tilespmem:v6+s0+$0x0] =	vst.idx.msk $0xffff, v1  }
0x155: {  	s8 =	sshrl.u32 s18, $0x1A;
	p0 =	por !p0, !p1;
	[tilespmem:v6+s2+$0x0] =	vst.idx.msk $0xffff, v3;
	v6 =	vadd.s32 s17, v0  }
0x156: {  	s14 =	simm.s32 $0x1;
	s8 =	sadd.s32 s8, s16;
	p0 =	por !p0, !p0;
	[tilespmem:v7+s0+$0x0] =	vst.idx.msk $0xffff, v1  }
0x157: {  	s8 =	sshra.s32 s8, $0x6;
	s14 =	simm.s32 @!p0 $0x0;
	[tilespmem:v7+s2+$0x0] =	vst.idx.msk $0xffff, v3  }
0x158: {  	s14 =	ssub.s32 s8, s14;
	[tilespmem:v8+s0+$0x0] =	vst.idx.msk $0xffff, v1  }
0x159: {  	p0 =	slt.s32 s14, $0x1;
	[tilespmem:v8+s2+$0x0] =	vst.idx.msk $0xffff, v3  }
0x15a: {  	s19 =	sadd.s32 $0x2, s14;
	s8 =	simm.s32 @!p0 $0x40;
	p5 =	seq.s32 @!p0 s14, $0x1;
	[tilespmem:v6+s0+$0x0] =	vst.idx.msk $0xffff, v1  }
0x15b: {  	s15 =	simm.s32 @!p0 $0x1100;
	s16 =	simm.s32 @!p0 $0x5C80;
	p2 =	por p5, p0;
	[tilespmem:v6+s2+$0x0] =	vst.idx.msk $0xffff, v3  }
0x15c: {  	[tilespmem:s16], [sflag:$0x3] =	stream.indirect.gather @!p0 [hbm4b:s7+s8], $0x80, s15, s8, $0xb8;
	[tilespmem:$0x1FD40] =	vst v63  }
0x15d: {  	s20 =	smulhi.u32 $0x55555556, s19;
	s17 =	simm.s32 @!p2 $0x1140;
	s8 =	sshra.s32 s19, $0x1F  }
0x15e: {  	s18 =	simm.s32 @!p2 $0x7C80;
	s15 =	simm.s32 @!p2 $0x40;
	s8 =	smul.u32 $0x55555556, s8  }
0x15f: {  	[tilespmem:s18], [sflag:$0x4] =	stream.indirect.gather @!p2 [hbm4b:s7+s15], $0x80, s17, s15, $0xb8;
	[tilespmem:$0x1FD40] =	vst v63  }
0x160: {  	s8 =	sadd.s32 s8, s20  }
0x161: {  	s21 =	sshrl.u32 s8, $0x1F  }
0x162: {  	s8 =	sadd.s32 s21, s8  }
0x163: {  	s15 =	smul.u32 $0xFFFFFFFD, s8  }
0x164: {  	s26 =	ssub.s32 $0xFFFFFFFE, s14  }
0x165: {  	p3 =	slt.s32 s14, $0xFFFFFFFF;
	p4 =	sne.s32 s15, s26  }
0x166: {  	p3 =	por !p3, !p4  }
0x167: {  	s15 =	simm.s32 $0x1;
	p3 =	por !p3, !p3  }
0x168: {  	s15 =	simm.s32 @!p3 $0x0  }
0x169: {  	s8 =	ssub.s32 s8, s15  }
0x16a: {  	p3 =	slt.s32 s8, $0x1  }
.Ltmp9:
0x16b: {  	_ = 	snop;
	(pc) =	sbr.rel @p3 .LBB2_16-.Ltmp9, $1  }
0x16c: {  	_ =	sdelay $0x3  }
0x16d: {  	s18 =	sadd.s32 $0xFFFFFFFF, s8  }
0x16e: {  	p4 =	sne.s32 s18, $0x0  }
.Ltmp10:
0x16f: {  	_ = 	snop;
	(pc) =	sbr.rel @!p4 .LBB2_10-.Ltmp10, $4  }
0x170: {  	_ = 	snop  }
0x171: {  	s5 =	simm.s32 @!p5 $0x0;
	s17 =	simm.s32 $0x2  }
0x172: {  	s16 =	simm.s32 $0x1180;
	s15 =	simm.s32 $0x3660;
	s5 =	simm.s32 @p5 $0x1  }
0x173: {  	p1 =	por $0x0, $0x0;
	p5 =	sle.s32 s14, $0x0;
	[smem:$0x7FD] =	sst s5  }
0x174: {  	s8 =	simm.s32 @!p5 $0x3  }
0x175: {  	_ =	swait.ge @!p5 [sflag:s8], $0x2000  }
0x176: {  	[sflag:s8] =	ssyncset.done @!p5 $0x0  }
0x177: {  	[sflag:s8] =	ssyncadd.s32 @!p5 $0xFFFFE000  }
0x178: {  	v6 =	vld @!p5 [tilespmem:s15+$0xFFFFFFA0];
	_ =	sdelay $0x4  }
0x179: {  	[tilespmem:$0x5B00] =	vst @!p5 v6  }
0x17a: {  	v6 =	vld @!p5 [tilespmem:s15+$0xFFFFFFB0];
	_ =	sdelay $0x4  }
0x17b: {  	[tilespmem:$0x5B10] =	vst @!p5 v6  }
0x17c: {  	v6 =	vld @!p5 [tilespmem:s15+$0xFFFFFFC0];
	_ =	sdelay $0x4  }
0x17d: {  	[tilespmem:$0x5B20] =	vst @!p5 v6  }
0x17e: {  	p3 =	sle.u32 @!p5 s14, $0x2;
	v6 =	vld @!p5 [tilespmem:s15+$0xFFFFFFD0]  }
0x17f: {  	p4 =	por p3, p5  }
0x180: {  	p6 =	por @!p4 $0x1, $0x1  }
0x181: {  	p3 =	por @!p5 p6, p3  }
0x182: {  	s17 =	simm.s32 @!p5 $0x40;
	p6 =	por p3, p5  }
0x183: {  	s19 =	simm.s32 @!p5 $0x5B00;
	s8 =	simm.s32 @!p5 $0x5C80;
	s20 =	simm.s32 @!p6 $0x8;
	[tilespmem:$0x5B30] =	vst @!p5 v6  }
0x184: {  	[spmem:s3] =	stream.indirect.scatter.add.f32 @!p5 [tilespmem:s8], [sflag:$0x6], $0x80, s19, s17, $0xb8;
	[tilespmem:$0x1FD40] =	vst v63  }
0x185: {  	_ =	swait.ge @!p6 [sflag:s20], $0x2000  }
0x186: {  	p3 =	sle.s32 s14, $0x1;
	s8 =	simm.s32 @!p4 $0x40;
	[sflag:s20] =	ssyncset.done @!p6 $0x0  }
0x187: {  	s17 =	simm.s32 @!p4 $0x9C80;
	s19 =	simm.s32 @!p3 $0x4;
	[sflag:s20] =	ssyncadd.s32 @!p6 $0xFFFFE000  }
0x188: {  	[tilespmem:s17], [sflag:$0x5] =	stream.indirect.gather @!p4 [hbm4b:s7+s8], $0x80, s16, s8, $0xb8;
	[tilespmem:$0x1FD40] =	vst v63  }
0x189: {  	_ =	swait.ge @!p3 [sflag:s19], $0x2000  }
0x18a: {  	[sflag:s19] =	ssyncset.done @!p3 $0x0  }
0x18b: {  	[sflag:s19] =	ssyncadd.s32 @!p3 $0xFFFFE000  }
0x18c: {  	v6 =	vld @!p3 [tilespmem:s15+$0xFFFFFFE0];
	_ =	sdelay $0x4  }
0x18d: {  	[tilespmem:$0x5B80] =	vst @!p3 v6  }
0x18e: {  	v6 =	vld @!p3 [tilespmem:s15+$0xFFFFFFF0];
	_ =	sdelay $0x4  }
0x18f: {  	[tilespmem:$0x5B90] =	vst @!p3 v6  }
0x190: {  	v6 =	vld @!p3 [tilespmem:s15+$0x0];
	_ =	sdelay $0x4  }
0x191: {  	[tilespmem:$0x5BA0] =	vst @!p3 v6  }
0x192: {  	v6 =	vld @!p3 [tilespmem:s15+$0x10];
	_ =	sdelay $0x2  }
0x193: {  	p4 =	sle.s32 @!p3 s14, $0x3  }
0x194: {  	s8 =	simm.s32 @!p3 $0x7C80;
	p4 =	por p4, p3  }
0x195: {  	s16 =	simm.s32 @!p3 $0x40;
	s17 =	simm.s32 @!p3 $0x5B80;
	s19 =	simm.s32 @!p4 $0x6;
	[tilespmem:$0x5BB0] =	vst @!p3 v6  }
0x196: {  	[spmem:s3] =	stream.indirect.scatter.add.f32 @!p3 [tilespmem:s8], [sflag:$0x7], $0x80, s17, s16, $0xb8;
	[tilespmem:$0x1FD40] =	vst v63  }
0x197: {  	s8 =	simm.s32 @!p4 $0x40;
	_ =	swait.ge @!p4 [sflag:s19], $0x2000  }
0x198: {  	p3 =	sle.s32 s14, $0x2;
	s16 =	simm.s32 @!p4 $0x11C0;
	[sflag:s19] =	ssyncset.done @!p4 $0x0  }
0x199: {  	s17 =	simm.s32 @!p4 $0x5C80;
	[sflag:s19] =	ssyncadd.s32 @!p4 $0xFFFFE000;
	s19 =	simm.s32 @!p3 $0x5  }
0x19a: {  	[tilespmem:s17], [sflag:$0x3] =	stream.indirect.gather @!p4 [hbm4b:s7+s8], $0x80, s16, s8, $0xb8;
	[tilespmem:$0x1FD40] =	vst v63  }
0x19b: {  	_ =	swait.ge @!p3 [sflag:s19], $0x2000  }
0x19c: {  	[sflag:s19] =	ssyncset.done @!p3 $0x0  }
0x19d: {  	[sflag:s19] =	ssyncadd.s32 @!p3 $0xFFFFE000  }
0x19e: {  	v6 =	vld @!p3 [tilespmem:s15+$0x20];
	_ =	sdelay $0x4  }
0x19f: {  	[tilespmem:$0x5C00] =	vst @!p3 v6  }
0x1a0: {  	v6 =	vld @!p3 [tilespmem:s15+$0x30];
	_ =	sdelay $0x4  }
0x1a1: {  	[tilespmem:$0x5C10] =	vst @!p3 v6  }
0x1a2: {  	v6 =	vld @!p3 [tilespmem:s15+$0x40];
	_ =	sdelay $0x4  }
0x1a3: {  	[tilespmem:$0x5C20] =	vst @!p3 v6  }
0x1a4: {  	v6 =	vld @!p3 [tilespmem:s15+$0x50];
	_ =	sdelay $0x1  }
0x1a5: {  	s18 =	sadd.s32 $0xFFFFFFFF, s18  }
0x1a6: {  	p5 =	sle.s32 @!p3 s14, $0x4;
	s20 =	simm.s32 @!p3 $0x5C00;
	p4 =	sne.s32 s18, $0x0  }
.Ltmp11:
0x1a7: {  	p6 =	por p5, p3;
	p5 =	sle.s32 s14, $0x3;
	(pc) =	sbr.rel @!p4 .LBB2_12-.Ltmp11, $4  }
0x1a8: {  	s21 =	simm.s32 @!p6 $0x1200;
	s8 =	simm.s32 @!p3 $0x9C80;
	s19 =	simm.s32 @!p3 $0x40;
	[tilespmem:$0x5C30] =	vst @!p3 v6  }
0x1a9: {  	[spmem:s3] =	stream.indirect.scatter.add.f32 @!p3 [tilespmem:s8], [sflag:$0x8], $0x80, s20, s19, $0xb8;
	[tilespmem:$0x1FD40] =	vst v63  }
0x1aa: {  	s16 =	simm.s32 $0x1240;
	s17 =	simm.s32 $0x5;
	s20 =	simm.s32 @!p6 $0x7  }
0x1ab: {  	s15 =	simm.s32 $0x3720;
	s8 =	simm.s32 @!p6 $0x40;
	_ =	swait.ge @!p6 [sflag:s20], $0x2000  }
.LBB2_13:
0x1ac: {  	s26 =	simm.s32 @!p5 $0x3;
	[sflag:s20] =	ssyncset.done @!p6 $0x0;
	s11 =	simm.s32 @!p6 $0x7C80  }
0x1ad: {  	s18 =	sadd.s32 $0xFFFFFFFF, s18;
	s19 =	smov.u32 s16;
	[sflag:s20] =	ssyncadd.s32 @!p6 $0xFFFFE000  }
0x1ae: {  	[tilespmem:s11], [sflag:$0x4] =	stream.indirect.gather @!p6 [hbm4b:s7+s8], $0x80, s21, s8, $0xb8;
	[tilespmem:$0x1FD40] =	vst v63  }
0x1af: {  	p4 =	sne.s32 s18, $0x0;
	_ =	swait.ge @!p5 [sflag:s26], $0x2000  }
0x1b0: {  	[sflag:s26] =	ssyncset.done @!p5 $0x0  }
0x1b1: {  	[sflag:s26] =	ssyncadd.s32 @!p5 $0xFFFFE000  }
0x1b2: {  	v6 =	vld @!p5 [tilespmem:s15+$0xFFFFFFA0];
	_ =	sdelay $0x4  }
0x1b3: {  	[tilespmem:$0x5B00] =	vst @!p5 v6  }
0x1b4: {  	v6 =	vld @!p5 [tilespmem:s15+$0xFFFFFFB0];
	_ =	sdelay $0x4  }
0x1b5: {  	[tilespmem:$0x5B10] =	vst @!p5 v6  }
0x1b6: {  	v6 =	vld @!p5 [tilespmem:s15+$0xFFFFFFC0];
	_ =	sdelay $0x4  }
0x1b7: {  	[tilespmem:$0x5B20] =	vst @!p5 v6  }
0x1b8: {  	p1 =	sge.u32 @!p5 s17, s14;
	v6 =	vld @!p5 [tilespmem:s15+$0xFFFFFFD0]  }
0x1b9: {  	p6 =	por p1, p5  }
0x1ba: {  	p3 =	seq.s32 @!p6 s17, $0x2  }
0x1bb: {  	s8 =	simm.s32 @!p5 $0x5C80;
	p1 =	por @!p5 p3, p1  }
0x1bc: {  	s20 =	simm.s32 @!p5 $0x5B00;
	s11 =	simm.s32 @!p5 $0x40;
	p1 =	por p1, p5  }
0x1bd: {  	s21 =	simm.s32 @!p1 $0x8;
	[tilespmem:$0x5B30] =	vst @!p5 v6  }
0x1be: {  	[spmem:s3] =	stream.indirect.scatter.add.f32 @!p5 [tilespmem:s8], [sflag:$0x6], $0x80, s20, s11, $0xb8;
	[tilespmem:$0x1FD40] =	vst v63  }
0x1bf: {  	s8 =	sadd.s32 $0xFFFFFFFF, s17;
	_ =	swait.ge @!p1 [sflag:s21], $0x2000  }
0x1c0: {  	s11 =	simm.s32 @!p6 $0x40;
	p5 =	sge.s32 s8, s14;
	[sflag:s21] =	ssyncset.done @!p1 $0x0  }
0x1c1: {  	s8 =	simm.s32 @!p6 $0x9C80;
	s20 =	simm.s32 @!p5 $0x4;
	[sflag:s21] =	ssyncadd.s32 @!p1 $0xFFFFE000  }
0x1c2: {  	[tilespmem:s8], [sflag:$0x5] =	stream.indirect.gather @!p6 [hbm4b:s7+s11], $0x80, s16, s11, $0xb8;
	[tilespmem:$0x1FD40] =	vst v63  }
0x1c3: {  	s8 =	sadd.s32 @!p5 $0x1, s17;
	_ =	swait.ge @!p5 [sflag:s20], $0x2000  }
0x1c4: {  	p6 =	sge.s32 @!p5 s8, s14;
	[sflag:s20] =	ssyncset.done @!p5 $0x0  }
0x1c5: {  	[sflag:s20] =	ssyncadd.s32 @!p5 $0xFFFFE000  }
0x1c6: {  	v6 =	vld @!p5 [tilespmem:s15+$0xFFFFFFE0];
	_ =	sdelay $0x4  }
0x1c7: {  	[tilespmem:$0x5B80] =	vst @!p5 v6  }
0x1c8: {  	v6 =	vld @!p5 [tilespmem:s15+$0xFFFFFFF0];
	_ =	sdelay $0x4  }
0x1c9: {  	[tilespmem:$0x5B90] =	vst @!p5 v6  }
0x1ca: {  	v6 =	vld @!p5 [tilespmem:s15+$0x0];
	_ =	sdelay $0x4  }
0x1cb: {  	[tilespmem:$0x5BA0] =	vst @!p5 v6  }
0x1cc: {  	v6 =	vld @!p5 [tilespmem:s15+$0x10];
	_ =	sdelay $0x2  }
0x1cd: {  	s8 =	simm.s32 @!p5 $0x7C80  }
0x1ce: {  	s11 =	simm.s32 @!p5 $0x40;
	p6 =	por p6, p5;
	s20 =	simm.s32 @!p5 $0x5B80  }
0x1cf: {  	s21 =	simm.s32 @!p6 $0x6;
	[tilespmem:$0x5BB0] =	vst @!p5 v6  }
0x1d0: {  	[spmem:s3] =	stream.indirect.scatter.add.f32 @!p5 [tilespmem:s8], [sflag:$0x7], $0x80, s20, s11, $0xb8;
	[tilespmem:$0x1FD40] =	vst v63  }
0x1d1: {  	s8 =	simm.s32 @!p6 $0x40;
	p5 =	sge.s32 s17, s14;
	_ =	swait.ge @!p6 [sflag:s21], $0x2000  }
0x1d2: {  	s11 =	sadd.s32 @!p6 $0x40, s16;
	s20 =	simm.s32 @!p6 $0x5C80;
	[sflag:s21] =	ssyncset.done @!p6 $0x0  }
0x1d3: {  	s26 =	sadd.s32 @!p5 $0x2, s17;
	[sflag:s21] =	ssyncadd.s32 @!p6 $0xFFFFE000;
	s21 =	simm.s32 @!p5 $0x5  }
0x1d4: {  	[tilespmem:s20], [sflag:$0x3] =	stream.indirect.gather @!p6 [hbm4b:s7+s8], $0x80, s11, s8, $0xb8;
	[tilespmem:$0x1FD40] =	vst v63  }
0x1d5: {  	p6 =	sge.s32 @!p5 s26, s14;
	_ =	swait.ge @!p5 [sflag:s21], $0x2000  }
0x1d6: {  	[sflag:s21] =	ssyncset.done @!p5 $0x0  }
0x1d7: {  	[sflag:s21] =	ssyncadd.s32 @!p5 $0xFFFFE000  }
0x1d8: {  	v6 =	vld @!p5 [tilespmem:s15+$0x20];
	_ =	sdelay $0x4  }
0x1d9: {  	[tilespmem:$0x5C00] =	vst @!p5 v6  }
0x1da: {  	v6 =	vld @!p5 [tilespmem:s15+$0x30];
	_ =	sdelay $0x4  }
0x1db: {  	[tilespmem:$0x5C10] =	vst @!p5 v6  }
0x1dc: {  	v6 =	vld @!p5 [tilespmem:s15+$0x40];
	_ =	sdelay $0x4  }
0x1dd: {  	[tilespmem:$0x5C20] =	vst @!p5 v6  }
0x1de: {  	v6 =	vld @!p5 [tilespmem:s15+$0x50];
	_ =	sdelay $0x1  }
0x1df: {  	s16 =	sadd.s32 $0xC0, s16;
	s15 =	sadd.s32 $0xC0, s15  }
.Ltmp12:
0x1e0: {  	s17 =	sadd.s32 $0x3, s17;
	s8 =	simm.s32 @!p5 $0x9C80;
	(pc) =	sbr.rel @p4 .LBB2_13-.Ltmp12, $4  }
0x1e1: {  	s11 =	simm.s32 @!p5 $0x40;
	s26 =	simm.s32 @!p5 $0x5C00;
	p6 =	por p6, p5  }
0x1e2: {  	s5 =	sadd.s32 $0xFFFFFFFE, s17;
	s20 =	simm.s32 @!p6 $0x7;
	s21 =	sadd.s32 @!p6 $0x80, s19;
	[tilespmem:$0x5C30] =	vst @!p5 v6  }
0x1e3: {  	[spmem:s3] =	stream.indirect.scatter.add.f32 @!p5 [tilespmem:s8], [sflag:$0x8], $0x80, s26, s11, $0xb8;
	[tilespmem:$0x1FD40] =	vst v63  }
0x1e4: {  	p5 =	sge.s32 s5, s14;
	s8 =	simm.s32 @!p6 $0x40;
	_ =	swait.ge @!p6 [sflag:s20], $0x2000  }
0x1e5: {  	p1 =	por $0x1, $0x1  }
.LBB2_15:
0x1e6: {  	p1 =	por p6, !p1  }
0x1e7: {  	[sflag:s20] =	ssyncset.done @!p1 $0x0  }
0x1e8: {  	s5 =	simm.s32 @!p5 $0x3;
	s11 =	simm.s32 @!p1 $0x7C80;
	[sflag:s20] =	ssyncadd.s32 @!p1 $0xFFFFE000  }
0x1e9: {  	[tilespmem:s11], [sflag:$0x4] =	stream.indirect.gather @!p1 [hbm4b:s7+s8], $0x80, s21, s8, $0xb8;
	[tilespmem:$0x1FD40] =	vst v63  }
0x1ea: {  	_ =	swait.ge @!p5 [sflag:s5], $0x2000  }
0x1eb: {  	[sflag:s5] =	ssyncset.done @!p5 $0x0  }
0x1ec: {  	[sflag:s5] =	ssyncadd.s32 @!p5 $0xFFFFE000  }
0x1ed: {  	v6 =	vld @!p5 [tilespmem:s15+$0xFFFFFFA0];
	_ =	sdelay $0x4  }
0x1ee: {  	[tilespmem:$0x5B00] =	vst @!p5 v6  }
0x1ef: {  	v6 =	vld @!p5 [tilespmem:s15+$0xFFFFFFB0];
	_ =	sdelay $0x4  }
0x1f0: {  	[tilespmem:$0x5B10] =	vst @!p5 v6  }
0x1f1: {  	v6 =	vld @!p5 [tilespmem:s15+$0xFFFFFFC0];
	_ =	sdelay $0x4  }
0x1f2: {  	[tilespmem:$0x5B20] =	vst @!p5 v6  }
0x1f3: {  	p1 =	sge.u32 @!p5 s17, s14;
	v6 =	vld @!p5 [tilespmem:s15+$0xFFFFFFD0]  }
0x1f4: {  	p4 =	por p1, p5  }
0x1f5: {  	p3 =	seq.s32 @!p4 s17, $0x2  }
0x1f6: {  	p1 =	por @!p5 p3, p1  }
0x1f7: {  	s8 =	simm.s32 @!p5 $0x40;
	p1 =	por p1, p5  }
0x1f8: {  	s11 =	simm.s32 @!p5 $0x5B00;
	s5 =	simm.s32 @!p5 $0x5C80;
	s18 =	simm.s32 @!p1 $0x8;
	[tilespmem:$0x5B30] =	vst @!p5 v6  }
0x1f9: {  	[spmem:s3] =	stream.indirect.scatter.add.f32 @!p5 [tilespmem:s5], [sflag:$0x6], $0x80, s11, s8, $0xb8;
	[tilespmem:$0x1FD40] =	vst v63  }
0x1fa: {  	s21 =	sadd.s32 $0xFFFFFFFF, s17;
	_ =	swait.ge @!p1 [sflag:s18], $0x2000  }
0x1fb: {  	p3 =	sge.s32 s21, s14;
	s8 =	simm.s32 @!p4 $0x40;
	[sflag:s18] =	ssyncset.done @!p1 $0x0  }
0x1fc: {  	s5 =	simm.s32 @!p4 $0x9C80;
	s11 =	simm.s32 @!p3 $0x4;
	[sflag:s18] =	ssyncadd.s32 @!p1 $0xFFFFE000  }
0x1fd: {  	[tilespmem:s5], [sflag:$0x5] =	stream.indirect.gather @!p4 [hbm4b:s7+s8], $0x80, s16, s8, $0xb8;
	[tilespmem:$0x1FD40] =	vst v63  }
0x1fe: {  	_ =	swait.ge @!p3 [sflag:s11], $0x2000  }
0x1ff: {  	[sflag:s11] =	ssyncset.done @!p3 $0x0  }
0x200: {  	[sflag:s11] =	ssyncadd.s32 @!p3 $0xFFFFE000  }
0x201: {  	v6 =	vld @!p3 [tilespmem:s15+$0xFFFFFFE0];
	_ =	sdelay $0x4  }
0x202: {  	[tilespmem:$0x5B80] =	vst @!p3 v6  }
0x203: {  	v6 =	vld @!p3 [tilespmem:s15+$0xFFFFFFF0];
	_ =	sdelay $0x4  }
0x204: {  	[tilespmem:$0x5B90] =	vst @!p3 v6  }
0x205: {  	v6 =	vld @!p3 [tilespmem:s15+$0x0];
	_ =	sdelay $0x4  }
0x206: {  	[tilespmem:$0x5BA0] =	vst @!p3 v6  }
0x207: {  	v6 =	vld @!p3 [tilespmem:s15+$0x10];
	_ =	sdelay $0x1  }
0x208: {  	s5 =	sadd.s32 @!p3 $0x1, s17  }
0x209: {  	p1 =	sge.s32 @!p3 s5, s14  }
0x20a: {  	s8 =	simm.s32 @!p3 $0x40;
	p1 =	por p1, p3  }
0x20b: {  	s5 =	simm.s32 @!p3 $0x7C80;
	s11 =	simm.s32 @!p3 $0x5B80;
	s18 =	simm.s32 @!p1 $0x6;
	[tilespmem:$0x5BB0] =	vst @!p3 v6  }
0x20c: {  	[spmem:s3] =	stream.indirect.scatter.add.f32 @!p3 [tilespmem:s5], [sflag:$0x7], $0x80, s11, s8, $0xb8;
	[tilespmem:$0x1FD40] =	vst v63  }
0x20d: {  	s5 =	simm.s32 @!p1 $0x40;
	_ =	swait.ge @!p1 [sflag:s18], $0x2000  }
0x20e: {  	p3 =	sge.s32 s17, s14;
	s8 =	sadd.s32 @!p1 $0x40, s16;
	[sflag:s18] =	ssyncset.done @!p1 $0x0  }
0x20f: {  	s11 =	simm.s32 @!p1 $0x5C80;
	[sflag:s18] =	ssyncadd.s32 @!p1 $0xFFFFE000;
	s18 =	simm.s32 @!p3 $0x5  }
0x210: {  	[tilespmem:s11], [sflag:$0x3] =	stream.indirect.gather @!p1 [hbm4b:s7+s5], $0x80, s8, s5, $0xb8;
	[tilespmem:$0x1FD40] =	vst v63  }
0x211: {  	_ =	swait.ge @!p3 [sflag:s18], $0x2000  }
0x212: {  	[sflag:s18] =	ssyncset.done @!p3 $0x0  }
0x213: {  	[sflag:s18] =	ssyncadd.s32 @!p3 $0xFFFFE000  }
0x214: {  	v6 =	vld @!p3 [tilespmem:s15+$0x20];
	_ =	sdelay $0x4  }
0x215: {  	[tilespmem:$0x5C00] =	vst @!p3 v6  }
0x216: {  	v6 =	vld @!p3 [tilespmem:s15+$0x30];
	_ =	sdelay $0x4  }
0x217: {  	[tilespmem:$0x5C10] =	vst @!p3 v6  }
0x218: {  	v6 =	vld @!p3 [tilespmem:s15+$0x40];
	_ =	sdelay $0x4  }
0x219: {  	[tilespmem:$0x5C20] =	vst @!p3 v6  }
0x21a: {  	v6 =	vld @!p3 [tilespmem:s15+$0x50];
	_ =	sdelay $0x1  }
0x21b: {  	s5 =	sadd.s32 @!p3 $0x2, s17  }
0x21c: {  	p1 =	sge.s32 @!p3 s5, s14  }
0x21d: {  	s8 =	simm.s32 @!p3 $0x40;
	p1 =	por p1, p3  }
0x21e: {  	s11 =	simm.s32 @!p3 $0x5C00;
	s5 =	simm.s32 @!p3 $0x9C80;
	s15 =	simm.s32 @!p1 $0x7;
	[tilespmem:$0x5C30] =	vst @!p3 v6  }
0x21f: {  	[spmem:s3] =	stream.indirect.scatter.add.f32 @!p3 [tilespmem:s5], [sflag:$0x8], $0x80, s11, s8, $0xb8;
	[tilespmem:$0x1FD40] =	vst v63  }
0x220: {  	_ =	swait.ge @!p1 [sflag:s15], $0x2000  }
0x221: {  	s5 =	sadd.s32 @!p1 $0x80, s16;
	[sflag:s15] =	ssyncset.done @!p1 $0x0;
	s26 =	sld [smem:$0x7FD]  }
0x222: {  	s8 =	simm.s32 @!p1 $0x40;
	s11 =	simm.s32 @!p1 $0x7C80;
	[sflag:s15] =	ssyncadd.s32 @!p1 $0xFFFFE000  }
0x223: {  	[tilespmem:s11], [sflag:$0x4] =	stream.indirect.gather @!p1 [hbm4b:s7+s8], $0x80, s5, s8, $0xb8;
	[tilespmem:$0x1FD40] =	vst v63  }
0x224: {  	p5 =	seq.s32 s26, $0x1  }
.LBB2_16:
0x225: {  	p1 =	por @!p0 $0x0, $0x0  }
0x226: {  	p2 =	por @!p2 $0x1, $0x1;
	p3 =	por !p5, p0;
	s5 =	simm.s32 @!p0 $0x6  }
0x227: {  	p2 =	por @!p3 p1, p1;
	p1 =	por $0x0, $0x0;
	_ =	swait.ge @!p0 [sflag:s5], $0x2000  }
0x228: {  	p1 =	por @!p0 p2, p2;
	[sflag:s5] =	ssyncset.done @!p0 $0x0  }
0x229: {  	[sflag:s5] =	ssyncadd.s32 @!p0 $0xFFFFE000;
	s5 =	simm.s32 @p1 $0x7  }
0x22a: {  	_ =	swait.ge @p1 [sflag:s5], $0x2000  }
0x22b: {  	p0 =	slt.s32 s14, $0x3;
	[sflag:s5] =	ssyncset.done @p1 $0x0  }
0x22c: {  	[sflag:s5] =	ssyncadd.s32 @p1 $0xFFFFE000;
	s5 =	simm.s32 @!p0 $0x8  }
0x22d: {  	_ =	swait.ge @!p0 [sflag:s5], $0x2000  }
0x22e: {  	[sflag:s5] =	ssyncset.done @!p0 $0x0  }
0x22f: {  	[sflag:s5] =	ssyncadd.s32 @!p0 $0xFFFFE000  }
.LBB2_17:
0x230: {  	p0 =	seq.s32 s10, $0x7  }
0x231: {  	s5 =	sadd.s32 @!p0 s12, s23  }
0x232: {  	s5 =	sshrl.u32 @!p0 s5, $0x3  }
0x233: {  	s8 =	simm.s32 @!p0 $0x0;
	s5 =	sadd.s32 @!p0 s1, s5  }
0x234: {  	[tilespmem:s8], [sflag:$0x1] =	stream.linear.gather @!p0 [hbm4b:s5+s8], $0x870, $0x38;
	[tilespmem:$0x1FD40] =	vst v63  }
0x235: {  	_ =	swait.ge [sflag:s25], $0x870  }
0x236: {  	[sflag:s25] =	ssyncset.done $0x0  }
0x237: {  	s21 =	simm.s32 $0x0;
	[sflag:s25] =	ssyncadd.s32 $0xFFFFF790  }
0x238: {  	v6 =	vld [tilespmem:s21+$0x880];
	_ =	sdelay $0x4  }
0x239: {  	v6 =	vsub.s32 v6, v4  }
0x23a: {  	vm0 =	vlt.u32 v6, $0x2800  }
0x23b: {  	v7 =	vsel vm0, $0x1, v1  }
0x23c: {  	(xrf0) =	vadd.scan.msk.s32 $0xffff, v7;
	_ =	sdelay $0x4  }
0x23d: {  	p6 =	sgt.s32 s13, $0x1BFF  }
0x23e: {  	v5 =	vpsel p6, $0x0, v5;
	v7, _, _ =	vpop (xrf0)  }
0x23f: {  	v7 =	vadd.s32 v7, v5  }
0x240: {  	v7 =	vadd.s32 $0xFFFFFFFF, v7  }
0x241: {  	v7 =	vsel vm0, v7, v2;
	_ =	sdelay $0x3  }
0x242: {  	v9 =	vor.u32 s22, v0;
	v6 =	vmin.u32 v6, $0x2800;
	v8 =	vmpcnt.ones.xlane vm0  }
0x243: {  	[tilespmem:v7+s0+$0x0] =	vst.idx.msk $0xffff, v9  }
0x244: {  	s26 =	simm.s32 $0x10;
	v5 =	vadd.s32 v5, v8;
	[tilespmem:v7+s2+$0x0] =	vst.idx.msk $0xffff, v6  }
0x245: {  	s13 =	simm.s32 $0x80;
	s12 =	smov.u32 s22;
	v6 =	vmov v5;
	v7 =	vld [tilespmem:s26+$0x880]  }
.LBB2_18:
0x246: {  	p0 =	sne.s32 s13, $0x2180;
	_ =	sdelay $0x3  }
0x247: {  	v7 =	vsub.s32 v7, v4  }
0x248: {  	vm0 =	vlt.u32 v7, $0x2800;
	v7 =	vmin.u32 v7, $0x2800  }
0x249: {  	v8 =	vsel vm0, $0x1, v1;
	v9 =	vmpcnt.ones.xlane vm0  }
0x24a: {  	(xrf0) =	vadd.scan.msk.s32 $0xffff, v8  }
0x24b: {  	v5 =	vadd.s32 v5, v9;
	_ =	sdelay $0x4  }
0x24c: {  	v8, _, _ =	vpop (xrf0)  }
0x24d: {  	v8 =	vadd.s32 v8, v6;
	v6 =	vmov v5  }
0x24e: {  	v8 =	vadd.s32 $0xFFFFFFFF, v8  }
0x24f: {  	v8 =	vsel vm0, v8, v2;
	_ =	sdelay $0x2  }
.Ltmp13:
0x250: {  	s12 =	sadd.s32 $0x10, s12;
	(pc) =	sbr.rel @p0 .LBB2_18-.Ltmp13, $4  }
0x251: {  	v9 =	vor.u32 s12, v0  }
0x252: {  	[tilespmem:v8+s0+$0x0] =	vst.idx.msk $0xffff, v9  }
0x253: {  	s5 =	sshra.s32 s13, $0x2;
	[tilespmem:v8+s2+$0x0] =	vst.idx.msk $0xffff, v7  }
0x254: {  	s13 =	sadd.s32 $0x40, s13;
	v7 =	vld [tilespmem:s5+$0x880]  }
0x255: {  	_ =	sdelay $0x3  }
0x256: {  	v7 =	vsub.s32 v7, v4  }
0x257: {  	vm0 =	vlt.u32 v7, $0x2800  }
0x258: {  	v8 =	vmpcnt.ones.xlane vm0;
	_ =	sdelay $0x1  }
0x259: {  	v9 =	vsel vm0, $0x1, v1;
	v5 =	vadd.s32 v5, v8  }
0x25a: {  	(xrf0) =	vadd.scan.msk.s32 $0xffff, v9;
	v8 =	vxor.u32 $0x80000000, v5  }
0x25b: {  	(xrf0) =	vmax.scan.msk.u32 $0xffff, v8;
	_ =	sdelay $0x4  }
0x25c: {  	v61, _, _ =	vpop (xrf0)  }
0x25d: {  	v62, _, _ =	vpop (xrf0)  }
0x25e: {  	(v2sf) =	vpush v62, $0xF;
	_ =	sdelay $0xd  }
0x25f: {  	v6 =	vadd.s32 v61, v6  }
0x260: {  	v6 =	vadd.s32 $0xFFFFFFFF, v6;
	s8 =	spop (v2sf)  }
0x261: {  	s5 =	sadd.s32 $0x10, s12;
	v6 =	vsel vm0, v6, v2;
	s12 =	sxor.u32 $0x80000000, s8  }
0x262: {  	p0 =	slt.s32 s12, $0x1C00  }
.Ltmp14:
0x263: {  	_ = 	snop;
	(pc) =	sbr.rel @p0 .LBB2_29-.Ltmp14, $4  }
0x264: {  	_ = 	snop  }
0x265: {  	v63 =	vor.u32 s5, v0  }
0x266: {  	v7 =	vmin.u32 v7, $0x2800;
	[tilespmem:v6+s0+$0x0] =	vst.idx.msk $0xffff, v63  }
0x267: {  	[tilespmem:v6+s2+$0x0] =	vst.idx.msk $0xffff, v7  }
0x268: {  	v6 =	vadd.s32 s12, v0  }
0x269: {  	s5 =	sadd.s32 $0x80000010, s8  }
0x26a: {  	v7 =	vadd.s32 s5, v0  }
0x26b: {  	s15 =	sadd.s32 $0x80000020, s8;
	s16 =	sadd.s32 $0x8000003F, s8  }
0x26c: {  	s17 =	sadd.s32 $0x80000030, s8;
	v8 =	vadd.s32 s15, v0;
	s11 =	sand.u32 $0x3F, s16  }
0x26d: {  	s18 =	sshra.s32 s16, $0x1F;
	p0 =	slt.s32 s16, $0x1;
	p1 =	sne.s32 s11, $0x0;
	[tilespmem:v6+s0+$0x0] =	vst.idx.msk $0xffff, v1  }
0x26e: {  	s8 =	sshrl.u32 s18, $0x1A;
	p0 =	por !p0, !p1;
	[tilespmem:v6+s2+$0x0] =	vst.idx.msk $0xffff, v3;
	v6 =	vadd.s32 s17, v0  }
0x26f: {  	s5 =	sadd.s32 s8, s16;
	s8 =	simm.s32 $0x1;
	p0 =	por !p0, !p0;
	[tilespmem:v7+s0+$0x0] =	vst.idx.msk $0xffff, v1  }
0x270: {  	s5 =	sshra.s32 s5, $0x6;
	s8 =	simm.s32 @!p0 $0x0;
	[tilespmem:v7+s2+$0x0] =	vst.idx.msk $0xffff, v3  }
0x271: {  	s13 =	ssub.s32 s5, s8;
	[tilespmem:v8+s0+$0x0] =	vst.idx.msk $0xffff, v1  }
0x272: {  	p0 =	slt.s32 s13, $0x1;
	[tilespmem:v8+s2+$0x0] =	vst.idx.msk $0xffff, v3  }
0x273: {  	s19 =	sadd.s32 $0x2, s13;
	s5 =	simm.s32 @!p0 $0x40;
	p5 =	seq.s32 @!p0 s13, $0x1;
	[tilespmem:v6+s0+$0x0] =	vst.idx.msk $0xffff, v1  }
0x274: {  	s8 =	simm.s32 @!p0 $0x1100;
	s11 =	simm.s32 @!p0 $0x5C80;
	p2 =	por p5, p0;
	[tilespmem:v6+s2+$0x0] =	vst.idx.msk $0xffff, v3  }
0x275: {  	[tilespmem:s11], [sflag:$0x3] =	stream.indirect.gather @!p0 [hbm4b:s7+s5], $0x80, s8, s5, $0xb8;
	[tilespmem:$0x1FD40] =	vst v63  }
0x276: {  	s20 =	smulhi.u32 $0x55555556, s19;
	s14 =	simm.s32 @!p2 $0x1140;
	s5 =	sshra.s32 s19, $0x1F  }
0x277: {  	s15 =	simm.s32 @!p2 $0x7C80;
	s8 =	simm.s32 @!p2 $0x40;
	s5 =	smul.u32 $0x55555556, s5  }
0x278: {  	[tilespmem:s15], [sflag:$0x4] =	stream.indirect.gather @!p2 [hbm4b:s7+s8], $0x80, s14, s8, $0xb8;
	[tilespmem:$0x1FD40] =	vst v63  }
0x279: {  	s5 =	sadd.s32 s5, s20  }
0x27a: {  	s21 =	sshrl.u32 s5, $0x1F  }
0x27b: {  	s5 =	sadd.s32 s21, s5  }
0x27c: {  	s8 =	smul.u32 $0xFFFFFFFD, s5  }
0x27d: {  	s26 =	ssub.s32 $0xFFFFFFFE, s13  }
0x27e: {  	p3 =	slt.s32 s13, $0xFFFFFFFF;
	p4 =	sne.s32 s8, s26  }
0x27f: {  	p3 =	por !p3, !p4  }
0x280: {  	s8 =	simm.s32 $0x1;
	p3 =	por !p3, !p3  }
0x281: {  	s8 =	simm.s32 @!p3 $0x0  }
0x282: {  	s8 =	ssub.s32 s5, s8  }
0x283: {  	p3 =	slt.s32 s8, $0x1  }
.Ltmp15:
0x284: {  	_ = 	snop;
	(pc) =	sbr.rel @p3 .LBB2_28-.Ltmp15, $1  }
0x285: {  	_ =	sdelay $0x3  }
0x286: {  	s17 =	sadd.s32 $0xFFFFFFFF, s8  }
0x287: {  	p4 =	sne.s32 s17, $0x0  }
.Ltmp16:
0x288: {  	_ = 	snop;
	(pc) =	sbr.rel @!p4 .LBB2_22-.Ltmp16, $4  }
0x289: {  	_ = 	snop  }
0x28a: {  	s5 =	simm.s32 @!p5 $0x0;
	s16 =	simm.s32 $0x2  }
0x28b: {  	s15 =	simm.s32 $0x1180;
	s14 =	simm.s32 $0x3660;
	s5 =	simm.s32 @p5 $0x1  }
0x28c: {  	p1 =	por $0x0, $0x0;
	p5 =	sle.s32 s13, $0x0;
	[smem:$0x7FC] =	sst s5  }
0x28d: {  	s5 =	simm.s32 @!p5 $0x3  }
0x28e: {  	_ =	swait.ge @!p5 [sflag:s5], $0x2000  }
0x28f: {  	[sflag:s5] =	ssyncset.done @!p5 $0x0  }
0x290: {  	[sflag:s5] =	ssyncadd.s32 @!p5 $0xFFFFE000  }
0x291: {  	v6 =	vld @!p5 [tilespmem:s14+$0xFFFFFFA0];
	_ =	sdelay $0x4  }
0x292: {  	[tilespmem:$0x5B00] =	vst @!p5 v6  }
0x293: {  	v6 =	vld @!p5 [tilespmem:s14+$0xFFFFFFB0];
	_ =	sdelay $0x4  }
0x294: {  	[tilespmem:$0x5B10] =	vst @!p5 v6  }
0x295: {  	v6 =	vld @!p5 [tilespmem:s14+$0xFFFFFFC0];
	_ =	sdelay $0x4  }
0x296: {  	[tilespmem:$0x5B20] =	vst @!p5 v6  }
0x297: {  	p3 =	sle.u32 @!p5 s13, $0x2;
	v6 =	vld @!p5 [tilespmem:s14+$0xFFFFFFD0]  }
0x298: {  	p4 =	por p3, p5  }
0x299: {  	p6 =	por @!p4 $0x1, $0x1  }
0x29a: {  	p3 =	por @!p5 p6, p3  }
0x29b: {  	s8 =	simm.s32 @!p5 $0x40;
	p6 =	por p3, p5  }
0x29c: {  	s11 =	simm.s32 @!p5 $0x5B00;
	s5 =	simm.s32 @!p5 $0x5C80;
	s16 =	simm.s32 @!p6 $0x8;
	[tilespmem:$0x5B30] =	vst @!p5 v6  }
0x29d: {  	[spmem:s3] =	stream.indirect.scatter.add.f32 @!p5 [tilespmem:s5], [sflag:$0x6], $0x80, s11, s8, $0xb8;
	[tilespmem:$0x1FD40] =	vst v63  }
0x29e: {  	_ =	swait.ge @!p6 [sflag:s16], $0x2000  }
0x29f: {  	p3 =	sle.s32 s13, $0x1;
	s5 =	simm.s32 @!p4 $0x40;
	[sflag:s16] =	ssyncset.done @!p6 $0x0  }
0x2a0: {  	s8 =	simm.s32 @!p4 $0x9C80;
	s11 =	simm.s32 @!p3 $0x4;
	[sflag:s16] =	ssyncadd.s32 @!p6 $0xFFFFE000  }
0x2a1: {  	[tilespmem:s8], [sflag:$0x5] =	stream.indirect.gather @!p4 [hbm4b:s7+s5], $0x80, s15, s5, $0xb8;
	[tilespmem:$0x1FD40] =	vst v63  }
0x2a2: {  	_ =	swait.ge @!p3 [sflag:s11], $0x2000  }
0x2a3: {  	[sflag:s11] =	ssyncset.done @!p3 $0x0  }
0x2a4: {  	[sflag:s11] =	ssyncadd.s32 @!p3 $0xFFFFE000  }
0x2a5: {  	v6 =	vld @!p3 [tilespmem:s14+$0xFFFFFFE0];
	_ =	sdelay $0x4  }
0x2a6: {  	[tilespmem:$0x5B80] =	vst @!p3 v6  }
0x2a7: {  	v6 =	vld @!p3 [tilespmem:s14+$0xFFFFFFF0];
	_ =	sdelay $0x4  }
0x2a8: {  	[tilespmem:$0x5B90] =	vst @!p3 v6  }
0x2a9: {  	v6 =	vld @!p3 [tilespmem:s14+$0x0];
	_ =	sdelay $0x4  }
0x2aa: {  	[tilespmem:$0x5BA0] =	vst @!p3 v6  }
0x2ab: {  	v6 =	vld @!p3 [tilespmem:s14+$0x10];
	_ =	sdelay $0x2  }
0x2ac: {  	p4 =	sle.s32 @!p3 s13, $0x3  }
0x2ad: {  	s5 =	simm.s32 @!p3 $0x7C80;
	p4 =	por p4, p3  }
0x2ae: {  	s8 =	simm.s32 @!p3 $0x40;
	s15 =	simm.s32 @!p4 $0x6;
	s11 =	simm.s32 @!p3 $0x5B80;
	[tilespmem:$0x5BB0] =	vst @!p3 v6  }
0x2af: {  	[spmem:s3] =	stream.indirect.scatter.add.f32 @!p3 [tilespmem:s5], [sflag:$0x7], $0x80, s11, s8, $0xb8;
	[tilespmem:$0x1FD40] =	vst v63  }
0x2b0: {  	s5 =	simm.s32 @!p4 $0x40;
	_ =	swait.ge @!p4 [sflag:s15], $0x2000  }
0x2b1: {  	p3 =	sle.s32 s13, $0x2;
	s8 =	simm.s32 @!p4 $0x11C0;
	[sflag:s15] =	ssyncset.done @!p4 $0x0  }
0x2b2: {  	s11 =	simm.s32 @!p4 $0x5C80;
	[sflag:s15] =	ssyncadd.s32 @!p4 $0xFFFFE000;
	s15 =	simm.s32 @!p3 $0x5  }
0x2b3: {  	[tilespmem:s11], [sflag:$0x3] =	stream.indirect.gather @!p4 [hbm4b:s7+s5], $0x80, s8, s5, $0xb8;
	[tilespmem:$0x1FD40] =	vst v63  }
0x2b4: {  	_ =	swait.ge @!p3 [sflag:s15], $0x2000  }
0x2b5: {  	[sflag:s15] =	ssyncset.done @!p3 $0x0  }
0x2b6: {  	[sflag:s15] =	ssyncadd.s32 @!p3 $0xFFFFE000  }
0x2b7: {  	v6 =	vld @!p3 [tilespmem:s14+$0x20];
	_ =	sdelay $0x4  }
0x2b8: {  	[tilespmem:$0x5C00] =	vst @!p3 v6  }
0x2b9: {  	v6 =	vld @!p3 [tilespmem:s14+$0x30];
	_ =	sdelay $0x4  }
0x2ba: {  	[tilespmem:$0x5C10] =	vst @!p3 v6  }
0x2bb: {  	v6 =	vld @!p3 [tilespmem:s14+$0x40];
	_ =	sdelay $0x4  }
0x2bc: {  	[tilespmem:$0x5C20] =	vst @!p3 v6  }
0x2bd: {  	v6 =	vld @!p3 [tilespmem:s14+$0x50]  }
0x2be: {  	s17 =	sadd.s32 $0xFFFFFFFF, s17  }
0x2bf: {  	s16 =	simm.s32 $0x5;
	p5 =	sle.s32 @!p3 s13, $0x4;
	p4 =	sne.s32 s17, $0x0  }
.Ltmp17:
0x2c0: {  	p6 =	por p5, p3;
	p5 =	sle.s32 s13, $0x3;
	(pc) =	sbr.rel @!p4 .LBB2_24-.Ltmp17, $4  }
0x2c1: {  	s19 =	simm.s32 @!p6 $0x7;
	s20 =	simm.s32 @!p6 $0x1200;
	s5 =	simm.s32 @!p3 $0x9C80  }
0x2c2: {  	s8 =	simm.s32 @!p3 $0x40;
	s11 =	simm.s32 @!p3 $0x5C00;
	s15 =	simm.s32 $0x1240;
	[tilespmem:$0x5C30] =	vst @!p3 v6  }
0x2c3: {  	[spmem:s3] =	stream.indirect.scatter.add.f32 @!p3 [tilespmem:s5], [sflag:$0x8], $0x80, s11, s8, $0xb8;
	[tilespmem:$0x1FD40] =	vst v63  }
0x2c4: {  	s14 =	simm.s32 $0x3720;
	s8 =	simm.s32 @!p6 $0x40;
	_ =	swait.ge @!p6 [sflag:s19], $0x2000  }
.LBB2_25:
0x2c5: {  	s5 =	simm.s32 @!p5 $0x3;
	[sflag:s19] =	ssyncset.done @!p6 $0x0;
	s11 =	simm.s32 @!p6 $0x7C80  }
0x2c6: {  	s17 =	sadd.s32 $0xFFFFFFFF, s17;
	s18 =	smov.u32 s15;
	[sflag:s19] =	ssyncadd.s32 @!p6 $0xFFFFE000  }
0x2c7: {  	[tilespmem:s11], [sflag:$0x4] =	stream.indirect.gather @!p6 [hbm4b:s7+s8], $0x80, s20, s8, $0xb8;
	[tilespmem:$0x1FD40] =	vst v63  }
0x2c8: {  	p4 =	sne.s32 s17, $0x0;
	_ =	swait.ge @!p5 [sflag:s5], $0x2000  }
0x2c9: {  	[sflag:s5] =	ssyncset.done @!p5 $0x0  }
0x2ca: {  	[sflag:s5] =	ssyncadd.s32 @!p5 $0xFFFFE000  }
0x2cb: {  	v6 =	vld @!p5 [tilespmem:s14+$0xFFFFFFA0];
	_ =	sdelay $0x4  }
0x2cc: {  	[tilespmem:$0x5B00] =	vst @!p5 v6  }
0x2cd: {  	v6 =	vld @!p5 [tilespmem:s14+$0xFFFFFFB0];
	_ =	sdelay $0x4  }
0x2ce: {  	[tilespmem:$0x5B10] =	vst @!p5 v6  }
0x2cf: {  	v6 =	vld @!p5 [tilespmem:s14+$0xFFFFFFC0];
	_ =	sdelay $0x4  }
0x2d0: {  	[tilespmem:$0x5B20] =	vst @!p5 v6  }
0x2d1: {  	p1 =	sge.u32 @!p5 s16, s13;
	v6 =	vld @!p5 [tilespmem:s14+$0xFFFFFFD0]  }
0x2d2: {  	p6 =	por p1, p5  }
0x2d3: {  	p3 =	seq.s32 @!p6 s16, $0x2  }
0x2d4: {  	p1 =	por @!p5 p3, p1;
	s5 =	simm.s32 @!p5 $0x5C80  }
0x2d5: {  	s8 =	simm.s32 @!p5 $0x40;
	s11 =	simm.s32 @!p5 $0x5B00;
	p1 =	por p1, p5  }
0x2d6: {  	s19 =	simm.s32 @!p1 $0x8;
	[tilespmem:$0x5B30] =	vst @!p5 v6  }
0x2d7: {  	[spmem:s3] =	stream.indirect.scatter.add.f32 @!p5 [tilespmem:s5], [sflag:$0x6], $0x80, s11, s8, $0xb8;
	[tilespmem:$0x1FD40] =	vst v63  }
0x2d8: {  	s5 =	sadd.s32 $0xFFFFFFFF, s16;
	_ =	swait.ge @!p1 [sflag:s19], $0x2000  }
0x2d9: {  	s8 =	simm.s32 @!p6 $0x40;
	p5 =	sge.s32 s5, s13;
	[sflag:s19] =	ssyncset.done @!p1 $0x0  }
0x2da: {  	s5 =	simm.s32 @!p6 $0x9C80;
	s11 =	simm.s32 @!p5 $0x4;
	[sflag:s19] =	ssyncadd.s32 @!p1 $0xFFFFE000  }
0x2db: {  	[tilespmem:s5], [sflag:$0x5] =	stream.indirect.gather @!p6 [hbm4b:s7+s8], $0x80, s15, s8, $0xb8;
	[tilespmem:$0x1FD40] =	vst v63  }
0x2dc: {  	s5 =	sadd.s32 @!p5 $0x1, s16;
	_ =	swait.ge @!p5 [sflag:s11], $0x2000  }
0x2dd: {  	p6 =	sge.s32 @!p5 s5, s13;
	[sflag:s11] =	ssyncset.done @!p5 $0x0  }
0x2de: {  	[sflag:s11] =	ssyncadd.s32 @!p5 $0xFFFFE000  }
0x2df: {  	v6 =	vld @!p5 [tilespmem:s14+$0xFFFFFFE0];
	_ =	sdelay $0x4  }
0x2e0: {  	[tilespmem:$0x5B80] =	vst @!p5 v6  }
0x2e1: {  	v6 =	vld @!p5 [tilespmem:s14+$0xFFFFFFF0];
	_ =	sdelay $0x4  }
0x2e2: {  	[tilespmem:$0x5B90] =	vst @!p5 v6  }
0x2e3: {  	v6 =	vld @!p5 [tilespmem:s14+$0x0];
	_ =	sdelay $0x4  }
0x2e4: {  	[tilespmem:$0x5BA0] =	vst @!p5 v6  }
0x2e5: {  	v6 =	vld @!p5 [tilespmem:s14+$0x10];
	_ =	sdelay $0x2  }
0x2e6: {  	s5 =	simm.s32 @!p5 $0x7C80  }
0x2e7: {  	s8 =	simm.s32 @!p5 $0x40;
	p6 =	por p6, p5;
	s11 =	simm.s32 @!p5 $0x5B80  }
0x2e8: {  	s19 =	simm.s32 @!p6 $0x6;
	[tilespmem:$0x5BB0] =	vst @!p5 v6  }
0x2e9: {  	[spmem:s3] =	stream.indirect.scatter.add.f32 @!p5 [tilespmem:s5], [sflag:$0x7], $0x80, s11, s8, $0xb8;
	[tilespmem:$0x1FD40] =	vst v63  }
0x2ea: {  	s5 =	simm.s32 @!p6 $0x40;
	p5 =	sge.s32 s16, s13;
	_ =	swait.ge @!p6 [sflag:s19], $0x2000  }
0x2eb: {  	s8 =	sadd.s32 @!p6 $0x40, s15;
	s11 =	simm.s32 @!p6 $0x5C80;
	[sflag:s19] =	ssyncset.done @!p6 $0x0  }
0x2ec: {  	s20 =	sadd.s32 @!p5 $0x2, s16;
	[sflag:s19] =	ssyncadd.s32 @!p6 $0xFFFFE000;
	s19 =	simm.s32 @!p5 $0x5  }
0x2ed: {  	[tilespmem:s11], [sflag:$0x3] =	stream.indirect.gather @!p6 [hbm4b:s7+s5], $0x80, s8, s5, $0xb8;
	[tilespmem:$0x1FD40] =	vst v63  }
0x2ee: {  	p6 =	sge.s32 @!p5 s20, s13;
	_ =	swait.ge @!p5 [sflag:s19], $0x2000  }
0x2ef: {  	[sflag:s19] =	ssyncset.done @!p5 $0x0  }
0x2f0: {  	[sflag:s19] =	ssyncadd.s32 @!p5 $0xFFFFE000  }
0x2f1: {  	v6 =	vld @!p5 [tilespmem:s14+$0x20];
	_ =	sdelay $0x4  }
0x2f2: {  	[tilespmem:$0x5C00] =	vst @!p5 v6  }
0x2f3: {  	v6 =	vld @!p5 [tilespmem:s14+$0x30];
	_ =	sdelay $0x4  }
0x2f4: {  	[tilespmem:$0x5C10] =	vst @!p5 v6  }
0x2f5: {  	v6 =	vld @!p5 [tilespmem:s14+$0x40];
	_ =	sdelay $0x4  }
0x2f6: {  	[tilespmem:$0x5C20] =	vst @!p5 v6  }
0x2f7: {  	v6 =	vld @!p5 [tilespmem:s14+$0x50];
	_ =	sdelay $0x1  }
0x2f8: {  	s15 =	sadd.s32 $0xC0, s15;
	s14 =	sadd.s32 $0xC0, s14  }
.Ltmp18:
0x2f9: {  	s16 =	sadd.s32 $0x3, s16;
	s5 =	simm.s32 @!p5 $0x9C80;
	(pc) =	sbr.rel @p4 .LBB2_25-.Ltmp18, $4  }
0x2fa: {  	s8 =	simm.s32 @!p5 $0x40;
	s11 =	simm.s32 @!p5 $0x5C00;
	p6 =	por p6, p5  }
0x2fb: {  	s21 =	sadd.s32 $0xFFFFFFFE, s16;
	s20 =	sadd.s32 @!p6 $0x80, s18;
	s19 =	simm.s32 @!p6 $0x7;
	[tilespmem:$0x5C30] =	vst @!p5 v6  }
0x2fc: {  	[spmem:s3] =	stream.indirect.scatter.add.f32 @!p5 [tilespmem:s5], [sflag:$0x8], $0x80, s11, s8, $0xb8;
	[tilespmem:$0x1FD40] =	vst v63  }
0x2fd: {  	p5 =	sge.s32 s21, s13;
	s8 =	simm.s32 @!p6 $0x40;
	_ =	swait.ge @!p6 [sflag:s19], $0x2000  }
.Ltmp19:
0x2fe: {  	(pc) =	sbr.rel .LBB2_27-.Ltmp19, $2  }
0x2ff: {  	_ =	sdelay $0x2  }
0x300: {  	p1 =	por $0x1, $0x1  }
.LBB2_10:
.Ltmp20:
0x301: {  	(pc) =	sbr.rel .LBB2_15-.Ltmp20, $2  }
0x302: {  	_ =	sdelay $0x2  }
0x303: {  	_ = 	snop  }
.LBB2_12:
.Ltmp21:
0x304: {  	(pc) =	sbr.rel .LBB2_15-.Ltmp21, $2  }
0x305: {  	_ =	sdelay $0x2  }
0x306: {  	p1 =	por $0x1, $0x1  }
.LBB2_24:
.Ltmp22:
0x307: {  	(pc) =	sbr.rel .LBB2_27-.Ltmp22, $2  }
0x308: {  	_ =	sdelay $0x2  }
0x309: {  	p1 =	por $0x1, $0x1  }
.LBB2_30:
0x30a: {  	v4 =	vxor.u32 $0x80000000, v5  }
0x30b: {  	(xrf0) =	vmax.scan.msk.u32 $0xffff, v4;
	_ =	sdelay $0x5  }
0x30c: {  	v4, _, _ =	vpop (xrf0)  }
0x30d: {  	(v2sf) =	vpush v4, $0xF;
	_ =	sdelay $0xe  }
0x30e: {  	s4 =	spop (v2sf)  }
0x30f: {  	s5 =	sxor.u32 $0x80000000, s4  }
0x310: {  	v4 =	vadd.s32 s5, v0  }
0x311: {  	s16 =	sadd.s32 $0x80000010, s4  }
0x312: {  	v5 =	vadd.s32 s16, v0  }
0x313: {  	s17 =	sadd.s32 $0x80000020, s4;
	s18 =	sadd.s32 $0x8000003F, s4  }
0x314: {  	s4 =	sadd.s32 $0x80000030, s4;
	v6 =	vadd.s32 s17, v0;
	s8 =	sand.u32 $0x3F, s18  }
0x315: {  	s19 =	sshra.s32 s18, $0x1F;
	p0 =	slt.s32 s18, $0x1;
	p1 =	sne.s32 s8, $0x0;
	[tilespmem:v4+s0+$0x0] =	vst.idx.msk $0xffff, v1  }
0x316: {  	p0 =	por !p0, !p1;
	[tilespmem:v4+s2+$0x0] =	vst.idx.msk $0xffff, v3;
	v4 =	vadd.s32 s4, v0;
	s4 =	sshrl.u32 s19, $0x1A  }
0x317: {  	s5 =	simm.s32 $0x1;
	p0 =	por !p0, !p0;
	[tilespmem:v5+s0+$0x0] =	vst.idx.msk $0xffff, v1;
	s4 =	sadd.s32 s4, s18  }
0x318: {  	s5 =	simm.s32 @!p0 $0x0;
	[tilespmem:v5+s2+$0x0] =	vst.idx.msk $0xffff, v3;
	s4 =	sshra.s32 s4, $0x6  }
0x319: {  	[tilespmem:v6+s0+$0x0] =	vst.idx.msk $0xffff, v1;
	s4 =	ssub.s32 s4, s5  }
0x31a: {  	[tilespmem:v6+s2+$0x0] =	vst.idx.msk $0xffff, v3;
	p0 =	slt.s32 s4, $0x1  }
0x31b: {  	s20 =	sadd.s32 $0x2, s4;
	[tilespmem:v4+s0+$0x0] =	vst.idx.msk $0xffff, v1;
	s5 =	simm.s32 @!p0 $0x40;
	p5 =	seq.s32 @!p0 s4, $0x1  }
0x31c: {  	s8 =	simm.s32 @!p0 $0x1100;
	s9 =	simm.s32 @!p0 $0x5C80;
	[tilespmem:v4+s2+$0x0] =	vst.idx.msk $0xffff, v3;
	p2 =	por p5, p0  }
0x31d: {  	[tilespmem:s9], [sflag:$0x3] =	stream.indirect.gather @!p0 [hbm4b:s7+s5], $0x80, s8, s5, $0xb8;
	[tilespmem:$0x1FD40] =	vst v63  }
0x31e: {  	s21 =	smulhi.u32 $0x55555556, s20;
	s8 =	simm.s32 @!p2 $0x40;
	s5 =	sshra.s32 s20, $0x1F  }
0x31f: {  	s10 =	simm.s32 @!p2 $0x1140;
	s11 =	simm.s32 @!p2 $0x7C80;
	s5 =	smul.u32 $0x55555556, s5  }
0x320: {  	[tilespmem:s11], [sflag:$0x4] =	stream.indirect.gather @!p2 [hbm4b:s7+s8], $0x80, s10, s8, $0xb8;
	[tilespmem:$0x1FD40] =	vst v63  }
0x321: {  	s5 =	sadd.s32 s5, s21  }
0x322: {  	s22 =	sshrl.u32 s5, $0x1F  }
0x323: {  	s5 =	sadd.s32 s22, s5  }
0x324: {  	s8 =	smul.u32 $0xFFFFFFFD, s5  }
0x325: {  	s26 =	ssub.s32 $0xFFFFFFFE, s4  }
0x326: {  	p3 =	slt.s32 s4, $0xFFFFFFFF;
	p4 =	sne.s32 s8, s26  }
0x327: {  	p3 =	por !p3, !p4  }
0x328: {  	s8 =	simm.s32 $0x1;
	p3 =	por !p3, !p3  }
0x329: {  	s8 =	simm.s32 @!p3 $0x0  }
0x32a: {  	s8 =	ssub.s32 s5, s8  }
0x32b: {  	p3 =	slt.s32 s8, $0x1  }
.Ltmp23:
0x32c: {  	_ = 	snop;
	(pc) =	sbr.rel @p3 .LBB2_38-.Ltmp23, $1  }
0x32d: {  	_ =	sdelay $0x3  }
0x32e: {  	s13 =	sadd.s32 $0xFFFFFFFF, s8  }
0x32f: {  	p4 =	sne.s32 s13, $0x0  }
.Ltmp24:
0x330: {  	_ = 	snop;
	(pc) =	sbr.rel @!p4 .LBB2_32-.Ltmp24, $4  }
0x331: {  	_ = 	snop  }
0x332: {  	s5 =	simm.s32 @!p5 $0x0;
	s12 =	simm.s32 $0x2  }
0x333: {  	s10 =	simm.s32 $0x1180;
	s9 =	simm.s32 $0x3660;
	s5 =	simm.s32 @p5 $0x1  }
0x334: {  	p1 =	por $0x0, $0x0;
	p5 =	sle.s32 s4, $0x0;
	[smem:$0x7FB] =	sst s5  }
0x335: {  	s5 =	simm.s32 @!p5 $0x3  }
0x336: {  	_ =	swait.ge @!p5 [sflag:s5], $0x2000  }
0x337: {  	[sflag:s5] =	ssyncset.done @!p5 $0x0  }
0x338: {  	[sflag:s5] =	ssyncadd.s32 @!p5 $0xFFFFE000  }
0x339: {  	v4 =	vld @!p5 [tilespmem:s9+$0xFFFFFFA0];
	_ =	sdelay $0x4  }
0x33a: {  	[tilespmem:$0x5B00] =	vst @!p5 v4  }
0x33b: {  	v4 =	vld @!p5 [tilespmem:s9+$0xFFFFFFB0];
	_ =	sdelay $0x4  }
0x33c: {  	[tilespmem:$0x5B10] =	vst @!p5 v4  }
0x33d: {  	v4 =	vld @!p5 [tilespmem:s9+$0xFFFFFFC0];
	_ =	sdelay $0x4  }
0x33e: {  	[tilespmem:$0x5B20] =	vst @!p5 v4  }
0x33f: {  	p3 =	sle.u32 @!p5 s4, $0x2;
	v4 =	vld @!p5 [tilespmem:s9+$0xFFFFFFD0]  }
0x340: {  	p4 =	por p3, p5  }
0x341: {  	p6 =	por @!p4 $0x1, $0x1  }
0x342: {  	p3 =	por @!p5 p6, p3  }
0x343: {  	s8 =	simm.s32 @!p5 $0x40;
	p6 =	por p3, p5  }
0x344: {  	s11 =	simm.s32 @!p5 $0x5B00;
	s5 =	simm.s32 @!p5 $0x5C80;
	s12 =	simm.s32 @!p6 $0x8;
	[tilespmem:$0x5B30] =	vst @!p5 v4  }
0x345: {  	[spmem:s3] =	stream.indirect.scatter.add.f32 @!p5 [tilespmem:s5], [sflag:$0x6], $0x80, s11, s8, $0xb8;
	[tilespmem:$0x1FD40] =	vst v63  }
0x346: {  	_ =	swait.ge @!p6 [sflag:s12], $0x2000  }
0x347: {  	p3 =	sle.s32 s4, $0x1;
	s5 =	simm.s32 @!p4 $0x40;
	[sflag:s12] =	ssyncset.done @!p6 $0x0  }
0x348: {  	s8 =	simm.s32 @!p4 $0x9C80;
	s11 =	simm.s32 @!p3 $0x4;
	[sflag:s12] =	ssyncadd.s32 @!p6 $0xFFFFE000  }
0x349: {  	[tilespmem:s8], [sflag:$0x5] =	stream.indirect.gather @!p4 [hbm4b:s7+s5], $0x80, s10, s5, $0xb8;
	[tilespmem:$0x1FD40] =	vst v63  }
0x34a: {  	_ =	swait.ge @!p3 [sflag:s11], $0x2000  }
0x34b: {  	[sflag:s11] =	ssyncset.done @!p3 $0x0  }
0x34c: {  	[sflag:s11] =	ssyncadd.s32 @!p3 $0xFFFFE000  }
0x34d: {  	v4 =	vld @!p3 [tilespmem:s9+$0xFFFFFFE0];
	_ =	sdelay $0x4  }
0x34e: {  	[tilespmem:$0x5B80] =	vst @!p3 v4  }
0x34f: {  	v4 =	vld @!p3 [tilespmem:s9+$0xFFFFFFF0];
	_ =	sdelay $0x4  }
0x350: {  	[tilespmem:$0x5B90] =	vst @!p3 v4  }
0x351: {  	v4 =	vld @!p3 [tilespmem:s9+$0x0];
	_ =	sdelay $0x4  }
0x352: {  	[tilespmem:$0x5BA0] =	vst @!p3 v4  }
0x353: {  	v4 =	vld @!p3 [tilespmem:s9+$0x10];
	_ =	sdelay $0x2  }
0x354: {  	p4 =	sle.s32 @!p3 s4, $0x3  }
0x355: {  	s5 =	simm.s32 @!p3 $0x7C80;
	p4 =	por p4, p3  }
0x356: {  	s8 =	simm.s32 @!p3 $0x40;
	s10 =	simm.s32 @!p3 $0x5B80;
	s11 =	simm.s32 @!p4 $0x6;
	[tilespmem:$0x5BB0] =	vst @!p3 v4  }
0x357: {  	[spmem:s3] =	stream.indirect.scatter.add.f32 @!p3 [tilespmem:s5], [sflag:$0x7], $0x80, s10, s8, $0xb8;
	[tilespmem:$0x1FD40] =	vst v63  }
0x358: {  	s5 =	simm.s32 @!p4 $0x40;
	_ =	swait.ge @!p4 [sflag:s11], $0x2000  }
0x359: {  	p3 =	sle.s32 s4, $0x2;
	s8 =	simm.s32 @!p4 $0x11C0;
	[sflag:s11] =	ssyncset.done @!p4 $0x0  }
0x35a: {  	s10 =	simm.s32 @!p4 $0x5C80;
	[sflag:s11] =	ssyncadd.s32 @!p4 $0xFFFFE000;
	s11 =	simm.s32 @!p3 $0x5  }
0x35b: {  	[tilespmem:s10], [sflag:$0x3] =	stream.indirect.gather @!p4 [hbm4b:s7+s5], $0x80, s8, s5, $0xb8;
	[tilespmem:$0x1FD40] =	vst v63  }
0x35c: {  	_ =	swait.ge @!p3 [sflag:s11], $0x2000  }
0x35d: {  	[sflag:s11] =	ssyncset.done @!p3 $0x0  }
0x35e: {  	[sflag:s11] =	ssyncadd.s32 @!p3 $0xFFFFE000  }
0x35f: {  	v4 =	vld @!p3 [tilespmem:s9+$0x20];
	_ =	sdelay $0x4  }
0x360: {  	[tilespmem:$0x5C00] =	vst @!p3 v4  }
0x361: {  	v4 =	vld @!p3 [tilespmem:s9+$0x30];
	_ =	sdelay $0x4  }
0x362: {  	[tilespmem:$0x5C10] =	vst @!p3 v4  }
0x363: {  	v4 =	vld @!p3 [tilespmem:s9+$0x40];
	_ =	sdelay $0x4  }
0x364: {  	[tilespmem:$0x5C20] =	vst @!p3 v4  }
0x365: {  	v4 =	vld @!p3 [tilespmem:s9+$0x50]  }
0x366: {  	s13 =	sadd.s32 $0xFFFFFFFF, s13  }
0x367: {  	s12 =	simm.s32 $0x5;
	p5 =	sle.s32 @!p3 s4, $0x4;
	p4 =	sne.s32 s13, $0x0  }
.Ltmp25:
0x368: {  	p6 =	por p5, p3;
	p5 =	sle.s32 s4, $0x3;
	(pc) =	sbr.rel @!p4 .LBB2_34-.Ltmp25, $4  }
0x369: {  	s15 =	simm.s32 @!p6 $0x7;
	s16 =	simm.s32 @!p6 $0x1200;
	s10 =	simm.s32 $0x1240  }
0x36a: {  	s5 =	simm.s32 @!p3 $0x9C80;
	s8 =	simm.s32 @!p3 $0x40;
	s11 =	simm.s32 @!p3 $0x5C00;
	[tilespmem:$0x5C30] =	vst @!p3 v4  }
0x36b: {  	[spmem:s3] =	stream.indirect.scatter.add.f32 @!p3 [tilespmem:s5], [sflag:$0x8], $0x80, s11, s8, $0xb8;
	[tilespmem:$0x1FD40] =	vst v63  }
0x36c: {  	s9 =	simm.s32 $0x3720;
	s8 =	simm.s32 @!p6 $0x40;
	_ =	swait.ge @!p6 [sflag:s15], $0x2000  }
.LBB2_35:
0x36d: {  	s5 =	simm.s32 @!p5 $0x3;
	[sflag:s15] =	ssyncset.done @!p6 $0x0;
	s11 =	simm.s32 @!p6 $0x7C80  }
0x36e: {  	s13 =	sadd.s32 $0xFFFFFFFF, s13;
	s14 =	smov.u32 s10;
	[sflag:s15] =	ssyncadd.s32 @!p6 $0xFFFFE000  }
0x36f: {  	[tilespmem:s11], [sflag:$0x4] =	stream.indirect.gather @!p6 [hbm4b:s7+s8], $0x80, s16, s8, $0xb8;
	[tilespmem:$0x1FD40] =	vst v63  }
0x370: {  	p4 =	sne.s32 s13, $0x0;
	_ =	swait.ge @!p5 [sflag:s5], $0x2000  }
0x371: {  	[sflag:s5] =	ssyncset.done @!p5 $0x0  }
0x372: {  	[sflag:s5] =	ssyncadd.s32 @!p5 $0xFFFFE000  }
0x373: {  	v4 =	vld @!p5 [tilespmem:s9+$0xFFFFFFA0];
	_ =	sdelay $0x4  }
0x374: {  	[tilespmem:$0x5B00] =	vst @!p5 v4  }
0x375: {  	v4 =	vld @!p5 [tilespmem:s9+$0xFFFFFFB0];
	_ =	sdelay $0x4  }
0x376: {  	[tilespmem:$0x5B10] =	vst @!p5 v4  }
0x377: {  	v4 =	vld @!p5 [tilespmem:s9+$0xFFFFFFC0];
	_ =	sdelay $0x4  }
0x378: {  	[tilespmem:$0x5B20] =	vst @!p5 v4  }
0x379: {  	p1 =	sge.u32 @!p5 s12, s4;
	v4 =	vld @!p5 [tilespmem:s9+$0xFFFFFFD0]  }
0x37a: {  	p6 =	por p1, p5  }
0x37b: {  	p3 =	seq.s32 @!p6 s12, $0x2  }
0x37c: {  	p1 =	por @!p5 p3, p1;
	s5 =	simm.s32 @!p5 $0x5C80  }
0x37d: {  	s8 =	simm.s32 @!p5 $0x40;
	s11 =	simm.s32 @!p5 $0x5B00;
	p1 =	por p1, p5  }
0x37e: {  	s15 =	simm.s32 @!p1 $0x8;
	[tilespmem:$0x5B30] =	vst @!p5 v4  }
0x37f: {  	[spmem:s3] =	stream.indirect.scatter.add.f32 @!p5 [tilespmem:s5], [sflag:$0x6], $0x80, s11, s8, $0xb8;
	[tilespmem:$0x1FD40] =	vst v63  }
0x380: {  	s5 =	sadd.s32 $0xFFFFFFFF, s12;
	_ =	swait.ge @!p1 [sflag:s15], $0x2000  }
0x381: {  	s8 =	simm.s32 @!p6 $0x40;
	p5 =	sge.s32 s5, s4;
	[sflag:s15] =	ssyncset.done @!p1 $0x0  }
0x382: {  	s5 =	simm.s32 @!p6 $0x9C80;
	s11 =	simm.s32 @!p5 $0x4;
	[sflag:s15] =	ssyncadd.s32 @!p1 $0xFFFFE000  }
0x383: {  	[tilespmem:s5], [sflag:$0x5] =	stream.indirect.gather @!p6 [hbm4b:s7+s8], $0x80, s10, s8, $0xb8;
	[tilespmem:$0x1FD40] =	vst v63  }
0x384: {  	s5 =	sadd.s32 @!p5 $0x1, s12;
	_ =	swait.ge @!p5 [sflag:s11], $0x2000  }
0x385: {  	p6 =	sge.s32 @!p5 s5, s4;
	[sflag:s11] =	ssyncset.done @!p5 $0x0  }
0x386: {  	[sflag:s11] =	ssyncadd.s32 @!p5 $0xFFFFE000  }
0x387: {  	v4 =	vld @!p5 [tilespmem:s9+$0xFFFFFFE0];
	_ =	sdelay $0x4  }
0x388: {  	[tilespmem:$0x5B80] =	vst @!p5 v4  }
0x389: {  	v4 =	vld @!p5 [tilespmem:s9+$0xFFFFFFF0];
	_ =	sdelay $0x4  }
0x38a: {  	[tilespmem:$0x5B90] =	vst @!p5 v4  }
0x38b: {  	v4 =	vld @!p5 [tilespmem:s9+$0x0];
	_ =	sdelay $0x4  }
0x38c: {  	[tilespmem:$0x5BA0] =	vst @!p5 v4  }
0x38d: {  	v4 =	vld @!p5 [tilespmem:s9+$0x10];
	_ =	sdelay $0x2  }
0x38e: {  	s5 =	simm.s32 @!p5 $0x7C80  }
0x38f: {  	s8 =	simm.s32 @!p5 $0x40;
	p6 =	por p6, p5;
	s11 =	simm.s32 @!p5 $0x5B80  }
0x390: {  	s15 =	simm.s32 @!p6 $0x6;
	[tilespmem:$0x5BB0] =	vst @!p5 v4  }
0x391: {  	[spmem:s3] =	stream.indirect.scatter.add.f32 @!p5 [tilespmem:s5], [sflag:$0x7], $0x80, s11, s8, $0xb8;
	[tilespmem:$0x1FD40] =	vst v63  }
0x392: {  	s5 =	simm.s32 @!p6 $0x40;
	p5 =	sge.s32 s12, s4;
	_ =	swait.ge @!p6 [sflag:s15], $0x2000  }
0x393: {  	s8 =	sadd.s32 @!p6 $0x40, s10;
	s11 =	simm.s32 @!p6 $0x5C80;
	[sflag:s15] =	ssyncset.done @!p6 $0x0  }
0x394: {  	s16 =	sadd.s32 @!p5 $0x2, s12;
	[sflag:s15] =	ssyncadd.s32 @!p6 $0xFFFFE000;
	s15 =	simm.s32 @!p5 $0x5  }
0x395: {  	[tilespmem:s11], [sflag:$0x3] =	stream.indirect.gather @!p6 [hbm4b:s7+s5], $0x80, s8, s5, $0xb8;
	[tilespmem:$0x1FD40] =	vst v63  }
0x396: {  	p6 =	sge.s32 @!p5 s16, s4;
	_ =	swait.ge @!p5 [sflag:s15], $0x2000  }
0x397: {  	[sflag:s15] =	ssyncset.done @!p5 $0x0  }
0x398: {  	[sflag:s15] =	ssyncadd.s32 @!p5 $0xFFFFE000  }
0x399: {  	v4 =	vld @!p5 [tilespmem:s9+$0x20];
	_ =	sdelay $0x4  }
0x39a: {  	[tilespmem:$0x5C00] =	vst @!p5 v4  }
0x39b: {  	v4 =	vld @!p5 [tilespmem:s9+$0x30];
	_ =	sdelay $0x4  }
0x39c: {  	[tilespmem:$0x5C10] =	vst @!p5 v4  }
0x39d: {  	v4 =	vld @!p5 [tilespmem:s9+$0x40];
	_ =	sdelay $0x4  }
0x39e: {  	[tilespmem:$0x5C20] =	vst @!p5 v4  }
0x39f: {  	v4 =	vld @!p5 [tilespmem:s9+$0x50];
	_ =	sdelay $0x1  }
0x3a0: {  	s10 =	sadd.s32 $0xC0, s10;
	s9 =	sadd.s32 $0xC0, s9  }
.Ltmp26:
0x3a1: {  	s12 =	sadd.s32 $0x3, s12;
	s5 =	simm.s32 @!p5 $0x9C80;
	(pc) =	sbr.rel @p4 .LBB2_35-.Ltmp26, $4  }
0x3a2: {  	s8 =	simm.s32 @!p5 $0x40;
	s11 =	simm.s32 @!p5 $0x5C00;
	p6 =	por p6, p5  }
0x3a3: {  	s17 =	sadd.s32 $0xFFFFFFFE, s12;
	s16 =	sadd.s32 @!p6 $0x80, s14;
	s15 =	simm.s32 @!p6 $0x7;
	[tilespmem:$0x5C30] =	vst @!p5 v4  }
0x3a4: {  	[spmem:s3] =	stream.indirect.scatter.add.f32 @!p5 [tilespmem:s5], [sflag:$0x8], $0x80, s11, s8, $0xb8;
	[tilespmem:$0x1FD40] =	vst v63  }
0x3a5: {  	p5 =	sge.s32 s17, s4;
	s8 =	simm.s32 @!p6 $0x40;
	_ =	swait.ge @!p6 [sflag:s15], $0x2000  }
.Ltmp27:
0x3a6: {  	(pc) =	sbr.rel .LBB2_37-.Ltmp27, $2  }
0x3a7: {  	_ =	sdelay $0x2  }
0x3a8: {  	p1 =	por $0x1, $0x1  }
.LBB2_34:
.Ltmp28:
0x3a9: {  	(pc) =	sbr.rel .LBB2_37-.Ltmp28, $2  }
0x3aa: {  	_ =	sdelay $0x2  }
0x3ab: {  	p1 =	por $0x1, $0x1  }
.LBB2_40:
0x3ac: {  	_ =	sfence.sel $0x180000  }
0x3ad: {  	[bflag:$0x0] =	sbarrier.arrive $0xFFFF  }
0x3ae: {  	_ =	strace $0x90000053  }
0x3af: {  	s0 =	stileid.u32;
	[bflag:$0x2] =	sbarrier.arrive $0xFFFF  }
0x3b0: {  	p0 =	sne.s32 s0, $0x0;
	s0 =	rddreg [dreg:$0x4]  }
0x3b1: {  	s0 =	sadd.s32 @!p0 $0x100000, s0  }
0x3b2: {  	[sflag:s0] =	ssyncadd.tile.s32 @!p0 $0x1;
	_ =	shalt  }
.Lfunc_end2:
_tile_overlayer_lowered:
.L_overlay_start_2:
0x3b3: {  	(tag) =	ssettag $0x2  }
0x3b4: {  	s0 =	rddreg [dreg:$0x0];
	s2 =	stileid.u32  }
0x3b5: {  	s1 =	rddreg [dreg:$0x1];
	p0 =	sne.s32 s2, $0x0  }
0x3b6: {  	s3 =	rddreg [dreg:$0x2];
	[bflag:$0x3] =	sbarrier.arrive $0xFFFF;
	s2 =	simm.s32 @!p0 $0x1C09  }
0x3b7: {  	[timem:s3], [sflag:s2] =	dma.local @!p0 [hbm:s0], s1  }
0x3b8: {  	s0 =	simm.s32 @!p0 $0x9  }
0x3b9: {  	_ =	swait.ge @!p0 [sflag:s0], s1  }
0x3ba: {  	s1 =	ssub.s32 @!p0 $0x0, s1;
	[sflag:s0] =	ssyncset.done @!p0 $0x0  }
0x3bb: {  	[sflag:s0] =	ssyncadd.s32 @!p0 s1  }
0x3bc: {  	[bflag:$0x3] =	sbarrier.arrive $0xFFFF  }
0x3bd: {  	_ =	shalt  }

// kernel: sparse-core-data-format-call.1.cloned.1.call-start
scs
called_computation.1_lowered:
.L_overlay_start_0:
0x0: {  	s1 =	sld [smem:$0x3FD9]  }
0x1: {  	s2 =	sld [smem:$0x3FFE];
	_ =	sdelay $0x1  }
0x2: {  	s3 =	srdreg.scid  }
0x3: {  	s0 =	sand.u32 $0x1, s3  }
0x4: {  	s17 =	sshll.u32 s0, $0xA;
	s1 =	sadd.s32 s2, s1  }
0x5: {  	s1 =	sadd.s32 s1, s17  }
0x6: {  	[smem:$0x3FC3] =	sst s1  }
0x7: {  	_ = 	snop  }
0x8: {  	(tm) =	ssettm $0x1  }
0x9: {  	s18 =	sld [smem:$0x3FFB];
	_ =	sdelay $0x3  }
0xa: {  	_ =	strace s18  }
0xb: {  	s1 =	sld [smem:$0x3FFC];
	_ =	sdelay $0x3  }
0xc: {  	_ =	strace s1  }
0xd: {  	s1 =	sld [smem:$0x3FFD];
	_ =	sdelay $0x3  }
0xe: {  	_ =	strace s1  }
0xf: {  	_ =	strace $0x8FFFFFFF  }
0x10: {  	s19 =	sld [smem:$0x3FDB];
	_ =	sdelay $0x1  }
0x11: {  	s20 =	simm.s32 $_scs_section_size  }
0x12: {  	s4 =	simm.s32 $_size__tile_overlayer_lowered;
	s5 =	simm.s32 $_tile_overlayer_lowered  }
0x13: {  	s23 =	simm.s32 $0x1BFF;
	s22 =	sshll.u32 s5, $0x1;
	s1 =	sadd.s32 s20, s19  }
0x14: {  	s6 =	simm.s32 $0x0;
	s21 =	sshll.u32 s4, $0x1;
	s4 =	sadd.s32 s22, s1  }
0x15: {  	[timem:s6], [sflag:s23] =	dma.local [hbm:s4], s21  }
0x16: {  	_ =	swait.ge [sflag:s23], s21  }
0x17: {  	s2 =	ssub.s32 $0x0, s21;
	[sflag:s23] =	ssyncset.done $0x0  }
0x18: {  	[sflag:s23] =	ssyncadd.s32 s2;
	_ =	sdelay $0x1  }
0x19: {  	s24 =	simm.s32 $0x1B8B  }
0x1a: {  	_ =	swait.ge [sflag:s24], $0x1  }
0x1b: {  	[sflag:s24] =	ssyncset.done $0x0  }
0x1c: {  	s26 =	simm.s32 $0x1B8E;
	s25 =	sld [smem:$0x3FFE];
	[sflag:s24] =	ssyncadd.s32 $0xFFFFFFFF  }
0x1d: {  	s27 =	simm.s32 $execute0_lowered;
	[smem:$0x3FD2] =	sst s26  }
0x1e: {  	s4 =	sshll.u32 s27, $0x1;
	_ =	strace $0x8000004C;
	[dreg:$0x1] =	wrdreg $0xFFFFFFFF  }
0x1f: {  	s28 =	simm.s32 $_size_execute0_lowered;
	s1 =	sadd.s32 s1, s4;
	[dreg:$0x0] =	wrdreg $0x0  }
0x20: {  	s4 =	sshll.u32 s28, $0x1;
	[dreg:$0x2] =	wrdreg s1  }
0x21: {  	[dreg:$0x3] =	wrdreg s4  }
0x22: {  	[dreg:$0x4] =	wrdreg $0xC0  }
0x23: {  	_ =	task [dreg:s6], $0x5FFFF  }
0x24: {  	[dreg:$0x1] =	wrdreg $0xFFFFFFFF  }
0x25: {  	[dreg:$0x0] =	wrdreg $0x60  }
0x26: {  	[dreg:$0x2] =	wrdreg s25  }
0x27: {  	[dreg:$0x3] =	wrdreg $0x9  }
0x28: {  	_ =	task.clear_ibuf [dreg:s6], $0x4FFFF;
	_ =	strace $0x9000004C  }
0x29: {  	s29 =	simm.s32 $0x9;
	_ =	strace $0x8000004E  }
0x2a: {  	_ =	swait.ge [sflag:s29], $0x1  }
0x2b: {  	[sflag:s29] =	ssyncadd.s32 $0xFFFFFFFF  }
0x2c: {  	_ =	strace $0x9000004E  }
0x2d: {  	_ =	sfence  }
0x2e: {  	s30 =	sld [smem:$0x0];
	_ =	sdelay $0x2  }
0x2f: {  	s31 =	sshll.u32 s3, $0xD;
	s3 =	sshrl.u32 s3, $0x2  }
0x30: {  	s2 =	sand.u32 $0x4000, s31;
	s1 =	sadd.s32 s3, s30  }
0x31: {  	s0 =	sor.u32 s2, s0;
	s1 =	sshll.u32 s1, $0x11  }
0x32: {  	s0 =	sor.u32 s1, s0  }
0x33: {  	s0 =	sadd.s32 $0x8F2B, s0  }
0x34: {  	[sflag:s0] =	ssyncadd.remote.s32 $0x1  }
0x35: {  	_ =	sfence.sel $0xFFFF  }
0x36: {  	[dreg:$0x0] =	wrdreg $0xFFFFFFFF;
	(pc) =	sbr.abs _section_cstart, $3  }
0x37: {  	[dreg:$0x1] =	wrdreg $0xFFFFFFFF  }
0x38: {  	_ =	task.clear_ibuf [dreg:s6], $0x2FFFF;
	_ =	strace $0x9FFFFFFF  }
0x39: {  	(tm) =	ssettm $0x7FFFFFFF  }
tec
execute0_lowered:
.L_overlay_start_1:
0x0: {  	(tag) =	ssettag $0x1  }
0x1: {  	s0 =	srdreg.scid  }
0x2: {  	s1 =	sshll.u32 s0, $0x4  }
0x3: {  	s4 =	rddreg [dreg:$0x0];
	s0 =	stileid.u32;
	s1 =	sand.u32 $0x10, s1  }
0x4: {  	s7 =	simm.s32 $0x1;
	s8 =	simm.s32 $0x2;
	s2 =	sor.u32 s0, s1  }
0x5: {  	s11 =	simm.s32 $0x0;
	s10 =	simm.s32 $0x0;
	s2 =	sshll.u32 s2, $0x7  }
0x6: {  	s3 =	sadd.s32 $0xE41400, s4;
	s4 =	sadd.s32 $0x1600, s4;
	s6 =	ssub.s32 $0x87000, s2  }
.Ltmp0:
0x7: {  	s1 =	rddreg [dreg:$0x1];
	s5 =	sand.u32 $0xF80, s6;
	(pc) =	sbr.rel .LBB1_1-.Ltmp0, $4  }
0x8: {  	_ =	strace $0x8000004D;
	s9 =	smov.u32 s2;
	p0 =	sne.s32 s5, $0x0  }
0x9: {  	s6 =	sshrl.u32 s6, $0xC;
	s5 =	simm.s32 $0x1;
	s7 =	simm.s32 @!p0 $0x0  }
0xa: {  	[sflag:s5] =	ssyncpa.u1 $0x0;
	p0 =	por $0x0, $0x0;
	s6 =	sadd.s32 s7, s6  }
0xb: {  	[sflag:s8] =	ssyncpa.u1 $0x0;
	s8 =	simm.s32 $0x438000;
	s7 =	sadd.s32 $0x1, s6  }
.LBB1_4:
0xc: {  	s14 =	sshll.u32 s11, $0x3  }
0xd: {  	s30 =	sand.u32 $0x7F, s11;
	s15 =	sand.u32 $0xFFFFFC00, s14  }
0xe: {  	s11 =	sor.u32 s30, s15  }
0xf: {  	s15 =	smulhi.u32 $0xF2B9D649, s11  }
0x10: {  	s14 =	smulhi.u32 $0xF2B9D649, s14  }
0x11: {  	s15 =	sshrl.u32 s15, $0x13  }
0x12: {  	s14 =	sshrl.u32 s14, $0x13;
	s15 =	smul.u32 $0x87000, s15  }
0x13: {  	s14 =	sand.u32 $0x3F, s14  }
0x14: {  	s14 =	smul.u32 $0x10E00, s14;
	s11 =	ssub.s32 s11, s15  }
0x15: {  	[tilespmem:s13+$0x810 ss:$0x81] =	vst.msk $0xffff, v2;
	s15 =	sand.u32 $0x7, s11  }
0x16: {  	[tilespmem:s13+$0x1020 ss:$0x81] =	vst.msk $0xffff, v0;
	s14 =	sadd.s32 s4, s14;
	s11 =	sshrl.u32 s11, $0x3;
	s15 =	sshll.u32 s15, $0x12  }
0x17: {  	[tilespmem:s13+$0x0 ss:$0x81] =	vst.msk $0xffff, v1;
	s11 =	sadd.s32 s11, s14;
	s31 =	sor.u32 $0x400, s15  }
0x18: {  	[hbm4b:s11+s31] =	stream.strided.scatter [tilespmem:s12], [sflag:$0x2], $0x2000, s8, s31, $0x20;
	[tilespmem:$0x8080] =	vst v63  }
.LBB1_5:
0x19: {  	s13 =	sadd.s32 $0x1000, s9  }
0x1a: {  	p2 =	sgt.s32 s13, $0x86FFF  }
0x1b: {  	s13 =	smov.u32 @p2 s2;
	p2 =	sne.s32 s10, s7  }
.Ltmp1:
0x1c: {  	p1 =	slt.u32 s10, $0x2;
	(pc) =	sbr.rel @!p2 .LBB1_6-.Ltmp1, $4  }
0x1d: {  	s12 =	simm.s32 @!p1 $0x2  }
0x1e: {  	s14 =	sadd.s32 $0x1, s10;
	_ =	swait.ge @!p1 [sflag:s12], $0x2000  }
0x1f: {  	s11 =	smov.u32 s9;
	p0 =	por !p0, !p0;
	[sflag:s12] =	ssyncset.done @!p1 $0x0  }
0x20: {  	s10 =	smov.u32 s14;
	s9 =	smov.u32 s13;
	[sflag:s12] =	ssyncadd.s32 @!p1 $0xFFFFE000  }
.LBB1_1:
0x21: {  	p1 =	sge.u32 s10, s6  }
0x22: {  	s12 =	sand.u32 @!p1 $0x1FFFFFF, s9  }
0x23: {  	s13 =	smulhi.u32 @!p1 $0x1E573AD, s12;
	_ =	sdelay $0x1  }
0x24: {  	s13 =	sshrl.u32 @!p1 s13, $0xC  }
0x25: {  	s13 =	smul.u32 @!p1 $0x87000, s13;
	_ =	sdelay $0x1  }
0x26: {  	s31 =	sadd.s32 $0xFFFFFFFF, s10;
	s14 =	sxor.u32 @!p1 $0xFFFFFFFF, s10;
	s12 =	ssub.s32 @!p1 s12, s13  }
0x27: {  	s15 =	simm.s32 @!p1 $0x80;
	s14 =	sshll.u32 @!p1 s14, $0xD;
	s12 =	sshll.u32 @!p1 s12, $0x4  }
0x28: {  	s13 =	sand.u32 @!p1 $0x2000, s14;
	s14 =	simm.s32 @!p1 $0x40;
	s12 =	sadd.s32 @!p1 s3, s12  }
0x29: {  	[tilespmem:s13], [sflag:$0x1] =	stream.strided.gather @!p1 [hbm4b:s12+s14], $0x2000, s15, s14, $0x38;
	[tilespmem:$0x8080] =	vst v63  }
0x2a: {  	p1 =	sge.u32 s31, s6  }
.Ltmp2:
0x2b: {  	_ = 	snop;
	(pc) =	sbr.rel @p1 .LBB1_5-.Ltmp2, $1  }
0x2c: {  	_ =	sdelay $0x3  }
0x2d: {  	s12 =	simm.s32 $0x1  }
0x2e: {  	_ =	swait.ge [sflag:s5], $0x2000;
	s12 =	simm.s32 @!p0 $0x0  }
0x2f: {  	[sflag:s5] =	ssyncset.done $0x0;
	s13 =	sshll.u32 s12, $0xD  }
0x30: {  	[sflag:s5] =	ssyncadd.s32 $0xFFFFE000;
	s16 =	sor.u32 $0x20, s13  }
0x31: {  	s12 =	smul.u32 $0x8100, s12;
	v3 =	vld [tilespmem:s16+$0x10]  }
0x32: {  	s30 =	sand.u32 $0x1, s10;
	v2 =	vld [tilespmem:s16+$0xFFFFFFF0]  }
0x33: {  	s13 =	smul.u32 $0x8100, s30;
	s12 =	sshrl.u32 s12, $0x2;
	v0 =	vld [tilespmem:s16+$0x0]  }
0x34: {  	v1 =	vld [tilespmem:s16+$0xFFFFFFE0];
	s14 =	sor.u32 $0x4000, s12  }
0x35: {  	s31 =	sshrl.u32 s13, $0x2;
	s13 =	sadd.s32 $0x0, s14  }
0x36: {  	s15 =	simm.s32 $0x4;
	s16 =	sadd.s32 $0x40, s16;
	s12 =	sor.u32 $0x4000, s31;
	[tilespmem:s13+$0x1830 ss:$0x81] =	vst.msk $0xffff, v3  }
.LBB1_3:
0x37: {  	v3 =	vld [tilespmem:s16+$0x10];
	p1 =	sne.s32 s15, $0x1FC;
	[tilespmem:s13+$0x810 ss:$0x81] =	vst.msk $0xffff, v2;
	s17 =	smov.u32 s15;
	s15 =	sadd.s32 $0x4, s15  }
.Ltmp3:
0x38: {  	v2 =	vld [tilespmem:s16+$0xFFFFFFF0];
	[tilespmem:s13+$0x1020 ss:$0x81] =	vst.msk $0xffff, v0;
	(pc) =	sbr.rel @p1 .LBB1_3-.Ltmp3, $4  }
0x39: {  	v0 =	vld [tilespmem:s16+$0x0];
	[tilespmem:s13+$0x0 ss:$0x81] =	vst.msk $0xffff, v1  }
0x3a: {  	s13 =	sshra.s32 s17, $0x2;
	v1 =	vld [tilespmem:s16+$0xFFFFFFE0]  }
0x3b: {  	s13 =	sadd.s32 s13, s14  }
0x3c: {  	s16 =	sadd.s32 $0x40, s16;
	[tilespmem:s13+$0x1830 ss:$0x81] =	vst.msk $0xffff, v3  }
.Ltmp4:
0x3d: {  	_ = 	snop;
	(pc) =	sbr.rel .LBB1_4-.Ltmp4, $1  }
0x3e: {  	_ =	sdelay $0x3  }
.LBB1_6:
0x3f: {  	_ =	sfence.sel $0x180000  }
0x40: {  	s2 =	simm.s32 $0x1;
	[bflag:$0x0] =	sbarrier.arrive $0xFFFF  }
0x41: {  	s31 =	simm.s32 $0x2;
	[sflag:s2] =	ssyncpa.u1 $0x1  }
0x42: {  	[sflag:s31] =	ssyncpa.u1 $0x1  }
0x43: {  	p0 =	sne.s32 s0, $0x0;
	_ =	strace $0x9000004D  }
0x44: {  	s0 =	sadd.s32 @!p0 $0x100000, s1;
	[bflag:$0x2] =	sbarrier.arrive $0xFFFF  }
0x45: {  	[sflag:s0] =	ssyncadd.tile.s32 @!p0 $0x1;
	_ =	shalt  }
.Lfunc_end1:
_tile_overlayer_lowered:
.L_overlay_start_2:
0x46: {  	(tag) =	ssettag $0x2  }
0x47: {  	s0 =	rddreg [dreg:$0x0];
	s2 =	stileid.u32  }
0x48: {  	s1 =	rddreg [dreg:$0x1];
	p0 =	sne.s32 s2, $0x0  }
0x49: {  	s3 =	rddreg [dreg:$0x2];
	[bflag:$0x3] =	sbarrier.arrive $0xFFFF;
	s2 =	simm.s32 @!p0 $0x1C01  }
0x4a: {  	[timem:s3], [sflag:s2] =	dma.local @!p0 [hbm:s0], s1  }
0x4b: {  	s0 =	simm.s32 @!p0 $0x1  }
0x4c: {  	_ =	swait.ge @!p0 [sflag:s0], s1  }
0x4d: {  	s1 =	ssub.s32 @!p0 $0x0, s1;
	[sflag:s0] =	ssyncset.done @!p0 $0x0  }
0x4e: {  	[sflag:s0] =	ssyncadd.s32 @!p0 s1  }
0x4f: {  	[bflag:$0x3] =	sbarrier.arrive $0xFFFF  }
0x50: {  	_ =	shalt  }

// kernel: sparse-core-data-format-call.2.cloned.1.call-start
scs
called_computation.2_lowered:
.L_overlay_start_0:
0x0: {  	s2 =	sld [smem:$0x3FD9]  }
0x1: {  	s3 =	sld [smem:$0x3FFE];
	_ =	sdelay $0x1  }
0x2: {  	s1 =	srdreg.scid  }
0x3: {  	s0 =	sand.u32 $0x1, s1  }
0x4: {  	s18 =	sshll.u32 s0, $0xA;
	s2 =	sadd.s32 s3, s2  }
0x5: {  	s2 =	sadd.s32 s2, s18  }
0x6: {  	[smem:$0x3FC3] =	sst s2  }
0x7: {  	_ = 	snop  }
0x8: {  	s2 =	sld [smem:$0x3FD0];
	(tm) =	ssettm $0x1  }
0x9: {  	s19 =	sld [smem:$0x3FFB];
	_ =	sdelay $0x3  }
0xa: {  	_ =	strace s19  }
0xb: {  	s3 =	sld [smem:$0x3FFC];
	_ =	sdelay $0x3  }
0xc: {  	_ =	strace s3  }
0xd: {  	s3 =	sld [smem:$0x3FFD];
	_ =	sdelay $0x3  }
0xe: {  	_ =	strace s3  }
0xf: {  	_ =	strace $0x8FFFFFFF  }
0x10: {  	s20 =	sld [smem:$0x3FDB];
	_ =	sdelay $0x1  }
0x11: {  	s4 =	simm.s32 $_scs_section_size  }
0x12: {  	s5 =	simm.s32 $_size__tile_overlayer_lowered;
	s6 =	simm.s32 $_tile_overlayer_lowered  }
0x13: {  	s23 =	simm.s32 $0x1BFF;
	s22 =	sshll.u32 s6, $0x1;
	s3 =	sadd.s32 s4, s20  }
0x14: {  	s7 =	simm.s32 $0x0;
	s21 =	sshll.u32 s5, $0x1;
	s5 =	sadd.s32 s22, s3  }
0x15: {  	[timem:s7], [sflag:s23] =	dma.local [hbm:s5], s21  }
0x16: {  	_ =	swait.ge [sflag:s23], s21  }
0x17: {  	s4 =	ssub.s32 $0x0, s21;
	[sflag:s23] =	ssyncset.done $0x0  }
0x18: {  	[sflag:s23] =	ssyncadd.s32 s4;
	_ =	sdelay $0x1  }
0x19: {  	s24 =	simm.s32 $0x1B8B  }
0x1a: {  	_ =	swait.ge [sflag:s24], $0x1  }
0x1b: {  	[sflag:s24] =	ssyncset.done $0x0  }
0x1c: {  	s26 =	simm.s32 $0x1B8E;
	s25 =	sld [smem:$0x3FFE];
	[sflag:s24] =	ssyncadd.s32 $0xFFFFFFFF  }
0x1d: {  	s27 =	simm.s32 $execute0_lowered;
	[smem:$0x3FD2] =	sst s26  }
0x1e: {  	s5 =	sshll.u32 s27, $0x1;
	_ =	strace $0x80000046;
	[dreg:$0x1] =	wrdreg $0xFFFFFFFF  }
0x1f: {  	s28 =	simm.s32 $_size_execute0_lowered;
	s3 =	sadd.s32 s3, s5;
	[dreg:$0x0] =	wrdreg $0x0  }
0x20: {  	s5 =	sshll.u32 s28, $0x1;
	[dreg:$0x2] =	wrdreg s3  }
0x21: {  	[dreg:$0x3] =	wrdreg s5  }
0x22: {  	[dreg:$0x4] =	wrdreg $0xC0  }
0x23: {  	_ =	task [dreg:s7], $0x5FFFF  }
0x24: {  	[dreg:$0x1] =	wrdreg $0xFFFFFFFF  }
0x25: {  	[dreg:$0x0] =	wrdreg $0x60  }
0x26: {  	[dreg:$0x2] =	wrdreg s2  }
0x27: {  	[dreg:$0x3] =	wrdreg s25  }
0x28: {  	[dreg:$0x4] =	wrdreg $0x9  }
0x29: {  	_ =	task.clear_ibuf [dreg:s7], $0x5FFFF;
	_ =	strace $0x90000046  }
0x2a: {  	s29 =	simm.s32 $0x9;
	_ =	strace $0x80000048  }
0x2b: {  	_ =	swait.ge [sflag:s29], $0x1  }
0x2c: {  	[sflag:s29] =	ssyncadd.s32 $0xFFFFFFFF  }
0x2d: {  	_ =	strace $0x90000048  }
0x2e: {  	_ =	sfence  }
0x2f: {  	s30 =	sld [smem:$0x0];
	_ =	sdelay $0x2  }
0x30: {  	s31 =	sshll.u32 s1, $0xD;
	s1 =	sshrl.u32 s1, $0x2  }
0x31: {  	s3 =	sand.u32 $0x4000, s31;
	s1 =	sadd.s32 s1, s30  }
0x32: {  	s0 =	sor.u32 s3, s0;
	s1 =	sshll.u32 s1, $0x11  }
0x33: {  	s0 =	sor.u32 s1, s0  }
0x34: {  	s0 =	sadd.s32 $0x8F2B, s0  }
0x35: {  	[sflag:s0] =	ssyncadd.remote.s32 $0x1  }
0x36: {  	_ =	sfence.sel $0xFFFF  }
0x37: {  	[dreg:$0x0] =	wrdreg $0xFFFFFFFF;
	(pc) =	sbr.abs _section_cstart, $3  }
0x38: {  	[dreg:$0x1] =	wrdreg $0xFFFFFFFF  }
0x39: {  	_ =	task.clear_ibuf [dreg:s7], $0x2FFFF;
	_ =	strace $0x9FFFFFFF  }
0x3a: {  	(tm) =	ssettm $0x7FFFFFFF  }
0x3b: {  	_ =	shalt  }
tec
execute0_lowered:
.L_overlay_start_1:
0x0: {  	(tag) =	ssettag $0x1  }
0x1: {  	s2 =	rddreg [dreg:$0x0]  }
0x2: {  	s0 =	srdreg.scid;
	s4 =	rddreg [dreg:$0x1]  }
0x3: {  	s1 =	stileid.u32;
	s5 =	simm.s32 $0x1;
	s0 =	sshll.u32 s0, $0x4  }
0x4: {  	s7 =	simm.s32 $0x2;
	s11 =	simm.s32 $0x0;
	s3 =	sand.u32 $0x10, s0  }
.Ltmp0:
0x5: {  	p0 =	por $0x0, $0x0;
	s3 =	sor.u32 s1, s3;
	(pc) =	sbr.rel .LBB1_1-.Ltmp0, $4  }
0x6: {  	s8 =	simm.s32 $0xC3800;
	s10 =	simm.s32 $0x0;
	s3 =	sshll.u32 s3, $0x7  }
0x7: {  	s0 =	rddreg [dreg:$0x2];
	_ =	strace $0x80000047;
	s6 =	ssub.s32 $0x18680, s3  }
0x8: {  	s4 =	sadd.s32 $0x1600, s4;
	[sflag:s5] =	ssyncpa.u1 $0x0;
	s6 =	sshrl.u32 s6, $0xC  }
0x9: {  	[sflag:s7] =	ssyncpa.u1 $0x0;
	s9 =	smov.u32 s3;
	s7 =	sadd.s32 $0x2, s6  }
.LBB1_5:
0xa: {  	s13 =	sadd.s32 $0x1000, s9  }
0xb: {  	p2 =	sgt.s32 s13, $0x1869F  }
0xc: {  	s13 =	smov.u32 @p2 s3;
	p2 =	sne.s32 s10, s7  }
.Ltmp1:
0xd: {  	p1 =	slt.u32 s10, $0x2;
	(pc) =	sbr.rel @!p2 .LBB1_6-.Ltmp1, $4  }
0xe: {  	s12 =	simm.s32 @!p1 $0x2  }
0xf: {  	s14 =	sadd.s32 $0x1, s10;
	_ =	swait.ge @!p1 [sflag:s12], $0x4000  }
0x10: {  	s11 =	smov.u32 s9;
	p0 =	por !p0, !p0;
	[sflag:s12] =	ssyncset.done @!p1 $0x0  }
0x11: {  	s10 =	smov.u32 s14;
	s9 =	smov.u32 s13;
	[sflag:s12] =	ssyncadd.s32 @!p1 $0xFFFFC000  }
.LBB1_1:
0x12: {  	p1 =	sgt.u32 s10, s6  }
0x13: {  	s12 =	sand.u32 @!p1 $0x1FFFFFF, s9  }
0x14: {  	p2 =	sgt.s32 @!p1 s9, $0x18620;
	s13 =	smulhi.u32 @!p1 $0x14F8B59, s12  }
0x15: {  	s14 =	smov.u32 s9;
	s15 =	sshra.s32 @!p1 s9, $0x1F;
	p2 =	por !p2, p1  }
0x16: {  	s15 =	sand.u32 @!p1 s15, s9;
	s14 =	simm.s32 @p2 $0x18620;
	s13 =	sshrl.u32 @!p1 s13, $0x9  }
0x17: {  	s14 =	ssub.s32 @!p1 s14, s15;
	s13 =	smul.u32 @!p1 $0x186A0, s13  }
0x18: {  	s15 =	sxor.u32 @!p1 $0xFFFFFFFF, s10;
	s14 =	sadd.s32 @!p1 $0xFFFE79E0, s14  }
0x19: {  	s15 =	sshll.u32 @!p1 s15, $0xE;
	s12 =	ssub.s32 @!p1 s12, s13;
	s13 =	sshll.u32 @!p1 s14, $0x9  }
0x1a: {  	s15 =	sand.u32 @!p1 $0x4000, s15;
	p2 =	sgt.s32 @!p1 s14, $0x7F;
	s13 =	ssub.s32 @!p1 $0x10000, s13  }
0x1b: {  	p2 =	por !p2, p1;
	s12 =	sshll.u32 @!p1 s12, $0x4;
	s13 =	sshrl.u32 @!p1 s13, $0x2  }
0x1c: {  	s14 =	simm.s32 @!p1 $0x0;
	s12 =	sadd.s32 @!p1 s2, s12;
	s13 =	simm.s32 @!p2 $0x0  }
0x1d: {  	[tilespmem:s15], [sflag:$0x1] =	stream.linear.gather @!p1 [hbm4b:s12+s14], s13, $0x38;
	[tilespmem:$0x10100] =	vst v63  }
0x1e: {  	p1 =	seq.s32 s10, $0x0  }
0x1f: {  	p2 =	sge.u32 @!p1 s10, s7  }
0x20: {  	p1 =	por p1, p2  }
.Ltmp2:
0x21: {  	_ = 	snop;
	(pc) =	sbr.rel @p1 .LBB1_5-.Ltmp2, $1  }
0x22: {  	_ =	sdelay $0x3  }
0x23: {  	p1 =	sgt.s32 s11, $0x18620;
	s12 =	smov.u32 s11;
	s13 =	sshra.s32 s11, $0x1F  }
0x24: {  	s12 =	simm.s32 @!p1 $0x18620;
	s13 =	sand.u32 s13, s11  }
0x25: {  	s12 =	ssub.s32 s12, s13  }
0x26: {  	s12 =	sadd.s32 $0xFFFE79E0, s12  }
0x27: {  	s29 =	sshll.u32 s12, $0x9  }
0x28: {  	s13 =	ssub.s32 $0x10000, s29  }
0x29: {  	p1 =	sgt.s32 s12, $0x7F;
	s12 =	sshrl.u32 s13, $0x2  }
0x2a: {  	s13 =	simm.s32 $0x1;
	s12 =	simm.s32 @p1 $0x0  }
0x2b: {  	s13 =	simm.s32 @!p0 $0x0;
	_ =	swait.ge [sflag:s5], s12  }
0x2c: {  	s14 =	sshll.u32 s13, $0xE;
	s12 =	ssub.s32 $0x0, s12;
	[sflag:s5] =	ssyncset.done $0x0  }
0x2d: {  	s15 =	sor.u32 $0x40, s14;
	[sflag:s5] =	ssyncadd.s32 s12  }
0x2e: {  	s30 =	smul.u32 $0x10200, s13;
	v0 =	vld [tilespmem:s15+$0x30]  }
0x2f: {  	v1 =	vld [tilespmem:s15+$0xFFFFFFD0]  }
0x30: {  	s12 =	sshrl.u32 s30, $0x2;
	v5 =	vld [tilespmem:s15+$0xFFFFFFE0]  }
0x31: {  	s13 =	sor.u32 $0x8000, s12;
	v6 =	vld [tilespmem:s15+$0xFFFFFFF0]  }
0x32: {  	s31 =	sand.u32 $0x1, s10;
	v3 =	vld [tilespmem:s15+$0x0];
	s14 =	sadd.s32 $0x0, s13  }
0x33: {  	s12 =	smul.u32 $0x10200, s31;
	v4 =	vld [tilespmem:s15+$0x10];
	[tilespmem:s14+$0x3870 ss:$0x81] =	vst.msk $0xffff, v0  }
0x34: {  	v2 =	vld [tilespmem:s15+$0x20];
	[tilespmem:s14+$0x810 ss:$0x81] =	vst.msk $0xffff, v1  }
0x35: {  	s12 =	sshrl.u32 s12, $0x2;
	v0 =	vld [tilespmem:s15+$0xFFFFFFC0];
	[tilespmem:s14+$0x1020 ss:$0x81] =	vst.msk $0xffff, v5;
	s15 =	sadd.s32 $0x80, s15  }
0x36: {  	s16 =	simm.s32 $0x4;
	s17 =	simm.s32 $0x8;
	s12 =	sor.u32 $0x8000, s12;
	[tilespmem:s14+$0x1830 ss:$0x81] =	vst.msk $0xffff, v6;
	v1 =	vld [tilespmem:s15+$0x30]  }
.LBB1_3:
0x37: {  	p1 =	sne.s32 s17, $0x1FC;
	v5 =	vld [tilespmem:s15+$0xFFFFFFD0];
	[tilespmem:s14+$0x2040 ss:$0x81] =	vst.msk $0xffff, v3  }
0x38: {  	v6 =	vld [tilespmem:s15+$0xFFFFFFE0];
	[tilespmem:s14+$0x2850 ss:$0x81] =	vst.msk $0xffff, v4  }
0x39: {  	s18 =	sshra.s32 s16, $0x2;
	s16 =	smov.u32 s17;
	v7 =	vld [tilespmem:s15+$0xFFFFFFF0];
	[tilespmem:s14+$0x3060 ss:$0x81] =	vst.msk $0xffff, v2  }
.Ltmp3:
0x3a: {  	v3 =	vld [tilespmem:s15+$0x0];
	[tilespmem:s14+$0x0 ss:$0x81] =	vst.msk $0xffff, v0;
	s14 =	sadd.s32 s18, s13;
	(pc) =	sbr.rel @p1 .LBB1_3-.Ltmp3, $4  }
0x3b: {  	v4 =	vld [tilespmem:s15+$0x10];
	[tilespmem:s14+$0x3870 ss:$0x81] =	vst.msk $0xffff, v1  }
0x3c: {  	[tilespmem:s14+$0x810 ss:$0x81] =	vst.msk $0xffff, v5;
	v2 =	vld [tilespmem:s15+$0x20]  }
0x3d: {  	v0 =	vld [tilespmem:s15+$0xFFFFFFC0];
	[tilespmem:s14+$0x1020 ss:$0x81] =	vst.msk $0xffff, v6;
	s15 =	sadd.s32 $0x80, s15  }
0x3e: {  	s17 =	sadd.s32 $0x4, s17;
	v1 =	vld [tilespmem:s15+$0x30];
	[tilespmem:s14+$0x1830 ss:$0x81] =	vst.msk $0xffff, v7  }
0x3f: {  	v5 =	vld [tilespmem:s15+$0xFFFFFFD0];
	[tilespmem:s14+$0x2040 ss:$0x81] =	vst.msk $0xffff, v3;
	s17 =	sshll.u32 s11, $0x3  }
0x40: {  	v58 =	vld [tilespmem:s15+$0xFFFFFFE0];
	s25 =	sand.u32 $0x7F, s11;
	[tilespmem:s14+$0x2850 ss:$0x81] =	vst.msk $0xffff, v4;
	s17 =	sand.u32 $0xFFFFFC00, s17  }
0x41: {  	s16 =	sshra.s32 s16, $0x2;
	v59 =	vld [tilespmem:s15+$0xFFFFFFF0];
	[tilespmem:s14+$0x3060 ss:$0x81] =	vst.msk $0xffff, v2;
	s11 =	sor.u32 s25, s17  }
0x42: {  	v60 =	vld [tilespmem:s15+$0x0];
	s13 =	sadd.s32 s16, s13;
	[tilespmem:s14+$0x0 ss:$0x81] =	vst.msk $0xffff, v0;
	s26 =	smulhi.u32 $0xA79C7B17, s11  }
0x43: {  	v61 =	vld [tilespmem:s15+$0x10];
	[tilespmem:s13+$0x3870 ss:$0x81] =	vst.msk $0xffff, v1  }
0x44: {  	v62 =	vld [tilespmem:s15+$0x20];
	s27 =	smulhi.u32 $0xA79C7B17, s17;
	[tilespmem:s13+$0x810 ss:$0x81] =	vst.msk $0xffff, v5;
	s14 =	sshrl.u32 s26, $0x10  }
0x45: {  	v63 =	vld [tilespmem:s15+$0xFFFFFFC0];
	[tilespmem:s13+$0x1020 ss:$0x81] =	vst.msk $0xffff, v58;
	s14 =	smul.u32 $0x18700, s14  }
0x46: {  	s28 =	sshrl.u32 s27, $0x10;
	[tilespmem:s13+$0x1830 ss:$0x81] =	vst.msk $0xffff, v59  }
.Ltmp4:
0x47: {  	[tilespmem:s13+$0x2040 ss:$0x81] =	vst.msk $0xffff, v60;
	s29 =	sand.u32 $0x7F, s28;
	s11 =	ssub.s32 s11, s14;
	(pc) =	sbr.rel .LBB1_5-.Ltmp4, $4  }
0x48: {  	[tilespmem:s13+$0x2850 ss:$0x81] =	vst.msk $0xffff, v61;
	s14 =	smul.u32 $0x30E0, s29;
	s30 =	sshrl.u32 s11, $0x3;
	s11 =	sand.u32 $0x7, s11  }
0x49: {  	[tilespmem:s13+$0x3060 ss:$0x81] =	vst.msk $0xffff, v62;
	s15 =	sadd.s32 s4, s30;
	s11 =	sshll.u32 s11, $0x12  }
0x4a: {  	[tilespmem:s13+$0x0 ss:$0x81] =	vst.msk $0xffff, v63;
	s31 =	sadd.s32 s14, s15;
	s11 =	sor.u32 $0x400, s11  }
0x4b: {  	[hbm4b:s31+s11] =	stream.strided.scatter [tilespmem:s12], [sflag:$0x2], $0x4000, s8, s11, $0x20;
	[tilespmem:$0x10100] =	vst v63  }
.LBB1_6:
0x4c: {  	_ =	sfence.sel $0x180000  }
0x4d: {  	s2 =	simm.s32 $0x1;
	[bflag:$0x0] =	sbarrier.arrive $0xFFFF  }
0x4e: {  	s31 =	simm.s32 $0x2;
	[sflag:s2] =	ssyncpa.u1 $0x1  }
0x4f: {  	[sflag:s31] =	ssyncpa.u1 $0x1  }
0x50: {  	p0 =	sne.s32 s1, $0x0;
	_ =	strace $0x90000047  }
0x51: {  	s0 =	sadd.s32 @!p0 $0x100000, s0;
	[bflag:$0x2] =	sbarrier.arrive $0xFFFF  }
0x52: {  	[sflag:s0] =	ssyncadd.tile.s32 @!p0 $0x1;
	_ =	shalt  }
.Lfunc_end1:
_tile_overlayer_lowered:
.L_overlay_start_2:
0x53: {  	(tag) =	ssettag $0x2  }
0x54: {  	s0 =	rddreg [dreg:$0x0];
	s2 =	stileid.u32  }
0x55: {  	s1 =	rddreg [dreg:$0x1];
	p0 =	sne.s32 s2, $0x0  }
0x56: {  	s3 =	rddreg [dreg:$0x2];
	[bflag:$0x3] =	sbarrier.arrive $0xFFFF;
	s2 =	simm.s32 @!p0 $0x1C01  }
0x57: {  	[timem:s3], [sflag:s2] =	dma.local @!p0 [hbm:s0], s1  }
0x58: {  	s0 =	simm.s32 @!p0 $0x1  }
0x59: {  	_ =	swait.ge @!p0 [sflag:s0], s1  }
0x5a: {  	s1 =	ssub.s32 @!p0 $0x0, s1;
	[sflag:s0] =	ssyncset.done @!p0 $0x0  }
0x5b: {  	[sflag:s0] =	ssyncadd.s32 @!p0 s1  }
0x5c: {  	[bflag:$0x3] =	sbarrier.arrive $0xFFFF  }
0x5d: {  	_ =	shalt  }

// kernel: sparse-core-data-format-call.cloned.1.call-start
scs
called_computation_lowered:
.L_overlay_start_0:
0x0: {  	s1 =	sld [smem:$0x3FD9]  }
0x1: {  	s2 =	sld [smem:$0x3FFE];
	_ =	sdelay $0x1  }
0x2: {  	s3 =	srdreg.scid  }
0x3: {  	s0 =	sand.u32 $0x1, s3  }
0x4: {  	s17 =	sshll.u32 s0, $0xA;
	s1 =	sadd.s32 s2, s1  }
0x5: {  	s1 =	sadd.s32 s1, s17  }
0x6: {  	[smem:$0x3FC3] =	sst s1  }
0x7: {  	_ = 	snop  }
0x8: {  	(tm) =	ssettm $0x1  }
0x9: {  	s18 =	sld [smem:$0x3FFB];
	_ =	sdelay $0x3  }
0xa: {  	_ =	strace s18  }
0xb: {  	s1 =	sld [smem:$0x3FFC];
	_ =	sdelay $0x3  }
0xc: {  	_ =	strace s1  }
0xd: {  	s1 =	sld [smem:$0x3FFD];
	_ =	sdelay $0x3  }
0xe: {  	_ =	strace s1  }
0xf: {  	_ =	strace $0x8FFFFFFF  }
0x10: {  	s19 =	sld [smem:$0x3FDB];
	_ =	sdelay $0x1  }
0x11: {  	s20 =	simm.s32 $_scs_section_size  }
0x12: {  	s4 =	simm.s32 $_size__tile_overlayer_lowered;
	s5 =	simm.s32 $_tile_overlayer_lowered  }
0x13: {  	s23 =	simm.s32 $0x1BFF;
	s22 =	sshll.u32 s5, $0x1;
	s1 =	sadd.s32 s20, s19  }
0x14: {  	s6 =	simm.s32 $0x0;
	s21 =	sshll.u32 s4, $0x1;
	s4 =	sadd.s32 s22, s1  }
0x15: {  	[timem:s6], [sflag:s23] =	dma.local [hbm:s4], s21  }
0x16: {  	_ =	swait.ge [sflag:s23], s21  }
0x17: {  	s2 =	ssub.s32 $0x0, s21;
	[sflag:s23] =	ssyncset.done $0x0  }
0x18: {  	[sflag:s23] =	ssyncadd.s32 s2;
	_ =	sdelay $0x1  }
0x19: {  	s24 =	simm.s32 $0x1B8B  }
0x1a: {  	_ =	swait.ge [sflag:s24], $0x1  }
0x1b: {  	[sflag:s24] =	ssyncset.done $0x0  }
0x1c: {  	s26 =	simm.s32 $0x1B8E;
	s25 =	sld [smem:$0x3FFE];
	[sflag:s24] =	ssyncadd.s32 $0xFFFFFFFF  }
0x1d: {  	s27 =	simm.s32 $execute0_lowered;
	[smem:$0x3FD2] =	sst s26  }
0x1e: {  	s4 =	sshll.u32 s27, $0x1;
	_ =	strace $0x8000004F;
	[dreg:$0x1] =	wrdreg $0xFFFFFFFF  }
0x1f: {  	s28 =	simm.s32 $_size_execute0_lowered;
	s1 =	sadd.s32 s1, s4;
	[dreg:$0x0] =	wrdreg $0x0  }
0x20: {  	s4 =	sshll.u32 s28, $0x1;
	[dreg:$0x2] =	wrdreg s1  }
0x21: {  	[dreg:$0x3] =	wrdreg s4  }
0x22: {  	[dreg:$0x4] =	wrdreg $0xC0  }
0x23: {  	_ =	task [dreg:s6], $0x5FFFF  }
0x24: {  	[dreg:$0x1] =	wrdreg $0xFFFFFFFF  }
0x25: {  	[dreg:$0x0] =	wrdreg $0x60  }
0x26: {  	[dreg:$0x2] =	wrdreg s25  }
0x27: {  	[dreg:$0x3] =	wrdreg $0x9  }
0x28: {  	_ =	task.clear_ibuf [dreg:s6], $0x4FFFF;
	_ =	strace $0x9000004F  }
0x29: {  	s29 =	simm.s32 $0x9;
	_ =	strace $0x80000051  }
0x2a: {  	_ =	swait.ge [sflag:s29], $0x1  }
0x2b: {  	[sflag:s29] =	ssyncadd.s32 $0xFFFFFFFF  }
0x2c: {  	_ =	strace $0x90000051  }
0x2d: {  	_ =	sfence  }
0x2e: {  	s30 =	sld [smem:$0x0];
	_ =	sdelay $0x2  }
0x2f: {  	s31 =	sshll.u32 s3, $0xD;
	s3 =	sshrl.u32 s3, $0x2  }
0x30: {  	s2 =	sand.u32 $0x4000, s31;
	s1 =	sadd.s32 s3, s30  }
0x31: {  	s0 =	sor.u32 s2, s0;
	s1 =	sshll.u32 s1, $0x11  }
0x32: {  	s0 =	sor.u32 s1, s0  }
0x33: {  	s0 =	sadd.s32 $0x8F2B, s0  }
0x34: {  	[sflag:s0] =	ssyncadd.remote.s32 $0x1  }
0x35: {  	_ =	sfence.sel $0xFFFF  }
0x36: {  	[dreg:$0x0] =	wrdreg $0xFFFFFFFF;
	(pc) =	sbr.abs _section_cstart, $3  }
0x37: {  	[dreg:$0x1] =	wrdreg $0xFFFFFFFF  }
0x38: {  	_ =	task.clear_ibuf [dreg:s6], $0x2FFFF;
	_ =	strace $0x9FFFFFFF  }
0x39: {  	(tm) =	ssettm $0x7FFFFFFF  }
tec
execute0_lowered:
.L_overlay_start_1:
0x0: {  	(tag) =	ssettag $0x1  }
0x1: {  	s0 =	srdreg.scid  }
0x2: {  	s5 =	rddreg [dreg:$0x0];
	s1 =	sshll.u32 s0, $0x4  }
0x3: {  	s4 =	simm.s32 $0x1;
	s0 =	stileid.u32;
	s1 =	sand.u32 $0x10, s1  }
0x4: {  	s8 =	simm.s32 $0x2;
	s12 =	simm.s32 $0x0;
	s2 =	sor.u32 s0, s1  }
0x5: {  	s11 =	simm.s32 $0x0;
	s9 =	simm.s32 $0x0;
	s2 =	sshll.u32 s2, $0x7  }
0x6: {  	s10 =	simm.s32 $0x0;
	s3 =	sadd.s32 $0xCA9600, s5;
	s6 =	ssub.s32 $0x87000, s2  }
.Ltmp0:
0x7: {  	s1 =	rddreg [dreg:$0x1];
	s7 =	sand.u32 $0xF80, s6;
	(pc) =	sbr.rel .LBB1_1-.Ltmp0, $4  }
0x8: {  	_ =	strace $0x80000050;
	p0 =	sne.s32 s7, $0x0;
	s7 =	simm.s32 $0x1  }
0x9: {  	[sflag:s4] =	ssyncpa.u1 $0x0;
	s6 =	sshrl.u32 s6, $0xC;
	s7 =	simm.s32 @!p0 $0x0  }
0xa: {  	s5 =	sadd.s32 $0x1600, s5;
	[sflag:s8] =	ssyncpa.u1 $0x0;
	s6 =	sadd.s32 s7, s6  }
0xb: {  	s8 =	smov.u32 s2;
	p0 =	por $0x0, $0x0;
	s7 =	sadd.s32 $0x1, s6  }
.LBB1_4:
0xc: {  	s12 =	sshll.u32 s12, $0x7;
	s18 =	sshll.u32 s11, $0x3  }
0xd: {  	v5 =	vld [tilespmem:s16+$0xFFFFFFD0];
	[tilespmem:s15+$0x2040 ss:$0x81] =	vst.msk $0xffff, v4;
	s19 =	sand.u32 $0xFFFFFC00, s12;
	s18 =	sand.u32 $0xFFFFFC00, s18  }
0xe: {  	v58 =	vld [tilespmem:s16+$0xFFFFFFE0];
	[tilespmem:s15+$0x2850 ss:$0x81] =	vst.msk $0xffff, v3;
	s12 =	sand.u32 $0x380, s12;
	s18 =	sadd.s32 s18, s19  }
0xf: {  	s17 =	sshra.s32 s17, $0x2;
	v59 =	vld [tilespmem:s16+$0xFFFFFFF0];
	[tilespmem:s15+$0x3060 ss:$0x81] =	vst.msk $0xffff, v2;
	s12 =	sor.u32 s12, s18  }
0x10: {  	v60 =	vld [tilespmem:s16+$0x0];
	[tilespmem:s15+$0x0 ss:$0x81] =	vst.msk $0xffff, v0;
	s14 =	sadd.s32 s17, s14;
	s12 =	sshrl.u32 s12, $0x7  }
0x11: {  	v61 =	vld [tilespmem:s16+$0x10];
	[tilespmem:s14+$0x3870 ss:$0x81] =	vst.msk $0xffff, v1;
	s28 =	smulhi.u32 $0x1E573AD, s12  }
0x12: {  	v62 =	vld [tilespmem:s16+$0x20];
	[tilespmem:s14+$0x810 ss:$0x81] =	vst.msk $0xffff, v5  }
0x13: {  	v63 =	vld [tilespmem:s16+$0xFFFFFFC0];
	[tilespmem:s14+$0x1020 ss:$0x81] =	vst.msk $0xffff, v58;
	s15 =	sshrl.u32 s28, $0xC  }
0x14: {  	[tilespmem:s14+$0x1830 ss:$0x81] =	vst.msk $0xffff, v59;
	s15 =	smul.u32 $0x87000, s15  }
0x15: {  	s29 =	sshrl.u32 s11, $0x3;
	[tilespmem:s14+$0x2040 ss:$0x81] =	vst.msk $0xffff, v60  }
0x16: {  	s30 =	sand.u32 $0xF, s29;
	[tilespmem:s14+$0x2850 ss:$0x81] =	vst.msk $0xffff, v61;
	s12 =	ssub.s32 s12, s15  }
0x17: {  	[tilespmem:s14+$0x3060 ss:$0x81] =	vst.msk $0xffff, v62;
	s15 =	sadd.s32 s5, s30;
	s12 =	sshll.u32 s12, $0x4  }
0x18: {  	s31 =	sand.u32 $0x7, s11;
	[tilespmem:s14+$0x0 ss:$0x81] =	vst.msk $0xffff, v63;
	s12 =	sadd.s32 s12, s15  }
0x19: {  	[hbm4b:s12+s31] =	stream.linear.scatter [tilespmem:s13], [sflag:$0x2], $0x4000, $0x20;
	[tilespmem:$0x10100] =	vst v63  }
.LBB1_5:
0x1a: {  	s13 =	sadd.s32 $0x1000, s8  }
0x1b: {  	s11 =	sadd.s32 $0x80, s9;
	s15 =	smov.u32 s9;
	p2 =	sgt.s32 s13, $0x86FFF  }
0x1c: {  	s15 =	smov.u32 @p2 s11  }
0x1d: {  	s13 =	smov.u32 @p2 s2;
	p2 =	sgt.s32 s15, $0x7F  }
0x1e: {  	s15 =	simm.s32 @p2 $0x0;
	p2 =	sne.s32 s10, s7  }
.Ltmp1:
0x1f: {  	p1 =	slt.u32 s10, $0x2;
	(pc) =	sbr.rel @!p2 .LBB1_6-.Ltmp1, $4  }
0x20: {  	s14 =	simm.s32 @!p1 $0x2  }
0x21: {  	s12 =	smov.u32 s8;
	p0 =	por !p0, !p0;
	_ =	swait.ge @!p1 [sflag:s14], $0x4000  }
0x22: {  	s11 =	smov.u32 s9;
	[sflag:s14] =	ssyncset.done @!p1 $0x0;
	s8 =	smov.u32 s13  }
0x23: {  	s10 =	sadd.s32 $0x1, s10;
	[sflag:s14] =	ssyncadd.s32 @!p1 $0xFFFFC000;
	s9 =	smov.u32 s15  }
.LBB1_1:
0x24: {  	p1 =	sge.u32 s10, s6  }
0x25: {  	s13 =	sshrl.u32 @!p1 s9, $0x3  }
0x26: {  	s14 =	sshll.u32 @!p1 s8, $0x3;
	s15 =	sshll.u32 @!p1 s9, $0x7;
	s13 =	smul.u32 @!p1 $0x438000, s13  }
0x27: {  	s16 =	sand.u32 @!p1 $0x7F, s8;
	s14 =	sand.u32 @!p1 $0xFFFFFC00, s14;
	s15 =	sand.u32 @!p1 $0x380, s15  }
0x28: {  	s13 =	sadd.s32 @!p1 s13, s14;
	s14 =	sor.u32 @!p1 s16, s15  }
0x29: {  	s14 =	sor.u32 @!p1 s13, s14  }
0x2a: {  	s15 =	smulhi.u32 @!p1 $0xF2B9D649, s14;
	_ =	sdelay $0x1  }
0x2b: {  	s13 =	smulhi.u32 @!p1 $0xF2B9D649, s13;
	s15 =	sshrl.u32 @!p1 s15, $0x13  }
0x2c: {  	s15 =	smul.u32 @!p1 $0x87000, s15  }
0x2d: {  	s31 =	sadd.s32 $0xFFFFFFFF, s10;
	s16 =	sxor.u32 @!p1 $0xFFFFFFFF, s10;
	s13 =	sshrl.u32 @!p1 s13, $0x13  }
0x2e: {  	s16 =	sshll.u32 @!p1 s16, $0xE;
	s13 =	sand.u32 @!p1 $0x7F, s13;
	s14 =	ssub.s32 @!p1 s14, s15  }
0x2f: {  	s13 =	smul.u32 @!p1 $0x10E00, s13;
	s15 =	sshrl.u32 @!p1 s14, $0x3;
	s14 =	sand.u32 @!p1 $0x7, s14  }
0x30: {  	s16 =	sand.u32 @!p1 $0x4000, s16;
	s15 =	sadd.s32 @!p1 s3, s15;
	s14 =	sshll.u32 @!p1 s14, $0x12  }
0x31: {  	s13 =	sadd.s32 @!p1 s13, s15;
	s14 =	sor.u32 @!p1 $0x400, s14;
	s15 =	simm.s32 @!p1 $0x438000  }
0x32: {  	[tilespmem:s16], [sflag:$0x1] =	stream.strided.gather @!p1 [hbm4b:s13+s14], $0x4000, s15, s14, $0x38;
	[tilespmem:$0x10100] =	vst v63  }
0x33: {  	p1 =	sge.u32 s31, s6  }
.Ltmp2:
0x34: {  	_ = 	snop;
	(pc) =	sbr.rel @p1 .LBB1_5-.Ltmp2, $1  }
0x35: {  	_ =	sdelay $0x3  }
0x36: {  	s13 =	simm.s32 $0x1  }
0x37: {  	_ =	swait.ge [sflag:s4], $0x4000;
	s13 =	simm.s32 @!p0 $0x0  }
0x38: {  	[sflag:s4] =	ssyncset.done $0x0;
	s14 =	sshll.u32 s13, $0xE  }
0x39: {  	[sflag:s4] =	ssyncadd.s32 $0xFFFFC000;
	s16 =	sor.u32 $0x40, s14  }
0x3a: {  	s13 =	smul.u32 $0x10200, s13;
	v0 =	vld [tilespmem:s16+$0x30]  }
0x3b: {  	v1 =	vld [tilespmem:s16+$0xFFFFFFD0]  }
0x3c: {  	s13 =	sshrl.u32 s13, $0x2;
	v5 =	vld [tilespmem:s16+$0xFFFFFFE0]  }
0x3d: {  	v6 =	vld [tilespmem:s16+$0xFFFFFFF0];
	s14 =	sor.u32 $0x8000, s13  }
0x3e: {  	s31 =	sand.u32 $0x1, s10;
	v4 =	vld [tilespmem:s16+$0x0];
	s15 =	sadd.s32 $0x0, s14  }
0x3f: {  	v3 =	vld [tilespmem:s16+$0x10];
	s13 =	smul.u32 $0x10200, s31;
	[tilespmem:s15+$0x3870 ss:$0x81] =	vst.msk $0xffff, v0  }
0x40: {  	v2 =	vld [tilespmem:s16+$0x20];
	[tilespmem:s15+$0x810 ss:$0x81] =	vst.msk $0xffff, v1  }
0x41: {  	s13 =	sshrl.u32 s13, $0x2;
	v0 =	vld [tilespmem:s16+$0xFFFFFFC0];
	[tilespmem:s15+$0x1020 ss:$0x81] =	vst.msk $0xffff, v5;
	s16 =	sadd.s32 $0x80, s16  }
0x42: {  	s17 =	simm.s32 $0x4;
	s18 =	simm.s32 $0x8;
	s13 =	sor.u32 $0x8000, s13;
	[tilespmem:s15+$0x1830 ss:$0x81] =	vst.msk $0xffff, v6;
	v1 =	vld [tilespmem:s16+$0x30]  }
.LBB1_3:
0x43: {  	p1 =	sne.s32 s18, $0x1FC;
	v5 =	vld [tilespmem:s16+$0xFFFFFFD0];
	[tilespmem:s15+$0x2040 ss:$0x81] =	vst.msk $0xffff, v4  }
0x44: {  	v6 =	vld [tilespmem:s16+$0xFFFFFFE0];
	[tilespmem:s15+$0x2850 ss:$0x81] =	vst.msk $0xffff, v3  }
0x45: {  	s19 =	sshra.s32 s17, $0x2;
	s17 =	smov.u32 s18;
	v7 =	vld [tilespmem:s16+$0xFFFFFFF0];
	[tilespmem:s15+$0x3060 ss:$0x81] =	vst.msk $0xffff, v2  }
.Ltmp3:
0x46: {  	v4 =	vld [tilespmem:s16+$0x0];
	[tilespmem:s15+$0x0 ss:$0x81] =	vst.msk $0xffff, v0;
	s15 =	sadd.s32 s19, s14;
	(pc) =	sbr.rel @p1 .LBB1_3-.Ltmp3, $4  }
0x47: {  	v3 =	vld [tilespmem:s16+$0x10];
	[tilespmem:s15+$0x3870 ss:$0x81] =	vst.msk $0xffff, v1  }
0x48: {  	[tilespmem:s15+$0x810 ss:$0x81] =	vst.msk $0xffff, v5;
	v2 =	vld [tilespmem:s16+$0x20]  }
0x49: {  	v0 =	vld [tilespmem:s16+$0xFFFFFFC0];
	[tilespmem:s15+$0x1020 ss:$0x81] =	vst.msk $0xffff, v6;
	s16 =	sadd.s32 $0x80, s16  }
0x4a: {  	s18 =	sadd.s32 $0x4, s18;
	v1 =	vld [tilespmem:s16+$0x30];
	[tilespmem:s15+$0x1830 ss:$0x81] =	vst.msk $0xffff, v7  }
.Ltmp4:
0x4b: {  	_ = 	snop;
	(pc) =	sbr.rel .LBB1_4-.Ltmp4, $1  }
0x4c: {  	_ =	sdelay $0x3  }
.LBB1_6:
0x4d: {  	_ =	sfence.sel $0x180000  }
0x4e: {  	s2 =	simm.s32 $0x1;
	[bflag:$0x0] =	sbarrier.arrive $0xFFFF  }
0x4f: {  	s31 =	simm.s32 $0x2;
	[sflag:s2] =	ssyncpa.u1 $0x1  }
0x50: {  	[sflag:s31] =	ssyncpa.u1 $0x1  }
0x51: {  	p0 =	sne.s32 s0, $0x0;
	_ =	strace $0x90000050  }
0x52: {  	s0 =	sadd.s32 @!p0 $0x100000, s1;
	[bflag:$0x2] =	sbarrier.arrive $0xFFFF  }
0x53: {  	[sflag:s0] =	ssyncadd.tile.s32 @!p0 $0x1;
	_ =	shalt  }
.Lfunc_end1:
_tile_overlayer_lowered:
.L_overlay_start_2:
0x54: {  	(tag) =	ssettag $0x2  }
0x55: {  	s0 =	rddreg [dreg:$0x0];
	s2 =	stileid.u32  }
0x56: {  	s1 =	rddreg [dreg:$0x1];
	p0 =	sne.s32 s2, $0x0  }
0x57: {  	s3 =	rddreg [dreg:$0x2];
	[bflag:$0x3] =	sbarrier.arrive $0xFFFF;
	s2 =	simm.s32 @!p0 $0x1C01  }
0x58: {  	[timem:s3], [sflag:s2] =	dma.local @!p0 [hbm:s0], s1  }
0x59: {  	s0 =	simm.s32 @!p0 $0x1  }
0x5a: {  	_ =	swait.ge @!p0 [sflag:s0], s1  }
0x5b: {  	s1 =	ssub.s32 @!p0 $0x0, s1;
	[sflag:s0] =	ssyncset.done @!p0 $0x0  }
0x5c: {  	[sflag:s0] =	ssyncadd.s32 @!p0 s1  }
0x5d: {  	[bflag:$0x3] =	sbarrier.arrive $0xFFFF  }
0x5e: {  	_ =	shalt  }

</sc_bundles>
